<compile_context>
chip_gen: v7x
topology: tpu7x:2x2x1
jax: 0.10.2.dev20260603
libtpu: 0.0.44.dev20260713+nightly
codegen_flags: <defaults>
</compile_context>

<pallas_src>
import functools

import jax
import jax.numpy as jnp
from jax import lax
from jax.experimental import pallas as pl
from jax.experimental.pallas import tpu as pltpu
from jax.experimental.pallas import tpu_sc as plsc

_EPS = 0.1
_NC = 2
_NS = 16
_NW = _NC * _NS
_CH = 80
_SC_PARAMS = pltpu.CompilerParams(needs_layout_passes=False)


def _tanh(z):
    a = jnp.abs(z)
    em = jnp.exp(-2.0 * a)
    return jnp.sign(z) * (1.0 - em) / (1.0 + em)


def _deg_kernel(n, w, n_win, e_per_w):
    mesh = plsc.VectorSubcoreMesh(core_axis_name="c", subcore_axis_name="s")

    @functools.partial(
        pl.kernel,
        out_type=jax.ShapeDtypeStruct((_NW * n,), jnp.float32),
        mesh=mesh,
        scratch_types=[
            pltpu.VMEM((e_per_w,), jnp.int32),
            pltpu.VMEM((n,), jnp.float32),
            pltpu.SemaphoreType.DMA,
        ],
        compiler_params=_SC_PARAMS,
    )
    def deg_kernel(col_hbm, out_hbm, idx, hist, smi):
        cid = lax.axis_index("c")
        sid = lax.axis_index("s")
        wid = cid * _NS + sid
        ebase = wid * e_per_w
        ones16 = jnp.ones((16,), jnp.float32)

        pltpu.async_copy(col_hbm.at[pl.ds(ebase, e_per_w)], idx, smi)

        @pl.loop(0, n, step=128)
        def _(i):
            for k in range(8):
                hist[pl.ds(i + k * 16, 16)] = jnp.zeros((16,), jnp.float32)

        pltpu.make_async_copy(col_hbm.at[pl.ds(ebase, e_per_w)], idx, smi).wait()

        @pl.loop(0, e_per_w, step=80)
        def _(g):
            for k in range(5):
                plsc.addupdate_scatter(hist, [idx[pl.ds(g + k * 16, 16)]], ones16)

        pltpu.sync_copy(hist, out_hbm.at[pl.ds(wid * n, n)])

    return deg_kernel


def _scal_body(x_ref, wl_ref, wr_ref, degp_ref, al_ref, ar_ref, ds_ref, xp_ref):
    x = x_ref[...]
    al_ref[...] = jnp.sum(x * wl_ref[...][None, :], axis=1)
    ar_ref[...] = jnp.sum(x * wr_ref[...][None, :], axis=1)
    deg = jnp.sum(degp_ref[...], axis=0) + 1.0
    dis = lax.rsqrt(deg)
    ds_ref[...] = dis
    xp_ref[...] = x * dis[:, None]


def _edge_kernel(n, d, w, n_win, e_per_w, n_chunks, chunks_per_tile):
    mesh = plsc.VectorSubcoreMesh(core_axis_name="c", subcore_axis_name="s")

    @functools.partial(
        pl.kernel,
        out_type=jax.ShapeDtypeStruct((_NC, n, d), jnp.float32),
        mesh=mesh,
        scratch_types=[
            pltpu.VMEM((n,), jnp.float32),
            pltpu.VMEM((n,), jnp.float32),
            pltpu.VMEM((w,), jnp.int32),
            pltpu.VMEM((w,), jnp.int32),
            pltpu.VMEM((w,), jnp.int32),
            pltpu.VMEM((w,), jnp.int32),
            pltpu.VMEM((w, d), jnp.float32),
            pltpu.VMEM((w, d), jnp.float32),
            pltpu.VMEM_SHARED((n, d), jnp.float32),
            pltpu.SemaphoreType.DMA,
            pltpu.SemaphoreType.DMA,
            pltpu.SemaphoreType.DMA,
            pltpu.SemaphoreType.DMA,
        ],
        compiler_params=_SC_PARAMS,
    )
    def edge_kernel(row_hbm, col_hbm, xp_hbm, al_hbm, ar_hbm, out_hbm,
                    tab_al, tab_ar, ir0, ir1, ic0, ic1,
                    rw0, rw1, acc, smi0, smi1, smg0, smg1):
        cid = lax.axis_index("c")
        sid = lax.axis_index("s")
        wid = cid * _NS + sid
        ebase = wid * e_per_w

        bufs = ((ir0, ic0, rw0, smi0, smg0),
                (ir1, ic1, rw1, smi1, smg1))

        def start_idx(iw, b):
            ir, ic, _, smi, _ = bufs[b]
            base = ebase + iw * w
            pltpu.async_copy(row_hbm.at[pl.ds(base, w)], ir, smi)
            pltpu.async_copy(col_hbm.at[pl.ds(base, w)], ic, smi)

        def wait_idx(iw, b):
            ir, ic, _, smi, _ = bufs[b]
            base = ebase + iw * w
            pltpu.make_async_copy(row_hbm.at[pl.ds(base, w)], ir, smi).wait()
            pltpu.make_async_copy(col_hbm.at[pl.ds(base, w)], ic, smi).wait()

        def start_gather(b):
            ir, _, rw, _, smg = bufs[b]
            pltpu.async_copy(xp_hbm.at[ir], rw, smg)

        def wait_gather(b):
            ir, _, rw, _, smg = bufs[b]
            pltpu.make_async_copy(xp_hbm.at[ir], rw, smg).wait()

        pltpu.sync_copy(al_hbm, tab_al)
        pltpu.sync_copy(ar_hbm, tab_ar)

        @pl.loop(0, _CH)
        def _(r):
            for k in range(d // 16):
                rw0[r, pl.ds(k * 16, 16)] = jnp.zeros((16,), jnp.float32)

        @pl.loop(0, chunks_per_tile)
        def _(j):
            c = sid * chunks_per_tile + j

            @pl.when(c < n_chunks)
            def _():
                pltpu.sync_copy(rw0, acc.at[pl.ds(c * _CH, _CH)])

        plsc.subcore_barrier()

        start_idx(0, 0)
        start_idx(1, 1)
        wait_idx(0, 0)
        start_gather(0)

        def body(iw, b):
            ir, ic, rw, _, _ = bufs[b]

            wait_gather(b)

            @plsc.parallel_loop(0, w, step=16)
            def _(g):
                rv = ir[pl.ds(g, 16)]
                cv = ic[pl.ds(g, 16)]
                al = plsc.load_gather(tab_al, [rv])
                ar = plsc.load_gather(tab_ar, [cv])
                t = _tanh(al + ar)
                for j in range(16):
                    cb = t.at[jnp.full((16,), j, jnp.int32)].get(
                        mode="promise_in_bounds")
                    for k in range(d // 16):
                        rw[g + j, pl.ds(k * 16, 16)] = (
                            rw[g + j, pl.ds(k * 16, 16)] * cb)

            @pl.when(iw + 1 < n_win)
            def _():
                wait_idx(iw + 1, 1 - b)
                start_gather(1 - b)

            pltpu.sync_copy(rw, acc.at[ic], add=True)

            @pl.when(iw + 2 < n_win)
            def _():
                start_idx(iw + 2, b)

        @pl.loop(0, (n_win + 1) // 2)
        def _(i):
            for db in range(2):
                iw = 2 * i + db

                @pl.when(iw < n_win)
                def _():
                    body(iw, db)

        plsc.subcore_barrier()

        @pl.loop(0, chunks_per_tile)
        def _(j):
            c = sid * chunks_per_tile + j

            @pl.when(c < n_chunks)
            def _():
                pltpu.sync_copy(acc.at[pl.ds(c * _CH, _CH)], rw0)
                pltpu.sync_copy(rw0, out_hbm.at[cid, pl.ds(c * _CH, _CH)])

    return edge_kernel


def _final_body(p_ref, x_ref, x0_ref, al_ref, ar_ref, ds_ref, o_ref):
    dis = ds_ref[...]
    c = jnp.tanh(al_ref[...] + ar_ref[...]) * dis * dis
    o_ref[...] = ((p_ref[0] + p_ref[1]) * dis[:, None] + x_ref[...] * c[:, None]
                  + _EPS * x0_ref[...])


@jax.jit
def kernel(x, x_0, edge_index, w_att_l, w_att_r):
    n, d = x.shape
    e = edge_index.shape[1]
    e_per_w = e // _NW
    w = 80
    n_win = e_per_w // w
    n_chunks = n // _CH
    chunks_per_tile = -(-n_chunks // _NS)

    row = edge_index[0]
    col = edge_index[1]

    deg_flat = _deg_kernel(n, w, n_win, e_per_w)(col)
    deg_parts = deg_flat.reshape(_NW, n)

    al, ar, ds, xp = pl.pallas_call(
        _scal_body,
        out_shape=[jax.ShapeDtypeStruct((n,), jnp.float32)] * 3
        + [jax.ShapeDtypeStruct((n, d), jnp.float32)],
    )(x, w_att_l, w_att_r, deg_parts)

    parts = _edge_kernel(n, d, w, n_win, e_per_w, n_chunks, chunks_per_tile)(
        row, col, xp, al, ar)

    out = pl.pallas_call(
        _final_body,
        out_shape=jax.ShapeDtypeStruct((n, d), jnp.float32),
    )(parts, x, x_0, al, ar, ds)
    return out

# --- scband reference (transcript-rebuilt; emitter-appended) ---
"""Pipeline reference for scband-fagcn-layer-34591666602121 (READ-ONLY COPY).

The authoritative reference and input builder live on the scoring server;
editing this copy changes nothing except your own understanding.
"""

import jax, jax.numpy as jnp
import numpy as np

N = 10000
E = 320000
D = 128
EPS = 0.1


def setup_inputs(seed: int = 0):
    key = jax.random.key(seed)
    k1, k2, k3, k4, k5 = jax.random.split(key, 5)
    x = jax.random.normal(k1, (N, D), dtype=jnp.float32)
    x_0 = jax.random.normal(k2, (N, D), dtype=jnp.float32)
    edge_index = jax.random.randint(k3, (2, E), 0, N, dtype=jnp.int32)
    # FAConv attention params: att_l, att_r are Linear(dim, 1, bias=False)
    bound = 1.0 / np.sqrt(D)
    w_att_l = jax.random.uniform(k4, (D,), dtype=jnp.float32, minval=-bound, maxval=bound)
    w_att_r = jax.random.uniform(k5, (D,), dtype=jnp.float32, minval=-bound, maxval=bound)
    return {"x": x, "x_0": x_0, "edge_index": edge_index, "w_att_l": w_att_l, "w_att_r": w_att_r}


def reference(x, x_0, edge_index, w_att_l, w_att_r):
    n = x.shape[0]
    # gcn_norm with add_self_loops=True (FAConv default), edge_weight=None
    loop = jnp.arange(n, dtype=edge_index.dtype)
    row = jnp.concatenate([edge_index[0], loop])
    col = jnp.concatenate([edge_index[1], loop])
    ew = jnp.ones(row.shape[0], dtype=x.dtype)
    deg = jnp.zeros(n, dtype=x.dtype).at[col].add(ew)
    deg_inv_sqrt = jnp.where(deg > 0, 1.0 / jnp.sqrt(jnp.maximum(deg, 1e-12)), 0.0)
    norm = deg_inv_sqrt[row] * ew * deg_inv_sqrt[col]
    # per-node attention logits
    alpha_l = x @ w_att_l  # [n]
    alpha_r = x @ w_att_r  # [n]
    # message: x_j * tanh(alpha_j + alpha_i) * norm, j=row (source), i=col (target)
    alpha = jnp.tanh(alpha_l[row] + alpha_r[col])
    msg = x[row] * (alpha * norm)[:, None]
    out = jnp.zeros_like(x).at[col].add(msg)
    out = out + EPS * x_0
    return out

if __name__ == "__main__":
    import jax
    _d = setup_inputs()
    print(jax.jit(kernel)(*tuple(_d.values())))

</pallas_src>

<mosaic_0001>
#map = affine_map<(d0, d1) -> (0)>
#map1 = affine_map<(d0, d1) -> (0, 0)>
#map2 = affine_map<(d0, d1) -> (0, 0, 0)>
module attributes {stable_mosaic.version = 14 : i64} {
  func.func @edge_kernel(%arg0: i32, %arg1: i32, %arg2: memref<320000xi32, #tpu.memory_space<hbm>>, %arg3: memref<320000xi32, #tpu.memory_space<hbm>>, %arg4: memref<10000x128xf32, #tpu.memory_space<hbm>>, %arg5: memref<10000xf32, #tpu.memory_space<hbm>>, %arg6: memref<10000xf32, #tpu.memory_space<hbm>>, %arg7: memref<2x10000x128xf32, #tpu.memory_space<hbm>>, %arg8: memref<10000xf32, #tpu.memory_space<vmem>>, %arg9: memref<10000xf32, #tpu.memory_space<vmem>>, %arg10: memref<80xi32, #tpu.memory_space<vmem>>, %arg11: memref<80xi32, #tpu.memory_space<vmem>>, %arg12: memref<80xi32, #tpu.memory_space<vmem>>, %arg13: memref<80xi32, #tpu.memory_space<vmem>>, %arg14: memref<80x128xf32, #tpu.memory_space<vmem>>, %arg15: memref<80x128xf32, #tpu.memory_space<vmem>>, %arg16: memref<10000x128xf32, #tpu.memory_space<vmem_shared>>, %arg17: memref<!tpu.dma_semaphore, #tpu.memory_space<semaphore_mem>>, %arg18: memref<!tpu.dma_semaphore, #tpu.memory_space<semaphore_mem>>, %arg19: memref<!tpu.dma_semaphore, #tpu.memory_space<semaphore_mem>>, %arg20: memref<!tpu.dma_semaphore, #tpu.memory_space<semaphore_mem>>) attributes {dimension_semantics = [#tpu.dimension_semantics<core_parallel>, #tpu.dimension_semantics<subcore_parallel>], iteration_bounds = array<i64: 2, 16>, scalar_prefetch = 0 : i64, scratch_operands = 13 : i64, tpu.core_type = #tpu.core_type<sc_vector_subcore>, window_params = [{transform_indices = #map}, {transform_indices = #map}, {transform_indices = #map1}, {transform_indices = #map}, {transform_indices = #map}, {transform_indices = #map2}]} {
    %mul3A = arith.constant 16 : i32
    %mul3A_0 = arith.muli %arg0, %mul3A : i32
    %add3A = arith.addi %mul3A_0, %arg1 : i32
    %mul3A_1 = arith.constant 10000 : i32
    %mul3A_2 = arith.muli %add3A, %mul3A_1 : i32
    "tpu.region"() ({
      %run_scoped3A = tpu.sem_alloc : memref<!tpu.dma_semaphore, #tpu.memory_space<semaphore_mem>>
      tpu.enqueue_dma source(%arg5 : memref<10000xf32, #tpu.memory_space<hbm>>) target(%arg8 : memref<10000xf32, #tpu.memory_space<vmem>>) target_semaphore(%run_scoped3A : memref<!tpu.dma_semaphore, #tpu.memory_space<semaphore_mem>>)
      tpu.wait_dma2 semaphore(%run_scoped3A : memref<!tpu.dma_semaphore, #tpu.memory_space<semaphore_mem>>) src(%arg5 : memref<10000xf32, #tpu.memory_space<hbm>>) dst(%arg8 : memref<10000xf32, #tpu.memory_space<vmem>>)
      tpu.yield
    }) : () -> ()
    "tpu.region"() ({
      %run_scoped3A = tpu.sem_alloc : memref<!tpu.dma_semaphore, #tpu.memory_space<semaphore_mem>>
      tpu.enqueue_dma source(%arg6 : memref<10000xf32, #tpu.memory_space<hbm>>) target(%arg9 : memref<10000xf32, #tpu.memory_space<vmem>>) target_semaphore(%run_scoped3A : memref<!tpu.dma_semaphore, #tpu.memory_space<semaphore_mem>>)
      tpu.wait_dma2 semaphore(%run_scoped3A : memref<!tpu.dma_semaphore, #tpu.memory_space<semaphore_mem>>) src(%arg6 : memref<10000xf32, #tpu.memory_space<hbm>>) dst(%arg9 : memref<10000xf32, #tpu.memory_space<vmem>>)
      tpu.yield
    }) : () -> ()
    %scan3A = arith.constant 0 : i32
    %scan3A_3 = arith.constant 80 : i32
    %scan3A_4 = arith.addi %scan3A, %scan3A_3 : i32
    %scan3A_5 = arith.constant 1 : i32
    scf.for %scan3A_42 = %scan3A to %scan3A_4 step %scan3A_5  : i32 {
      %mul3A_43 = arith.constant 1 : i32
      %mul3A_44 = arith.muli %scan3A_42, %mul3A_43 : i32
      %add3A_45 = arith.constant 0 : i32
      %add3A_46 = arith.addi %add3A_45, %mul3A_44 : i32
      %broadcast_in_dim3A = arith.constant 0.000000e+00 : f32
      %broadcast_in_dim3A_47 = vector.broadcast %broadcast_in_dim3A : f32 to vector<16xf32>
      %swap3A = arith.index_cast %add3A_46 : i32 to index
      %swap3A_48 = arith.constant 0 : index
      %swap3A_49 = tpu.vector_load %arg14[%swap3A, %swap3A_48] {strides = array<i32>} : memref<80x128xf32, #tpu.memory_space<vmem>>, vector<16xf32>,
      tpu.vector_store %arg14[%swap3A, %swap3A_48], %broadcast_in_dim3A_47 {strides = array<i32>} : memref<80x128xf32, #tpu.memory_space<vmem>>, vector<16xf32>,
      %broadcast_in_dim3A_50 = arith.constant 0.000000e+00 : f32
      %broadcast_in_dim3A_51 = vector.broadcast %broadcast_in_dim3A_50 : f32 to vector<16xf32>
      %swap3A_52 = arith.index_cast %add3A_46 : i32 to index
      %swap3A_53 = arith.constant 16 : index
      %swap3A_54 = tpu.vector_load %arg14[%swap3A_52, %swap3A_53] {strides = array<i32>} : memref<80x128xf32, #tpu.memory_space<vmem>>, vector<16xf32>,
      tpu.vector_store %arg14[%swap3A_52, %swap3A_53], %broadcast_in_dim3A_51 {strides = array<i32>} : memref<80x128xf32, #tpu.memory_space<vmem>>, vector<16xf32>,
      %broadcast_in_dim3A_55 = arith.constant 0.000000e+00 : f32
      %broadcast_in_dim3A_56 = vector.broadcast %broadcast_in_dim3A_55 : f32 to vector<16xf32>
      %swap3A_57 = arith.index_cast %add3A_46 : i32 to index
      %swap3A_58 = arith.constant 32 : index
      %swap3A_59 = tpu.vector_load %arg14[%swap3A_57, %swap3A_58] {strides = array<i32>} : memref<80x128xf32, #tpu.memory_space<vmem>>, vector<16xf32>,
      tpu.vector_store %arg14[%swap3A_57, %swap3A_58], %broadcast_in_dim3A_56 {strides = array<i32>} : memref<80x128xf32, #tpu.memory_space<vmem>>, vector<16xf32>,
      %broadcast_in_dim3A_60 = arith.constant 0.000000e+00 : f32
      %broadcast_in_dim3A_61 = vector.broadcast %broadcast_in_dim3A_60 : f32 to vector<16xf32>
      %swap3A_62 = arith.index_cast %add3A_46 : i32 to index
      %swap3A_63 = arith.constant 48 : index
      %swap3A_64 = tpu.vector_load %arg14[%swap3A_62, %swap3A_63] {strides = array<i32>} : memref<80x128xf32, #tpu.memory_space<vmem>>, vector<16xf32>,
      tpu.vector_store %arg14[%swap3A_62, %swap3A_63], %broadcast_in_dim3A_61 {strides = array<i32>} : memref<80x128xf32, #tpu.memory_space<vmem>>, vector<16xf32>,
      %broadcast_in_dim3A_65 = arith.constant 0.000000e+00 : f32
      %broadcast_in_dim3A_66 = vector.broadcast %broadcast_in_dim3A_65 : f32 to vector<16xf32>
      %swap3A_67 = arith.index_cast %add3A_46 : i32 to index
      %swap3A_68 = arith.constant 64 : index
      %swap3A_69 = tpu.vector_load %arg14[%swap3A_67, %swap3A_68] {strides = array<i32>} : memref<80x128xf32, #tpu.memory_space<vmem>>, vector<16xf32>,
      tpu.vector_store %arg14[%swap3A_67, %swap3A_68], %broadcast_in_dim3A_66 {strides = array<i32>} : memref<80x128xf32, #tpu.memory_space<vmem>>, vector<16xf32>,
      %broadcast_in_dim3A_70 = arith.constant 0.000000e+00 : f32
      %broadcast_in_dim3A_71 = vector.broadcast %broadcast_in_dim3A_70 : f32 to vector<16xf32>
      %swap3A_72 = arith.index_cast %add3A_46 : i32 to index
      %swap3A_73 = arith.constant 80 : index
      %swap3A_74 = tpu.vector_load %arg14[%swap3A_72, %swap3A_73] {strides = array<i32>} : memref<80x128xf32, #tpu.memory_space<vmem>>, vector<16xf32>,
      tpu.vector_store %arg14[%swap3A_72, %swap3A_73], %broadcast_in_dim3A_71 {strides = array<i32>} : memref<80x128xf32, #tpu.memory_space<vmem>>, vector<16xf32>,
      %broadcast_in_dim3A_75 = arith.constant 0.000000e+00 : f32
      %broadcast_in_dim3A_76 = vector.broadcast %broadcast_in_dim3A_75 : f32 to vector<16xf32>
      %swap3A_77 = arith.index_cast %add3A_46 : i32 to index
      %swap3A_78 = arith.constant 96 : index
      %swap3A_79 = tpu.vector_load %arg14[%swap3A_77, %swap3A_78] {strides = array<i32>} : memref<80x128xf32, #tpu.memory_space<vmem>>, vector<16xf32>,
      tpu.vector_store %arg14[%swap3A_77, %swap3A_78], %broadcast_in_dim3A_76 {strides = array<i32>} : memref<80x128xf32, #tpu.memory_space<vmem>>, vector<16xf32>,
      %broadcast_in_dim3A_80 = arith.constant 0.000000e+00 : f32
      %broadcast_in_dim3A_81 = vector.broadcast %broadcast_in_dim3A_80 : f32 to vector<16xf32>
      %swap3A_82 = arith.index_cast %add3A_46 : i32 to index
      %swap3A_83 = arith.constant 112 : index
      %swap3A_84 = tpu.vector_load %arg14[%swap3A_82, %swap3A_83] {strides = array<i32>} : memref<80x128xf32, #tpu.memory_space<vmem>>, vector<16xf32>,
      tpu.vector_store %arg14[%swap3A_82, %swap3A_83], %broadcast_in_dim3A_81 {strides = array<i32>} : memref<80x128xf32, #tpu.memory_space<vmem>>, vector<16xf32>,
    }
    %scan3A_6 = arith.constant 80 : i32
    %scan3A_7 = arith.constant 0 : i32
    %scan3A_8 = arith.constant 8 : i32
    %scan3A_9 = arith.addi %scan3A_7, %scan3A_8 : i32
    %scan3A_10 = arith.constant 1 : i32
    scf.for %scan3A_42 = %scan3A_7 to %scan3A_9 step %scan3A_10  : i32 {
      %mul3A_43 = arith.constant 1 : i32
      %mul3A_44 = arith.muli %scan3A_42, %mul3A_43 : i32
      %add3A_45 = arith.constant 0 : i32
      %add3A_46 = arith.addi %add3A_45, %mul3A_44 : i32
      %mul3A_47 = arith.constant 8 : i32
      %mul3A_48 = arith.muli %arg1, %mul3A_47 : i32
      %add3A_49 = arith.addi %mul3A_48, %add3A_46 : i32
      %lt3A = arith.constant 125 : i32
      %lt3A_50 = arith.cmpi slt, %add3A_49, %lt3A : i32
      %convert_element_type3A = arith.extui %lt3A_50 : i1 to i32
      %cond3A = arith.constant 0 : i32
      %cond3A_51 = arith.cmpi ne, %convert_element_type3A, %cond3A : i32
      scf.if %cond3A_51 {
        %mul3A_52 = arith.constant 80 : i32
        %mul3A_53 = arith.muli %add3A_49, %mul3A_52 : i32
        "tpu.region"() ({
          %run_scoped3A = tpu.sem_alloc : memref<!tpu.dma_semaphore, #tpu.memory_space<semaphore_mem>>
          %dma_start3A_54 = arith.constant 0 : i32
          %dma_start3A_55 = tpu.memref_slice %arg16[%mul3A_53, %dma_start3A_54] : memref<10000x128xf32, #tpu.memory_space<vmem_shared>> -> memref<80x128xf32, #tpu.memory_space<vmem_shared>>
          %dma_start3A_56 = arith.constant 0 : i32
          %dma_start3A_57 = tpu.memref_slice %arg16[%mul3A_53, %dma_start3A_56] : memref<10000x128xf32, #tpu.memory_space<vmem_shared>> -> memref<80x128xf32, #tpu.memory_space<vmem_shared>>
          tpu.enqueue_dma source(%arg14 : memref<80x128xf32, #tpu.memory_space<vmem>>) target(%dma_start3A_57 : memref<80x128xf32, #tpu.memory_space<vmem_shared>>) target_semaphore(%run_scoped3A : memref<!tpu.dma_semaphore, #tpu.memory_space<semaphore_mem>>)
          %dma_wait3A_58 = arith.constant 0 : i32
          %dma_wait3A_59 = tpu.memref_slice %arg16[%mul3A_53, %dma_wait3A_58] : memref<10000x128xf32, #tpu.memory_space<vmem_shared>> -> memref<80x128xf32, #tpu.memory_space<vmem_shared>>
          %dma_wait3A_60 = arith.constant 0 : i32
          %dma_wait3A_61 = tpu.memref_slice %arg16[%mul3A_53, %dma_wait3A_60] : memref<10000x128xf32, #tpu.memory_space<vmem_shared>> -> memref<80x128xf32, #tpu.memory_space<vmem_shared>>
          tpu.wait_dma2 semaphore(%run_scoped3A : memref<!tpu.dma_semaphore, #tpu.memory_space<semaphore_mem>>) src(%arg14 : memref<80x128xf32, #tpu.memory_space<vmem>>) dst(%dma_wait3A_61 : memref<80x128xf32, #tpu.memory_space<vmem_shared>>)
          tpu.yield
        }) : () -> ()
      } else {
      }
    }
    %scan3A_11 = arith.constant 8 : i32
    %barrier3A = arith.constant 0 : index
    tpu.barrier barrier_id(%barrier3A)
    %add3A_12 = arith.constant 0 : i32
    %add3A_13 = arith.addi %mul3A_2, %add3A_12 : i32
    %dma_start3A = tpu.memref_slice %arg2[%add3A_13] : memref<320000xi32, #tpu.memory_space<hbm>> -> memref<80xi32, #tpu.memory_space<hbm>>
    %dma_start3A_14 = tpu.memref_slice %arg2[%add3A_13] : memref<320000xi32, #tpu.memory_space<hbm>> -> memref<80xi32, #tpu.memory_space<hbm>>
    tpu.enqueue_dma source(%dma_start3A_14 : memref<80xi32, #tpu.memory_space<hbm>>) target(%arg10 : memref<80xi32, #tpu.memory_space<vmem>>) target_semaphore(%arg17 : memref<!tpu.dma_semaphore, #tpu.memory_space<semaphore_mem>>)
    %dma_start3A_15 = tpu.memref_slice %arg3[%add3A_13] : memref<320000xi32, #tpu.memory_space<hbm>> -> memref<80xi32, #tpu.memory_space<hbm>>
    %dma_start3A_16 = tpu.memref_slice %arg3[%add3A_13] : memref<320000xi32, #tpu.memory_space<hbm>> -> memref<80xi32, #tpu.memory_space<hbm>>
    tpu.enqueue_dma source(%dma_start3A_16 : memref<80xi32, #tpu.memory_space<hbm>>) target(%arg12 : memref<80xi32, #tpu.memory_space<vmem>>) target_semaphore(%arg17 : memref<!tpu.dma_semaphore, #tpu.memory_space<semaphore_mem>>)
    %add3A_17 = arith.constant 80 : i32
    %add3A_18 = arith.addi %mul3A_2, %add3A_17 : i32
    %dma_start3A_19 = tpu.memref_slice %arg2[%add3A_18] : memref<320000xi32, #tpu.memory_space<hbm>> -> memref<80xi32, #tpu.memory_space<hbm>>
    %dma_start3A_20 = tpu.memref_slice %arg2[%add3A_18] : memref<320000xi32, #tpu.memory_space<hbm>> -> memref<80xi32, #tpu.memory_space<hbm>>
    tpu.enqueue_dma source(%dma_start3A_20 : memref<80xi32, #tpu.memory_space<hbm>>) target(%arg11 : memref<80xi32, #tpu.memory_space<vmem>>) target_semaphore(%arg18 : memref<!tpu.dma_semaphore, #tpu.memory_space<semaphore_mem>>)
    %dma_start3A_21 = tpu.memref_slice %arg3[%add3A_18] : memref<320000xi32, #tpu.memory_space<hbm>> -> memref<80xi32, #tpu.memory_space<hbm>>
    %dma_start3A_22 = tpu.memref_slice %arg3[%add3A_18] : memref<320000xi32, #tpu.memory_space<hbm>> -> memref<80xi32, #tpu.memory_space<hbm>>
    tpu.enqueue_dma source(%dma_start3A_22 : memref<80xi32, #tpu.memory_space<hbm>>) target(%arg13 : memref<80xi32, #tpu.memory_space<vmem>>) target_semaphore(%arg18 : memref<!tpu.dma_semaphore, #tpu.memory_space<semaphore_mem>>)
    %add3A_23 = arith.constant 0 : i32
    %add3A_24 = arith.addi %mul3A_2, %add3A_23 : i32
    %dma_wait3A = tpu.memref_slice %arg2[%add3A_24] : memref<320000xi32, #tpu.memory_space<hbm>> -> memref<80xi32, #tpu.memory_space<hbm>>
    %dma_wait3A_25 = tpu.memref_slice %arg2[%add3A_24] : memref<320000xi32, #tpu.memory_space<hbm>> -> memref<80xi32, #tpu.memory_space<hbm>>
    tpu.wait_dma2 semaphore(%arg17 : memref<!tpu.dma_semaphore, #tpu.memory_space<semaphore_mem>>) src(%dma_wait3A_25 : memref<80xi32, #tpu.memory_space<hbm>>) dst(%arg10 : memref<80xi32, #tpu.memory_space<vmem>>)
    %dma_wait3A_26 = tpu.memref_slice %arg3[%add3A_24] : memref<320000xi32, #tpu.memory_space<hbm>> -> memref<80xi32, #tpu.memory_space<hbm>>
    %dma_wait3A_27 = tpu.memref_slice %arg3[%add3A_24] : memref<320000xi32, #tpu.memory_space<hbm>> -> memref<80xi32, #tpu.memory_space<hbm>>
    tpu.wait_dma2 semaphore(%arg17 : memref<!tpu.dma_semaphore, #tpu.memory_space<semaphore_mem>>) src(%dma_wait3A_27 : memref<80xi32, #tpu.memory_space<hbm>>) dst(%arg12 : memref<80xi32, #tpu.memory_space<vmem>>)
    %dma_start3A_28 = arith.constant 0 : i32
    %dma_start3A_29 = arith.constant 0 : i32
    %dma_start3A_30 = tpu.memref_slice %arg4[%dma_start3A_28, %dma_start3A_29] : memref<10000x128xf32, #tpu.memory_space<hbm>> -> memref<10000x128xf32, #tpu.memory_space<hbm>>
    tpu.enqueue_indirect_dma source(%dma_start3A_30 : memref<10000x128xf32, #tpu.memory_space<hbm>>) target(%arg14 : memref<80x128xf32, #tpu.memory_space<vmem>>) offsets(%arg10 : memref<80xi32, #tpu.memory_space<vmem>>) semaphore(%arg19 : memref<!tpu.dma_semaphore, #tpu.memory_space<semaphore_mem>>)
    %scan3A_31 = arith.constant 0 : i32
    %scan3A_32 = arith.constant 63 : i32
    %scan3A_33 = arith.addi %scan3A_31, %scan3A_32 : i32
    %scan3A_34 = arith.constant 1 : i32
    scf.for %scan3A_42 = %scan3A_31 to %scan3A_33 step %scan3A_34  : i32 {
      %mul3A_43 = arith.constant 1 : i32
      %mul3A_44 = arith.muli %scan3A_42, %mul3A_43 : i32
      %add3A_45 = arith.constant 0 : i32
      %add3A_46 = arith.addi %add3A_45, %mul3A_44 : i32
      %mul3A_47 = arith.constant 2 : i32
      %mul3A_48 = arith.muli %mul3A_47, %add3A_46 : i32
      %add3A_49 = arith.constant 0 : i32
      %add3A_50 = arith.addi %mul3A_48, %add3A_49 : i32
      %lt3A = arith.constant 125 : i32
      %lt3A_51 = arith.cmpi slt, %add3A_50, %lt3A : i32
      %convert_element_type3A = arith.extui %lt3A_51 : i1 to i32
      %cond3A = arith.constant 0 : i32
      %cond3A_52 = arith.cmpi ne, %convert_element_type3A, %cond3A : i32
      scf.if %cond3A_52 {
        %dma_wait3A_62 = arith.constant 0 : i32
        %dma_wait3A_63 = arith.constant 0 : i32
        %dma_wait3A_64 = tpu.memref_slice %arg4[%dma_wait3A_62, %dma_wait3A_63] : memref<10000x128xf32, #tpu.memory_space<hbm>> -> memref<10000x128xf32, #tpu.memory_space<hbm>>
        tpu.wait_indirect_dma semaphore(%arg19 : memref<!tpu.dma_semaphore, #tpu.memory_space<semaphore_mem>>) src(%dma_wait3A_64 : memref<10000x128xf32, #tpu.memory_space<hbm>>) dst(%arg14 : memref<80x128xf32, #tpu.memory_space<vmem>>)
        %parallel_loop3A = arith.constant 0 : i32
        %parallel_loop3A_65 = arith.constant 80 : i32
        %parallel_loop3A_66 = arith.constant 16 : i32
        scf.for %parallel_loop3A_81 = %parallel_loop3A to %parallel_loop3A_65 step %parallel_loop3A_66  : i32 {
          %parallel_loop3A_82 = arith.index_cast %parallel_loop3A_81 : i32 to index
          %parallel_loop3A_83 = tpu.vector_load %arg10[%parallel_loop3A_82] {strides = array<i32>} : memref<80xi32, #tpu.memory_space<vmem>>, vector<16xi32>,
          %parallel_loop3A_84 = arith.index_cast %parallel_loop3A_81 : i32 to index
          %parallel_loop3A_85 = tpu.vector_load %arg12[%parallel_loop3A_84] {strides = array<i32>} : memref<80xi32, #tpu.memory_space<vmem>>, vector<16xi32>,
          %parallel_loop3A_86 = tpu.vector_load_idx %arg8[%parallel_loop3A_83] : memref<10000xf32, #tpu.memory_space<vmem>>[vector<16xi32>], vector<16xf32>,
          %parallel_loop3A_87 = tpu.vector_load_idx %arg9[%parallel_loop3A_85] : memref<10000xf32, #tpu.memory_space<vmem>>[vector<16xi32>], vector<16xf32>,
          %parallel_loop3A_88 = arith.addf %parallel_loop3A_86, %parallel_loop3A_87 : vector<16xf32>
          %parallel_loop3A_89 = math.absf %parallel_loop3A_88 : vector<16xf32>
          %parallel_loop3A_90 = arith.constant -2.000000e+00 : f32
          %parallel_loop3A_91 = vector.broadcast %parallel_loop3A_90 : f32 to vector<16xf32>
          %parallel_loop3A_92 = arith.mulf %parallel_loop3A_91, %parallel_loop3A_89 : vector<16xf32>
          %parallel_loop3A_93 = math.exp %parallel_loop3A_92 : vector<16xf32>
          %parallel_loop3A_94 = tpu.bitcast %parallel_loop3A_88 : vector<16xf32> -> vector<16xi32>
          %parallel_loop3A_95 = arith.constant -2147483648 : i32
          %parallel_loop3A_96 = vector.broadcast %parallel_loop3A_95 : i32 to vector<16xi32>
          %parallel_loop3A_97 = arith.andi %parallel_loop3A_94, %parallel_loop3A_96 : vector<16xi32>
          %parallel_loop3A_98 = arith.constant 1065353216 : i32
          %parallel_loop3A_99 = vector.broadcast %parallel_loop3A_98 : i32 to vector<16xi32>
          %parallel_loop3A_100 = arith.ori %parallel_loop3A_99, %parallel_loop3A_97 : vector<16xi32>
          %parallel_loop3A_101 = tpu.bitcast %parallel_loop3A_100 : vector<16xi32> -> vector<16xf32>
          %parallel_loop3A_102 = math.absf %parallel_loop3A_88 : vector<16xf32>
          %parallel_loop3A_103 = arith.constant 0.000000e+00 : f32
          %parallel_loop3A_104 = vector.broadcast %parallel_loop3A_103 : f32 to vector<16xf32>
          %parallel_loop3A_105 = arith.cmpf ogt, %parallel_loop3A_102, %parallel_loop3A_104 : vector<16xf32>
          %parallel_loop3A_106 = arith.select %parallel_loop3A_105, %parallel_loop3A_101, %parallel_loop3A_88 : vector<16xi1>, vector<16xf32>
          %parallel_loop3A_107 = arith.constant 1.000000e+00 : f32
          %parallel_loop3A_108 = vector.broadcast %parallel_loop3A_107 : f32 to vector<16xf32>
          %parallel_loop3A_109 = arith.subf %parallel_loop3A_108, %parallel_loop3A_93 : vector<16xf32>
          %parallel_loop3A_110 = arith.mulf %parallel_loop3A_106, %parallel_loop3A_109 : vector<16xf32>
          %parallel_loop3A_111 = arith.constant 1.000000e+00 : f32
          %parallel_loop3A_112 = vector.broadcast %parallel_loop3A_111 : f32 to vector<16xf32>
          %parallel_loop3A_113 = arith.addf %parallel_loop3A_112, %parallel_loop3A_93 : vector<16xf32>
          %parallel_loop3A_114 = arith.divf %parallel_loop3A_110, %parallel_loop3A_113 : vector<16xf32>
          %parallel_loop3A_115 = arith.constant 0 : i32
          %parallel_loop3A_116 = vector.broadcast %parallel_loop3A_115 : i32 to vector<16xi32>
          %parallel_loop3A_117 = arith.constant 0 : i32
          %parallel_loop3A_118 = vector.broadcast %parallel_loop3A_117 : i32 to vector<16xi32>
          %parallel_loop3A_119 = arith.cmpi slt, %parallel_loop3A_116, %parallel_loop3A_118 : vector<16xi32>
          %parallel_loop3A_120 = arith.constant 16 : i32
          %parallel_loop3A_121 = vector.broadcast %parallel_loop3A_120 : i32 to vector<16xi32>
          %parallel_loop3A_122 = arith.addi %parallel_loop3A_116, %parallel_loop3A_121 : vector<16xi32>
          %parallel_loop3A_123 = arith.select %parallel_loop3A_119, %parallel_loop3A_122, %parallel_loop3A_116 : vector<16xi1>, vector<16xi32>
          %parallel_loop3A_124 = vector.shape_cast %parallel_loop3A_123 : vector<16xi32> to vector<16x1xi32>
          %parallel_loop3A_125 = vector.shape_cast %parallel_loop3A_124 : vector<16x1xi32> to vector<16xi32>
          %parallel_loop3A_126 = tpu.dynamic_gather %parallel_loop3A_114[%parallel_loop3A_125] in [0] : vector<16xf32>, vector<16xi32> -> vector<16xf32>
          %parallel_loop3A_127 = arith.constant 0 : i32
          %parallel_loop3A_128 = arith.addi %parallel_loop3A_81, %parallel_loop3A_127 : i32
          %parallel_loop3A_129 = arith.index_cast %parallel_loop3A_128 : i32 to index
          %parallel_loop3A_130 = arith.constant 0 : index
          %parallel_loop3A_131 = tpu.vector_load %arg14[%parallel_loop3A_129, %parallel_loop3A_130] {strides = array<i32>} : memref<80x128xf32, #tpu.memory_space<vmem>>, vector<16xf32>,
          %parallel_loop3A_132 = arith.mulf %parallel_loop3A_131, %parallel_loop3A_126 : vector<16xf32>
          %parallel_loop3A_133 = arith.constant 0 : i32
          %parallel_loop3A_134 = arith.addi %parallel_loop3A_81, %parallel_loop3A_133 : i32
          %parallel_loop3A_135 = arith.index_cast %parallel_loop3A_134 : i32 to index
          %parallel_loop3A_136 = arith.constant 0 : index
          %parallel_loop3A_137 = tpu.vector_load %arg14[%parallel_loop3A_135, %parallel_loop3A_136] {strides = array<i32>} : memref<80x128xf32, #tpu.memory_space<vmem>>, vector<16xf32>,
          tpu.vector_store %arg14[%parallel_loop3A_135, %parallel_loop3A_136], %parallel_loop3A_132 {strides = array<i32>} : memref<80x128xf32, #tpu.memory_space<vmem>>, vector<16xf32>,
          %parallel_loop3A_138 = arith.constant 0 : i32
          %parallel_loop3A_139 = arith.addi %parallel_loop3A_81, %parallel_loop3A_138 : i32
          %parallel_loop3A_140 = arith.index_cast %parallel_loop3A_139 : i32 to index
          %parallel_loop3A_141 = arith.constant 16 : index
          %parallel_loop3A_142 = tpu.vector_load %arg14[%parallel_loop3A_140, %parallel_loop3A_141] {strides = array<i32>} : memref<80x128xf32, #tpu.memory_space<vmem>>, vector<16xf32>,
          %parallel_loop3A_143 = arith.mulf %parallel_loop3A_142, %parallel_loop3A_126 : vector<16xf32>
          %parallel_loop3A_144 = arith.constant 0 : i32
          %parallel_loop3A_145 = arith.addi %parallel_loop3A_81, %parallel_loop3A_144 : i32
          %parallel_loop3A_146 = arith.index_cast %parallel_loop3A_145 : i32 to index
          %parallel_loop3A_147 = arith.constant 16 : index
          %parallel_loop3A_148 = tpu.vector_load %arg14[%parallel_loop3A_146, %parallel_loop3A_147] {strides = array<i32>} : memref<80x128xf32, #tpu.memory_space<vmem>>, vector<16xf32>,
          tpu.vector_store %arg14[%parallel_loop3A_146, %parallel_loop3A_147], %parallel_loop3A_143 {strides = array<i32>} : memref<80x128xf32, #tpu.memory_space<vmem>>, vector<16xf32>,
          %parallel_loop3A_149 = arith.constant 0 : i32
          %parallel_loop3A_150 = arith.addi %parallel_loop3A_81, %parallel_loop3A_149 : i32
          %parallel_loop3A_151 = arith.index_cast %parallel_loop3A_150 : i32 to index
          %parallel_loop3A_152 = arith.constant 32 : index
          %parallel_loop3A_153 = tpu.vector_load %arg14[%parallel_loop3A_151, %parallel_loop3A_152] {strides = array<i32>} : memref<80x128xf32, #tpu.memory_space<vmem>>, vector<16xf32>,
          %parallel_loop3A_154 = arith.mulf %parallel_loop3A_153, %parallel_loop3A_126 : vector<16xf32>
          %parallel_loop3A_155 = arith.constant 0 : i32
          %parallel_loop3A_156 = arith.addi %parallel_loop3A_81, %parallel_loop3A_155 : i32
          %parallel_loop3A_157 = arith.index_cast %parallel_loop3A_156 : i32 to index
          %parallel_loop3A_158 = arith.constant 32 : index
          %parallel_loop3A_159 = tpu.vector_load %arg14[%parallel_loop3A_157, %parallel_loop3A_158] {strides = array<i32>} : memref<80x128xf32, #tpu.memory_space<vmem>>, vector<16xf32>,
          tpu.vector_store %arg14[%parallel_loop3A_157, %parallel_loop3A_158], %parallel_loop3A_154 {strides = array<i32>} : memref<80x128xf32, #tpu.memory_space<vmem>>, vector<16xf32>,
          %parallel_loop3A_160 = arith.constant 0 : i32
          %parallel_loop3A_161 = arith.addi %parallel_loop3A_81, %parallel_loop3A_160 : i32
          %parallel_loop3A_162 = arith.index_cast %parallel_loop3A_161 : i32 to index
          %parallel_loop3A_163 = arith.constant 48 : index
          %parallel_loop3A_164 = tpu.vector_load %arg14[%parallel_loop3A_162, %parallel_loop3A_163] {strides = array<i32>} : memref<80x128xf32, #tpu.memory_space<vmem>>, vector<16xf32>,
          %parallel_loop3A_165 = arith.mulf %parallel_loop3A_164, %parallel_loop3A_126 : vector<16xf32>
          %parallel_loop3A_166 = arith.constant 0 : i32
          %parallel_loop3A_167 = arith.addi %parallel_loop3A_81, %parallel_loop3A_166 : i32
          %parallel_loop3A_168 = arith.index_cast %parallel_loop3A_167 : i32 to index
          %parallel_loop3A_169 = arith.constant 48 : index
          %parallel_loop3A_170 = tpu.vector_load %arg14[%parallel_loop3A_168, %parallel_loop3A_169] {strides = array<i32>} : memref<80x128xf32, #tpu.memory_space<vmem>>, vector<16xf32>,
          tpu.vector_store %arg14[%parallel_loop3A_168, %parallel_loop3A_169], %parallel_loop3A_165 {strides = array<i32>} : memref<80x128xf32, #tpu.memory_space<vmem>>, vector<16xf32>,
          %parallel_loop3A_171 = arith.constant 0 : i32
          %parallel_loop3A_172 = arith.addi %parallel_loop3A_81, %parallel_loop3A_171 : i32
          %parallel_loop3A_173 = arith.index_cast %parallel_loop3A_172 : i32 to index
          %parallel_loop3A_174 = arith.constant 64 : index
          %parallel_loop3A_175 = tpu.vector_load %arg14[%parallel_loop3A_173, %parallel_loop3A_174] {strides = array<i32>} : memref<80x128xf32, #tpu.memory_space<vmem>>, vector<16xf32>,
          %parallel_loop3A_176 = arith.mulf %parallel_loop3A_175, %parallel_loop3A_126 : vector<16xf32>
          %parallel_loop3A_177 = arith.constant 0 : i32
          %parallel_loop3A_178 = arith.addi %parallel_loop3A_81, %parallel_loop3A_177 : i32
          %parallel_loop3A_179 = arith.index_cast %parallel_loop3A_178 : i32 to index
          %parallel_loop3A_180 = arith.constant 64 : index
          %parallel_loop3A_181 = tpu.vector_load %arg14[%parallel_loop3A_179, %parallel_loop3A_180] {strides = array<i32>} : memref<80x128xf32, #tpu.memory_space<vmem>>, vector<16xf32>,
          tpu.vector_store %arg14[%parallel_loop3A_179, %parallel_loop3A_180], %parallel_loop3A_176 {strides = array<i32>} : memref<80x128xf32, #tpu.memory_space<vmem>>, vector<16xf32>,
          %parallel_loop3A_182 = arith.constant 0 : i32
          %parallel_loop3A_183 = arith.addi %parallel_loop3A_81, %parallel_loop3A_182 : i32
          %parallel_loop3A_184 = arith.index_cast %parallel_loop3A_183 : i32 to index
          %parallel_loop3A_185 = arith.constant 80 : index
          %parallel_loop3A_186 = tpu.vector_load %arg14[%parallel_loop3A_184, %parallel_loop3A_185] {strides = array<i32>} : memref<80x128xf32, #tpu.memory_space<vmem>>, vector<16xf32>,
          %parallel_loop3A_187 = arith.mulf %parallel_loop3A_186, %parallel_loop3A_126 : vector<16xf32>
          %parallel_loop3A_188 = arith.constant 0 : i32
          %parallel_loop3A_189 = arith.addi %parallel_loop3A_81, %parallel_loop3A_188 : i32
          %parallel_loop3A_190 = arith.index_cast %parallel_loop3A_189 : i32 to index
          %parallel_loop3A_191 = arith.constant 80 : index
          %parallel_loop3A_192 = tpu.vector_load %arg14[%parallel_loop3A_190, %parallel_loop3A_191] {strides = array<i32>} : memref<80x128xf32, #tpu.memory_space<vmem>>, vector<16xf32>,
          tpu.vector_store %arg14[%parallel_loop3A_190, %parallel_loop3A_191], %parallel_loop3A_187 {strides = array<i32>} : memref<80x128xf32, #tpu.memory_space<vmem>>, vector<16xf32>,
          %parallel_loop3A_193 = arith.constant 0 : i32
          %parallel_loop3A_194 = arith.addi %parallel_loop3A_81, %parallel_loop3A_193 : i32
          %parallel_loop3A_195 = arith.index_cast %parallel_loop3A_194 : i32 to index
          %parallel_loop3A_196 = arith.constant 96 : index
          %parallel_loop3A_197 = tpu.vector_load %arg14[%parallel_loop3A_195, %parallel_loop3A_196] {strides = array<i32>} : memref<80x128xf32, #tpu.memory_space<vmem>>, vector<16xf32>,
          %parallel_loop3A_198 = arith.mulf %parallel_loop3A_197, %parallel_loop3A_126 : vector<16xf32>
          %parallel_loop3A_199 = arith.constant 0 : i32
          %parallel_loop3A_200 = arith.addi %parallel_loop3A_81, %parallel_loop3A_199 : i32
          %parallel_loop3A_201 = arith.index_cast %parallel_loop3A_200 : i32 to index
          %parallel_loop3A_202 = arith.constant 96 : index
          %parallel_loop3A_203 = tpu.vector_load %arg14[%parallel_loop3A_201, %parallel_loop3A_202] {strides = array<i32>} : memref<80x128xf32, #tpu.memory_space<vmem>>, vector<16xf32>,
          tpu.vector_store %arg14[%parallel_loop3A_201, %parallel_loop3A_202], %parallel_loop3A_198 {strides = array<i32>} : memref<80x128xf32, #tpu.memory_space<vmem>>, vector<16xf32>,
          %parallel_loop3A_204 = arith.constant 0 : i32
          %parallel_loop3A_205 = arith.addi %parallel_loop3A_81, %parallel_loop3A_204 : i32
          %parallel_loop3A_206 = arith.index_cast %parallel_loop3A_205 : i32 to index
          %parallel_loop3A_207 = arith.constant 112 : index
          %parallel_loop3A_208 = tpu.vector_load %arg14[%parallel_loop3A_206, %parallel_loop3A_207] {strides = array<i32>} : memref<80x128xf32, #tpu.memory_space<vmem>>, vector<16xf32>,
          %parallel_loop3A_209 = arith.mulf %parallel_loop3A_208, %parallel_loop3A_126 : vector<16xf32>
          %parallel_loop3A_210 = arith.constant 0 : i32
          %parallel_loop3A_211 = arith.addi %parallel_loop3A_81, %parallel_loop3A_210 : i32
          %parallel_loop3A_212 = arith.index_cast %parallel_loop3A_211 : i32 to index
          %parallel_loop3A_213 = arith.constant 112 : index
          %parallel_loop3A_214 = tpu.vector_load %arg14[%parallel_loop3A_212, %parallel_loop3A_213] {strides = array<i32>} : memref<80x128xf32, #tpu.memory_space<vmem>>, vector<16xf32>,
          tpu.vector_store %arg14[%parallel_loop3A_212, %parallel_loop3A_213], %parallel_loop3A_209 {strides = array<i32>} : memref<80x128xf32, #tpu.memory_space<vmem>>, vector<16xf32>,
          %parallel_loop3A_215 = arith.constant 1 : i32
          %parallel_loop3A_216 = vector.broadcast %parallel_loop3A_215 : i32 to vector<16xi32>
          %parallel_loop3A_217 = arith.constant 0 : i32
          %parallel_loop3A_218 = vector.broadcast %parallel_loop3A_217 : i32 to vector<16xi32>
          %parallel_loop3A_219 = arith.cmpi slt, %parallel_loop3A_216, %parallel_loop3A_218 : vector<16xi32>
          %parallel_loop3A_220 = arith.constant 16 : i32
          %parallel_loop3A_221 = vector.broadcast %parallel_loop3A_220 : i32 to vector<16xi32>
          %parallel_loop3A_222 = arith.addi %parallel_loop3A_216, %parallel_loop3A_221 : vector<16xi32>
          %parallel_loop3A_223 = arith.select %parallel_loop3A_219, %parallel_loop3A_222, %parallel_loop3A_216 : vector<16xi1>, vector<16xi32>
          %parallel_loop3A_224 = vector.shape_cast %parallel_loop3A_223 : vector<16xi32> to vector<16x1xi32>
          %parallel_loop3A_225 = vector.shape_cast %parallel_loop3A_224 : vector<16x1xi32> to vector<16xi32>
          %parallel_loop3A_226 = tpu.dynamic_gather %parallel_loop3A_114[%parallel_loop3A_225] in [0] : vector<16xf32>, vector<16xi32> -> vector<16xf32>
          %parallel_loop3A_227 = arith.constant 1 : i32
          %parallel_loop3A_228 = arith.addi %parallel_loop3A_81, %parallel_loop3A_227 : i32
          %parallel_loop3A_229 = arith.index_cast %parallel_loop3A_228 : i32 to index
          %parallel_loop3A_230 = arith.constant 0 : index
          %parallel_loop3A_231 = tpu.vector_load %arg14[%parallel_loop3A_229, %parallel_loop3A_230] {strides = array<i32>} : memref<80x128xf32, #tpu.memory_space<vmem>>, vector<16xf32>,
          %parallel_loop3A_232 = arith.mulf %parallel_loop3A_231, %parallel_loop3A_226 : vector<16xf32>
          %parallel_loop3A_233 = arith.constant 1 : i32
          %parallel_loop3A_234 = arith.addi %parallel_loop3A_81, %parallel_loop3A_233 : i32
          %parallel_loop3A_235 = arith.index_cast %parallel_loop3A_234 : i32 to index
          %parallel_loop3A_236 = arith.constant 0 : index
          %parallel_loop3A_237 = tpu.vector_load %arg14[%parallel_loop3A_235, %parallel_loop3A_236] {strides = array<i32>} : memref<80x128xf32, #tpu.memory_space<vmem>>, vector<16xf32>,
          tpu.vector_store %arg14[%parallel_loop3A_235, %parallel_loop3A_236], %parallel_loop3A_232 {strides = array<i32>} : memref<80x128xf32, #tpu.memory_space<vmem>>, vector<16xf32>,
          %parallel_loop3A_238 = arith.constant 1 : i32
          %parallel_loop3A_239 = arith.addi %parallel_loop3A_81, %parallel_loop3A_238 : i32
          %parallel_loop3A_240 = arith.index_cast %parallel_loop3A_239 : i32 to index
          %parallel_loop3A_241 = arith.constant 16 : index
          %parallel_loop3A_242 = tpu.vector_load %arg14[%parallel_loop3A_240, %parallel_loop3A_241] {strides = array<i32>} : memref<80x128xf32, #tpu.memory_space<vmem>>, vector<16xf32>,
          %parallel_loop3A_243 = arith.mulf %parallel_loop3A_242, %parallel_loop3A_226 : vector<16xf32>
          %parallel_loop3A_244 = arith.constant 1 : i32
          %parallel_loop3A_245 = arith.addi %parallel_loop3A_81, %parallel_loop3A_244 : i32
          %parallel_loop3A_246 = arith.index_cast %parallel_loop3A_245 : i32 to index
          %parallel_loop3A_247 = arith.constant 16 : index
          %parallel_loop3A_248 = tpu.vector_load %arg14[%parallel_loop3A_246, %parallel_loop3A_247] {strides = array<i32>} : memref<80x128xf32, #tpu.memory_space<vmem>>, vector<16xf32>,
          tpu.vector_store %arg14[%parallel_loop3A_246, %parallel_loop3A_247], %parallel_loop3A_243 {strides = array<i32>} : memref<80x128xf32, #tpu.memory_space<vmem>>, vector<16xf32>,
          %parallel_loop3A_249 = arith.constant 1 : i32
          %parallel_loop3A_250 = arith.addi %parallel_loop3A_81, %parallel_loop3A_249 : i32
          %parallel_loop3A_251 = arith.index_cast %parallel_loop3A_250 : i32 to index
          %parallel_loop3A_252 = arith.constant 32 : index
          %parallel_loop3A_253 = tpu.vector_load %arg14[%parallel_loop3A_251, %parallel_loop3A_252] {strides = array<i32>} : memref<80x128xf32, #tpu.memory_space<vmem>>, vector<16xf32>,
          %parallel_loop3A_254 = arith.mulf %parallel_loop3A_253, %parallel_loop3A_226 : vector<16xf32>
          %parallel_loop3A_255 = arith.constant 1 : i32
          %parallel_loop3A_256 = arith.addi %parallel_loop3A_81, %parallel_loop3A_255 : i32
          %parallel_loop3A_257 = arith.index_cast %parallel_loop3A_256 : i32 to index
          %parallel_loop3A_258 = arith.constant 32 : index
          %parallel_loop3A_259 = tpu.vector_load %arg14[%parallel_loop3A_257, %parallel_loop3A_258] {strides = array<i32>} : memref<80x128xf32, #tpu.memory_space<vmem>>, vector<16xf32>,
          tpu.vector_store %arg14[%parallel_loop3A_257, %parallel_loop3A_258], %parallel_loop3A_254 {strides = array<i32>} : memref<80x128xf32, #tpu.memory_space<vmem>>, vector<16xf32>,
          %parallel_loop3A_260 = arith.constant 1 : i32
          %parallel_loop3A_261 = arith.addi %parallel_loop3A_81, %parallel_loop3A_260 : i32
          %parallel_loop3A_262 = arith.index_cast %parallel_loop3A_261 : i32 to index
          %parallel_loop3A_263 = arith.constant 48 : index
          %parallel_loop3A_264 = tpu.vector_load %arg14[%parallel_loop3A_262, %parallel_loop3A_263] {strides = array<i32>} : memref<80x128xf32, #tpu.memory_space<vmem>>, vector<16xf32>,
          %parallel_loop3A_265 = arith.mulf %parallel_loop3A_264, %parallel_loop3A_226 : vector<16xf32>
          %parallel_loop3A_266 = arith.constant 1 : i32
          %parallel_loop3A_267 = arith.addi %parallel_loop3A_81, %parallel_loop3A_266 : i32
          %parallel_loop3A_268 = arith.index_cast %parallel_loop3A_267 : i32 to index
          %parallel_loop3A_269 = arith.constant 48 : index
          %parallel_loop3A_270 = tpu.vector_load %arg14[%parallel_loop3A_268, %parallel_loop3A_269] {strides = array<i32>} : memref<80x128xf32, #tpu.memory_space<vmem>>, vector<16xf32>,
          tpu.vector_store %arg14[%parallel_loop3A_268, %parallel_loop3A_269], %parallel_loop3A_265 {strides = array<i32>} : memref<80x128xf32, #tpu.memory_space<vmem>>, vector<16xf32>,
          %parallel_loop3A_271 = arith.constant 1 : i32
          %parallel_loop3A_272 = arith.addi %parallel_loop3A_81, %parallel_loop3A_271 : i32
          %parallel_loop3A_273 = arith.index_cast %parallel_loop3A_272 : i32 to index
          %parallel_loop3A_274 = arith.constant 64 : index
          %parallel_loop3A_275 = tpu.vector_load %arg14[%parallel_loop3A_273, %parallel_loop3A_274] {strides = array<i32>} : memref<80x128xf32, #tpu.memory_space<vmem>>, vector<16xf32>,
          %parallel_loop3A_276 = arith.mulf %parallel_loop3A_275, %parallel_loop3A_226 : vector<16xf32>
          %parallel_loop3A_277 = arith.constant 1 : i32
          %parallel_loop3A_278 = arith.addi %parallel_loop3A_81, %parallel_loop3A_277 : i32
          %parallel_loop3A_279 = arith.index_cast %parallel_loop3A_278 : i32 to index
          %parallel_loop3A_280 = arith.constant 64 : index
          %parallel_loop3A_281 = tpu.vector_load %arg14[%parallel_loop3A_279, %parallel_loop3A_280] {strides = array<i32>} : memref<80x128xf32, #tpu.memory_space<vmem>>, vector<16xf32>,
          tpu.vector_store %arg14[%parallel_loop3A_279, %parallel_loop3A_280], %parallel_loop3A_276 {strides = array<i32>} : memref<80x128xf32, #tpu.memory_space<vmem>>, vector<16xf32>,
          %parallel_loop3A_282 = arith.constant 1 : i32
          %parallel_loop3A_283 = arith.addi %parallel_loop3A_81, %parallel_loop3A_282 : i32
          %parallel_loop3A_284 = arith.index_cast %parallel_loop3A_283 : i32 to index
          %parallel_loop3A_285 = arith.constant 80 : index
          %parallel_loop3A_286 = tpu.vector_load %arg14[%parallel_loop3A_284, %parallel_loop3A_285] {strides = array<i32>} : memref<80x128xf32, #tpu.memory_space<vmem>>, vector<16xf32>,
          %parallel_loop3A_287 = arith.mulf %parallel_loop3A_286, %parallel_loop3A_226 : vector<16xf32>
          %parallel_loop3A_288 = arith.constant 1 : i32
          %parallel_loop3A_289 = arith.addi %parallel_loop3A_81, %parallel_loop3A_288 : i32
          %parallel_loop3A_290 = arith.index_cast %parallel_loop3A_289 : i32 to index
          %parallel_loop3A_291 = arith.constant 80 : index
          %parallel_loop3A_292 = tpu.vector_load %arg14[%parallel_loop3A_290, %parallel_loop3A_291] {strides = array<i32>} : memref<80x128xf32, #tpu.memory_space<vmem>>, vector<16xf32>,
          tpu.vector_store %arg14[%parallel_loop3A_290, %parallel_loop3A_291], %parallel_loop3A_287 {strides = array<i32>} : memref<80x128xf32, #tpu.memory_space<vmem>>, vector<16xf32>,
          %parallel_loop3A_293 = arith.constant 1 : i32
          %parallel_loop3A_294 = arith.addi %parallel_loop3A_81, %parallel_loop3A_293 : i32
          %parallel_loop3A_295 = arith.index_cast %parallel_loop3A_294 : i32 to index
          %parallel_loop3A_296 = arith.constant 96 : index
          %parallel_loop3A_297 = tpu.vector_load %arg14[%parallel_loop3A_295, %parallel_loop3A_296] {strides = array<i32>} : memref<80x128xf32, #tpu.memory_space<vmem>>, vector<16xf32>,
          %parallel_loop3A_298 = arith.mulf %parallel_loop3A_297, %parallel_loop3A_226 : vector<16xf32>
          %parallel_loop3A_299 = arith.constant 1 : i32
          %parallel_loop3A_300 = arith.addi %parallel_loop3A_81, %parallel_loop3A_299 : i32
          %parallel_loop3A_301 = arith.index_cast %parallel_loop3A_300 : i32 to index
          %parallel_loop3A_302 = arith.constant 96 : index
          %parallel_loop3A_303 = tpu.vector_load %arg14[%parallel_loop3A_301, %parallel_loop3A_302] {strides = array<i32>} : memref<80x128xf32, #tpu.memory_space<vmem>>, vector<16xf32>,
          tpu.vector_store %arg14[%parallel_loop3A_301, %parallel_loop3A_302], %parallel_loop3A_298 {strides = array<i32>} : memref<80x128xf32, #tpu.memory_space<vmem>>, vector<16xf32>,
          %parallel_loop3A_304 = arith.constant 1 : i32
          %parallel_loop3A_305 = arith.addi %parallel_loop3A_81, %parallel_loop3A_304 : i32
          %parallel_loop3A_306 = arith.index_cast %parallel_loop3A_305 : i32 to index
          %parallel_loop3A_307 = arith.constant 112 : index
          %parallel_loop3A_308 = tpu.vector_load %arg14[%parallel_loop3A_306, %parallel_loop3A_307] {strides = array<i32>} : memref<80x128xf32, #tpu.memory_space<vmem>>, vector<16xf32>,
          %parallel_loop3A_309 = arith.mulf %parallel_loop3A_308, %parallel_loop3A_226 : vector<16xf32>
          %parallel_loop3A_310 = arith.constant 1 : i32
          %parallel_loop3A_311 = arith.addi %parallel_loop3A_81, %parallel_loop3A_310 : i32
          %parallel_loop3A_312 = arith.index_cast %parallel_loop3A_311 : i32 to index
          %parallel_loop3A_313 = arith.constant 112 : index
          %parallel_loop3A_314 = tpu.vector_load %arg14[%parallel_loop3A_312, %parallel_loop3A_313] {strides = array<i32>} : memref<80x128xf32, #tpu.memory_space<vmem>>, vector<16xf32>,
          tpu.vector_store %arg14[%parallel_loop3A_312, %parallel_loop3A_313], %parallel_loop3A_309 {strides = array<i32>} : memref<80x128xf32, #tpu.memory_space<vmem>>, vector<16xf32>,
          %parallel_loop3A_315 = arith.constant 2 : i32
          %parallel_loop3A_316 = vector.broadcast %parallel_loop3A_315 : i32 to vector<16xi32>
          %parallel_loop3A_317 = arith.constant 0 : i32
          %parallel_loop3A_318 = vector.broadcast %parallel_loop3A_317 : i32 to vector<16xi32>
          %parallel_loop3A_319 = arith.cmpi slt, %parallel_loop3A_316, %parallel_loop3A_318 : vector<16xi32>
          %parallel_loop3A_320 = arith.constant 16 : i32
          %parallel_loop3A_321 = vector.broadcast %parallel_loop3A_320 : i32 to vector<16xi32>
          %parallel_loop3A_322 = arith.addi %parallel_loop3A_316, %parallel_loop3A_321 : vector<16xi32>
          %parallel_loop3A_323 = arith.select %parallel_loop3A_319, %parallel_loop3A_322, %parallel_loop3A_316 : vector<16xi1>, vector<16xi32>
          %parallel_loop3A_324 = vector.shape_cast %parallel_loop3A_323 : vector<16xi32> to vector<16x1xi32>
          %parallel_loop3A_325 = vector.shape_cast %parallel_loop3A_324 : vector<16x1xi32> to vector<16xi32>
          %parallel_loop3A_326 = tpu.dynamic_gather %parallel_loop3A_114[%parallel_loop3A_325] in [0] : vector<16xf32>, vector<16xi32> -> vector<16xf32>
          %parallel_loop3A_327 = arith.constant 2 : i32
          %parallel_loop3A_328 = arith.addi %parallel_loop3A_81, %parallel_loop3A_327 : i32
          %parallel_loop3A_329 = arith.index_cast %parallel_loop3A_328 : i32 to index
          %parallel_loop3A_330 = arith.constant 0 : index
          %parallel_loop3A_331 = tpu.vector_load %arg14[%parallel_loop3A_329, %parallel_loop3A_330] {strides = array<i32>} : memref<80x128xf32, #tpu.memory_space<vmem>>, vector<16xf32>,
          %parallel_loop3A_332 = arith.mulf %parallel_loop3A_331, %parallel_loop3A_326 : vector<16xf32>
          %parallel_loop3A_333 = arith.constant 2 : i32
          %parallel_loop3A_334 = arith.addi %parallel_loop3A_81, %parallel_loop3A_333 : i32
          %parallel_loop3A_335 = arith.index_cast %parallel_loop3A_334 : i32 to index
          %parallel_loop3A_336 = arith.constant 0 : index
          %parallel_loop3A_337 = tpu.vector_load %arg14[%parallel_loop3A_335, %parallel_loop3A_336] {strides = array<i32>} : memref<80x128xf32, #tpu.memory_space<vmem>>, vector<16xf32>,
          tpu.vector_store %arg14[%parallel_loop3A_335, %parallel_loop3A_336], %parallel_loop3A_332 {strides = array<i32>} : memref<80x128xf32, #tpu.memory_space<vmem>>, vector<16xf32>,
          %parallel_loop3A_338 = arith.constant 2 : i32
          %parallel_loop3A_339 = arith.addi %parallel_loop3A_81, %parallel_loop3A_338 : i32
          %parallel_loop3A_340 = arith.index_cast %parallel_loop3A_339 : i32 to index
          %parallel_loop3A_341 = arith.constant 16 : index
          %parallel_loop3A_342 = tpu.vector_load %arg14[%parallel_loop3A_340, %parallel_loop3A_341] {strides = array<i32>} : memref<80x128xf32, #tpu.memory_space<vmem>>, vector<16xf32>,
          %parallel_loop3A_343 = arith.mulf %parallel_loop3A_342, %parallel_loop3A_326 : vector<16xf32>
          %parallel_loop3A_344 = arith.constant 2 : i32
          %parallel_loop3A_345 = arith.addi %parallel_loop3A_81, %parallel_loop3A_344 : i32
          %parallel_loop3A_346 = arith.index_cast %parallel_loop3A_345 : i32 to index
          %parallel_loop3A_347 = arith.constant 16 : index
          %parallel_loop3A_348 = tpu.vector_load %arg14[%parallel_loop3A_346, %parallel_loop3A_347] {strides = array<i32>} : memref<80x128xf32, #tpu.memory_space<vmem>>, vector<16xf32>,
          tpu.vector_store %arg14[%parallel_loop3A_346, %parallel_loop3A_347], %parallel_loop3A_343 {strides = array<i32>} : memref<80x128xf32, #tpu.memory_space<vmem>>, vector<16xf32>,
          %parallel_loop3A_349 = arith.constant 2 : i32
          %parallel_loop3A_350 = arith.addi %parallel_loop3A_81, %parallel_loop3A_349 : i32
          %parallel_loop3A_351 = arith.index_cast %parallel_loop3A_350 : i32 to index
          %parallel_loop3A_352 = arith.constant 32 : index
          %parallel_loop3A_353 = tpu.vector_load %arg14[%parallel_loop3A_351, %parallel_loop3A_352] {strides = array<i32>} : memref<80x128xf32, #tpu.memory_space<vmem>>, vector<16xf32>,
          %parallel_loop3A_354 = arith.mulf %parallel_loop3A_353, %parallel_loop3A_326 : vector<16xf32>
          %parallel_loop3A_355 = arith.constant 2 : i32
          %parallel_loop3A_356 = arith.addi %parallel_loop3A_81, %parallel_loop3A_355 : i32
          %parallel_loop3A_357 = arith.index_cast %parallel_loop3A_356 : i32 to index
          %parallel_loop3A_358 = arith.constant 32 : index
          %parallel_loop3A_359 = tpu.vector_load %arg14[%parallel_loop3A_357, %parallel_loop3A_358] {strides = array<i32>} : memref<80x128xf32, #tpu.memory_space<vmem>>, vector<16xf32>,
          tpu.vector_store %arg14[%parallel_loop3A_357, %parallel_loop3A_358], %parallel_loop3A_354 {strides = array<i32>} : memref<80x128xf32, #tpu.memory_space<vmem>>, vector<16xf32>,
          %parallel_loop3A_360 = arith.constant 2 : i32
          %parallel_loop3A_361 = arith.addi %parallel_loop3A_81, %parallel_loop3A_360 : i32
          %parallel_loop3A_362 = arith.index_cast %parallel_loop3A_361 : i32 to index
          %parallel_loop3A_363 = arith.constant 48 : index
          %parallel_loop3A_364 = tpu.vector_load %arg14[%parallel_loop3A_362, %parallel_loop3A_363] {strides = array<i32>} : memref<80x128xf32, #tpu.memory_space<vmem>>, vector<16xf32>,
          %parallel_loop3A_365 = arith.mulf %parallel_loop3A_364, %parallel_loop3A_326 : vector<16xf32>
          %parallel_loop3A_366 = arith.constant 2 : i32
          %parallel_loop3A_367 = arith.addi %parallel_loop3A_81, %parallel_loop3A_366 : i32
          %parallel_loop3A_368 = arith.index_cast %parallel_loop3A_367 : i32 to index
          %parallel_loop3A_369 = arith.constant 48 : index
          %parallel_loop3A_370 = tpu.vector_load %arg14[%parallel_loop3A_368, %parallel_loop3A_369] {strides = array<i32>} : memref<80x128xf32, #tpu.memory_space<vmem>>, vector<16xf32>,
          tpu.vector_store %arg14[%parallel_loop3A_368, %parallel_loop3A_369], %parallel_loop3A_365 {strides = array<i32>} : memref<80x128xf32, #tpu.memory_space<vmem>>, vector<16xf32>,
          %parallel_loop3A_371 = arith.constant 2 : i32
          %parallel_loop3A_372 = arith.addi %parallel_loop3A_81, %parallel_loop3A_371 : i32
          %parallel_loop3A_373 = arith.index_cast %parallel_loop3A_372 : i32 to index
          %parallel_loop3A_374 = arith.constant 64 : index
          %parallel_loop3A_375 = tpu.vector_load %arg14[%parallel_loop3A_373, %parallel_loop3A_374] {strides = array<i32>} : memref<80x128xf32, #tpu.memory_space<vmem>>, vector<16xf32>,
          %parallel_loop3A_376 = arith.mulf %parallel_loop3A_375, %parallel_loop3A_326 : vector<16xf32>
          %parallel_loop3A_377 = arith.constant 2 : i32
          %parallel_loop3A_378 = arith.addi %parallel_loop3A_81, %parallel_loop3A_377 : i32
          %parallel_loop3A_379 = arith.index_cast %parallel_loop3A_378 : i32 to index
          %parallel_loop3A_380 = arith.constant 64 : index
          %parallel_loop3A_381 = tpu.vector_load %arg14[%parallel_loop3A_379, %parallel_loop3A_380] {strides = array<i32>} : memref<80x128xf32, #tpu.memory_space<vmem>>, vector<16xf32>,
          tpu.vector_store %arg14[%parallel_loop3A_379, %parallel_loop3A_380], %parallel_loop3A_376 {strides = array<i32>} : memref<80x128xf32, #tpu.memory_space<vmem>>, vector<16xf32>,
          %parallel_loop3A_382 = arith.constant 2 : i32
          %parallel_loop3A_383 = arith.addi %parallel_loop3A_81, %parallel_loop3A_382 : i32
          %parallel_loop3A_384 = arith.index_cast %parallel_loop3A_383 : i32 to index
          %parallel_loop3A_385 = arith.constant 80 : index
          %parallel_loop3A_386 = tpu.vector_load %arg14[%parallel_loop3A_384, %parallel_loop3A_385] {strides = array<i32>} : memref<80x128xf32, #tpu.memory_space<vmem>>, vector<16xf32>,
          %parallel_loop3A_387 = arith.mulf %parallel_loop3A_386, %parallel_loop3A_326 : vector<16xf32>
          %parallel_loop3A_388 = arith.constant 2 : i32
          %parallel_loop3A_389 = arith.addi %parallel_loop3A_81, %parallel_loop3A_388 : i32
          %parallel_loop3A_390 = arith.index_cast %parallel_loop3A_389 : i32 to index
          %parallel_loop3A_391 = arith.constant 80 : index
          %parallel_loop3A_392 = tpu.vector_load %arg14[%parallel_loop3A_390, %parallel_loop3A_391] {strides = array<i32>} : memref<80x128xf32, #tpu.memory_space<vmem>>, vector<16xf32>,
          tpu.vector_store %arg14[%parallel_loop3A_390, %parallel_loop3A_391], %parallel_loop3A_387 {strides = array<i32>} : memref<80x128xf32, #tpu.memory_space<vmem>>, vector<16xf32>,
          %parallel_loop3A_393 = arith.constant 2 : i32
          %parallel_loop3A_394 = arith.addi %parallel_loop3A_81, %parallel_loop3A_393 : i32
          %parallel_loop3A_395 = arith.index_cast %parallel_loop3A_394 : i32 to index
          %parallel_loop3A_396 = arith.constant 96 : index
          %parallel_loop3A_397 = tpu.vector_load %arg14[%parallel_loop3A_395, %parallel_loop3A_396] {strides = array<i32>} : memref<80x128xf32, #tpu.memory_space<vmem>>, vector<16xf32>,
          %parallel_loop3A_398 = arith.mulf %parallel_loop3A_397, %parallel_loop3A_326 : vector<16xf32>
          %parallel_loop3A_399 = arith.constant 2 : i32
          %parallel_loop3A_400 = arith.addi %parallel_loop3A_81, %parallel_loop3A_399 : i32
          %parallel_loop3A_401 = arith.index_cast %parallel_loop3A_400 : i32 to index
          %parallel_loop3A_402 = arith.constant 96 : index
          %parallel_loop3A_403 = tpu.vector_load %arg14[%parallel_loop3A_401, %parallel_loop3A_402] {strides = array<i32>} : memref<80x128xf32, #tpu.memory_space<vmem>>, vector<16xf32>,
          tpu.vector_store %arg14[%parallel_loop3A_401, %parallel_loop3A_402], %parallel_loop3A_398 {strides = array<i32>} : memref<80x128xf32, #tpu.memory_space<vmem>>, vector<16xf32>,
          %parallel_loop3A_404 = arith.constant 2 : i32
          %parallel_loop3A_405 = arith.addi %parallel_loop3A_81, %parallel_loop3A_404 : i32
          %parallel_loop3A_406 = arith.index_cast %parallel_loop3A_405 : i32 to index
          %parallel_loop3A_407 = arith.constant 112 : index
          %parallel_loop3A_408 = tpu.vector_load %arg14[%parallel_loop3A_406, %parallel_loop3A_407] {strides = array<i32>} : memref<80x128xf32, #tpu.memory_space<vmem>>, vector<16xf32>,
          %parallel_loop3A_409 = arith.mulf %parallel_loop3A_408, %parallel_loop3A_326 : vector<16xf32>
          %parallel_loop3A_410 = arith.constant 2 : i32
          %parallel_loop3A_411 = arith.addi %parallel_loop3A_81, %parallel_loop3A_410 : i32
          %parallel_loop3A_412 = arith.index_cast %parallel_loop3A_411 : i32 to index
          %parallel_loop3A_413 = arith.constant 112 : index
          %parallel_loop3A_414 = tpu.vector_load %arg14[%parallel_loop3A_412, %parallel_loop3A_413] {strides = array<i32>} : memref<80x128xf32, #tpu.memory_space<vmem>>, vector<16xf32>,
          tpu.vector_store %arg14[%parallel_loop3A_412, %parallel_loop3A_413], %parallel_loop3A_409 {strides = array<i32>} : memref<80x128xf32, #tpu.memory_space<vmem>>, vector<16xf32>,
          %parallel_loop3A_415 = arith.constant 3 : i32
          %parallel_loop3A_416 = vector.broadcast %parallel_loop3A_415 : i32 to vector<16xi32>
          %parallel_loop3A_417 = arith.constant 0 : i32
          %parallel_loop3A_418 = vector.broadcast %parallel_loop3A_417 : i32 to vector<16xi32>
          %parallel_loop3A_419 = arith.cmpi slt, %parallel_loop3A_416, %parallel_loop3A_418 : vector<16xi32>
          %parallel_loop3A_420 = arith.constant 16 : i32
          %parallel_loop3A_421 = vector.broadcast %parallel_loop3A_420 : i32 to vector<16xi32>
          %parallel_loop3A_422 = arith.addi %parallel_loop3A_416, %parallel_loop3A_421 : vector<16xi32>
          %parallel_loop3A_423 = arith.select %parallel_loop3A_419, %parallel_loop3A_422, %parallel_loop3A_416 : vector<16xi1>, vector<16xi32>
          %parallel_loop3A_424 = vector.shape_cast %parallel_loop3A_423 : vector<16xi32> to vector<16x1xi32>
          %parallel_loop3A_425 = vector.shape_cast %parallel_loop3A_424 : vector<16x1xi32> to vector<16xi32>
          %parallel_loop3A_426 = tpu.dynamic_gather %parallel_loop3A_114[%parallel_loop3A_425] in [0] : vector<16xf32>, vector<16xi32> -> vector<16xf32>
          %parallel_loop3A_427 = arith.constant 3 : i32
          %parallel_loop3A_428 = arith.addi %parallel_loop3A_81, %parallel_loop3A_427 : i32
          %parallel_loop3A_429 = arith.index_cast %parallel_loop3A_428 : i32 to index
          %parallel_loop3A_430 = arith.constant 0 : index
          %parallel_loop3A_431 = tpu.vector_load %arg14[%parallel_loop3A_429, %parallel_loop3A_430] {strides = array<i32>} : memref<80x128xf32, #tpu.memory_space<vmem>>, vector<16xf32>,
          %parallel_loop3A_432 = arith.mulf %parallel_loop3A_431, %parallel_loop3A_426 : vector<16xf32>
          %parallel_loop3A_433 = arith.constant 3 : i32
          %parallel_loop3A_434 = arith.addi %parallel_loop3A_81, %parallel_loop3A_433 : i32
          %parallel_loop3A_435 = arith.index_cast %parallel_loop3A_434 : i32 to index
          %parallel_loop3A_436 = arith.constant 0 : index
          %parallel_loop3A_437 = tpu.vector_load %arg14[%parallel_loop3A_435, %parallel_loop3A_436] {strides = array<i32>} : memref<80x128xf32, #tpu.memory_space<vmem>>, vector<16xf32>,
          tpu.vector_store %arg14[%parallel_loop3A_435, %parallel_loop3A_436], %parallel_loop3A_432 {strides = array<i32>} : memref<80x128xf32, #tpu.memory_space<vmem>>, vector<16xf32>,
          %parallel_loop3A_438 = arith.constant 3 : i32
          %parallel_loop3A_439 = arith.addi %parallel_loop3A_81, %parallel_loop3A_438 : i32
          %parallel_loop3A_440 = arith.index_cast %parallel_loop3A_439 : i32 to index
          %parallel_loop3A_441 = arith.constant 16 : index
          %parallel_loop3A_442 = tpu.vector_load %arg14[%parallel_loop3A_440, %parallel_loop3A_441] {strides = array<i32>} : memref<80x128xf32, #tpu.memory_space<vmem>>, vector<16xf32>,
          %parallel_loop3A_443 = arith.mulf %parallel_loop3A_442, %parallel_loop3A_426 : vector<16xf32>
          %parallel_loop3A_444 = arith.constant 3 : i32
          %parallel_loop3A_445 = arith.addi %parallel_loop3A_81, %parallel_loop3A_444 : i32
          %parallel_loop3A_446 = arith.index_cast %parallel_loop3A_445 : i32 to index
          %parallel_loop3A_447 = arith.constant 16 : index
          %parallel_loop3A_448 = tpu.vector_load %arg14[%parallel_loop3A_446, %parallel_loop3A_447] {strides = array<i32>} : memref<80x128xf32, #tpu.memory_space<vmem>>, vector<16xf32>,
          tpu.vector_store %arg14[%parallel_loop3A_446, %parallel_loop3A_447], %parallel_loop3A_443 {strides = array<i32>} : memref<80x128xf32, #tpu.memory_space<vmem>>, vector<16xf32>,
          %parallel_loop3A_449 = arith.constant 3 : i32
          %parallel_loop3A_450 = arith.addi %parallel_loop3A_81, %parallel_loop3A_449 : i32
          %parallel_loop3A_451 = arith.index_cast %parallel_loop3A_450 : i32 to index
          %parallel_loop3A_452 = arith.constant 32 : index
          %parallel_loop3A_453 = tpu.vector_load %arg14[%parallel_loop3A_451, %parallel_loop3A_452] {strides = array<i32>} : memref<80x128xf32, #tpu.memory_space<vmem>>, vector<16xf32>,
          %parallel_loop3A_454 = arith.mulf %parallel_loop3A_453, %parallel_loop3A_426 : vector<16xf32>
          %parallel_loop3A_455 = arith.constant 3 : i32
          %parallel_loop3A_456 = arith.addi %parallel_loop3A_81, %parallel_loop3A_455 : i32
          %parallel_loop3A_457 = arith.index_cast %parallel_loop3A_456 : i32 to index
          %parallel_loop3A_458 = arith.constant 32 : index
          %parallel_loop3A_459 = tpu.vector_load %arg14[%parallel_loop3A_457, %parallel_loop3A_458] {strides = array<i32>} : memref<80x128xf32, #tpu.memory_space<vmem>>, vector<16xf32>,
          tpu.vector_store %arg14[%parallel_loop3A_457, %parallel_loop3A_458], %parallel_loop3A_454 {strides = array<i32>} : memref<80x128xf32, #tpu.memory_space<vmem>>, vector<16xf32>,
          %parallel_loop3A_460 = arith.constant 3 : i32
          %parallel_loop3A_461 = arith.addi %parallel_loop3A_81, %parallel_loop3A_460 : i32
          %parallel_loop3A_462 = arith.index_cast %parallel_loop3A_461 : i32 to index
          %parallel_loop3A_463 = arith.constant 48 : index
          %parallel_loop3A_464 = tpu.vector_load %arg14[%parallel_loop3A_462, %parallel_loop3A_463] {strides = array<i32>} : memref<80x128xf32, #tpu.memory_space<vmem>>, vector<16xf32>,
          %parallel_loop3A_465 = arith.mulf %parallel_loop3A_464, %parallel_loop3A_426 : vector<16xf32>
          %parallel_loop3A_466 = arith.constant 3 : i32
          %parallel_loop3A_467 = arith.addi %parallel_loop3A_81, %parallel_loop3A_466 : i32
          %parallel_loop3A_468 = arith.index_cast %parallel_loop3A_467 : i32 to index
          %parallel_loop3A_469 = arith.constant 48 : index
          %parallel_loop3A_470 = tpu.vector_load %arg14[%parallel_loop3A_468, %parallel_loop3A_469] {strides = array<i32>} : memref<80x128xf32, #tpu.memory_space<vmem>>, vector<16xf32>,
          tpu.vector_store %arg14[%parallel_loop3A_468, %parallel_loop3A_469], %parallel_loop3A_465 {strides = array<i32>} : memref<80x128xf32, #tpu.memory_space<vmem>>, vector<16xf32>,
          %parallel_loop3A_471 = arith.constant 3 : i32
          %parallel_loop3A_472 = arith.addi %parallel_loop3A_81, %parallel_loop3A_471 : i32
          %parallel_loop3A_473 = arith.index_cast %parallel_loop3A_472 : i32 to index
          %parallel_loop3A_474 = arith.constant 64 : index
          %parallel_loop3A_475 = tpu.vector_load %arg14[%parallel_loop3A_473, %parallel_loop3A_474] {strides = array<i32>} : memref<80x128xf32, #tpu.memory_space<vmem>>, vector<16xf32>,
          %parallel_loop3A_476 = arith.mulf %parallel_loop3A_475, %parallel_loop3A_426 : vector<16xf32>
          %parallel_loop3A_477 = arith.constant 3 : i32
          %parallel_loop3A_478 = arith.addi %parallel_loop3A_81, %parallel_loop3A_477 : i32
          %parallel_loop3A_479 = arith.index_cast %parallel_loop3A_478 : i32 to index
          %parallel_loop3A_480 = arith.constant 64 : index
          %parallel_loop3A_481 = tpu.vector_load %arg14[%parallel_loop3A_479, %parallel_loop3A_480] {strides = array<i32>} : memref<80x128xf32, #tpu.memory_space<vmem>>, vector<16xf32>,
          tpu.vector_store %arg14[%parallel_loop3A_479, %parallel_loop3A_480], %parallel_loop3A_476 {strides = array<i32>} : memref<80x128xf32, #tpu.memory_space<vmem>>, vector<16xf32>,
          %parallel_loop3A_482 = arith.constant 3 : i32
          %parallel_loop3A_483 = arith.addi %parallel_loop3A_81, %parallel_loop3A_482 : i32
          %parallel_loop3A_484 = arith.index_cast %parallel_loop3A_483 : i32 to index
          %parallel_loop3A_485 = arith.constant 80 : index
          %parallel_loop3A_486 = tpu.vector_load %arg14[%parallel_loop3A_484, %parallel_loop3A_485] {strides = array<i32>} : memref<80x128xf32, #tpu.memory_space<vmem>>, vector<16xf32>,
          %parallel_loop3A_487 = arith.mulf %parallel_loop3A_486, %parallel_loop3A_426 : vector<16xf32>
          %parallel_loop3A_488 = arith.constant 3 : i32
          %parallel_loop3A_489 = arith.addi %parallel_loop3A_81, %parallel_loop3A_488 : i32
          %parallel_loop3A_490 = arith.index_cast %parallel_loop3A_489 : i32 to index
          %parallel_loop3A_491 = arith.constant 80 : index
          %parallel_loop3A_492 = tpu.vector_load %arg14[%parallel_loop3A_490, %parallel_loop3A_491] {strides = array<i32>} : memref<80x128xf32, #tpu.memory_space<vmem>>, vector<16xf32>,
          tpu.vector_store %arg14[%parallel_loop3A_490, %parallel_loop3A_491], %parallel_loop3A_487 {strides = array<i32>} : memref<80x128xf32, #tpu.memory_space<vmem>>, vector<16xf32>,
          %parallel_loop3A_493 = arith.constant 3 : i32
          %parallel_loop3A_494 = arith.addi %parallel_loop3A_81, %parallel_loop3A_493 : i32
          %parallel_loop3A_495 = arith.index_cast %parallel_loop3A_494 : i32 to index
          %parallel_loop3A_496 = arith.constant 96 : index
          %parallel_loop3A_497 = tpu.vector_load %arg14[%parallel_loop3A_495, %parallel_loop3A_496] {strides = array<i32>} : memref<80x128xf32, #tpu.memory_space<vmem>>, vector<16xf32>,
          %parallel_loop3A_498 = arith.mulf %parallel_loop3A_497, %parallel_loop3A_426 : vector<16xf32>
          %parallel_loop3A_499 = arith.constant 3 : i32
          %parallel_loop3A_500 = arith.addi %parallel_loop3A_81, %parallel_loop3A_499 : i32
          %parallel_loop3A_501 = arith.index_cast %parallel_loop3A_500 : i32 to index
          %parallel_loop3A_502 = arith.constant 96 : index
          %parallel_loop3A_503 = tpu.vector_load %arg14[%parallel_loop3A_501, %parallel_loop3A_502] {strides = array<i32>} : memref<80x128xf32, #tpu.memory_space<vmem>>, vector<16xf32>,
          tpu.vector_store %arg14[%parallel_loop3A_501, %parallel_loop3A_502], %parallel_loop3A_498 {strides = array<i32>} : memref<80x128xf32, #tpu.memory_space<vmem>>, vector<16xf32>,
          %parallel_loop3A_504 = arith.constant 3 : i32
          %parallel_loop3A_505 = arith.addi %parallel_loop3A_81, %parallel_loop3A_504 : i32
          %parallel_loop3A_506 = arith.index_cast %parallel_loop3A_505 : i32 to index
          %parallel_loop3A_507 = arith.constant 112 : index
          %parallel_loop3A_508 = tpu.vector_load %arg14[%parallel_loop3A_506, %parallel_loop3A_507] {strides = array<i32>} : memref<80x128xf32, #tpu.memory_space<vmem>>, vector<16xf32>,
          %parallel_loop3A_509 = arith.mulf %parallel_loop3A_508, %parallel_loop3A_426 : vector<16xf32>
          %parallel_loop3A_510 = arith.constant 3 : i32
          %parallel_loop3A_511 = arith.addi %parallel_loop3A_81, %parallel_loop3A_510 : i32
          %parallel_loop3A_512 = arith.index_cast %parallel_loop3A_511 : i32 to index
          %parallel_loop3A_513 = arith.constant 112 : index
          %parallel_loop3A_514 = tpu.vector_load %arg14[%parallel_loop3A_512, %parallel_loop3A_513] {strides = array<i32>} : memref<80x128xf32, #tpu.memory_space<vmem>>, vector<16xf32>,
          tpu.vector_store %arg14[%parallel_loop3A_512, %parallel_loop3A_513], %parallel_loop3A_509 {strides = array<i32>} : memref<80x128xf32, #tpu.memory_space<vmem>>, vector<16xf32>,
          %parallel_loop3A_515 = arith.constant 4 : i32
          %parallel_loop3A_516 = vector.broadcast %parallel_loop3A_515 : i32 to vector<16xi32>
          %parallel_loop3A_517 = arith.constant 0 : i32
          %parallel_loop3A_518 = vector.broadcast %parallel_loop3A_517 : i32 to vector<16xi32>
          %parallel_loop3A_519 = arith.cmpi slt, %parallel_loop3A_516, %parallel_loop3A_518 : vector<16xi32>
          %parallel_loop3A_520 = arith.constant 16 : i32
          %parallel_loop3A_521 = vector.broadcast %parallel_loop3A_520 : i32 to vector<16xi32>
          %parallel_loop3A_522 = arith.addi %parallel_loop3A_516, %parallel_loop3A_521 : vector<16xi32>
          %parallel_loop3A_523 = arith.select %parallel_loop3A_519, %parallel_loop3A_522, %parallel_loop3A_516 : vector<16xi1>, vector<16xi32>
          %parallel_loop3A_524 = vector.shape_cast %parallel_loop3A_523 : vector<16xi32> to vector<16x1xi32>
          %parallel_loop3A_525 = vector.shape_cast %parallel_loop3A_524 : vector<16x1xi32> to vector<16xi32>
          %parallel_loop3A_526 = tpu.dynamic_gather %parallel_loop3A_114[%parallel_loop3A_525] in [0] : vector<16xf32>, vector<16xi32> -> vector<16xf32>
          %parallel_loop3A_527 = arith.constant 4 : i32
          %parallel_loop3A_528 = arith.addi %parallel_loop3A_81, %parallel_loop3A_527 : i32
          %parallel_loop3A_529 = arith.index_cast %parallel_loop3A_528 : i32 to index
          %parallel_loop3A_530 = arith.constant 0 : index
          %parallel_loop3A_531 = tpu.vector_load %arg14[%parallel_loop3A_529, %parallel_loop3A_530] {strides = array<i32>} : memref<80x128xf32, #tpu.memory_space<vmem>>, vector<16xf32>,
          %parallel_loop3A_532 = arith.mulf %parallel_loop3A_531, %parallel_loop3A_526 : vector<16xf32>
          %parallel_loop3A_533 = arith.constant 4 : i32
          %parallel_loop3A_534 = arith.addi %parallel_loop3A_81, %parallel_loop3A_533 : i32
          %parallel_loop3A_535 = arith.index_cast %parallel_loop3A_534 : i32 to index
          %parallel_loop3A_536 = arith.constant 0 : index
          %parallel_loop3A_537 = tpu.vector_load %arg14[%parallel_loop3A_535, %parallel_loop3A_536] {strides = array<i32>} : memref<80x128xf32, #tpu.memory_space<vmem>>, vector<16xf32>,
          tpu.vector_store %arg14[%parallel_loop3A_535, %parallel_loop3A_536], %parallel_loop3A_532 {strides = array<i32>} : memref<80x128xf32, #tpu.memory_space<vmem>>, vector<16xf32>,
          %parallel_loop3A_538 = arith.constant 4 : i32
          %parallel_loop3A_539 = arith.addi %parallel_loop3A_81, %parallel_loop3A_538 : i32
          %parallel_loop3A_540 = arith.index_cast %parallel_loop3A_539 : i32 to index
          %parallel_loop3A_541 = arith.constant 16 : index
          %parallel_loop3A_542 = tpu.vector_load %arg14[%parallel_loop3A_540, %parallel_loop3A_541] {strides = array<i32>} : memref<80x128xf32, #tpu.memory_space<vmem>>, vector<16xf32>,
          %parallel_loop3A_543 = arith.mulf %parallel_loop3A_542, %parallel_loop3A_526 : vector<16xf32>
          %parallel_loop3A_544 = arith.constant 4 : i32
          %parallel_loop3A_545 = arith.addi %parallel_loop3A_81, %parallel_loop3A_544 : i32
          %parallel_loop3A_546 = arith.index_cast %parallel_loop3A_545 : i32 to index
          %parallel_loop3A_547 = arith.constant 16 : index
          %parallel_loop3A_548 = tpu.vector_load %arg14[%parallel_loop3A_546, %parallel_loop3A_547] {strides = array<i32>} : memref<80x128xf32, #tpu.memory_space<vmem>>, vector<16xf32>,
          tpu.vector_store %arg14[%parallel_loop3A_546, %parallel_loop3A_547], %parallel_loop3A_543 {strides = array<i32>} : memref<80x128xf32, #tpu.memory_space<vmem>>, vector<16xf32>,
          %parallel_loop3A_549 = arith.constant 4 : i32
          %parallel_loop3A_550 = arith.addi %parallel_loop3A_81, %parallel_loop3A_549 : i32
          %parallel_loop3A_551 = arith.index_cast %parallel_loop3A_550 : i32 to index
          %parallel_loop3A_552 = arith.constant 32 : index
          %parallel_loop3A_553 = tpu.vector_load %arg14[%parallel_loop3A_551, %parallel_loop3A_552] {strides = array<i32>} : memref<80x128xf32, #tpu.memory_space<vmem>>, vector<16xf32>,
          %parallel_loop3A_554 = arith.mulf %parallel_loop3A_553, %parallel_loop3A_526 : vector<16xf32>
          %parallel_loop3A_555 = arith.constant 4 : i32
          %parallel_loop3A_556 = arith.addi %parallel_loop3A_81, %parallel_loop3A_555 : i32
          %parallel_loop3A_557 = arith.index_cast %parallel_loop3A_556 : i32 to index
          %parallel_loop3A_558 = arith.constant 32 : index
          %parallel_loop3A_559 = tpu.vector_load %arg14[%parallel_loop3A_557, %parallel_loop3A_558] {strides = array<i32>} : memref<80x128xf32, #tpu.memory_space<vmem>>, vector<16xf32>,
          tpu.vector_store %arg14[%parallel_loop3A_557, %parallel_loop3A_558], %parallel_loop3A_554 {strides = array<i32>} : memref<80x128xf32, #tpu.memory_space<vmem>>, vector<16xf32>,
          %parallel_loop3A_560 = arith.constant 4 : i32
          %parallel_loop3A_561 = arith.addi %parallel_loop3A_81, %parallel_loop3A_560 : i32
          %parallel_loop3A_562 = arith.index_cast %parallel_loop3A_561 : i32 to index
          %parallel_loop3A_563 = arith.constant 48 : index
          %parallel_loop3A_564 = tpu.vector_load %arg14[%parallel_loop3A_562, %parallel_loop3A_563] {strides = array<i32>} : memref<80x128xf32, #tpu.memory_space<vmem>>, vector<16xf32>,
          %parallel_loop3A_565 = arith.mulf %parallel_loop3A_564, %parallel_loop3A_526 : vector<16xf32>
          %parallel_loop3A_566 = arith.constant 4 : i32
          %parallel_loop3A_567 = arith.addi %parallel_loop3A_81, %parallel_loop3A_566 : i32
          %parallel_loop3A_568 = arith.index_cast %parallel_loop3A_567 : i32 to index
          %parallel_loop3A_569 = arith.constant 48 : index
          %parallel_loop3A_570 = tpu.vector_load %arg14[%parallel_loop3A_568, %parallel_loop3A_569] {strides = array<i32>} : memref<80x128xf32, #tpu.memory_space<vmem>>, vector<16xf32>,
          tpu.vector_store %arg14[%parallel_loop3A_568, %parallel_loop3A_569], %parallel_loop3A_565 {strides = array<i32>} : memref<80x128xf32, #tpu.memory_space<vmem>>, vector<16xf32>,
          %parallel_loop3A_571 = arith.constant 4 : i32
          %parallel_loop3A_572 = arith.addi %parallel_loop3A_81, %parallel_loop3A_571 : i32
          %parallel_loop3A_573 = arith.index_cast %parallel_loop3A_572 : i32 to index
          %parallel_loop3A_574 = arith.constant 64 : index
          %parallel_loop3A_575 = tpu.vector_load %arg14[%parallel_loop3A_573, %parallel_loop3A_574] {strides = array<i32>} : memref<80x128xf32, #tpu.memory_space<vmem>>, vector<16xf32>,
          %parallel_loop3A_576 = arith.mulf %parallel_loop3A_575, %parallel_loop3A_526 : vector<16xf32>
          %parallel_loop3A_577 = arith.constant 4 : i32
          %parallel_loop3A_578 = arith.addi %parallel_loop3A_81, %parallel_loop3A_577 : i32
          %parallel_loop3A_579 = arith.index_cast %parallel_loop3A_578 : i32 to index
          %parallel_loop3A_580 = arith.constant 64 : index
          %parallel_loop3A_581 = tpu.vector_load %arg14[%parallel_loop3A_579, %parallel_loop3A_580] {strides = array<i32>} : memref<80x128xf32, #tpu.memory_space<vmem>>, vector<16xf32>,
          tpu.vector_store %arg14[%parallel_loop3A_579, %parallel_loop3A_580], %parallel_loop3A_576 {strides = array<i32>} : memref<80x128xf32, #tpu.memory_space<vmem>>, vector<16xf32>,
          %parallel_loop3A_582 = arith.constant 4 : i32
          %parallel_loop3A_583 = arith.addi %parallel_loop3A_81, %parallel_loop3A_582 : i32
          %parallel_loop3A_584 = arith.index_cast %parallel_loop3A_583 : i32 to index
          %parallel_loop3A_585 = arith.constant 80 : index
          %parallel_loop3A_586 = tpu.vector_load %arg14[%parallel_loop3A_584, %parallel_loop3A_585] {strides = array<i32>} : memref<80x128xf32, #tpu.memory_space<vmem>>, vector<16xf32>,
          %parallel_loop3A_587 = arith.mulf %parallel_loop3A_586, %parallel_loop3A_526 : vector<16xf32>
          %parallel_loop3A_588 = arith.constant 4 : i32
          %parallel_loop3A_589 = arith.addi %parallel_loop3A_81, %parallel_loop3A_588 : i32
          %parallel_loop3A_590 = arith.index_cast %parallel_loop3A_589 : i32 to index
          %parallel_loop3A_591 = arith.constant 80 : index
          %parallel_loop3A_592 = tpu.vector_load %arg14[%parallel_loop3A_590, %parallel_loop3A_591] {strides = array<i32>} : memref<80x128xf32, #tpu.memory_space<vmem>>, vector<16xf32>,
          tpu.vector_store %arg14[%parallel_loop3A_590, %parallel_loop3A_591], %parallel_loop3A_587 {strides = array<i32>} : memref<80x128xf32, #tpu.memory_space<vmem>>, vector<16xf32>,
          %parallel_loop3A_593 = arith.constant 4 : i32
          %parallel_loop3A_594 = arith.addi %parallel_loop3A_81, %parallel_loop3A_593 : i32
          %parallel_loop3A_595 = arith.index_cast %parallel_loop3A_594 : i32 to index
          %parallel_loop3A_596 = arith.constant 96 : index
          %parallel_loop3A_597 = tpu.vector_load %arg14[%parallel_loop3A_595, %parallel_loop3A_596] {strides = array<i32>} : memref<80x128xf32, #tpu.memory_space<vmem>>, vector<16xf32>,
          %parallel_loop3A_598 = arith.mulf %parallel_loop3A_597, %parallel_loop3A_526 : vector<16xf32>
          %parallel_loop3A_599 = arith.constant 4 : i32
          %parallel_loop3A_600 = arith.addi %parallel_loop3A_81, %parallel_loop3A_599 : i32
          %parallel_loop3A_601 = arith.index_cast %parallel_loop3A_600 : i32 to index
          %parallel_loop3A_602 = arith.constant 96 : index
          %parallel_loop3A_603 = tpu.vector_load %arg14[%parallel_loop3A_601, %parallel_loop3A_602] {strides = array<i32>} : memref<80x128xf32, #tpu.memory_space<vmem>>, vector<16xf32>,
          tpu.vector_store %arg14[%parallel_loop3A_601, %parallel_loop3A_602], %parallel_loop3A_598 {strides = array<i32>} : memref<80x128xf32, #tpu.memory_space<vmem>>, vector<16xf32>,
          %parallel_loop3A_604 = arith.constant 4 : i32
          %parallel_loop3A_605 = arith.addi %parallel_loop3A_81, %parallel_loop3A_604 : i32
          %parallel_loop3A_606 = arith.index_cast %parallel_loop3A_605 : i32 to index
          %parallel_loop3A_607 = arith.constant 112 : index
          %parallel_loop3A_608 = tpu.vector_load %arg14[%parallel_loop3A_606, %parallel_loop3A_607] {strides = array<i32>} : memref<80x128xf32, #tpu.memory_space<vmem>>, vector<16xf32>,
          %parallel_loop3A_609 = arith.mulf %parallel_loop3A_608, %parallel_loop3A_526 : vector<16xf32>
          %parallel_loop3A_610 = arith.constant 4 : i32
          %parallel_loop3A_611 = arith.addi %parallel_loop3A_81, %parallel_loop3A_610 : i32
          %parallel_loop3A_612 = arith.index_cast %parallel_loop3A_611 : i32 to index
          %parallel_loop3A_613 = arith.constant 112 : index
          %parallel_loop3A_614 = tpu.vector_load %arg14[%parallel_loop3A_612, %parallel_loop3A_613] {strides = array<i32>} : memref<80x128xf32, #tpu.memory_space<vmem>>, vector<16xf32>,
          tpu.vector_store %arg14[%parallel_loop3A_612, %parallel_loop3A_613], %parallel_loop3A_609 {strides = array<i32>} : memref<80x128xf32, #tpu.memory_space<vmem>>, vector<16xf32>,
          %parallel_loop3A_615 = arith.constant 5 : i32
          %parallel_loop3A_616 = vector.broadcast %parallel_loop3A_615 : i32 to vector<16xi32>
          %parallel_loop3A_617 = arith.constant 0 : i32
          %parallel_loop3A_618 = vector.broadcast %parallel_loop3A_617 : i32 to vector<16xi32>
          %parallel_loop3A_619 = arith.cmpi slt, %parallel_loop3A_616, %parallel_loop3A_618 : vector<16xi32>
          %parallel_loop3A_620 = arith.constant 16 : i32
          %parallel_loop3A_621 = vector.broadcast %parallel_loop3A_620 : i32 to vector<16xi32>
          %parallel_loop3A_622 = arith.addi %parallel_loop3A_616, %parallel_loop3A_621 : vector<16xi32>
          %parallel_loop3A_623 = arith.select %parallel_loop3A_619, %parallel_loop3A_622, %parallel_loop3A_616 : vector<16xi1>, vector<16xi32>
          %parallel_loop3A_624 = vector.shape_cast %parallel_loop3A_623 : vector<16xi32> to vector<16x1xi32>
          %parallel_loop3A_625 = vector.shape_cast %parallel_loop3A_624 : vector<16x1xi32> to vector<16xi32>
          %parallel_loop3A_626 = tpu.dynamic_gather %parallel_loop3A_114[%parallel_loop3A_625] in [0] : vector<16xf32>, vector<16xi32> -> vector<16xf32>
          %parallel_loop3A_627 = arith.constant 5 : i32
          %parallel_loop3A_628 = arith.addi %parallel_loop3A_81, %parallel_loop3A_627 : i32
          %parallel_loop3A_629 = arith.index_cast %parallel_loop3A_628 : i32 to index
          %parallel_loop3A_630 = arith.constant 0 : index
          %parallel_loop3A_631 = tpu.vector_load %arg14[%parallel_loop3A_629, %parallel_loop3A_630] {strides = array<i32>} : memref<80x128xf32, #tpu.memory_space<vmem>>, vector<16xf32>,
          %parallel_loop3A_632 = arith.mulf %parallel_loop3A_631, %parallel_loop3A_626 : vector<16xf32>
          %parallel_loop3A_633 = arith.constant 5 : i32
          %parallel_loop3A_634 = arith.addi %parallel_loop3A_81, %parallel_loop3A_633 : i32
          %parallel_loop3A_635 = arith.index_cast %parallel_loop3A_634 : i32 to index
          %parallel_loop3A_636 = arith.constant 0 : index
          %parallel_loop3A_637 = tpu.vector_load %arg14[%parallel_loop3A_635, %parallel_loop3A_636] {strides = array<i32>} : memref<80x128xf32, #tpu.memory_space<vmem>>, vector<16xf32>,
          tpu.vector_store %arg14[%parallel_loop3A_635, %parallel_loop3A_636], %parallel_loop3A_632 {strides = array<i32>} : memref<80x128xf32, #tpu.memory_space<vmem>>, vector<16xf32>,
          %parallel_loop3A_638 = arith.constant 5 : i32
          %parallel_loop3A_639 = arith.addi %parallel_loop3A_81, %parallel_loop3A_638 : i32
          %parallel_loop3A_640 = arith.index_cast %parallel_loop3A_639 : i32 to index
          %parallel_loop3A_641 = arith.constant 16 : index
          %parallel_loop3A_642 = tpu.vector_load %arg14[%parallel_loop3A_640, %parallel_loop3A_641] {strides = array<i32>} : memref<80x128xf32, #tpu.memory_space<vmem>>, vector<16xf32>,
          %parallel_loop3A_643 = arith.mulf %parallel_loop3A_642, %parallel_loop3A_626 : vector<16xf32>
          %parallel_loop3A_644 = arith.constant 5 : i32
          %parallel_loop3A_645 = arith.addi %parallel_loop3A_81, %parallel_loop3A_644 : i32
          %parallel_loop3A_646 = arith.index_cast %parallel_loop3A_645 : i32 to index
          %parallel_loop3A_647 = arith.constant 16 : index
          %parallel_loop3A_648 = tpu.vector_load %arg14[%parallel_loop3A_646, %parallel_loop3A_647] {strides = array<i32>} : memref<80x128xf32, #tpu.memory_space<vmem>>, vector<16xf32>,
          tpu.vector_store %arg14[%parallel_loop3A_646, %parallel_loop3A_647], %parallel_loop3A_643 {strides = array<i32>} : memref<80x128xf32, #tpu.memory_space<vmem>>, vector<16xf32>,
          %parallel_loop3A_649 = arith.constant 5 : i32
          %parallel_loop3A_650 = arith.addi %parallel_loop3A_81, %parallel_loop3A_649 : i32
          %parallel_loop3A_651 = arith.index_cast %parallel_loop3A_650 : i32 to index
          %parallel_loop3A_652 = arith.constant 32 : index
          %parallel_loop3A_653 = tpu.vector_load %arg14[%parallel_loop3A_651, %parallel_loop3A_652] {strides = array<i32>} : memref<80x128xf32, #tpu.memory_space<vmem>>, vector<16xf32>,
          %parallel_loop3A_654 = arith.mulf %parallel_loop3A_653, %parallel_loop3A_626 : vector<16xf32>
          %parallel_loop3A_655 = arith.constant 5 : i32
          %parallel_loop3A_656 = arith.addi %parallel_loop3A_81, %parallel_loop3A_655 : i32
          %parallel_loop3A_657 = arith.index_cast %parallel_loop3A_656 : i32 to index
          %parallel_loop3A_658 = arith.constant 32 : index
          %parallel_loop3A_659 = tpu.vector_load %arg14[%parallel_loop3A_657, %parallel_loop3A_658] {strides = array<i32>} : memref<80x128xf32, #tpu.memory_space<vmem>>, vector<16xf32>,
          tpu.vector_store %arg14[%parallel_loop3A_657, %parallel_loop3A_658], %parallel_loop3A_654 {strides = array<i32>} : memref<80x128xf32, #tpu.memory_space<vmem>>, vector<16xf32>,
          %parallel_loop3A_660 = arith.constant 5 : i32
          %parallel_loop3A_661 = arith.addi %parallel_loop3A_81, %parallel_loop3A_660 : i32
          %parallel_loop3A_662 = arith.index_cast %parallel_loop3A_661 : i32 to index
          %parallel_loop3A_663 = arith.constant 48 : index
          %parallel_loop3A_664 = tpu.vector_load %arg14[%parallel_loop3A_662, %parallel_loop3A_663] {strides = array<i32>} : memref<80x128xf32, #tpu.memory_space<vmem>>, vector<16xf32>,
          %parallel_loop3A_665 = arith.mulf %parallel_loop3A_664, %parallel_loop3A_626 : vector<16xf32>
          %parallel_loop3A_666 = arith.constant 5 : i32
          %parallel_loop3A_667 = arith.addi %parallel_loop3A_81, %parallel_loop3A_666 : i32
          %parallel_loop3A_668 = arith.index_cast %parallel_loop3A_667 : i32 to index
          %parallel_loop3A_669 = arith.constant 48 : index
          %parallel_loop3A_670 = tpu.vector_load %arg14[%parallel_loop3A_668, %parallel_loop3A_669] {strides = array<i32>} : memref<80x128xf32, #tpu.memory_space<vmem>>, vector<16xf32>,
          tpu.vector_store %arg14[%parallel_loop3A_668, %parallel_loop3A_669], %parallel_loop3A_665 {strides = array<i32>} : memref<80x128xf32, #tpu.memory_space<vmem>>, vector<16xf32>,
          %parallel_loop3A_671 = arith.constant 5 : i32
          %parallel_loop3A_672 = arith.addi %parallel_loop3A_81, %parallel_loop3A_671 : i32
          %parallel_loop3A_673 = arith.index_cast %parallel_loop3A_672 : i32 to index
          %parallel_loop3A_674 = arith.constant 64 : index
          %parallel_loop3A_675 = tpu.vector_load %arg14[%parallel_loop3A_673, %parallel_loop3A_674] {strides = array<i32>} : memref<80x128xf32, #tpu.memory_space<vmem>>, vector<16xf32>,
          %parallel_loop3A_676 = arith.mulf %parallel_loop3A_675, %parallel_loop3A_626 : vector<16xf32>
          %parallel_loop3A_677 = arith.constant 5 : i32
          %parallel_loop3A_678 = arith.addi %parallel_loop3A_81, %parallel_loop3A_677 : i32
          %parallel_loop3A_679 = arith.index_cast %parallel_loop3A_678 : i32 to index
          %parallel_loop3A_680 = arith.constant 64 : index
          %parallel_loop3A_681 = tpu.vector_load %arg14[%parallel_loop3A_679, %parallel_loop3A_680] {strides = array<i32>} : memref<80x128xf32, #tpu.memory_space<vmem>>, vector<16xf32>,
          tpu.vector_store %arg14[%parallel_loop3A_679, %parallel_loop3A_680], %parallel_loop3A_676 {strides = array<i32>} : memref<80x128xf32, #tpu.memory_space<vmem>>, vector<16xf32>,
          %parallel_loop3A_682 = arith.constant 5 : i32
          %parallel_loop3A_683 = arith.addi %parallel_loop3A_81, %parallel_loop3A_682 : i32
          %parallel_loop3A_684 = arith.index_cast %parallel_loop3A_683 : i32 to index
          %parallel_loop3A_685 = arith.constant 80 : index
          %parallel_loop3A_686 = tpu.vector_load %arg14[%parallel_loop3A_684, %parallel_loop3A_685] {strides = array<i32>} : memref<80x128xf32, #tpu.memory_space<vmem>>, vector<16xf32>,
          %parallel_loop3A_687 = arith.mulf %parallel_loop3A_686, %parallel_loop3A_626 : vector<16xf32>
          %parallel_loop3A_688 = arith.constant 5 : i32
          %parallel_loop3A_689 = arith.addi %parallel_loop3A_81, %parallel_loop3A_688 : i32
          %parallel_loop3A_690 = arith.index_cast %parallel_loop3A_689 : i32 to index
          %parallel_loop3A_691 = arith.constant 80 : index
          %parallel_loop3A_692 = tpu.vector_load %arg14[%parallel_loop3A_690, %parallel_loop3A_691] {strides = array<i32>} : memref<80x128xf32, #tpu.memory_space<vmem>>, vector<16xf32>,
          tpu.vector_store %arg14[%parallel_loop3A_690, %parallel_loop3A_691], %parallel_loop3A_687 {strides = array<i32>} : memref<80x128xf32, #tpu.memory_space<vmem>>, vector<16xf32>,
          %parallel_loop3A_693 = arith.constant 5 : i32
          %parallel_loop3A_694 = arith.addi %parallel_loop3A_81, %parallel_loop3A_693 : i32
          %parallel_loop3A_695 = arith.index_cast %parallel_loop3A_694 : i32 to index
          %parallel_loop3A_696 = arith.constant 96 : index
          %parallel_loop3A_697 = tpu.vector_load %arg14[%parallel_loop3A_695, %parallel_loop3A_696] {strides = array<i32>} : memref<80x128xf32, #tpu.memory_space<vmem>>, vector<16xf32>,
          %parallel_loop3A_698 = arith.mulf %parallel_loop3A_697, %parallel_loop3A_626 : vector<16xf32>
          %parallel_loop3A_699 = arith.constant 5 : i32
          %parallel_loop3A_700 = arith.addi %parallel_loop3A_81, %parallel_loop3A_699 : i32
          %parallel_loop3A_701 = arith.index_cast %parallel_loop3A_700 : i32 to index
          %parallel_loop3A_702 = arith.constant 96 : index
          %parallel_loop3A_703 = tpu.vector_load %arg14[%parallel_loop3A_701, %parallel_loop3A_702] {strides = array<i32>} : memref<80x128xf32, #tpu.memory_space<vmem>>, vector<16xf32>,
          tpu.vector_store %arg14[%parallel_loop3A_701, %parallel_loop3A_702], %parallel_loop3A_698 {strides = array<i32>} : memref<80x128xf32, #tpu.memory_space<vmem>>, vector<16xf32>,
          %parallel_loop3A_704 = arith.constant 5 : i32
          %parallel_loop3A_705 = arith.addi %parallel_loop3A_81, %parallel_loop3A_704 : i32
          %parallel_loop3A_706 = arith.index_cast %parallel_loop3A_705 : i32 to index
          %parallel_loop3A_707 = arith.constant 112 : index
          %parallel_loop3A_708 = tpu.vector_load %arg14[%parallel_loop3A_706, %parallel_loop3A_707] {strides = array<i32>} : memref<80x128xf32, #tpu.memory_space<vmem>>, vector<16xf32>,
          %parallel_loop3A_709 = arith.mulf %parallel_loop3A_708, %parallel_loop3A_626 : vector<16xf32>
          %parallel_loop3A_710 = arith.constant 5 : i32
          %parallel_loop3A_711 = arith.addi %parallel_loop3A_81, %parallel_loop3A_710 : i32
          %parallel_loop3A_712 = arith.index_cast %parallel_loop3A_711 : i32 to index
          %parallel_loop3A_713 = arith.constant 112 : index
          %parallel_loop3A_714 = tpu.vector_load %arg14[%parallel_loop3A_712, %parallel_loop3A_713] {strides = array<i32>} : memref<80x128xf32, #tpu.memory_space<vmem>>, vector<16xf32>,
          tpu.vector_store %arg14[%parallel_loop3A_712, %parallel_loop3A_713], %parallel_loop3A_709 {strides = array<i32>} : memref<80x128xf32, #tpu.memory_space<vmem>>, vector<16xf32>,
          %parallel_loop3A_715 = arith.constant 6 : i32
          %parallel_loop3A_716 = vector.broadcast %parallel_loop3A_715 : i32 to vector<16xi32>
          %parallel_loop3A_717 = arith.constant 0 : i32
          %parallel_loop3A_718 = vector.broadcast %parallel_loop3A_717 : i32 to vector<16xi32>
          %parallel_loop3A_719 = arith.cmpi slt, %parallel_loop3A_716, %parallel_loop3A_718 : vector<16xi32>
          %parallel_loop3A_720 = arith.constant 16 : i32
          %parallel_loop3A_721 = vector.broadcast %parallel_loop3A_720 : i32 to vector<16xi32>
          %parallel_loop3A_722 = arith.addi %parallel_loop3A_716, %parallel_loop3A_721 : vector<16xi32>
          %parallel_loop3A_723 = arith.select %parallel_loop3A_719, %parallel_loop3A_722, %parallel_loop3A_716 : vector<16xi1>, vector<16xi32>
          %parallel_loop3A_724 = vector.shape_cast %parallel_loop3A_723 : vector<16xi32> to vector<16x1xi32>
          %parallel_loop3A_725 = vector.shape_cast %parallel_loop3A_724 : vector<16x1xi32> to vector<16xi32>
          %parallel_loop3A_726 = tpu.dynamic_gather %parallel_loop3A_114[%parallel_loop3A_725] in [0] : vector<16xf32>, vector<16xi32> -> vector<16xf32>
          %parallel_loop3A_727 = arith.constant 6 : i32
          %parallel_loop3A_728 = arith.addi %parallel_loop3A_81, %parallel_loop3A_727 : i32
          %parallel_loop3A_729 = arith.index_cast %parallel_loop3A_728 : i32 to index
          %parallel_loop3A_730 = arith.constant 0 : index
          %parallel_loop3A_731 = tpu.vector_load %arg14[%parallel_loop3A_729, %parallel_loop3A_730] {strides = array<i32>} : memref<80x128xf32, #tpu.memory_space<vmem>>, vector<16xf32>,
          %parallel_loop3A_732 = arith.mulf %parallel_loop3A_731, %parallel_loop3A_726 : vector<16xf32>
          %parallel_loop3A_733 = arith.constant 6 : i32
          %parallel_loop3A_734 = arith.addi %parallel_loop3A_81, %parallel_loop3A_733 : i32
          %parallel_loop3A_735 = arith.index_cast %parallel_loop3A_734 : i32 to index
          %parallel_loop3A_736 = arith.constant 0 : index
          %parallel_loop3A_737 = tpu.vector_load %arg14[%parallel_loop3A_735, %parallel_loop3A_736] {strides = array<i32>} : memref<80x128xf32, #tpu.memory_space<vmem>>, vector<16xf32>,
          tpu.vector_store %arg14[%parallel_loop3A_735, %parallel_loop3A_736], %parallel_loop3A_732 {strides = array<i32>} : memref<80x128xf32, #tpu.memory_space<vmem>>, vector<16xf32>,
          %parallel_loop3A_738 = arith.constant 6 : i32
          %parallel_loop3A_739 = arith.addi %parallel_loop3A_81, %parallel_loop3A_738 : i32
          %parallel_loop3A_740 = arith.index_cast %parallel_loop3A_739 : i32 to index
          %parallel_loop3A_741 = arith.constant 16 : index
          %parallel_loop3A_742 = tpu.vector_load %arg14[%parallel_loop3A_740, %parallel_loop3A_741] {strides = array<i32>} : memref<80x128xf32, #tpu.memory_space<vmem>>, vector<16xf32>,
          %parallel_loop3A_743 = arith.mulf %parallel_loop3A_742, %parallel_loop3A_726 : vector<16xf32>
          %parallel_loop3A_744 = arith.constant 6 : i32
          %parallel_loop3A_745 = arith.addi %parallel_loop3A_81, %parallel_loop3A_744 : i32
          %parallel_loop3A_746 = arith.index_cast %parallel_loop3A_745 : i32 to index
          %parallel_loop3A_747 = arith.constant 16 : index
          %parallel_loop3A_748 = tpu.vector_load %arg14[%parallel_loop3A_746, %parallel_loop3A_747] {strides = array<i32>} : memref<80x128xf32, #tpu.memory_space<vmem>>, vector<16xf32>,
          tpu.vector_store %arg14[%parallel_loop3A_746, %parallel_loop3A_747], %parallel_loop3A_743 {strides = array<i32>} : memref<80x128xf32, #tpu.memory_space<vmem>>, vector<16xf32>,
          %parallel_loop3A_749 = arith.constant 6 : i32
          %parallel_loop3A_750 = arith.addi %parallel_loop3A_81, %parallel_loop3A_749 : i32
          %parallel_loop3A_751 = arith.index_cast %parallel_loop3A_750 : i32 to index
          %parallel_loop3A_752 = arith.constant 32 : index
          %parallel_loop3A_753 = tpu.vector_load %arg14[%parallel_loop3A_751, %parallel_loop3A_752] {strides = array<i32>} : memref<80x128xf32, #tpu.memory_space<vmem>>, vector<16xf32>,
          %parallel_loop3A_754 = arith.mulf %parallel_loop3A_753, %parallel_loop3A_726 : vector<16xf32>
          %parallel_loop3A_755 = arith.constant 6 : i32
          %parallel_loop3A_756 = arith.addi %parallel_loop3A_81, %parallel_loop3A_755 : i32
          %parallel_loop3A_757 = arith.index_cast %parallel_loop3A_756 : i32 to index
          %parallel_loop3A_758 = arith.constant 32 : index
          %parallel_loop3A_759 = tpu.vector_load %arg14[%parallel_loop3A_757, %parallel_loop3A_758] {strides = array<i32>} : memref<80x128xf32, #tpu.memory_space<vmem>>, vector<16xf32>,
          tpu.vector_store %arg14[%parallel_loop3A_757, %parallel_loop3A_758], %parallel_loop3A_754 {strides = array<i32>} : memref<80x128xf32, #tpu.memory_space<vmem>>, vector<16xf32>,
          %parallel_loop3A_760 = arith.constant 6 : i32
          %parallel_loop3A_761 = arith.addi %parallel_loop3A_81, %parallel_loop3A_760 : i32
          %parallel_loop3A_762 = arith.index_cast %parallel_loop3A_761 : i32 to index
          %parallel_loop3A_763 = arith.constant 48 : index
          %parallel_loop3A_764 = tpu.vector_load %arg14[%parallel_loop3A_762, %parallel_loop3A_763] {strides = array<i32>} : memref<80x128xf32, #tpu.memory_space<vmem>>, vector<16xf32>,
          %parallel_loop3A_765 = arith.mulf %parallel_loop3A_764, %parallel_loop3A_726 : vector<16xf32>
          %parallel_loop3A_766 = arith.constant 6 : i32
          %parallel_loop3A_767 = arith.addi %parallel_loop3A_81, %parallel_loop3A_766 : i32
          %parallel_loop3A_768 = arith.index_cast %parallel_loop3A_767 : i32 to index
          %parallel_loop3A_769 = arith.constant 48 : index
          %parallel_loop3A_770 = tpu.vector_load %arg14[%parallel_loop3A_768, %parallel_loop3A_769] {strides = array<i32>} : memref<80x128xf32, #tpu.memory_space<vmem>>, vector<16xf32>,
          tpu.vector_store %arg14[%parallel_loop3A_768, %parallel_loop3A_769], %parallel_loop3A_765 {strides = array<i32>} : memref<80x128xf32, #tpu.memory_space<vmem>>, vector<16xf32>,
          %parallel_loop3A_771 = arith.constant 6 : i32
          %parallel_loop3A_772 = arith.addi %parallel_loop3A_81, %parallel_loop3A_771 : i32
          %parallel_loop3A_773 = arith.index_cast %parallel_loop3A_772 : i32 to index
          %parallel_loop3A_774 = arith.constant 64 : index
          %parallel_loop3A_775 = tpu.vector_load %arg14[%parallel_loop3A_773, %parallel_loop3A_774] {strides = array<i32>} : memref<80x128xf32, #tpu.memory_space<vmem>>, vector<16xf32>,
          %parallel_loop3A_776 = arith.mulf %parallel_loop3A_775, %parallel_loop3A_726 : vector<16xf32>
          %parallel_loop3A_777 = arith.constant 6 : i32
          %parallel_loop3A_778 = arith.addi %parallel_loop3A_81, %parallel_loop3A_777 : i32
          %parallel_loop3A_779 = arith.index_cast %parallel_loop3A_778 : i32 to index
          %parallel_loop3A_780 = arith.constant 64 : index
          %parallel_loop3A_781 = tpu.vector_load %arg14[%parallel_loop3A_779, %parallel_loop3A_780] {strides = array<i32>} : memref<80x128xf32, #tpu.memory_space<vmem>>, vector<16xf32>,
          tpu.vector_store %arg14[%parallel_loop3A_779, %parallel_loop3A_780], %parallel_loop3A_776 {strides = array<i32>} : memref<80x128xf32, #tpu.memory_space<vmem>>, vector<16xf32>,
          %parallel_loop3A_782 = arith.constant 6 : i32
          %parallel_loop3A_783 = arith.addi %parallel_loop3A_81, %parallel_loop3A_782 : i32
          %parallel_loop3A_784 = arith.index_cast %parallel_loop3A_783 : i32 to index
          %parallel_loop3A_785 = arith.constant 80 : index
          %parallel_loop3A_786 = tpu.vector_load %arg14[%parallel_loop3A_784, %parallel_loop3A_785] {strides = array<i32>} : memref<80x128xf32, #tpu.memory_space<vmem>>, vector<16xf32>,
          %parallel_loop3A_787 = arith.mulf %parallel_loop3A_786, %parallel_loop3A_726 : vector<16xf32>
          %parallel_loop3A_788 = arith.constant 6 : i32
          %parallel_loop3A_789 = arith.addi %parallel_loop3A_81, %parallel_loop3A_788 : i32
          %parallel_loop3A_790 = arith.index_cast %parallel_loop3A_789 : i32 to index
          %parallel_loop3A_791 = arith.constant 80 : index
          %parallel_loop3A_792 = tpu.vector_load %arg14[%parallel_loop3A_790, %parallel_loop3A_791] {strides = array<i32>} : memref<80x128xf32, #tpu.memory_space<vmem>>, vector<16xf32>,
          tpu.vector_store %arg14[%parallel_loop3A_790, %parallel_loop3A_791], %parallel_loop3A_787 {strides = array<i32>} : memref<80x128xf32, #tpu.memory_space<vmem>>, vector<16xf32>,
          %parallel_loop3A_793 = arith.constant 6 : i32
          %parallel_loop3A_794 = arith.addi %parallel_loop3A_81, %parallel_loop3A_793 : i32
          %parallel_loop3A_795 = arith.index_cast %parallel_loop3A_794 : i32 to index
          %parallel_loop3A_796 = arith.constant 96 : index
          %parallel_loop3A_797 = tpu.vector_load %arg14[%parallel_loop3A_795, %parallel_loop3A_796] {strides = array<i32>} : memref<80x128xf32, #tpu.memory_space<vmem>>, vector<16xf32>,
          %parallel_loop3A_798 = arith.mulf %parallel_loop3A_797, %parallel_loop3A_726 : vector<16xf32>
          %parallel_loop3A_799 = arith.constant 6 : i32
          %parallel_loop3A_800 = arith.addi %parallel_loop3A_81, %parallel_loop3A_799 : i32
          %parallel_loop3A_801 = arith.index_cast %parallel_loop3A_800 : i32 to index
          %parallel_loop3A_802 = arith.constant 96 : index
          %parallel_loop3A_803 = tpu.vector_load %arg14[%parallel_loop3A_801, %parallel_loop3A_802] {strides = array<i32>} : memref<80x128xf32, #tpu.memory_space<vmem>>, vector<16xf32>,
          tpu.vector_store %arg14[%parallel_loop3A_801, %parallel_loop3A_802], %parallel_loop3A_798 {strides = array<i32>} : memref<80x128xf32, #tpu.memory_space<vmem>>, vector<16xf32>,
          %parallel_loop3A_804 = arith.constant 6 : i32
          %parallel_loop3A_805 = arith.addi %parallel_loop3A_81, %parallel_loop3A_804 : i32
          %parallel_loop3A_806 = arith.index_cast %parallel_loop3A_805 : i32 to index
          %parallel_loop3A_807 = arith.constant 112 : index
          %parallel_loop3A_808 = tpu.vector_load %arg14[%parallel_loop3A_806, %parallel_loop3A_807] {strides = array<i32>} : memref<80x128xf32, #tpu.memory_space<vmem>>, vector<16xf32>,
          %parallel_loop3A_809 = arith.mulf %parallel_loop3A_808, %parallel_loop3A_726 : vector<16xf32>
          %parallel_loop3A_810 = arith.constant 6 : i32
          %parallel_loop3A_811 = arith.addi %parallel_loop3A_81, %parallel_loop3A_810 : i32
          %parallel_loop3A_812 = arith.index_cast %parallel_loop3A_811 : i32 to index
          %parallel_loop3A_813 = arith.constant 112 : index
          %parallel_loop3A_814 = tpu.vector_load %arg14[%parallel_loop3A_812, %parallel_loop3A_813] {strides = array<i32>} : memref<80x128xf32, #tpu.memory_space<vmem>>, vector<16xf32>,
          tpu.vector_store %arg14[%parallel_loop3A_812, %parallel_loop3A_813], %parallel_loop3A_809 {strides = array<i32>} : memref<80x128xf32, #tpu.memory_space<vmem>>, vector<16xf32>,
          %parallel_loop3A_815 = arith.constant 7 : i32
          %parallel_loop3A_816 = vector.broadcast %parallel_loop3A_815 : i32 to vector<16xi32>
          %parallel_loop3A_817 = arith.constant 0 : i32
          %parallel_loop3A_818 = vector.broadcast %parallel_loop3A_817 : i32 to vector<16xi32>
          %parallel_loop3A_819 = arith.cmpi slt, %parallel_loop3A_816, %parallel_loop3A_818 : vector<16xi32>
          %parallel_loop3A_820 = arith.constant 16 : i32
          %parallel_loop3A_821 = vector.broadcast %parallel_loop3A_820 : i32 to vector<16xi32>
          %parallel_loop3A_822 = arith.addi %parallel_loop3A_816, %parallel_loop3A_821 : vector<16xi32>
          %parallel_loop3A_823 = arith.select %parallel_loop3A_819, %parallel_loop3A_822, %parallel_loop3A_816 : vector<16xi1>, vector<16xi32>
          %parallel_loop3A_824 = vector.shape_cast %parallel_loop3A_823 : vector<16xi32> to vector<16x1xi32>
          %parallel_loop3A_825 = vector.shape_cast %parallel_loop3A_824 : vector<16x1xi32> to vector<16xi32>
          %parallel_loop3A_826 = tpu.dynamic_gather %parallel_loop3A_114[%parallel_loop3A_825] in [0] : vector<16xf32>, vector<16xi32> -> vector<16xf32>
          %parallel_loop3A_827 = arith.constant 7 : i32
          %parallel_loop3A_828 = arith.addi %parallel_loop3A_81, %parallel_loop3A_827 : i32
          %parallel_loop3A_829 = arith.index_cast %parallel_loop3A_828 : i32 to index
          %parallel_loop3A_830 = arith.constant 0 : index
          %parallel_loop3A_831 = tpu.vector_load %arg14[%parallel_loop3A_829, %parallel_loop3A_830] {strides = array<i32>} : memref<80x128xf32, #tpu.memory_space<vmem>>, vector<16xf32>,
          %parallel_loop3A_832 = arith.mulf %parallel_loop3A_831, %parallel_loop3A_826 : vector<16xf32>
          %parallel_loop3A_833 = arith.constant 7 : i32
          %parallel_loop3A_834 = arith.addi %parallel_loop3A_81, %parallel_loop3A_833 : i32
          %parallel_loop3A_835 = arith.index_cast %parallel_loop3A_834 : i32 to index
          %parallel_loop3A_836 = arith.constant 0 : index
          %parallel_loop3A_837 = tpu.vector_load %arg14[%parallel_loop3A_835, %parallel_loop3A_836] {strides = array<i32>} : memref<80x128xf32, #tpu.memory_space<vmem>>, vector<16xf32>,
          tpu.vector_store %arg14[%parallel_loop3A_835, %parallel_loop3A_836], %parallel_loop3A_832 {strides = array<i32>} : memref<80x128xf32, #tpu.memory_space<vmem>>, vector<16xf32>,
          %parallel_loop3A_838 = arith.constant 7 : i32
          %parallel_loop3A_839 = arith.addi %parallel_loop3A_81, %parallel_loop3A_838 : i32
          %parallel_loop3A_840 = arith.index_cast %parallel_loop3A_839 : i32 to index
          %parallel_loop3A_841 = arith.constant 16 : index
          %parallel_loop3A_842 = tpu.vector_load %arg14[%parallel_loop3A_840, %parallel_loop3A_841] {strides = array<i32>} : memref<80x128xf32, #tpu.memory_space<vmem>>, vector<16xf32>,
          %parallel_loop3A_843 = arith.mulf %parallel_loop3A_842, %parallel_loop3A_826 : vector<16xf32>
          %parallel_loop3A_844 = arith.constant 7 : i32
          %parallel_loop3A_845 = arith.addi %parallel_loop3A_81, %parallel_loop3A_844 : i32
          %parallel_loop3A_846 = arith.index_cast %parallel_loop3A_845 : i32 to index
          %parallel_loop3A_847 = arith.constant 16 : index
          %parallel_loop3A_848 = tpu.vector_load %arg14[%parallel_loop3A_846, %parallel_loop3A_847] {strides = array<i32>} : memref<80x128xf32, #tpu.memory_space<vmem>>, vector<16xf32>,
          tpu.vector_store %arg14[%parallel_loop3A_846, %parallel_loop3A_847], %parallel_loop3A_843 {strides = array<i32>} : memref<80x128xf32, #tpu.memory_space<vmem>>, vector<16xf32>,
          %parallel_loop3A_849 = arith.constant 7 : i32
          %parallel_loop3A_850 = arith.addi %parallel_loop3A_81, %parallel_loop3A_849 : i32
          %parallel_loop3A_851 = arith.index_cast %parallel_loop3A_850 : i32 to index
          %parallel_loop3A_852 = arith.constant 32 : index
          %parallel_loop3A_853 = tpu.vector_load %arg14[%parallel_loop3A_851, %parallel_loop3A_852] {strides = array<i32>} : memref<80x128xf32, #tpu.memory_space<vmem>>, vector<16xf32>,
          %parallel_loop3A_854 = arith.mulf %parallel_loop3A_853, %parallel_loop3A_826 : vector<16xf32>
          %parallel_loop3A_855 = arith.constant 7 : i32
          %parallel_loop3A_856 = arith.addi %parallel_loop3A_81, %parallel_loop3A_855 : i32
          %parallel_loop3A_857 = arith.index_cast %parallel_loop3A_856 : i32 to index
          %parallel_loop3A_858 = arith.constant 32 : index
          %parallel_loop3A_859 = tpu.vector_load %arg14[%parallel_loop3A_857, %parallel_loop3A_858] {strides = array<i32>} : memref<80x128xf32, #tpu.memory_space<vmem>>, vector<16xf32>,
          tpu.vector_store %arg14[%parallel_loop3A_857, %parallel_loop3A_858], %parallel_loop3A_854 {strides = array<i32>} : memref<80x128xf32, #tpu.memory_space<vmem>>, vector<16xf32>,
          %parallel_loop3A_860 = arith.constant 7 : i32
          %parallel_loop3A_861 = arith.addi %parallel_loop3A_81, %parallel_loop3A_860 : i32
          %parallel_loop3A_862 = arith.index_cast %parallel_loop3A_861 : i32 to index
          %parallel_loop3A_863 = arith.constant 48 : index
          %parallel_loop3A_864 = tpu.vector_load %arg14[%parallel_loop3A_862, %parallel_loop3A_863] {strides = array<i32>} : memref<80x128xf32, #tpu.memory_space<vmem>>, vector<16xf32>,
          %parallel_loop3A_865 = arith.mulf %parallel_loop3A_864, %parallel_loop3A_826 : vector<16xf32>
          %parallel_loop3A_866 = arith.constant 7 : i32
          %parallel_loop3A_867 = arith.addi %parallel_loop3A_81, %parallel_loop3A_866 : i32
          %parallel_loop3A_868 = arith.index_cast %parallel_loop3A_867 : i32 to index
          %parallel_loop3A_869 = arith.constant 48 : index
          %parallel_loop3A_870 = tpu.vector_load %arg14[%parallel_loop3A_868, %parallel_loop3A_869] {strides = array<i32>} : memref<80x128xf32, #tpu.memory_space<vmem>>, vector<16xf32>,
          tpu.vector_store %arg14[%parallel_loop3A_868, %parallel_loop3A_869], %parallel_loop3A_865 {strides = array<i32>} : memref<80x128xf32, #tpu.memory_space<vmem>>, vector<16xf32>,
          %parallel_loop3A_871 = arith.constant 7 : i32
          %parallel_loop3A_872 = arith.addi %parallel_loop3A_81, %parallel_loop3A_871 : i32
          %parallel_loop3A_873 = arith.index_cast %parallel_loop3A_872 : i32 to index
          %parallel_loop3A_874 = arith.constant 64 : index
          %parallel_loop3A_875 = tpu.vector_load %arg14[%parallel_loop3A_873, %parallel_loop3A_874] {strides = array<i32>} : memref<80x128xf32, #tpu.memory_space<vmem>>, vector<16xf32>,
          %parallel_loop3A_876 = arith.mulf %parallel_loop3A_875, %parallel_loop3A_826 : vector<16xf32>
          %parallel_loop3A_877 = arith.constant 7 : i32
          %parallel_loop3A_878 = arith.addi %parallel_loop3A_81, %parallel_loop3A_877 : i32
          %parallel_loop3A_879 = arith.index_cast %parallel_loop3A_878 : i32 to index
          %parallel_loop3A_880 = arith.constant 64 : index
          %parallel_loop3A_881 = tpu.vector_load %arg14[%parallel_loop3A_879, %parallel_loop3A_880] {strides = array<i32>} : memref<80x128xf32, #tpu.memory_space<vmem>>, vector<16xf32>,
          tpu.vector_store %arg14[%parallel_loop3A_879, %parallel_loop3A_880], %parallel_loop3A_876 {strides = array<i32>} : memref<80x128xf32, #tpu.memory_space<vmem>>, vector<16xf32>,
          %parallel_loop3A_882 = arith.constant 7 : i32
          %parallel_loop3A_883 = arith.addi %parallel_loop3A_81, %parallel_loop3A_882 : i32
          %parallel_loop3A_884 = arith.index_cast %parallel_loop3A_883 : i32 to index
          %parallel_loop3A_885 = arith.constant 80 : index
          %parallel_loop3A_886 = tpu.vector_load %arg14[%parallel_loop3A_884, %parallel_loop3A_885] {strides = array<i32>} : memref<80x128xf32, #tpu.memory_space<vmem>>, vector<16xf32>,
          %parallel_loop3A_887 = arith.mulf %parallel_loop3A_886, %parallel_loop3A_826 : vector<16xf32>
          %parallel_loop3A_888 = arith.constant 7 : i32
          %parallel_loop3A_889 = arith.addi %parallel_loop3A_81, %parallel_loop3A_888 : i32
          %parallel_loop3A_890 = arith.index_cast %parallel_loop3A_889 : i32 to index
          %parallel_loop3A_891 = arith.constant 80 : index
          %parallel_loop3A_892 = tpu.vector_load %arg14[%parallel_loop3A_890, %parallel_loop3A_891] {strides = array<i32>} : memref<80x128xf32, #tpu.memory_space<vmem>>, vector<16xf32>,
          tpu.vector_store %arg14[%parallel_loop3A_890, %parallel_loop3A_891], %parallel_loop3A_887 {strides = array<i32>} : memref<80x128xf32, #tpu.memory_space<vmem>>, vector<16xf32>,
          %parallel_loop3A_893 = arith.constant 7 : i32
          %parallel_loop3A_894 = arith.addi %parallel_loop3A_81, %parallel_loop3A_893 : i32
          %parallel_loop3A_895 = arith.index_cast %parallel_loop3A_894 : i32 to index
          %parallel_loop3A_896 = arith.constant 96 : index
          %parallel_loop3A_897 = tpu.vector_load %arg14[%parallel_loop3A_895, %parallel_loop3A_896] {strides = array<i32>} : memref<80x128xf32, #tpu.memory_space<vmem>>, vector<16xf32>,
          %parallel_loop3A_898 = arith.mulf %parallel_loop3A_897, %parallel_loop3A_826 : vector<16xf32>
          %parallel_loop3A_899 = arith.constant 7 : i32
          %parallel_loop3A_900 = arith.addi %parallel_loop3A_81, %parallel_loop3A_899 : i32
          %parallel_loop3A_901 = arith.index_cast %parallel_loop3A_900 : i32 to index
          %parallel_loop3A_902 = arith.constant 96 : index
          %parallel_loop3A_903 = tpu.vector_load %arg14[%parallel_loop3A_901, %parallel_loop3A_902] {strides = array<i32>} : memref<80x128xf32, #tpu.memory_space<vmem>>, vector<16xf32>,
          tpu.vector_store %arg14[%parallel_loop3A_901, %parallel_loop3A_902], %parallel_loop3A_898 {strides = array<i32>} : memref<80x128xf32, #tpu.memory_space<vmem>>, vector<16xf32>,
          %parallel_loop3A_904 = arith.constant 7 : i32
          %parallel_loop3A_905 = arith.addi %parallel_loop3A_81, %parallel_loop3A_904 : i32
          %parallel_loop3A_906 = arith.index_cast %parallel_loop3A_905 : i32 to index
          %parallel_loop3A_907 = arith.constant 112 : index
          %parallel_loop3A_908 = tpu.vector_load %arg14[%parallel_loop3A_906, %parallel_loop3A_907] {strides = array<i32>} : memref<80x128xf32, #tpu.memory_space<vmem>>, vector<16xf32>,
          %parallel_loop3A_909 = arith.mulf %parallel_loop3A_908, %parallel_loop3A_826 : vector<16xf32>
          %parallel_loop3A_910 = arith.constant 7 : i32
          %parallel_loop3A_911 = arith.addi %parallel_loop3A_81, %parallel_loop3A_910 : i32
          %parallel_loop3A_912 = arith.index_cast %parallel_loop3A_911 : i32 to index
          %parallel_loop3A_913 = arith.constant 112 : index
          %parallel_loop3A_914 = tpu.vector_load %arg14[%parallel_loop3A_912, %parallel_loop3A_913] {strides = array<i32>} : memref<80x128xf32, #tpu.memory_space<vmem>>, vector<16xf32>,
          tpu.vector_store %arg14[%parallel_loop3A_912, %parallel_loop3A_913], %parallel_loop3A_909 {strides = array<i32>} : memref<80x128xf32, #tpu.memory_space<vmem>>, vector<16xf32>,
          %parallel_loop3A_915 = arith.constant 8 : i32
          %parallel_loop3A_916 = vector.broadcast %parallel_loop3A_915 : i32 to vector<16xi32>
          %parallel_loop3A_917 = arith.constant 0 : i32
          %parallel_loop3A_918 = vector.broadcast %parallel_loop3A_917 : i32 to vector<16xi32>
          %parallel_loop3A_919 = arith.cmpi slt, %parallel_loop3A_916, %parallel_loop3A_918 : vector<16xi32>
          %parallel_loop3A_920 = arith.constant 16 : i32
          %parallel_loop3A_921 = vector.broadcast %parallel_loop3A_920 : i32 to vector<16xi32>
          %parallel_loop3A_922 = arith.addi %parallel_loop3A_916, %parallel_loop3A_921 : vector<16xi32>
          %parallel_loop3A_923 = arith.select %parallel_loop3A_919, %parallel_loop3A_922, %parallel_loop3A_916 : vector<16xi1>, vector<16xi32>
          %parallel_loop3A_924 = vector.shape_cast %parallel_loop3A_923 : vector<16xi32> to vector<16x1xi32>
          %parallel_loop3A_925 = vector.shape_cast %parallel_loop3A_924 : vector<16x1xi32> to vector<16xi32>
          %parallel_loop3A_926 = tpu.dynamic_gather %parallel_loop3A_114[%parallel_loop3A_925] in [0] : vector<16xf32>, vector<16xi32> -> vector<16xf32>
          %parallel_loop3A_927 = arith.constant 8 : i32
          %parallel_loop3A_928 = arith.addi %parallel_loop3A_81, %parallel_loop3A_927 : i32
          %parallel_loop3A_929 = arith.index_cast %parallel_loop3A_928 : i32 to index
          %parallel_loop3A_930 = arith.constant 0 : index
          %parallel_loop3A_931 = tpu.vector_load %arg14[%parallel_loop3A_929, %parallel_loop3A_930] {strides = array<i32>} : memref<80x128xf32, #tpu.memory_space<vmem>>, vector<16xf32>,
          %parallel_loop3A_932 = arith.mulf %parallel_loop3A_931, %parallel_loop3A_926 : vector<16xf32>
          %parallel_loop3A_933 = arith.constant 8 : i32
          %parallel_loop3A_934 = arith.addi %parallel_loop3A_81, %parallel_loop3A_933 : i32
          %parallel_loop3A_935 = arith.index_cast %parallel_loop3A_934 : i32 to index
          %parallel_loop3A_936 = arith.constant 0 : index
          %parallel_loop3A_937 = tpu.vector_load %arg14[%parallel_loop3A_935, %parallel_loop3A_936] {strides = array<i32>} : memref<80x128xf32, #tpu.memory_space<vmem>>, vector<16xf32>,
          tpu.vector_store %arg14[%parallel_loop3A_935, %parallel_loop3A_936], %parallel_loop3A_932 {strides = array<i32>} : memref<80x128xf32, #tpu.memory_space<vmem>>, vector<16xf32>,
          %parallel_loop3A_938 = arith.constant 8 : i32
          %parallel_loop3A_939 = arith.addi %parallel_loop3A_81, %parallel_loop3A_938 : i32
          %parallel_loop3A_940 = arith.index_cast %parallel_loop3A_939 : i32 to index
          %parallel_loop3A_941 = arith.constant 16 : index
          %parallel_loop3A_942 = tpu.vector_load %arg14[%parallel_loop3A_940, %parallel_loop3A_941] {strides = array<i32>} : memref<80x128xf32, #tpu.memory_space<vmem>>, vector<16xf32>,
          %parallel_loop3A_943 = arith.mulf %parallel_loop3A_942, %parallel_loop3A_926 : vector<16xf32>
          %parallel_loop3A_944 = arith.constant 8 : i32
          %parallel_loop3A_945 = arith.addi %parallel_loop3A_81, %parallel_loop3A_944 : i32
          %parallel_loop3A_946 = arith.index_cast %parallel_loop3A_945 : i32 to index
          %parallel_loop3A_947 = arith.constant 16 : index
          %parallel_loop3A_948 = tpu.vector_load %arg14[%parallel_loop3A_946, %parallel_loop3A_947] {strides = array<i32>} : memref<80x128xf32, #tpu.memory_space<vmem>>, vector<16xf32>,
          tpu.vector_store %arg14[%parallel_loop3A_946, %parallel_loop3A_947], %parallel_loop3A_943 {strides = array<i32>} : memref<80x128xf32, #tpu.memory_space<vmem>>, vector<16xf32>,
          %parallel_loop3A_949 = arith.constant 8 : i32
          %parallel_loop3A_950 = arith.addi %parallel_loop3A_81, %parallel_loop3A_949 : i32
          %parallel_loop3A_951 = arith.index_cast %parallel_loop3A_950 : i32 to index
          %parallel_loop3A_952 = arith.constant 32 : index
          %parallel_loop3A_953 = tpu.vector_load %arg14[%parallel_loop3A_951, %parallel_loop3A_952] {strides = array<i32>} : memref<80x128xf32, #tpu.memory_space<vmem>>, vector<16xf32>,
          %parallel_loop3A_954 = arith.mulf %parallel_loop3A_953, %parallel_loop3A_926 : vector<16xf32>
          %parallel_loop3A_955 = arith.constant 8 : i32
          %parallel_loop3A_956 = arith.addi %parallel_loop3A_81, %parallel_loop3A_955 : i32
          %parallel_loop3A_957 = arith.index_cast %parallel_loop3A_956 : i32 to index
          %parallel_loop3A_958 = arith.constant 32 : index
          %parallel_loop3A_959 = tpu.vector_load %arg14[%parallel_loop3A_957, %parallel_loop3A_958] {strides = array<i32>} : memref<80x128xf32, #tpu.memory_space<vmem>>, vector<16xf32>,
          tpu.vector_store %arg14[%parallel_loop3A_957, %parallel_loop3A_958], %parallel_loop3A_954 {strides = array<i32>} : memref<80x128xf32, #tpu.memory_space<vmem>>, vector<16xf32>,
          %parallel_loop3A_960 = arith.constant 8 : i32
          %parallel_loop3A_961 = arith.addi %parallel_loop3A_81, %parallel_loop3A_960 : i32
          %parallel_loop3A_962 = arith.index_cast %parallel_loop3A_961 : i32 to index
          %parallel_loop3A_963 = arith.constant 48 : index
          %parallel_loop3A_964 = tpu.vector_load %arg14[%parallel_loop3A_962, %parallel_loop3A_963] {strides = array<i32>} : memref<80x128xf32, #tpu.memory_space<vmem>>, vector<16xf32>,
          %parallel_loop3A_965 = arith.mulf %parallel_loop3A_964, %parallel_loop3A_926 : vector<16xf32>
          %parallel_loop3A_966 = arith.constant 8 : i32
          %parallel_loop3A_967 = arith.addi %parallel_loop3A_81, %parallel_loop3A_966 : i32
          %parallel_loop3A_968 = arith.index_cast %parallel_loop3A_967 : i32 to index
          %parallel_loop3A_969 = arith.constant 48 : index
          %parallel_loop3A_970 = tpu.vector_load %arg14[%parallel_loop3A_968, %parallel_loop3A_969] {strides = array<i32>} : memref<80x128xf32, #tpu.memory_space<vmem>>, vector<16xf32>,
          tpu.vector_store %arg14[%parallel_loop3A_968, %parallel_loop3A_969], %parallel_loop3A_965 {strides = array<i32>} : memref<80x128xf32, #tpu.memory_space<vmem>>, vector<16xf32>,
          %parallel_loop3A_971 = arith.constant 8 : i32
          %parallel_loop3A_972 = arith.addi %parallel_loop3A_81, %parallel_loop3A_971 : i32
          %parallel_loop3A_973 = arith.index_cast %parallel_loop3A_972 : i32 to index
          %parallel_loop3A_974 = arith.constant 64 : index
          %parallel_loop3A_975 = tpu.vector_load %arg14[%parallel_loop3A_973, %parallel_loop3A_974] {strides = array<i32>} : memref<80x128xf32, #tpu.memory_space<vmem>>, vector<16xf32>,
          %parallel_loop3A_976 = arith.mulf %parallel_loop3A_975, %parallel_loop3A_926 : vector<16xf32>
          %parallel_loop3A_977 = arith.constant 8 : i32
          %parallel_loop3A_978 = arith.addi %parallel_loop3A_81, %parallel_loop3A_977 : i32
          %parallel_loop3A_979 = arith.index_cast %parallel_loop3A_978 : i32 to index
          %parallel_loop3A_980 = arith.constant 64 : index
          %parallel_loop3A_981 = tpu.vector_load %arg14[%parallel_loop3A_979, %parallel_loop3A_980] {strides = array<i32>} : memref<80x128xf32, #tpu.memory_space<vmem>>, vector<16xf32>,
          tpu.vector_store %arg14[%parallel_loop3A_979, %parallel_loop3A_980], %parallel_loop3A_976 {strides = array<i32>} : memref<80x128xf32, #tpu.memory_space<vmem>>, vector<16xf32>,
          %parallel_loop3A_982 = arith.constant 8 : i32
          %parallel_loop3A_983 = arith.addi %parallel_loop3A_81, %parallel_loop3A_982 : i32
          %parallel_loop3A_984 = arith.index_cast %parallel_loop3A_983 : i32 to index
          %parallel_loop3A_985 = arith.constant 80 : index
          %parallel_loop3A_986 = tpu.vector_load %arg14[%parallel_loop3A_984, %parallel_loop3A_985] {strides = array<i32>} : memref<80x128xf32, #tpu.memory_space<vmem>>, vector<16xf32>,
          %parallel_loop3A_987 = arith.mulf %parallel_loop3A_986, %parallel_loop3A_926 : vector<16xf32>
          %parallel_loop3A_988 = arith.constant 8 : i32
          %parallel_loop3A_989 = arith.addi %parallel_loop3A_81, %parallel_loop3A_988 : i32
          %parallel_loop3A_990 = arith.index_cast %parallel_loop3A_989 : i32 to index
          %parallel_loop3A_991 = arith.constant 80 : index
          %parallel_loop3A_992 = tpu.vector_load %arg14[%parallel_loop3A_990, %parallel_loop3A_991] {strides = array<i32>} : memref<80x128xf32, #tpu.memory_space<vmem>>, vector<16xf32>,
          tpu.vector_store %arg14[%parallel_loop3A_990, %parallel_loop3A_991], %parallel_loop3A_987 {strides = array<i32>} : memref<80x128xf32, #tpu.memory_space<vmem>>, vector<16xf32>,
          %parallel_loop3A_993 = arith.constant 8 : i32
          %parallel_loop3A_994 = arith.addi %parallel_loop3A_81, %parallel_loop3A_993 : i32
          %parallel_loop3A_995 = arith.index_cast %parallel_loop3A_994 : i32 to index
          %parallel_loop3A_996 = arith.constant 96 : index
          %parallel_loop3A_997 = tpu.vector_load %arg14[%parallel_loop3A_995, %parallel_loop3A_996] {strides = array<i32>} : memref<80x128xf32, #tpu.memory_space<vmem>>, vector<16xf32>,
          %parallel_loop3A_998 = arith.mulf %parallel_loop3A_997, %parallel_loop3A_926 : vector<16xf32>
          %parallel_loop3A_999 = arith.constant 8 : i32
          %parallel_loop3A_1000 = arith.addi %parallel_loop3A_81, %parallel_loop3A_999 : i32
          %parallel_loop3A_1001 = arith.index_cast %parallel_loop3A_1000 : i32 to index
          %parallel_loop3A_1002 = arith.constant 96 : index
          %parallel_loop3A_1003 = tpu.vector_load %arg14[%parallel_loop3A_1001, %parallel_loop3A_1002] {strides = array<i32>} : memref<80x128xf32, #tpu.memory_space<vmem>>, vector<16xf32>,
          tpu.vector_store %arg14[%parallel_loop3A_1001, %parallel_loop3A_1002], %parallel_loop3A_998 {strides = array<i32>} : memref<80x128xf32, #tpu.memory_space<vmem>>, vector<16xf32>,
          %parallel_loop3A_1004 = arith.constant 8 : i32
          %parallel_loop3A_1005 = arith.addi %parallel_loop3A_81, %parallel_loop3A_1004 : i32
          %parallel_loop3A_1006 = arith.index_cast %parallel_loop3A_1005 : i32 to index
          %parallel_loop3A_1007 = arith.constant 112 : index
          %parallel_loop3A_1008 = tpu.vector_load %arg14[%parallel_loop3A_1006, %parallel_loop3A_1007] {strides = array<i32>} : memref<80x128xf32, #tpu.memory_space<vmem>>, vector<16xf32>,
          %parallel_loop3A_1009 = arith.mulf %parallel_loop3A_1008, %parallel_loop3A_926 : vector<16xf32>
          %parallel_loop3A_1010 = arith.constant 8 : i32
          %parallel_loop3A_1011 = arith.addi %parallel_loop3A_81, %parallel_loop3A_1010 : i32
          %parallel_loop3A_1012 = arith.index_cast %parallel_loop3A_1011 : i32 to index
          %parallel_loop3A_1013 = arith.constant 112 : index
          %parallel_loop3A_1014 = tpu.vector_load %arg14[%parallel_loop3A_1012, %parallel_loop3A_1013] {strides = array<i32>} : memref<80x128xf32, #tpu.memory_space<vmem>>, vector<16xf32>,
          tpu.vector_store %arg14[%parallel_loop3A_1012, %parallel_loop3A_1013], %parallel_loop3A_1009 {strides = array<i32>} : memref<80x128xf32, #tpu.memory_space<vmem>>, vector<16xf32>,
          %parallel_loop3A_1015 = arith.constant 9 : i32
          %parallel_loop3A_1016 = vector.broadcast %parallel_loop3A_1015 : i32 to vector<16xi32>
          %parallel_loop3A_1017 = arith.constant 0 : i32
          %parallel_loop3A_1018 = vector.broadcast %parallel_loop3A_1017 : i32 to vector<16xi32>
          %parallel_loop3A_1019 = arith.cmpi slt, %parallel_loop3A_1016, %parallel_loop3A_1018 : vector<16xi32>
          %parallel_loop3A_1020 = arith.constant 16 : i32
          %parallel_loop3A_1021 = vector.broadcast %parallel_loop3A_1020 : i32 to vector<16xi32>
          %parallel_loop3A_1022 = arith.addi %parallel_loop3A_1016, %parallel_loop3A_1021 : vector<16xi32>
          %parallel_loop3A_1023 = arith.select %parallel_loop3A_1019, %parallel_loop3A_1022, %parallel_loop3A_1016 : vector<16xi1>, vector<16xi32>
          %parallel_loop3A_1024 = vector.shape_cast %parallel_loop3A_1023 : vector<16xi32> to vector<16x1xi32>
          %parallel_loop3A_1025 = vector.shape_cast %parallel_loop3A_1024 : vector<16x1xi32> to vector<16xi32>
          %parallel_loop3A_1026 = tpu.dynamic_gather %parallel_loop3A_114[%parallel_loop3A_1025] in [0] : vector<16xf32>, vector<16xi32> -> vector<16xf32>
          %parallel_loop3A_1027 = arith.constant 9 : i32
          %parallel_loop3A_1028 = arith.addi %parallel_loop3A_81, %parallel_loop3A_1027 : i32
          %parallel_loop3A_1029 = arith.index_cast %parallel_loop3A_1028 : i32 to index
          %parallel_loop3A_1030 = arith.constant 0 : index
          %parallel_loop3A_1031 = tpu.vector_load %arg14[%parallel_loop3A_1029, %parallel_loop3A_1030] {strides = array<i32>} : memref<80x128xf32, #tpu.memory_space<vmem>>, vector<16xf32>,
          %parallel_loop3A_1032 = arith.mulf %parallel_loop3A_1031, %parallel_loop3A_1026 : vector<16xf32>
          %parallel_loop3A_1033 = arith.constant 9 : i32
          %parallel_loop3A_1034 = arith.addi %parallel_loop3A_81, %parallel_loop3A_1033 : i32
          %parallel_loop3A_1035 = arith.index_cast %parallel_loop3A_1034 : i32 to index
          %parallel_loop3A_1036 = arith.constant 0 : index
          %parallel_loop3A_1037 = tpu.vector_load %arg14[%parallel_loop3A_1035, %parallel_loop3A_1036] {strides = array<i32>} : memref<80x128xf32, #tpu.memory_space<vmem>>, vector<16xf32>,
          tpu.vector_store %arg14[%parallel_loop3A_1035, %parallel_loop3A_1036], %parallel_loop3A_1032 {strides = array<i32>} : memref<80x128xf32, #tpu.memory_space<vmem>>, vector<16xf32>,
          %parallel_loop3A_1038 = arith.constant 9 : i32
          %parallel_loop3A_1039 = arith.addi %parallel_loop3A_81, %parallel_loop3A_1038 : i32
          %parallel_loop3A_1040 = arith.index_cast %parallel_loop3A_1039 : i32 to index
          %parallel_loop3A_1041 = arith.constant 16 : index
          %parallel_loop3A_1042 = tpu.vector_load %arg14[%parallel_loop3A_1040, %parallel_loop3A_1041] {strides = array<i32>} : memref<80x128xf32, #tpu.memory_space<vmem>>, vector<16xf32>,
          %parallel_loop3A_1043 = arith.mulf %parallel_loop3A_1042, %parallel_loop3A_1026 : vector<16xf32>
          %parallel_loop3A_1044 = arith.constant 9 : i32
          %parallel_loop3A_1045 = arith.addi %parallel_loop3A_81, %parallel_loop3A_1044 : i32
          %parallel_loop3A_1046 = arith.index_cast %parallel_loop3A_1045 : i32 to index
          %parallel_loop3A_1047 = arith.constant 16 : index
          %parallel_loop3A_1048 = tpu.vector_load %arg14[%parallel_loop3A_1046, %parallel_loop3A_1047] {strides = array<i32>} : memref<80x128xf32, #tpu.memory_space<vmem>>, vector<16xf32>,
          tpu.vector_store %arg14[%parallel_loop3A_1046, %parallel_loop3A_1047], %parallel_loop3A_1043 {strides = array<i32>} : memref<80x128xf32, #tpu.memory_space<vmem>>, vector<16xf32>,
          %parallel_loop3A_1049 = arith.constant 9 : i32
          %parallel_loop3A_1050 = arith.addi %parallel_loop3A_81, %parallel_loop3A_1049 : i32
          %parallel_loop3A_1051 = arith.index_cast %parallel_loop3A_1050 : i32 to index
          %parallel_loop3A_1052 = arith.constant 32 : index
          %parallel_loop3A_1053 = tpu.vector_load %arg14[%parallel_loop3A_1051, %parallel_loop3A_1052] {strides = array<i32>} : memref<80x128xf32, #tpu.memory_space<vmem>>, vector<16xf32>,
          %parallel_loop3A_1054 = arith.mulf %parallel_loop3A_1053, %parallel_loop3A_1026 : vector<16xf32>
          %parallel_loop3A_1055 = arith.constant 9 : i32
          %parallel_loop3A_1056 = arith.addi %parallel_loop3A_81, %parallel_loop3A_1055 : i32
          %parallel_loop3A_1057 = arith.index_cast %parallel_loop3A_1056 : i32 to index
          %parallel_loop3A_1058 = arith.constant 32 : index
          %parallel_loop3A_1059 = tpu.vector_load %arg14[%parallel_loop3A_1057, %parallel_loop3A_1058] {strides = array<i32>} : memref<80x128xf32, #tpu.memory_space<vmem>>, vector<16xf32>,
          tpu.vector_store %arg14[%parallel_loop3A_1057, %parallel_loop3A_1058], %parallel_loop3A_1054 {strides = array<i32>} : memref<80x128xf32, #tpu.memory_space<vmem>>, vector<16xf32>,
          %parallel_loop3A_1060 = arith.constant 9 : i32
          %parallel_loop3A_1061 = arith.addi %parallel_loop3A_81, %parallel_loop3A_1060 : i32
          %parallel_loop3A_1062 = arith.index_cast %parallel_loop3A_1061 : i32 to index
          %parallel_loop3A_1063 = arith.constant 48 : index
          %parallel_loop3A_1064 = tpu.vector_load %arg14[%parallel_loop3A_1062, %parallel_loop3A_1063] {strides = array<i32>} : memref<80x128xf32, #tpu.memory_space<vmem>>, vector<16xf32>,
          %parallel_loop3A_1065 = arith.mulf %parallel_loop3A_1064, %parallel_loop3A_1026 : vector<16xf32>
          %parallel_loop3A_1066 = arith.constant 9 : i32
          %parallel_loop3A_1067 = arith.addi %parallel_loop3A_81, %parallel_loop3A_1066 : i32
          %parallel_loop3A_1068 = arith.index_cast %parallel_loop3A_1067 : i32 to index
          %parallel_loop3A_1069 = arith.constant 48 : index
          %parallel_loop3A_1070 = tpu.vector_load %arg14[%parallel_loop3A_1068, %parallel_loop3A_1069] {strides = array<i32>} : memref<80x128xf32, #tpu.memory_space<vmem>>, vector<16xf32>,
          tpu.vector_store %arg14[%parallel_loop3A_1068, %parallel_loop3A_1069], %parallel_loop3A_1065 {strides = array<i32>} : memref<80x128xf32, #tpu.memory_space<vmem>>, vector<16xf32>,
          %parallel_loop3A_1071 = arith.constant 9 : i32
          %parallel_loop3A_1072 = arith.addi %parallel_loop3A_81, %parallel_loop3A_1071 : i32
          %parallel_loop3A_1073 = arith.index_cast %parallel_loop3A_1072 : i32 to index
          %parallel_loop3A_1074 = arith.constant 64 : index
          %parallel_loop3A_1075 = tpu.vector_load %arg14[%parallel_loop3A_1073, %parallel_loop3A_1074] {strides = array<i32>} : memref<80x128xf32, #tpu.memory_space<vmem>>, vector<16xf32>,
          %parallel_loop3A_1076 = arith.mulf %parallel_loop3A_1075, %parallel_loop3A_1026 : vector<16xf32>
          %parallel_loop3A_1077 = arith.constant 9 : i32
          %parallel_loop3A_1078 = arith.addi %parallel_loop3A_81, %parallel_loop3A_1077 : i32
          %parallel_loop3A_1079 = arith.index_cast %parallel_loop3A_1078 : i32 to index
          %parallel_loop3A_1080 = arith.constant 64 : index
          %parallel_loop3A_1081 = tpu.vector_load %arg14[%parallel_loop3A_1079, %parallel_loop3A_1080] {strides = array<i32>} : memref<80x128xf32, #tpu.memory_space<vmem>>, vector<16xf32>,
          tpu.vector_store %arg14[%parallel_loop3A_1079, %parallel_loop3A_1080], %parallel_loop3A_1076 {strides = array<i32>} : memref<80x128xf32, #tpu.memory_space<vmem>>, vector<16xf32>,
          %parallel_loop3A_1082 = arith.constant 9 : i32
          %parallel_loop3A_1083 = arith.addi %parallel_loop3A_81, %parallel_loop3A_1082 : i32
          %parallel_loop3A_1084 = arith.index_cast %parallel_loop3A_1083 : i32 to index
          %parallel_loop3A_1085 = arith.constant 80 : index
          %parallel_loop3A_1086 = tpu.vector_load %arg14[%parallel_loop3A_1084, %parallel_loop3A_1085] {strides = array<i32>} : memref<80x128xf32, #tpu.memory_space<vmem>>, vector<16xf32>,
          %parallel_loop3A_1087 = arith.mulf %parallel_loop3A_1086, %parallel_loop3A_1026 : vector<16xf32>
          %parallel_loop3A_1088 = arith.constant 9 : i32
          %parallel_loop3A_1089 = arith.addi %parallel_loop3A_81, %parallel_loop3A_1088 : i32
          %parallel_loop3A_1090 = arith.index_cast %parallel_loop3A_1089 : i32 to index
          %parallel_loop3A_1091 = arith.constant 80 : index
          %parallel_loop3A_1092 = tpu.vector_load %arg14[%parallel_loop3A_1090, %parallel_loop3A_1091] {strides = array<i32>} : memref<80x128xf32, #tpu.memory_space<vmem>>, vector<16xf32>,
          tpu.vector_store %arg14[%parallel_loop3A_1090, %parallel_loop3A_1091], %parallel_loop3A_1087 {strides = array<i32>} : memref<80x128xf32, #tpu.memory_space<vmem>>, vector<16xf32>,
          %parallel_loop3A_1093 = arith.constant 9 : i32
          %parallel_loop3A_1094 = arith.addi %parallel_loop3A_81, %parallel_loop3A_1093 : i32
          %parallel_loop3A_1095 = arith.index_cast %parallel_loop3A_1094 : i32 to index
          %parallel_loop3A_1096 = arith.constant 96 : index
          %parallel_loop3A_1097 = tpu.vector_load %arg14[%parallel_loop3A_1095, %parallel_loop3A_1096] {strides = array<i32>} : memref<80x128xf32, #tpu.memory_space<vmem>>, vector<16xf32>,
          %parallel_loop3A_1098 = arith.mulf %parallel_loop3A_1097, %parallel_loop3A_1026 : vector<16xf32>
          %parallel_loop3A_1099 = arith.constant 9 : i32
          %parallel_loop3A_1100 = arith.addi %parallel_loop3A_81, %parallel_loop3A_1099 : i32
          %parallel_loop3A_1101 = arith.index_cast %parallel_loop3A_1100 : i32 to index
          %parallel_loop3A_1102 = arith.constant 96 : index
          %parallel_loop3A_1103 = tpu.vector_load %arg14[%parallel_loop3A_1101, %parallel_loop3A_1102] {strides = array<i32>} : memref<80x128xf32, #tpu.memory_space<vmem>>, vector<16xf32>,
          tpu.vector_store %arg14[%parallel_loop3A_1101, %parallel_loop3A_1102], %parallel_loop3A_1098 {strides = array<i32>} : memref<80x128xf32, #tpu.memory_space<vmem>>, vector<16xf32>,
          %parallel_loop3A_1104 = arith.constant 9 : i32
          %parallel_loop3A_1105 = arith.addi %parallel_loop3A_81, %parallel_loop3A_1104 : i32
          %parallel_loop3A_1106 = arith.index_cast %parallel_loop3A_1105 : i32 to index
          %parallel_loop3A_1107 = arith.constant 112 : index
          %parallel_loop3A_1108 = tpu.vector_load %arg14[%parallel_loop3A_1106, %parallel_loop3A_1107] {strides = array<i32>} : memref<80x128xf32, #tpu.memory_space<vmem>>, vector<16xf32>,
          %parallel_loop3A_1109 = arith.mulf %parallel_loop3A_1108, %parallel_loop3A_1026 : vector<16xf32>
          %parallel_loop3A_1110 = arith.constant 9 : i32
          %parallel_loop3A_1111 = arith.addi %parallel_loop3A_81, %parallel_loop3A_1110 : i32
          %parallel_loop3A_1112 = arith.index_cast %parallel_loop3A_1111 : i32 to index
          %parallel_loop3A_1113 = arith.constant 112 : index
          %parallel_loop3A_1114 = tpu.vector_load %arg14[%parallel_loop3A_1112, %parallel_loop3A_1113] {strides = array<i32>} : memref<80x128xf32, #tpu.memory_space<vmem>>, vector<16xf32>,
          tpu.vector_store %arg14[%parallel_loop3A_1112, %parallel_loop3A_1113], %parallel_loop3A_1109 {strides = array<i32>} : memref<80x128xf32, #tpu.memory_space<vmem>>, vector<16xf32>,
          %parallel_loop3A_1115 = arith.constant 10 : i32
          %parallel_loop3A_1116 = vector.broadcast %parallel_loop3A_1115 : i32 to vector<16xi32>
          %parallel_loop3A_1117 = arith.constant 0 : i32
          %parallel_loop3A_1118 = vector.broadcast %parallel_loop3A_1117 : i32 to vector<16xi32>
          %parallel_loop3A_1119 = arith.cmpi slt, %parallel_loop3A_1116, %parallel_loop3A_1118 : vector<16xi32>
          %parallel_loop3A_1120 = arith.constant 16 : i32
          %parallel_loop3A_1121 = vector.broadcast %parallel_loop3A_1120 : i32 to vector<16xi32>
          %parallel_loop3A_1122 = arith.addi %parallel_loop3A_1116, %parallel_loop3A_1121 : vector<16xi32>
          %parallel_loop3A_1123 = arith.select %parallel_loop3A_1119, %parallel_loop3A_1122, %parallel_loop3A_1116 : vector<16xi1>, vector<16xi32>
          %parallel_loop3A_1124 = vector.shape_cast %parallel_loop3A_1123 : vector<16xi32> to vector<16x1xi32>
          %parallel_loop3A_1125 = vector.shape_cast %parallel_loop3A_1124 : vector<16x1xi32> to vector<16xi32>
          %parallel_loop3A_1126 = tpu.dynamic_gather %parallel_loop3A_114[%parallel_loop3A_1125] in [0] : vector<16xf32>, vector<16xi32> -> vector<16xf32>
          %parallel_loop3A_1127 = arith.constant 10 : i32
          %parallel_loop3A_1128 = arith.addi %parallel_loop3A_81, %parallel_loop3A_1127 : i32
          %parallel_loop3A_1129 = arith.index_cast %parallel_loop3A_1128 : i32 to index
          %parallel_loop3A_1130 = arith.constant 0 : index
          %parallel_loop3A_1131 = tpu.vector_load %arg14[%parallel_loop3A_1129, %parallel_loop3A_1130] {strides = array<i32>} : memref<80x128xf32, #tpu.memory_space<vmem>>, vector<16xf32>,
          %parallel_loop3A_1132 = arith.mulf %parallel_loop3A_1131, %parallel_loop3A_1126 : vector<16xf32>
          %parallel_loop3A_1133 = arith.constant 10 : i32
          %parallel_loop3A_1134 = arith.addi %parallel_loop3A_81, %parallel_loop3A_1133 : i32
          %parallel_loop3A_1135 = arith.index_cast %parallel_loop3A_1134 : i32 to index
          %parallel_loop3A_1136 = arith.constant 0 : index
          %parallel_loop3A_1137 = tpu.vector_load %arg14[%parallel_loop3A_1135, %parallel_loop3A_1136] {strides = array<i32>} : memref<80x128xf32, #tpu.memory_space<vmem>>, vector<16xf32>,
          tpu.vector_store %arg14[%parallel_loop3A_1135, %parallel_loop3A_1136], %parallel_loop3A_1132 {strides = array<i32>} : memref<80x128xf32, #tpu.memory_space<vmem>>, vector<16xf32>,
          %parallel_loop3A_1138 = arith.constant 10 : i32
          %parallel_loop3A_1139 = arith.addi %parallel_loop3A_81, %parallel_loop3A_1138 : i32
          %parallel_loop3A_1140 = arith.index_cast %parallel_loop3A_1139 : i32 to index
          %parallel_loop3A_1141 = arith.constant 16 : index
          %parallel_loop3A_1142 = tpu.vector_load %arg14[%parallel_loop3A_1140, %parallel_loop3A_1141] {strides = array<i32>} : memref<80x128xf32, #tpu.memory_space<vmem>>, vector<16xf32>,
          %parallel_loop3A_1143 = arith.mulf %parallel_loop3A_1142, %parallel_loop3A_1126 : vector<16xf32>
          %parallel_loop3A_1144 = arith.constant 10 : i32
          %parallel_loop3A_1145 = arith.addi %parallel_loop3A_81, %parallel_loop3A_1144 : i32
          %parallel_loop3A_1146 = arith.index_cast %parallel_loop3A_1145 : i32 to index
          %parallel_loop3A_1147 = arith.constant 16 : index
          %parallel_loop3A_1148 = tpu.vector_load %arg14[%parallel_loop3A_1146, %parallel_loop3A_1147] {strides = array<i32>} : memref<80x128xf32, #tpu.memory_space<vmem>>, vector<16xf32>,
          tpu.vector_store %arg14[%parallel_loop3A_1146, %parallel_loop3A_1147], %parallel_loop3A_1143 {strides = array<i32>} : memref<80x128xf32, #tpu.memory_space<vmem>>, vector<16xf32>,
          %parallel_loop3A_1149 = arith.constant 10 : i32
          %parallel_loop3A_1150 = arith.addi %parallel_loop3A_81, %parallel_loop3A_1149 : i32
          %parallel_loop3A_1151 = arith.index_cast %parallel_loop3A_1150 : i32 to index
          %parallel_loop3A_1152 = arith.constant 32 : index
          %parallel_loop3A_1153 = tpu.vector_load %arg14[%parallel_loop3A_1151, %parallel_loop3A_1152] {strides = array<i32>} : memref<80x128xf32, #tpu.memory_space<vmem>>, vector<16xf32>,
          %parallel_loop3A_1154 = arith.mulf %parallel_loop3A_1153, %parallel_loop3A_1126 : vector<16xf32>
          %parallel_loop3A_1155 = arith.constant 10 : i32
          %parallel_loop3A_1156 = arith.addi %parallel_loop3A_81, %parallel_loop3A_1155 : i32
          %parallel_loop3A_1157 = arith.index_cast %parallel_loop3A_1156 : i32 to index
          %parallel_loop3A_1158 = arith.constant 32 : index
          %parallel_loop3A_1159 = tpu.vector_load %arg14[%parallel_loop3A_1157, %parallel_loop3A_1158] {strides = array<i32>} : memref<80x128xf32, #tpu.memory_space<vmem>>, vector<16xf32>,
          tpu.vector_store %arg14[%parallel_loop3A_1157, %parallel_loop3A_1158], %parallel_loop3A_1154 {strides = array<i32>} : memref<80x128xf32, #tpu.memory_space<vmem>>, vector<16xf32>,
          %parallel_loop3A_1160 = arith.constant 10 : i32
          %parallel_loop3A_1161 = arith.addi %parallel_loop3A_81, %parallel_loop3A_1160 : i32
          %parallel_loop3A_1162 = arith.index_cast %parallel_loop3A_1161 : i32 to index
          %parallel_loop3A_1163 = arith.constant 48 : index
          %parallel_loop3A_1164 = tpu.vector_load %arg14[%parallel_loop3A_1162, %parallel_loop3A_1163] {strides = array<i32>} : memref<80x128xf32, #tpu.memory_space<vmem>>, vector<16xf32>,
          %parallel_loop3A_1165 = arith.mulf %parallel_loop3A_1164, %parallel_loop3A_1126 : vector<16xf32>
          %parallel_loop3A_1166 = arith.constant 10 : i32
          %parallel_loop3A_1167 = arith.addi %parallel_loop3A_81, %parallel_loop3A_1166 : i32
          %parallel_loop3A_1168 = arith.index_cast %parallel_loop3A_1167 : i32 to index
          %parallel_loop3A_1169 = arith.constant 48 : index
          %parallel_loop3A_1170 = tpu.vector_load %arg14[%parallel_loop3A_1168, %parallel_loop3A_1169] {strides = array<i32>} : memref<80x128xf32, #tpu.memory_space<vmem>>, vector<16xf32>,
          tpu.vector_store %arg14[%parallel_loop3A_1168, %parallel_loop3A_1169], %parallel_loop3A_1165 {strides = array<i32>} : memref<80x128xf32, #tpu.memory_space<vmem>>, vector<16xf32>,
          %parallel_loop3A_1171 = arith.constant 10 : i32
          %parallel_loop3A_1172 = arith.addi %parallel_loop3A_81, %parallel_loop3A_1171 : i32
          %parallel_loop3A_1173 = arith.index_cast %parallel_loop3A_1172 : i32 to index
          %parallel_loop3A_1174 = arith.constant 64 : index
          %parallel_loop3A_1175 = tpu.vector_load %arg14[%parallel_loop3A_1173, %parallel_loop3A_1174] {strides = array<i32>} : memref<80x128xf32, #tpu.memory_space<vmem>>, vector<16xf32>,
          %parallel_loop3A_1176 = arith.mulf %parallel_loop3A_1175, %parallel_loop3A_1126 : vector<16xf32>
          %parallel_loop3A_1177 = arith.constant 10 : i32
          %parallel_loop3A_1178 = arith.addi %parallel_loop3A_81, %parallel_loop3A_1177 : i32
          %parallel_loop3A_1179 = arith.index_cast %parallel_loop3A_1178 : i32 to index
          %parallel_loop3A_1180 = arith.constant 64 : index
          %parallel_loop3A_1181 = tpu.vector_load %arg14[%parallel_loop3A_1179, %parallel_loop3A_1180] {strides = array<i32>} : memref<80x128xf32, #tpu.memory_space<vmem>>, vector<16xf32>,
          tpu.vector_store %arg14[%parallel_loop3A_1179, %parallel_loop3A_1180], %parallel_loop3A_1176 {strides = array<i32>} : memref<80x128xf32, #tpu.memory_space<vmem>>, vector<16xf32>,
          %parallel_loop3A_1182 = arith.constant 10 : i32
          %parallel_loop3A_1183 = arith.addi %parallel_loop3A_81, %parallel_loop3A_1182 : i32
          %parallel_loop3A_1184 = arith.index_cast %parallel_loop3A_1183 : i32 to index
          %parallel_loop3A_1185 = arith.constant 80 : index
          %parallel_loop3A_1186 = tpu.vector_load %arg14[%parallel_loop3A_1184, %parallel_loop3A_1185] {strides = array<i32>} : memref<80x128xf32, #tpu.memory_space<vmem>>, vector<16xf32>,
          %parallel_loop3A_1187 = arith.mulf %parallel_loop3A_1186, %parallel_loop3A_1126 : vector<16xf32>
          %parallel_loop3A_1188 = arith.constant 10 : i32
          %parallel_loop3A_1189 = arith.addi %parallel_loop3A_81, %parallel_loop3A_1188 : i32
          %parallel_loop3A_1190 = arith.index_cast %parallel_loop3A_1189 : i32 to index
          %parallel_loop3A_1191 = arith.constant 80 : index
          %parallel_loop3A_1192 = tpu.vector_load %arg14[%parallel_loop3A_1190, %parallel_loop3A_1191] {strides = array<i32>} : memref<80x128xf32, #tpu.memory_space<vmem>>, vector<16xf32>,
          tpu.vector_store %arg14[%parallel_loop3A_1190, %parallel_loop3A_1191], %parallel_loop3A_1187 {strides = array<i32>} : memref<80x128xf32, #tpu.memory_space<vmem>>, vector<16xf32>,
          %parallel_loop3A_1193 = arith.constant 10 : i32
          %parallel_loop3A_1194 = arith.addi %parallel_loop3A_81, %parallel_loop3A_1193 : i32
          %parallel_loop3A_1195 = arith.index_cast %parallel_loop3A_1194 : i32 to index
          %parallel_loop3A_1196 = arith.constant 96 : index
          %parallel_loop3A_1197 = tpu.vector_load %arg14[%parallel_loop3A_1195, %parallel_loop3A_1196] {strides = array<i32>} : memref<80x128xf32, #tpu.memory_space<vmem>>, vector<16xf32>,
          %parallel_loop3A_1198 = arith.mulf %parallel_loop3A_1197, %parallel_loop3A_1126 : vector<16xf32>
          %parallel_loop3A_1199 = arith.constant 10 : i32
          %parallel_loop3A_1200 = arith.addi %parallel_loop3A_81, %parallel_loop3A_1199 : i32
          %parallel_loop3A_1201 = arith.index_cast %parallel_loop3A_1200 : i32 to index
          %parallel_loop3A_1202 = arith.constant 96 : index
          %parallel_loop3A_1203 = tpu.vector_load %arg14[%parallel_loop3A_1201, %parallel_loop3A_1202] {strides = array<i32>} : memref<80x128xf32, #tpu.memory_space<vmem>>, vector<16xf32>,
          tpu.vector_store %arg14[%parallel_loop3A_1201, %parallel_loop3A_1202], %parallel_loop3A_1198 {strides = array<i32>} : memref<80x128xf32, #tpu.memory_space<vmem>>, vector<16xf32>,
          %parallel_loop3A_1204 = arith.constant 10 : i32
          %parallel_loop3A_1205 = arith.addi %parallel_loop3A_81, %parallel_loop3A_1204 : i32
          %parallel_loop3A_1206 = arith.index_cast %parallel_loop3A_1205 : i32 to index
          %parallel_loop3A_1207 = arith.constant 112 : index
          %parallel_loop3A_1208 = tpu.vector_load %arg14[%parallel_loop3A_1206, %parallel_loop3A_1207] {strides = array<i32>} : memref<80x128xf32, #tpu.memory_space<vmem>>, vector<16xf32>,
          %parallel_loop3A_1209 = arith.mulf %parallel_loop3A_1208, %parallel_loop3A_1126 : vector<16xf32>
          %parallel_loop3A_1210 = arith.constant 10 : i32
          %parallel_loop3A_1211 = arith.addi %parallel_loop3A_81, %parallel_loop3A_1210 : i32
          %parallel_loop3A_1212 = arith.index_cast %parallel_loop3A_1211 : i32 to index
          %parallel_loop3A_1213 = arith.constant 112 : index
          %parallel_loop3A_1214 = tpu.vector_load %arg14[%parallel_loop3A_1212, %parallel_loop3A_1213] {strides = array<i32>} : memref<80x128xf32, #tpu.memory_space<vmem>>, vector<16xf32>,
          tpu.vector_store %arg14[%parallel_loop3A_1212, %parallel_loop3A_1213], %parallel_loop3A_1209 {strides = array<i32>} : memref<80x128xf32, #tpu.memory_space<vmem>>, vector<16xf32>,
          %parallel_loop3A_1215 = arith.constant 11 : i32
          %parallel_loop3A_1216 = vector.broadcast %parallel_loop3A_1215 : i32 to vector<16xi32>
          %parallel_loop3A_1217 = arith.constant 0 : i32
          %parallel_loop3A_1218 = vector.broadcast %parallel_loop3A_1217 : i32 to vector<16xi32>
          %parallel_loop3A_1219 = arith.cmpi slt, %parallel_loop3A_1216, %parallel_loop3A_1218 : vector<16xi32>
          %parallel_loop3A_1220 = arith.constant 16 : i32
          %parallel_loop3A_1221 = vector.broadcast %parallel_loop3A_1220 : i32 to vector<16xi32>
          %parallel_loop3A_1222 = arith.addi %parallel_loop3A_1216, %parallel_loop3A_1221 : vector<16xi32>
          %parallel_loop3A_1223 = arith.select %parallel_loop3A_1219, %parallel_loop3A_1222, %parallel_loop3A_1216 : vector<16xi1>, vector<16xi32>
          %parallel_loop3A_1224 = vector.shape_cast %parallel_loop3A_1223 : vector<16xi32> to vector<16x1xi32>
          %parallel_loop3A_1225 = vector.shape_cast %parallel_loop3A_1224 : vector<16x1xi32> to vector<16xi32>
          %parallel_loop3A_1226 = tpu.dynamic_gather %parallel_loop3A_114[%parallel_loop3A_1225] in [0] : vector<16xf32>, vector<16xi32> -> vector<16xf32>
          %parallel_loop3A_1227 = arith.constant 11 : i32
          %parallel_loop3A_1228 = arith.addi %parallel_loop3A_81, %parallel_loop3A_1227 : i32
          %parallel_loop3A_1229 = arith.index_cast %parallel_loop3A_1228 : i32 to index
          %parallel_loop3A_1230 = arith.constant 0 : index
          %parallel_loop3A_1231 = tpu.vector_load %arg14[%parallel_loop3A_1229, %parallel_loop3A_1230] {strides = array<i32>} : memref<80x128xf32, #tpu.memory_space<vmem>>, vector<16xf32>,
          %parallel_loop3A_1232 = arith.mulf %parallel_loop3A_1231, %parallel_loop3A_1226 : vector<16xf32>
          %parallel_loop3A_1233 = arith.constant 11 : i32
          %parallel_loop3A_1234 = arith.addi %parallel_loop3A_81, %parallel_loop3A_1233 : i32
          %parallel_loop3A_1235 = arith.index_cast %parallel_loop3A_1234 : i32 to index
          %parallel_loop3A_1236 = arith.constant 0 : index
          %parallel_loop3A_1237 = tpu.vector_load %arg14[%parallel_loop3A_1235, %parallel_loop3A_1236] {strides = array<i32>} : memref<80x128xf32, #tpu.memory_space<vmem>>, vector<16xf32>,
          tpu.vector_store %arg14[%parallel_loop3A_1235, %parallel_loop3A_1236], %parallel_loop3A_1232 {strides = array<i32>} : memref<80x128xf32, #tpu.memory_space<vmem>>, vector<16xf32>,
          %parallel_loop3A_1238 = arith.constant 11 : i32
          %parallel_loop3A_1239 = arith.addi %parallel_loop3A_81, %parallel_loop3A_1238 : i32
          %parallel_loop3A_1240 = arith.index_cast %parallel_loop3A_1239 : i32 to index
          %parallel_loop3A_1241 = arith.constant 16 : index
          %parallel_loop3A_1242 = tpu.vector_load %arg14[%parallel_loop3A_1240, %parallel_loop3A_1241] {strides = array<i32>} : memref<80x128xf32, #tpu.memory_space<vmem>>, vector<16xf32>,
          %parallel_loop3A_1243 = arith.mulf %parallel_loop3A_1242, %parallel_loop3A_1226 : vector<16xf32>
          %parallel_loop3A_1244 = arith.constant 11 : i32
          %parallel_loop3A_1245 = arith.addi %parallel_loop3A_81, %parallel_loop3A_1244 : i32
          %parallel_loop3A_1246 = arith.index_cast %parallel_loop3A_1245 : i32 to index
          %parallel_loop3A_1247 = arith.constant 16 : index
          %parallel_loop3A_1248 = tpu.vector_load %arg14[%parallel_loop3A_1246, %parallel_loop3A_1247] {strides = array<i32>} : memref<80x128xf32, #tpu.memory_space<vmem>>, vector<16xf32>,
          tpu.vector_store %arg14[%parallel_loop3A_1246, %parallel_loop3A_1247], %parallel_loop3A_1243 {strides = array<i32>} : memref<80x128xf32, #tpu.memory_space<vmem>>, vector<16xf32>,
          %parallel_loop3A_1249 = arith.constant 11 : i32
          %parallel_loop3A_1250 = arith.addi %parallel_loop3A_81, %parallel_loop3A_1249 : i32
          %parallel_loop3A_1251 = arith.index_cast %parallel_loop3A_1250 : i32 to index
          %parallel_loop3A_1252 = arith.constant 32 : index
          %parallel_loop3A_1253 = tpu.vector_load %arg14[%parallel_loop3A_1251, %parallel_loop3A_1252] {strides = array<i32>} : memref<80x128xf32, #tpu.memory_space<vmem>>, vector<16xf32>,
          %parallel_loop3A_1254 = arith.mulf %parallel_loop3A_1253, %parallel_loop3A_1226 : vector<16xf32>
          %parallel_loop3A_1255 = arith.constant 11 : i32
          %parallel_loop3A_1256 = arith.addi %parallel_loop3A_81, %parallel_loop3A_1255 : i32
          %parallel_loop3A_1257 = arith.index_cast %parallel_loop3A_1256 : i32 to index
          %parallel_loop3A_1258 = arith.constant 32 : index
          %parallel_loop3A_1259 = tpu.vector_load %arg14[%parallel_loop3A_1257, %parallel_loop3A_1258] {strides = array<i32>} : memref<80x128xf32, #tpu.memory_space<vmem>>, vector<16xf32>,
          tpu.vector_store %arg14[%parallel_loop3A_1257, %parallel_loop3A_1258], %parallel_loop3A_1254 {strides = array<i32>} : memref<80x128xf32, #tpu.memory_space<vmem>>, vector<16xf32>,
          %parallel_loop3A_1260 = arith.constant 11 : i32
          %parallel_loop3A_1261 = arith.addi %parallel_loop3A_81, %parallel_loop3A_1260 : i32
          %parallel_loop3A_1262 = arith.index_cast %parallel_loop3A_1261 : i32 to index
          %parallel_loop3A_1263 = arith.constant 48 : index
          %parallel_loop3A_1264 = tpu.vector_load %arg14[%parallel_loop3A_1262, %parallel_loop3A_1263] {strides = array<i32>} : memref<80x128xf32, #tpu.memory_space<vmem>>, vector<16xf32>,
          %parallel_loop3A_1265 = arith.mulf %parallel_loop3A_1264, %parallel_loop3A_1226 : vector<16xf32>
          %parallel_loop3A_1266 = arith.constant 11 : i32
          %parallel_loop3A_1267 = arith.addi %parallel_loop3A_81, %parallel_loop3A_1266 : i32
          %parallel_loop3A_1268 = arith.index_cast %parallel_loop3A_1267 : i32 to index
          %parallel_loop3A_1269 = arith.constant 48 : index
          %parallel_loop3A_1270 = tpu.vector_load %arg14[%parallel_loop3A_1268, %parallel_loop3A_1269] {strides = array<i32>} : memref<80x128xf32, #tpu.memory_space<vmem>>, vector<16xf32>,
          tpu.vector_store %arg14[%parallel_loop3A_1268, %parallel_loop3A_1269], %parallel_loop3A_1265 {strides = array<i32>} : memref<80x128xf32, #tpu.memory_space<vmem>>, vector<16xf32>,
          %parallel_loop3A_1271 = arith.constant 11 : i32
          %parallel_loop3A_1272 = arith.addi %parallel_loop3A_81, %parallel_loop3A_1271 : i32
          %parallel_loop3A_1273 = arith.index_cast %parallel_loop3A_1272 : i32 to index
          %parallel_loop3A_1274 = arith.constant 64 : index
          %parallel_loop3A_1275 = tpu.vector_load %arg14[%parallel_loop3A_1273, %parallel_loop3A_1274] {strides = array<i32>} : memref<80x128xf32, #tpu.memory_space<vmem>>, vector<16xf32>,
          %parallel_loop3A_1276 = arith.mulf %parallel_loop3A_1275, %parallel_loop3A_1226 : vector<16xf32>
          %parallel_loop3A_1277 = arith.constant 11 : i32
          %parallel_loop3A_1278 = arith.addi %parallel_loop3A_81, %parallel_loop3A_1277 : i32
          %parallel_loop3A_1279 = arith.index_cast %parallel_loop3A_1278 : i32 to index
          %parallel_loop3A_1280 = arith.constant 64 : index
          %parallel_loop3A_1281 = tpu.vector_load %arg14[%parallel_loop3A_1279, %parallel_loop3A_1280] {strides = array<i32>} : memref<80x128xf32, #tpu.memory_space<vmem>>, vector<16xf32>,
          tpu.vector_store %arg14[%parallel_loop3A_1279, %parallel_loop3A_1280], %parallel_loop3A_1276 {strides = array<i32>} : memref<80x128xf32, #tpu.memory_space<vmem>>, vector<16xf32>,
          %parallel_loop3A_1282 = arith.constant 11 : i32
          %parallel_loop3A_1283 = arith.addi %parallel_loop3A_81, %parallel_loop3A_1282 : i32
          %parallel_loop3A_1284 = arith.index_cast %parallel_loop3A_1283 : i32 to index
          %parallel_loop3A_1285 = arith.constant 80 : index
          %parallel_loop3A_1286 = tpu.vector_load %arg14[%parallel_loop3A_1284, %parallel_loop3A_1285] {strides = array<i32>} : memref<80x128xf32, #tpu.memory_space<vmem>>, vector<16xf32>,
          %parallel_loop3A_1287 = arith.mulf %parallel_loop3A_1286, %parallel_loop3A_1226 : vector<16xf32>
          %parallel_loop3A_1288 = arith.constant 11 : i32
          %parallel_loop3A_1289 = arith.addi %parallel_loop3A_81, %parallel_loop3A_1288 : i32
          %parallel_loop3A_1290 = arith.index_cast %parallel_loop3A_1289 : i32 to index
          %parallel_loop3A_1291 = arith.constant 80 : index
          %parallel_loop3A_1292 = tpu.vector_load %arg14[%parallel_loop3A_1290, %parallel_loop3A_1291] {strides = array<i32>} : memref<80x128xf32, #tpu.memory_space<vmem>>, vector<16xf32>,
          tpu.vector_store %arg14[%parallel_loop3A_1290, %parallel_loop3A_1291], %parallel_loop3A_1287 {strides = array<i32>} : memref<80x128xf32, #tpu.memory_space<vmem>>, vector<16xf32>,
          %parallel_loop3A_1293 = arith.constant 11 : i32
          %parallel_loop3A_1294 = arith.addi %parallel_loop3A_81, %parallel_loop3A_1293 : i32
          %parallel_loop3A_1295 = arith.index_cast %parallel_loop3A_1294 : i32 to index
          %parallel_loop3A_1296 = arith.constant 96 : index
          %parallel_loop3A_1297 = tpu.vector_load %arg14[%parallel_loop3A_1295, %parallel_loop3A_1296] {strides = array<i32>} : memref<80x128xf32, #tpu.memory_space<vmem>>, vector<16xf32>,
          %parallel_loop3A_1298 = arith.mulf %parallel_loop3A_1297, %parallel_loop3A_1226 : vector<16xf32>
          %parallel_loop3A_1299 = arith.constant 11 : i32
          %parallel_loop3A_1300 = arith.addi %parallel_loop3A_81, %parallel_loop3A_1299 : i32
          %parallel_loop3A_1301 = arith.index_cast %parallel_loop3A_1300 : i32 to index
          %parallel_loop3A_1302 = arith.constant 96 : index
          %parallel_loop3A_1303 = tpu.vector_load %arg14[%parallel_loop3A_1301, %parallel_loop3A_1302] {strides = array<i32>} : memref<80x128xf32, #tpu.memory_space<vmem>>, vector<16xf32>,
          tpu.vector_store %arg14[%parallel_loop3A_1301, %parallel_loop3A_1302], %parallel_loop3A_1298 {strides = array<i32>} : memref<80x128xf32, #tpu.memory_space<vmem>>, vector<16xf32>,
          %parallel_loop3A_1304 = arith.constant 11 : i32
          %parallel_loop3A_1305 = arith.addi %parallel_loop3A_81, %parallel_loop3A_1304 : i32
          %parallel_loop3A_1306 = arith.index_cast %parallel_loop3A_1305 : i32 to index
          %parallel_loop3A_1307 = arith.constant 112 : index
          %parallel_loop3A_1308 = tpu.vector_load %arg14[%parallel_loop3A_1306, %parallel_loop3A_1307] {strides = array<i32>} : memref<80x128xf32, #tpu.memory_space<vmem>>, vector<16xf32>,
          %parallel_loop3A_1309 = arith.mulf %parallel_loop3A_1308, %parallel_loop3A_1226 : vector<16xf32>
          %parallel_loop3A_1310 = arith.constant 11 : i32
          %parallel_loop3A_1311 = arith.addi %parallel_loop3A_81, %parallel_loop3A_1310 : i32
          %parallel_loop3A_1312 = arith.index_cast %parallel_loop3A_1311 : i32 to index
          %parallel_loop3A_1313 = arith.constant 112 : index
          %parallel_loop3A_1314 = tpu.vector_load %arg14[%parallel_loop3A_1312, %parallel_loop3A_1313] {strides = array<i32>} : memref<80x128xf32, #tpu.memory_space<vmem>>, vector<16xf32>,
          tpu.vector_store %arg14[%parallel_loop3A_1312, %parallel_loop3A_1313], %parallel_loop3A_1309 {strides = array<i32>} : memref<80x128xf32, #tpu.memory_space<vmem>>, vector<16xf32>,
          %parallel_loop3A_1315 = arith.constant 12 : i32
          %parallel_loop3A_1316 = vector.broadcast %parallel_loop3A_1315 : i32 to vector<16xi32>
          %parallel_loop3A_1317 = arith.constant 0 : i32
          %parallel_loop3A_1318 = vector.broadcast %parallel_loop3A_1317 : i32 to vector<16xi32>
          %parallel_loop3A_1319 = arith.cmpi slt, %parallel_loop3A_1316, %parallel_loop3A_1318 : vector<16xi32>
          %parallel_loop3A_1320 = arith.constant 16 : i32
          %parallel_loop3A_1321 = vector.broadcast %parallel_loop3A_1320 : i32 to vector<16xi32>
          %parallel_loop3A_1322 = arith.addi %parallel_loop3A_1316, %parallel_loop3A_1321 : vector<16xi32>
          %parallel_loop3A_1323 = arith.select %parallel_loop3A_1319, %parallel_loop3A_1322, %parallel_loop3A_1316 : vector<16xi1>, vector<16xi32>
          %parallel_loop3A_1324 = vector.shape_cast %parallel_loop3A_1323 : vector<16xi32> to vector<16x1xi32>
          %parallel_loop3A_1325 = vector.shape_cast %parallel_loop3A_1324 : vector<16x1xi32> to vector<16xi32>
          %parallel_loop3A_1326 = tpu.dynamic_gather %parallel_loop3A_114[%parallel_loop3A_1325] in [0] : vector<16xf32>, vector<16xi32> -> vector<16xf32>
          %parallel_loop3A_1327 = arith.constant 12 : i32
          %parallel_loop3A_1328 = arith.addi %parallel_loop3A_81, %parallel_loop3A_1327 : i32
          %parallel_loop3A_1329 = arith.index_cast %parallel_loop3A_1328 : i32 to index
          %parallel_loop3A_1330 = arith.constant 0 : index
          %parallel_loop3A_1331 = tpu.vector_load %arg14[%parallel_loop3A_1329, %parallel_loop3A_1330] {strides = array<i32>} : memref<80x128xf32, #tpu.memory_space<vmem>>, vector<16xf32>,
          %parallel_loop3A_1332 = arith.mulf %parallel_loop3A_1331, %parallel_loop3A_1326 : vector<16xf32>
          %parallel_loop3A_1333 = arith.constant 12 : i32
          %parallel_loop3A_1334 = arith.addi %parallel_loop3A_81, %parallel_loop3A_1333 : i32
          %parallel_loop3A_1335 = arith.index_cast %parallel_loop3A_1334 : i32 to index
          %parallel_loop3A_1336 = arith.constant 0 : index
          %parallel_loop3A_1337 = tpu.vector_load %arg14[%parallel_loop3A_1335, %parallel_loop3A_1336] {strides = array<i32>} : memref<80x128xf32, #tpu.memory_space<vmem>>, vector<16xf32>,
          tpu.vector_store %arg14[%parallel_loop3A_1335, %parallel_loop3A_1336], %parallel_loop3A_1332 {strides = array<i32>} : memref<80x128xf32, #tpu.memory_space<vmem>>, vector<16xf32>,
          %parallel_loop3A_1338 = arith.constant 12 : i32
          %parallel_loop3A_1339 = arith.addi %parallel_loop3A_81, %parallel_loop3A_1338 : i32
          %parallel_loop3A_1340 = arith.index_cast %parallel_loop3A_1339 : i32 to index
          %parallel_loop3A_1341 = arith.constant 16 : index
          %parallel_loop3A_1342 = tpu.vector_load %arg14[%parallel_loop3A_1340, %parallel_loop3A_1341] {strides = array<i32>} : memref<80x128xf32, #tpu.memory_space<vmem>>, vector<16xf32>,
          %parallel_loop3A_1343 = arith.mulf %parallel_loop3A_1342, %parallel_loop3A_1326 : vector<16xf32>
          %parallel_loop3A_1344 = arith.constant 12 : i32
          %parallel_loop3A_1345 = arith.addi %parallel_loop3A_81, %parallel_loop3A_1344 : i32
          %parallel_loop3A_1346 = arith.index_cast %parallel_loop3A_1345 : i32 to index
          %parallel_loop3A_1347 = arith.constant 16 : index
          %parallel_loop3A_1348 = tpu.vector_load %arg14[%parallel_loop3A_1346, %parallel_loop3A_1347] {strides = array<i32>} : memref<80x128xf32, #tpu.memory_space<vmem>>, vector<16xf32>,
          tpu.vector_store %arg14[%parallel_loop3A_1346, %parallel_loop3A_1347], %parallel_loop3A_1343 {strides = array<i32>} : memref<80x128xf32, #tpu.memory_space<vmem>>, vector<16xf32>,
          %parallel_loop3A_1349 = arith.constant 12 : i32
          %parallel_loop3A_1350 = arith.addi %parallel_loop3A_81, %parallel_loop3A_1349 : i32
          %parallel_loop3A_1351 = arith.index_cast %parallel_loop3A_1350 : i32 to index
          %parallel_loop3A_1352 = arith.constant 32 : index
          %parallel_loop3A_1353 = tpu.vector_load %arg14[%parallel_loop3A_1351, %parallel_loop3A_1352] {strides = array<i32>} : memref<80x128xf32, #tpu.memory_space<vmem>>, vector<16xf32>,
          %parallel_loop3A_1354 = arith.mulf %parallel_loop3A_1353, %parallel_loop3A_1326 : vector<16xf32>
          %parallel_loop3A_1355 = arith.constant 12 : i32
          %parallel_loop3A_1356 = arith.addi %parallel_loop3A_81, %parallel_loop3A_1355 : i32
          %parallel_loop3A_1357 = arith.index_cast %parallel_loop3A_1356 : i32 to index
          %parallel_loop3A_1358 = arith.constant 32 : index
          %parallel_loop3A_1359 = tpu.vector_load %arg14[%parallel_loop3A_1357, %parallel_loop3A_1358] {strides = array<i32>} : memref<80x128xf32, #tpu.memory_space<vmem>>, vector<16xf32>,
          tpu.vector_store %arg14[%parallel_loop3A_1357, %parallel_loop3A_1358], %parallel_loop3A_1354 {strides = array<i32>} : memref<80x128xf32, #tpu.memory_space<vmem>>, vector<16xf32>,
          %parallel_loop3A_1360 = arith.constant 12 : i32
          %parallel_loop3A_1361 = arith.addi %parallel_loop3A_81, %parallel_loop3A_1360 : i32
          %parallel_loop3A_1362 = arith.index_cast %parallel_loop3A_1361 : i32 to index
          %parallel_loop3A_1363 = arith.constant 48 : index
          %parallel_loop3A_1364 = tpu.vector_load %arg14[%parallel_loop3A_1362, %parallel_loop3A_1363] {strides = array<i32>} : memref<80x128xf32, #tpu.memory_space<vmem>>, vector<16xf32>,
          %parallel_loop3A_1365 = arith.mulf %parallel_loop3A_1364, %parallel_loop3A_1326 : vector<16xf32>
          %parallel_loop3A_1366 = arith.constant 12 : i32
          %parallel_loop3A_1367 = arith.addi %parallel_loop3A_81, %parallel_loop3A_1366 : i32
          %parallel_loop3A_1368 = arith.index_cast %parallel_loop3A_1367 : i32 to index
          %parallel_loop3A_1369 = arith.constant 48 : index
          %parallel_loop3A_1370 = tpu.vector_load %arg14[%parallel_loop3A_1368, %parallel_loop3A_1369] {strides = array<i32>} : memref<80x128xf32, #tpu.memory_space<vmem>>, vector<16xf32>,
          tpu.vector_store %arg14[%parallel_loop3A_1368, %parallel_loop3A_1369], %parallel_loop3A_1365 {strides = array<i32>} : memref<80x128xf32, #tpu.memory_space<vmem>>, vector<16xf32>,
          %parallel_loop3A_1371 = arith.constant 12 : i32
          %parallel_loop3A_1372 = arith.addi %parallel_loop3A_81, %parallel_loop3A_1371 : i32
          %parallel_loop3A_1373 = arith.index_cast %parallel_loop3A_1372 : i32 to index
          %parallel_loop3A_1374 = arith.constant 64 : index
          %parallel_loop3A_1375 = tpu.vector_load %arg14[%parallel_loop3A_1373, %parallel_loop3A_1374] {strides = array<i32>} : memref<80x128xf32, #tpu.memory_space<vmem>>, vector<16xf32>,
          %parallel_loop3A_1376 = arith.mulf %parallel_loop3A_1375, %parallel_loop3A_1326 : vector<16xf32>
          %parallel_loop3A_1377 = arith.constant 12 : i32
          %parallel_loop3A_1378 = arith.addi %parallel_loop3A_81, %parallel_loop3A_1377 : i32
          %parallel_loop3A_1379 = arith.index_cast %parallel_loop3A_1378 : i32 to index
          %parallel_loop3A_1380 = arith.constant 64 : index
          %parallel_loop3A_1381 = tpu.vector_load %arg14[%parallel_loop3A_1379, %parallel_loop3A_1380] {strides = array<i32>} : memref<80x128xf32, #tpu.memory_space<vmem>>, vector<16xf32>,
          tpu.vector_store %arg14[%parallel_loop3A_1379, %parallel_loop3A_1380], %parallel_loop3A_1376 {strides = array<i32>} : memref<80x128xf32, #tpu.memory_space<vmem>>, vector<16xf32>,
          %parallel_loop3A_1382 = arith.constant 12 : i32
          %parallel_loop3A_1383 = arith.addi %parallel_loop3A_81, %parallel_loop3A_1382 : i32
          %parallel_loop3A_1384 = arith.index_cast %parallel_loop3A_1383 : i32 to index
          %parallel_loop3A_1385 = arith.constant 80 : index
          %parallel_loop3A_1386 = tpu.vector_load %arg14[%parallel_loop3A_1384, %parallel_loop3A_1385] {strides = array<i32>} : memref<80x128xf32, #tpu.memory_space<vmem>>, vector<16xf32>,
          %parallel_loop3A_1387 = arith.mulf %parallel_loop3A_1386, %parallel_loop3A_1326 : vector<16xf32>
          %parallel_loop3A_1388 = arith.constant 12 : i32
          %parallel_loop3A_1389 = arith.addi %parallel_loop3A_81, %parallel_loop3A_1388 : i32
          %parallel_loop3A_1390 = arith.index_cast %parallel_loop3A_1389 : i32 to index
          %parallel_loop3A_1391 = arith.constant 80 : index
          %parallel_loop3A_1392 = tpu.vector_load %arg14[%parallel_loop3A_1390, %parallel_loop3A_1391] {strides = array<i32>} : memref<80x128xf32, #tpu.memory_space<vmem>>, vector<16xf32>,
          tpu.vector_store %arg14[%parallel_loop3A_1390, %parallel_loop3A_1391], %parallel_loop3A_1387 {strides = array<i32>} : memref<80x128xf32, #tpu.memory_space<vmem>>, vector<16xf32>,
          %parallel_loop3A_1393 = arith.constant 12 : i32
          %parallel_loop3A_1394 = arith.addi %parallel_loop3A_81, %parallel_loop3A_1393 : i32
          %parallel_loop3A_1395 = arith.index_cast %parallel_loop3A_1394 : i32 to index
          %parallel_loop3A_1396 = arith.constant 96 : index
          %parallel_loop3A_1397 = tpu.vector_load %arg14[%parallel_loop3A_1395, %parallel_loop3A_1396] {strides = array<i32>} : memref<80x128xf32, #tpu.memory_space<vmem>>, vector<16xf32>,
          %parallel_loop3A_1398 = arith.mulf %parallel_loop3A_1397, %parallel_loop3A_1326 : vector<16xf32>
          %parallel_loop3A_1399 = arith.constant 12 : i32
          %parallel_loop3A_1400 = arith.addi %parallel_loop3A_81, %parallel_loop3A_1399 : i32
          %parallel_loop3A_1401 = arith.index_cast %parallel_loop3A_1400 : i32 to index
          %parallel_loop3A_1402 = arith.constant 96 : index
          %parallel_loop3A_1403 = tpu.vector_load %arg14[%parallel_loop3A_1401, %parallel_loop3A_1402] {strides = array<i32>} : memref<80x128xf32, #tpu.memory_space<vmem>>, vector<16xf32>,
          tpu.vector_store %arg14[%parallel_loop3A_1401, %parallel_loop3A_1402], %parallel_loop3A_1398 {strides = array<i32>} : memref<80x128xf32, #tpu.memory_space<vmem>>, vector<16xf32>,
          %parallel_loop3A_1404 = arith.constant 12 : i32
          %parallel_loop3A_1405 = arith.addi %parallel_loop3A_81, %parallel_loop3A_1404 : i32
          %parallel_loop3A_1406 = arith.index_cast %parallel_loop3A_1405 : i32 to index
          %parallel_loop3A_1407 = arith.constant 112 : index
          %parallel_loop3A_1408 = tpu.vector_load %arg14[%parallel_loop3A_1406, %parallel_loop3A_1407] {strides = array<i32>} : memref<80x128xf32, #tpu.memory_space<vmem>>, vector<16xf32>,
          %parallel_loop3A_1409 = arith.mulf %parallel_loop3A_1408, %parallel_loop3A_1326 : vector<16xf32>
          %parallel_loop3A_1410 = arith.constant 12 : i32
          %parallel_loop3A_1411 = arith.addi %parallel_loop3A_81, %parallel_loop3A_1410 : i32
          %parallel_loop3A_1412 = arith.index_cast %parallel_loop3A_1411 : i32 to index
          %parallel_loop3A_1413 = arith.constant 112 : index
          %parallel_loop3A_1414 = tpu.vector_load %arg14[%parallel_loop3A_1412, %parallel_loop3A_1413] {strides = array<i32>} : memref<80x128xf32, #tpu.memory_space<vmem>>, vector<16xf32>,
          tpu.vector_store %arg14[%parallel_loop3A_1412, %parallel_loop3A_1413], %parallel_loop3A_1409 {strides = array<i32>} : memref<80x128xf32, #tpu.memory_space<vmem>>, vector<16xf32>,
          %parallel_loop3A_1415 = arith.constant 13 : i32
          %parallel_loop3A_1416 = vector.broadcast %parallel_loop3A_1415 : i32 to vector<16xi32>
          %parallel_loop3A_1417 = arith.constant 0 : i32
          %parallel_loop3A_1418 = vector.broadcast %parallel_loop3A_1417 : i32 to vector<16xi32>
          %parallel_loop3A_1419 = arith.cmpi slt, %parallel_loop3A_1416, %parallel_loop3A_1418 : vector<16xi32>
          %parallel_loop3A_1420 = arith.constant 16 : i32
          %parallel_loop3A_1421 = vector.broadcast %parallel_loop3A_1420 : i32 to vector<16xi32>
          %parallel_loop3A_1422 = arith.addi %parallel_loop3A_1416, %parallel_loop3A_1421 : vector<16xi32>
          %parallel_loop3A_1423 = arith.select %parallel_loop3A_1419, %parallel_loop3A_1422, %parallel_loop3A_1416 : vector<16xi1>, vector<16xi32>
          %parallel_loop3A_1424 = vector.shape_cast %parallel_loop3A_1423 : vector<16xi32> to vector<16x1xi32>
          %parallel_loop3A_1425 = vector.shape_cast %parallel_loop3A_1424 : vector<16x1xi32> to vector<16xi32>
          %parallel_loop3A_1426 = tpu.dynamic_gather %parallel_loop3A_114[%parallel_loop3A_1425] in [0] : vector<16xf32>, vector<16xi32> -> vector<16xf32>
          %parallel_loop3A_1427 = arith.constant 13 : i32
          %parallel_loop3A_1428 = arith.addi %parallel_loop3A_81, %parallel_loop3A_1427 : i32
          %parallel_loop3A_1429 = arith.index_cast %parallel_loop3A_1428 : i32 to index
          %parallel_loop3A_1430 = arith.constant 0 : index
          %parallel_loop3A_1431 = tpu.vector_load %arg14[%parallel_loop3A_1429, %parallel_loop3A_1430] {strides = array<i32>} : memref<80x128xf32, #tpu.memory_space<vmem>>, vector<16xf32>,
          %parallel_loop3A_1432 = arith.mulf %parallel_loop3A_1431, %parallel_loop3A_1426 : vector<16xf32>
          %parallel_loop3A_1433 = arith.constant 13 : i32
          %parallel_loop3A_1434 = arith.addi %parallel_loop3A_81, %parallel_loop3A_1433 : i32
          %parallel_loop3A_1435 = arith.index_cast %parallel_loop3A_1434 : i32 to index
          %parallel_loop3A_1436 = arith.constant 0 : index
          %parallel_loop3A_1437 = tpu.vector_load %arg14[%parallel_loop3A_1435, %parallel_loop3A_1436] {strides = array<i32>} : memref<80x128xf32, #tpu.memory_space<vmem>>, vector<16xf32>,
          tpu.vector_store %arg14[%parallel_loop3A_1435, %parallel_loop3A_1436], %parallel_loop3A_1432 {strides = array<i32>} : memref<80x128xf32, #tpu.memory_space<vmem>>, vector<16xf32>,
          %parallel_loop3A_1438 = arith.constant 13 : i32
          %parallel_loop3A_1439 = arith.addi %parallel_loop3A_81, %parallel_loop3A_1438 : i32
          %parallel_loop3A_1440 = arith.index_cast %parallel_loop3A_1439 : i32 to index
          %parallel_loop3A_1441 = arith.constant 16 : index
          %parallel_loop3A_1442 = tpu.vector_load %arg14[%parallel_loop3A_1440, %parallel_loop3A_1441] {strides = array<i32>} : memref<80x128xf32, #tpu.memory_space<vmem>>, vector<16xf32>,
          %parallel_loop3A_1443 = arith.mulf %parallel_loop3A_1442, %parallel_loop3A_1426 : vector<16xf32>
          %parallel_loop3A_1444 = arith.constant 13 : i32
          %parallel_loop3A_1445 = arith.addi %parallel_loop3A_81, %parallel_loop3A_1444 : i32
          %parallel_loop3A_1446 = arith.index_cast %parallel_loop3A_1445 : i32 to index
          %parallel_loop3A_1447 = arith.constant 16 : index
          %parallel_loop3A_1448 = tpu.vector_load %arg14[%parallel_loop3A_1446, %parallel_loop3A_1447] {strides = array<i32>} : memref<80x128xf32, #tpu.memory_space<vmem>>, vector<16xf32>,
          tpu.vector_store %arg14[%parallel_loop3A_1446, %parallel_loop3A_1447], %parallel_loop3A_1443 {strides = array<i32>} : memref<80x128xf32, #tpu.memory_space<vmem>>, vector<16xf32>,
          %parallel_loop3A_1449 = arith.constant 13 : i32
          %parallel_loop3A_1450 = arith.addi %parallel_loop3A_81, %parallel_loop3A_1449 : i32
          %parallel_loop3A_1451 = arith.index_cast %parallel_loop3A_1450 : i32 to index
          %parallel_loop3A_1452 = arith.constant 32 : index
          %parallel_loop3A_1453 = tpu.vector_load %arg14[%parallel_loop3A_1451, %parallel_loop3A_1452] {strides = array<i32>} : memref<80x128xf32, #tpu.memory_space<vmem>>, vector<16xf32>,
          %parallel_loop3A_1454 = arith.mulf %parallel_loop3A_1453, %parallel_loop3A_1426 : vector<16xf32>
          %parallel_loop3A_1455 = arith.constant 13 : i32
          %parallel_loop3A_1456 = arith.addi %parallel_loop3A_81, %parallel_loop3A_1455 : i32
          %parallel_loop3A_1457 = arith.index_cast %parallel_loop3A_1456 : i32 to index
          %parallel_loop3A_1458 = arith.constant 32 : index
          %parallel_loop3A_1459 = tpu.vector_load %arg14[%parallel_loop3A_1457, %parallel_loop3A_1458] {strides = array<i32>} : memref<80x128xf32, #tpu.memory_space<vmem>>, vector<16xf32>,
          tpu.vector_store %arg14[%parallel_loop3A_1457, %parallel_loop3A_1458], %parallel_loop3A_1454 {strides = array<i32>} : memref<80x128xf32, #tpu.memory_space<vmem>>, vector<16xf32>,
          %parallel_loop3A_1460 = arith.constant 13 : i32
          %parallel_loop3A_1461 = arith.addi %parallel_loop3A_81, %parallel_loop3A_1460 : i32
          %parallel_loop3A_1462 = arith.index_cast %parallel_loop3A_1461 : i32 to index
          %parallel_loop3A_1463 = arith.constant 48 : index
          %parallel_loop3A_1464 = tpu.vector_load %arg14[%parallel_loop3A_1462, %parallel_loop3A_1463] {strides = array<i32>} : memref<80x128xf32, #tpu.memory_space<vmem>>, vector<16xf32>,
          %parallel_loop3A_1465 = arith.mulf %parallel_loop3A_1464, %parallel_loop3A_1426 : vector<16xf32>
          %parallel_loop3A_1466 = arith.constant 13 : i32
          %parallel_loop3A_1467 = arith.addi %parallel_loop3A_81, %parallel_loop3A_1466 : i32
          %parallel_loop3A_1468 = arith.index_cast %parallel_loop3A_1467 : i32 to index
          %parallel_loop3A_1469 = arith.constant 48 : index
          %parallel_loop3A_1470 = tpu.vector_load %arg14[%parallel_loop3A_1468, %parallel_loop3A_1469] {strides = array<i32>} : memref<80x128xf32, #tpu.memory_space<vmem>>, vector<16xf32>,
          tpu.vector_store %arg14[%parallel_loop3A_1468, %parallel_loop3A_1469], %parallel_loop3A_1465 {strides = array<i32>} : memref<80x128xf32, #tpu.memory_space<vmem>>, vector<16xf32>,
          %parallel_loop3A_1471 = arith.constant 13 : i32
          %parallel_loop3A_1472 = arith.addi %parallel_loop3A_81, %parallel_loop3A_1471 : i32
          %parallel_loop3A_1473 = arith.index_cast %parallel_loop3A_1472 : i32 to index
          %parallel_loop3A_1474 = arith.constant 64 : index
          %parallel_loop3A_1475 = tpu.vector_load %arg14[%parallel_loop3A_1473, %parallel_loop3A_1474] {strides = array<i32>} : memref<80x128xf32, #tpu.memory_space<vmem>>, vector<16xf32>,
          %parallel_loop3A_1476 = arith.mulf %parallel_loop3A_1475, %parallel_loop3A_1426 : vector<16xf32>
          %parallel_loop3A_1477 = arith.constant 13 : i32
          %parallel_loop3A_1478 = arith.addi %parallel_loop3A_81, %parallel_loop3A_1477 : i32
          %parallel_loop3A_1479 = arith.index_cast %parallel_loop3A_1478 : i32 to index
          %parallel_loop3A_1480 = arith.constant 64 : index
          %parallel_loop3A_1481 = tpu.vector_load %arg14[%parallel_loop3A_1479, %parallel_loop3A_1480] {strides = array<i32>} : memref<80x128xf32, #tpu.memory_space<vmem>>, vector<16xf32>,
          tpu.vector_store %arg14[%parallel_loop3A_1479, %parallel_loop3A_1480], %parallel_loop3A_1476 {strides = array<i32>} : memref<80x128xf32, #tpu.memory_space<vmem>>, vector<16xf32>,
          %parallel_loop3A_1482 = arith.constant 13 : i32
          %parallel_loop3A_1483 = arith.addi %parallel_loop3A_81, %parallel_loop3A_1482 : i32
          %parallel_loop3A_1484 = arith.index_cast %parallel_loop3A_1483 : i32 to index
          %parallel_loop3A_1485 = arith.constant 80 : index
          %parallel_loop3A_1486 = tpu.vector_load %arg14[%parallel_loop3A_1484, %parallel_loop3A_1485] {strides = array<i32>} : memref<80x128xf32, #tpu.memory_space<vmem>>, vector<16xf32>,
          %parallel_loop3A_1487 = arith.mulf %parallel_loop3A_1486, %parallel_loop3A_1426 : vector<16xf32>
          %parallel_loop3A_1488 = arith.constant 13 : i32
          %parallel_loop3A_1489 = arith.addi %parallel_loop3A_81, %parallel_loop3A_1488 : i32
          %parallel_loop3A_1490 = arith.index_cast %parallel_loop3A_1489 : i32 to index
          %parallel_loop3A_1491 = arith.constant 80 : index
          %parallel_loop3A_1492 = tpu.vector_load %arg14[%parallel_loop3A_1490, %parallel_loop3A_1491] {strides = array<i32>} : memref<80x128xf32, #tpu.memory_space<vmem>>, vector<16xf32>,
          tpu.vector_store %arg14[%parallel_loop3A_1490, %parallel_loop3A_1491], %parallel_loop3A_1487 {strides = array<i32>} : memref<80x128xf32, #tpu.memory_space<vmem>>, vector<16xf32>,
          %parallel_loop3A_1493 = arith.constant 13 : i32
          %parallel_loop3A_1494 = arith.addi %parallel_loop3A_81, %parallel_loop3A_1493 : i32
          %parallel_loop3A_1495 = arith.index_cast %parallel_loop3A_1494 : i32 to index
          %parallel_loop3A_1496 = arith.constant 96 : index
          %parallel_loop3A_1497 = tpu.vector_load %arg14[%parallel_loop3A_1495, %parallel_loop3A_1496] {strides = array<i32>} : memref<80x128xf32, #tpu.memory_space<vmem>>, vector<16xf32>,
          %parallel_loop3A_1498 = arith.mulf %parallel_loop3A_1497, %parallel_loop3A_1426 : vector<16xf32>
          %parallel_loop3A_1499 = arith.constant 13 : i32
          %parallel_loop3A_1500 = arith.addi %parallel_loop3A_81, %parallel_loop3A_1499 : i32
          %parallel_loop3A_1501 = arith.index_cast %parallel_loop3A_1500 : i32 to index
          %parallel_loop3A_1502 = arith.constant 96 : index
          %parallel_loop3A_1503 = tpu.vector_load %arg14[%parallel_loop3A_1501, %parallel_loop3A_1502] {strides = array<i32>} : memref<80x128xf32, #tpu.memory_space<vmem>>, vector<16xf32>,
          tpu.vector_store %arg14[%parallel_loop3A_1501, %parallel_loop3A_1502], %parallel_loop3A_1498 {strides = array<i32>} : memref<80x128xf32, #tpu.memory_space<vmem>>, vector<16xf32>,
          %parallel_loop3A_1504 = arith.constant 13 : i32
          %parallel_loop3A_1505 = arith.addi %parallel_loop3A_81, %parallel_loop3A_1504 : i32
          %parallel_loop3A_1506 = arith.index_cast %parallel_loop3A_1505 : i32 to index
          %parallel_loop3A_1507 = arith.constant 112 : index
          %parallel_loop3A_1508 = tpu.vector_load %arg14[%parallel_loop3A_1506, %parallel_loop3A_1507] {strides = array<i32>} : memref<80x128xf32, #tpu.memory_space<vmem>>, vector<16xf32>,
          %parallel_loop3A_1509 = arith.mulf %parallel_loop3A_1508, %parallel_loop3A_1426 : vector<16xf32>
          %parallel_loop3A_1510 = arith.constant 13 : i32
          %parallel_loop3A_1511 = arith.addi %parallel_loop3A_81, %parallel_loop3A_1510 : i32
          %parallel_loop3A_1512 = arith.index_cast %parallel_loop3A_1511 : i32 to index
          %parallel_loop3A_1513 = arith.constant 112 : index
          %parallel_loop3A_1514 = tpu.vector_load %arg14[%parallel_loop3A_1512, %parallel_loop3A_1513] {strides = array<i32>} : memref<80x128xf32, #tpu.memory_space<vmem>>, vector<16xf32>,
          tpu.vector_store %arg14[%parallel_loop3A_1512, %parallel_loop3A_1513], %parallel_loop3A_1509 {strides = array<i32>} : memref<80x128xf32, #tpu.memory_space<vmem>>, vector<16xf32>,
          %parallel_loop3A_1515 = arith.constant 14 : i32
          %parallel_loop3A_1516 = vector.broadcast %parallel_loop3A_1515 : i32 to vector<16xi32>
          %parallel_loop3A_1517 = arith.constant 0 : i32
          %parallel_loop3A_1518 = vector.broadcast %parallel_loop3A_1517 : i32 to vector<16xi32>
          %parallel_loop3A_1519 = arith.cmpi slt, %parallel_loop3A_1516, %parallel_loop3A_1518 : vector<16xi32>
          %parallel_loop3A_1520 = arith.constant 16 : i32
          %parallel_loop3A_1521 = vector.broadcast %parallel_loop3A_1520 : i32 to vector<16xi32>
          %parallel_loop3A_1522 = arith.addi %parallel_loop3A_1516, %parallel_loop3A_1521 : vector<16xi32>
          %parallel_loop3A_1523 = arith.select %parallel_loop3A_1519, %parallel_loop3A_1522, %parallel_loop3A_1516 : vector<16xi1>, vector<16xi32>
          %parallel_loop3A_1524 = vector.shape_cast %parallel_loop3A_1523 : vector<16xi32> to vector<16x1xi32>
          %parallel_loop3A_1525 = vector.shape_cast %parallel_loop3A_1524 : vector<16x1xi32> to vector<16xi32>
          %parallel_loop3A_1526 = tpu.dynamic_gather %parallel_loop3A_114[%parallel_loop3A_1525] in [0] : vector<16xf32>, vector<16xi32> -> vector<16xf32>
          %parallel_loop3A_1527 = arith.constant 14 : i32
          %parallel_loop3A_1528 = arith.addi %parallel_loop3A_81, %parallel_loop3A_1527 : i32
          %parallel_loop3A_1529 = arith.index_cast %parallel_loop3A_1528 : i32 to index
          %parallel_loop3A_1530 = arith.constant 0 : index
          %parallel_loop3A_1531 = tpu.vector_load %arg14[%parallel_loop3A_1529, %parallel_loop3A_1530] {strides = array<i32>} : memref<80x128xf32, #tpu.memory_space<vmem>>, vector<16xf32>,
          %parallel_loop3A_1532 = arith.mulf %parallel_loop3A_1531, %parallel_loop3A_1526 : vector<16xf32>
          %parallel_loop3A_1533 = arith.constant 14 : i32
          %parallel_loop3A_1534 = arith.addi %parallel_loop3A_81, %parallel_loop3A_1533 : i32
          %parallel_loop3A_1535 = arith.index_cast %parallel_loop3A_1534 : i32 to index
          %parallel_loop3A_1536 = arith.constant 0 : index
          %parallel_loop3A_1537 = tpu.vector_load %arg14[%parallel_loop3A_1535, %parallel_loop3A_1536] {strides = array<i32>} : memref<80x128xf32, #tpu.memory_space<vmem>>, vector<16xf32>,
          tpu.vector_store %arg14[%parallel_loop3A_1535, %parallel_loop3A_1536], %parallel_loop3A_1532 {strides = array<i32>} : memref<80x128xf32, #tpu.memory_space<vmem>>, vector<16xf32>,
          %parallel_loop3A_1538 = arith.constant 14 : i32
          %parallel_loop3A_1539 = arith.addi %parallel_loop3A_81, %parallel_loop3A_1538 : i32
          %parallel_loop3A_1540 = arith.index_cast %parallel_loop3A_1539 : i32 to index
          %parallel_loop3A_1541 = arith.constant 16 : index
          %parallel_loop3A_1542 = tpu.vector_load %arg14[%parallel_loop3A_1540, %parallel_loop3A_1541] {strides = array<i32>} : memref<80x128xf32, #tpu.memory_space<vmem>>, vector<16xf32>,
          %parallel_loop3A_1543 = arith.mulf %parallel_loop3A_1542, %parallel_loop3A_1526 : vector<16xf32>
          %parallel_loop3A_1544 = arith.constant 14 : i32
          %parallel_loop3A_1545 = arith.addi %parallel_loop3A_81, %parallel_loop3A_1544 : i32
          %parallel_loop3A_1546 = arith.index_cast %parallel_loop3A_1545 : i32 to index
          %parallel_loop3A_1547 = arith.constant 16 : index
          %parallel_loop3A_1548 = tpu.vector_load %arg14[%parallel_loop3A_1546, %parallel_loop3A_1547] {strides = array<i32>} : memref<80x128xf32, #tpu.memory_space<vmem>>, vector<16xf32>,
          tpu.vector_store %arg14[%parallel_loop3A_1546, %parallel_loop3A_1547], %parallel_loop3A_1543 {strides = array<i32>} : memref<80x128xf32, #tpu.memory_space<vmem>>, vector<16xf32>,
          %parallel_loop3A_1549 = arith.constant 14 : i32
          %parallel_loop3A_1550 = arith.addi %parallel_loop3A_81, %parallel_loop3A_1549 : i32
          %parallel_loop3A_1551 = arith.index_cast %parallel_loop3A_1550 : i32 to index
          %parallel_loop3A_1552 = arith.constant 32 : index
          %parallel_loop3A_1553 = tpu.vector_load %arg14[%parallel_loop3A_1551, %parallel_loop3A_1552] {strides = array<i32>} : memref<80x128xf32, #tpu.memory_space<vmem>>, vector<16xf32>,
          %parallel_loop3A_1554 = arith.mulf %parallel_loop3A_1553, %parallel_loop3A_1526 : vector<16xf32>
          %parallel_loop3A_1555 = arith.constant 14 : i32
          %parallel_loop3A_1556 = arith.addi %parallel_loop3A_81, %parallel_loop3A_1555 : i32
          %parallel_loop3A_1557 = arith.index_cast %parallel_loop3A_1556 : i32 to index
          %parallel_loop3A_1558 = arith.constant 32 : index
          %parallel_loop3A_1559 = tpu.vector_load %arg14[%parallel_loop3A_1557, %parallel_loop3A_1558] {strides = array<i32>} : memref<80x128xf32, #tpu.memory_space<vmem>>, vector<16xf32>,
          tpu.vector_store %arg14[%parallel_loop3A_1557, %parallel_loop3A_1558], %parallel_loop3A_1554 {strides = array<i32>} : memref<80x128xf32, #tpu.memory_space<vmem>>, vector<16xf32>,
          %parallel_loop3A_1560 = arith.constant 14 : i32
          %parallel_loop3A_1561 = arith.addi %parallel_loop3A_81, %parallel_loop3A_1560 : i32
          %parallel_loop3A_1562 = arith.index_cast %parallel_loop3A_1561 : i32 to index
          %parallel_loop3A_1563 = arith.constant 48 : index
          %parallel_loop3A_1564 = tpu.vector_load %arg14[%parallel_loop3A_1562, %parallel_loop3A_1563] {strides = array<i32>} : memref<80x128xf32, #tpu.memory_space<vmem>>, vector<16xf32>,
          %parallel_loop3A_1565 = arith.mulf %parallel_loop3A_1564, %parallel_loop3A_1526 : vector<16xf32>
          %parallel_loop3A_1566 = arith.constant 14 : i32
          %parallel_loop3A_1567 = arith.addi %parallel_loop3A_81, %parallel_loop3A_1566 : i32
          %parallel_loop3A_1568 = arith.index_cast %parallel_loop3A_1567 : i32 to index
          %parallel_loop3A_1569 = arith.constant 48 : index
          %parallel_loop3A_1570 = tpu.vector_load %arg14[%parallel_loop3A_1568, %parallel_loop3A_1569] {strides = array<i32>} : memref<80x128xf32, #tpu.memory_space<vmem>>, vector<16xf32>,
          tpu.vector_store %arg14[%parallel_loop3A_1568, %parallel_loop3A_1569], %parallel_loop3A_1565 {strides = array<i32>} : memref<80x128xf32, #tpu.memory_space<vmem>>, vector<16xf32>,
          %parallel_loop3A_1571 = arith.constant 14 : i32
          %parallel_loop3A_1572 = arith.addi %parallel_loop3A_81, %parallel_loop3A_1571 : i32
          %parallel_loop3A_1573 = arith.index_cast %parallel_loop3A_1572 : i32 to index
          %parallel_loop3A_1574 = arith.constant 64 : index
          %parallel_loop3A_1575 = tpu.vector_load %arg14[%parallel_loop3A_1573, %parallel_loop3A_1574] {strides = array<i32>} : memref<80x128xf32, #tpu.memory_space<vmem>>, vector<16xf32>,
          %parallel_loop3A_1576 = arith.mulf %parallel_loop3A_1575, %parallel_loop3A_1526 : vector<16xf32>
          %parallel_loop3A_1577 = arith.constant 14 : i32
          %parallel_loop3A_1578 = arith.addi %parallel_loop3A_81, %parallel_loop3A_1577 : i32
          %parallel_loop3A_1579 = arith.index_cast %parallel_loop3A_1578 : i32 to index
          %parallel_loop3A_1580 = arith.constant 64 : index
          %parallel_loop3A_1581 = tpu.vector_load %arg14[%parallel_loop3A_1579, %parallel_loop3A_1580] {strides = array<i32>} : memref<80x128xf32, #tpu.memory_space<vmem>>, vector<16xf32>,
          tpu.vector_store %arg14[%parallel_loop3A_1579, %parallel_loop3A_1580], %parallel_loop3A_1576 {strides = array<i32>} : memref<80x128xf32, #tpu.memory_space<vmem>>, vector<16xf32>,
          %parallel_loop3A_1582 = arith.constant 14 : i32
          %parallel_loop3A_1583 = arith.addi %parallel_loop3A_81, %parallel_loop3A_1582 : i32
          %parallel_loop3A_1584 = arith.index_cast %parallel_loop3A_1583 : i32 to index
          %parallel_loop3A_1585 = arith.constant 80 : index
          %parallel_loop3A_1586 = tpu.vector_load %arg14[%parallel_loop3A_1584, %parallel_loop3A_1585] {strides = array<i32>} : memref<80x128xf32, #tpu.memory_space<vmem>>, vector<16xf32>,
          %parallel_loop3A_1587 = arith.mulf %parallel_loop3A_1586, %parallel_loop3A_1526 : vector<16xf32>
          %parallel_loop3A_1588 = arith.constant 14 : i32
          %parallel_loop3A_1589 = arith.addi %parallel_loop3A_81, %parallel_loop3A_1588 : i32
          %parallel_loop3A_1590 = arith.index_cast %parallel_loop3A_1589 : i32 to index
          %parallel_loop3A_1591 = arith.constant 80 : index
          %parallel_loop3A_1592 = tpu.vector_load %arg14[%parallel_loop3A_1590, %parallel_loop3A_1591] {strides = array<i32>} : memref<80x128xf32, #tpu.memory_space<vmem>>, vector<16xf32>,
          tpu.vector_store %arg14[%parallel_loop3A_1590, %parallel_loop3A_1591], %parallel_loop3A_1587 {strides = array<i32>} : memref<80x128xf32, #tpu.memory_space<vmem>>, vector<16xf32>,
          %parallel_loop3A_1593 = arith.constant 14 : i32
          %parallel_loop3A_1594 = arith.addi %parallel_loop3A_81, %parallel_loop3A_1593 : i32
          %parallel_loop3A_1595 = arith.index_cast %parallel_loop3A_1594 : i32 to index
          %parallel_loop3A_1596 = arith.constant 96 : index
          %parallel_loop3A_1597 = tpu.vector_load %arg14[%parallel_loop3A_1595, %parallel_loop3A_1596] {strides = array<i32>} : memref<80x128xf32, #tpu.memory_space<vmem>>, vector<16xf32>,
          %parallel_loop3A_1598 = arith.mulf %parallel_loop3A_1597, %parallel_loop3A_1526 : vector<16xf32>
          %parallel_loop3A_1599 = arith.constant 14 : i32
          %parallel_loop3A_1600 = arith.addi %parallel_loop3A_81, %parallel_loop3A_1599 : i32
          %parallel_loop3A_1601 = arith.index_cast %parallel_loop3A_1600 : i32 to index
          %parallel_loop3A_1602 = arith.constant 96 : index
          %parallel_loop3A_1603 = tpu.vector_load %arg14[%parallel_loop3A_1601, %parallel_loop3A_1602] {strides = array<i32>} : memref<80x128xf32, #tpu.memory_space<vmem>>, vector<16xf32>,
          tpu.vector_store %arg14[%parallel_loop3A_1601, %parallel_loop3A_1602], %parallel_loop3A_1598 {strides = array<i32>} : memref<80x128xf32, #tpu.memory_space<vmem>>, vector<16xf32>,
          %parallel_loop3A_1604 = arith.constant 14 : i32
          %parallel_loop3A_1605 = arith.addi %parallel_loop3A_81, %parallel_loop3A_1604 : i32
          %parallel_loop3A_1606 = arith.index_cast %parallel_loop3A_1605 : i32 to index
          %parallel_loop3A_1607 = arith.constant 112 : index
          %parallel_loop3A_1608 = tpu.vector_load %arg14[%parallel_loop3A_1606, %parallel_loop3A_1607] {strides = array<i32>} : memref<80x128xf32, #tpu.memory_space<vmem>>, vector<16xf32>,
          %parallel_loop3A_1609 = arith.mulf %parallel_loop3A_1608, %parallel_loop3A_1526 : vector<16xf32>
          %parallel_loop3A_1610 = arith.constant 14 : i32
          %parallel_loop3A_1611 = arith.addi %parallel_loop3A_81, %parallel_loop3A_1610 : i32
          %parallel_loop3A_1612 = arith.index_cast %parallel_loop3A_1611 : i32 to index
          %parallel_loop3A_1613 = arith.constant 112 : index
          %parallel_loop3A_1614 = tpu.vector_load %arg14[%parallel_loop3A_1612, %parallel_loop3A_1613] {strides = array<i32>} : memref<80x128xf32, #tpu.memory_space<vmem>>, vector<16xf32>,
          tpu.vector_store %arg14[%parallel_loop3A_1612, %parallel_loop3A_1613], %parallel_loop3A_1609 {strides = array<i32>} : memref<80x128xf32, #tpu.memory_space<vmem>>, vector<16xf32>,
          %parallel_loop3A_1615 = arith.constant 15 : i32
          %parallel_loop3A_1616 = vector.broadcast %parallel_loop3A_1615 : i32 to vector<16xi32>
          %parallel_loop3A_1617 = arith.constant 0 : i32
          %parallel_loop3A_1618 = vector.broadcast %parallel_loop3A_1617 : i32 to vector<16xi32>
          %parallel_loop3A_1619 = arith.cmpi slt, %parallel_loop3A_1616, %parallel_loop3A_1618 : vector<16xi32>
          %parallel_loop3A_1620 = arith.constant 16 : i32
          %parallel_loop3A_1621 = vector.broadcast %parallel_loop3A_1620 : i32 to vector<16xi32>
          %parallel_loop3A_1622 = arith.addi %parallel_loop3A_1616, %parallel_loop3A_1621 : vector<16xi32>
          %parallel_loop3A_1623 = arith.select %parallel_loop3A_1619, %parallel_loop3A_1622, %parallel_loop3A_1616 : vector<16xi1>, vector<16xi32>
          %parallel_loop3A_1624 = vector.shape_cast %parallel_loop3A_1623 : vector<16xi32> to vector<16x1xi32>
          %parallel_loop3A_1625 = vector.shape_cast %parallel_loop3A_1624 : vector<16x1xi32> to vector<16xi32>
          %parallel_loop3A_1626 = tpu.dynamic_gather %parallel_loop3A_114[%parallel_loop3A_1625] in [0] : vector<16xf32>, vector<16xi32> -> vector<16xf32>
          %parallel_loop3A_1627 = arith.constant 15 : i32
          %parallel_loop3A_1628 = arith.addi %parallel_loop3A_81, %parallel_loop3A_1627 : i32
          %parallel_loop3A_1629 = arith.index_cast %parallel_loop3A_1628 : i32 to index
          %parallel_loop3A_1630 = arith.constant 0 : index
          %parallel_loop3A_1631 = tpu.vector_load %arg14[%parallel_loop3A_1629, %parallel_loop3A_1630] {strides = array<i32>} : memref<80x128xf32, #tpu.memory_space<vmem>>, vector<16xf32>,
          %parallel_loop3A_1632 = arith.mulf %parallel_loop3A_1631, %parallel_loop3A_1626 : vector<16xf32>
          %parallel_loop3A_1633 = arith.constant 15 : i32
          %parallel_loop3A_1634 = arith.addi %parallel_loop3A_81, %parallel_loop3A_1633 : i32
          %parallel_loop3A_1635 = arith.index_cast %parallel_loop3A_1634 : i32 to index
          %parallel_loop3A_1636 = arith.constant 0 : index
          %parallel_loop3A_1637 = tpu.vector_load %arg14[%parallel_loop3A_1635, %parallel_loop3A_1636] {strides = array<i32>} : memref<80x128xf32, #tpu.memory_space<vmem>>, vector<16xf32>,
          tpu.vector_store %arg14[%parallel_loop3A_1635, %parallel_loop3A_1636], %parallel_loop3A_1632 {strides = array<i32>} : memref<80x128xf32, #tpu.memory_space<vmem>>, vector<16xf32>,
          %parallel_loop3A_1638 = arith.constant 15 : i32
          %parallel_loop3A_1639 = arith.addi %parallel_loop3A_81, %parallel_loop3A_1638 : i32
          %parallel_loop3A_1640 = arith.index_cast %parallel_loop3A_1639 : i32 to index
          %parallel_loop3A_1641 = arith.constant 16 : index
          %parallel_loop3A_1642 = tpu.vector_load %arg14[%parallel_loop3A_1640, %parallel_loop3A_1641] {strides = array<i32>} : memref<80x128xf32, #tpu.memory_space<vmem>>, vector<16xf32>,
          %parallel_loop3A_1643 = arith.mulf %parallel_loop3A_1642, %parallel_loop3A_1626 : vector<16xf32>
          %parallel_loop3A_1644 = arith.constant 15 : i32
          %parallel_loop3A_1645 = arith.addi %parallel_loop3A_81, %parallel_loop3A_1644 : i32
          %parallel_loop3A_1646 = arith.index_cast %parallel_loop3A_1645 : i32 to index
          %parallel_loop3A_1647 = arith.constant 16 : index
          %parallel_loop3A_1648 = tpu.vector_load %arg14[%parallel_loop3A_1646, %parallel_loop3A_1647] {strides = array<i32>} : memref<80x128xf32, #tpu.memory_space<vmem>>, vector<16xf32>,
          tpu.vector_store %arg14[%parallel_loop3A_1646, %parallel_loop3A_1647], %parallel_loop3A_1643 {strides = array<i32>} : memref<80x128xf32, #tpu.memory_space<vmem>>, vector<16xf32>,
          %parallel_loop3A_1649 = arith.constant 15 : i32
          %parallel_loop3A_1650 = arith.addi %parallel_loop3A_81, %parallel_loop3A_1649 : i32
          %parallel_loop3A_1651 = arith.index_cast %parallel_loop3A_1650 : i32 to index
          %parallel_loop3A_1652 = arith.constant 32 : index
          %parallel_loop3A_1653 = tpu.vector_load %arg14[%parallel_loop3A_1651, %parallel_loop3A_1652] {strides = array<i32>} : memref<80x128xf32, #tpu.memory_space<vmem>>, vector<16xf32>,
          %parallel_loop3A_1654 = arith.mulf %parallel_loop3A_1653, %parallel_loop3A_1626 : vector<16xf32>
          %parallel_loop3A_1655 = arith.constant 15 : i32
          %parallel_loop3A_1656 = arith.addi %parallel_loop3A_81, %parallel_loop3A_1655 : i32
          %parallel_loop3A_1657 = arith.index_cast %parallel_loop3A_1656 : i32 to index
          %parallel_loop3A_1658 = arith.constant 32 : index
          %parallel_loop3A_1659 = tpu.vector_load %arg14[%parallel_loop3A_1657, %parallel_loop3A_1658] {strides = array<i32>} : memref<80x128xf32, #tpu.memory_space<vmem>>, vector<16xf32>,
          tpu.vector_store %arg14[%parallel_loop3A_1657, %parallel_loop3A_1658], %parallel_loop3A_1654 {strides = array<i32>} : memref<80x128xf32, #tpu.memory_space<vmem>>, vector<16xf32>,
          %parallel_loop3A_1660 = arith.constant 15 : i32
          %parallel_loop3A_1661 = arith.addi %parallel_loop3A_81, %parallel_loop3A_1660 : i32
          %parallel_loop3A_1662 = arith.index_cast %parallel_loop3A_1661 : i32 to index
          %parallel_loop3A_1663 = arith.constant 48 : index
          %parallel_loop3A_1664 = tpu.vector_load %arg14[%parallel_loop3A_1662, %parallel_loop3A_1663] {strides = array<i32>} : memref<80x128xf32, #tpu.memory_space<vmem>>, vector<16xf32>,
          %parallel_loop3A_1665 = arith.mulf %parallel_loop3A_1664, %parallel_loop3A_1626 : vector<16xf32>
          %parallel_loop3A_1666 = arith.constant 15 : i32
          %parallel_loop3A_1667 = arith.addi %parallel_loop3A_81, %parallel_loop3A_1666 : i32
          %parallel_loop3A_1668 = arith.index_cast %parallel_loop3A_1667 : i32 to index
          %parallel_loop3A_1669 = arith.constant 48 : index
          %parallel_loop3A_1670 = tpu.vector_load %arg14[%parallel_loop3A_1668, %parallel_loop3A_1669] {strides = array<i32>} : memref<80x128xf32, #tpu.memory_space<vmem>>, vector<16xf32>,
          tpu.vector_store %arg14[%parallel_loop3A_1668, %parallel_loop3A_1669], %parallel_loop3A_1665 {strides = array<i32>} : memref<80x128xf32, #tpu.memory_space<vmem>>, vector<16xf32>,
          %parallel_loop3A_1671 = arith.constant 15 : i32
          %parallel_loop3A_1672 = arith.addi %parallel_loop3A_81, %parallel_loop3A_1671 : i32
          %parallel_loop3A_1673 = arith.index_cast %parallel_loop3A_1672 : i32 to index
          %parallel_loop3A_1674 = arith.constant 64 : index
          %parallel_loop3A_1675 = tpu.vector_load %arg14[%parallel_loop3A_1673, %parallel_loop3A_1674] {strides = array<i32>} : memref<80x128xf32, #tpu.memory_space<vmem>>, vector<16xf32>,
          %parallel_loop3A_1676 = arith.mulf %parallel_loop3A_1675, %parallel_loop3A_1626 : vector<16xf32>
          %parallel_loop3A_1677 = arith.constant 15 : i32
          %parallel_loop3A_1678 = arith.addi %parallel_loop3A_81, %parallel_loop3A_1677 : i32
          %parallel_loop3A_1679 = arith.index_cast %parallel_loop3A_1678 : i32 to index
          %parallel_loop3A_1680 = arith.constant 64 : index
          %parallel_loop3A_1681 = tpu.vector_load %arg14[%parallel_loop3A_1679, %parallel_loop3A_1680] {strides = array<i32>} : memref<80x128xf32, #tpu.memory_space<vmem>>, vector<16xf32>,
          tpu.vector_store %arg14[%parallel_loop3A_1679, %parallel_loop3A_1680], %parallel_loop3A_1676 {strides = array<i32>} : memref<80x128xf32, #tpu.memory_space<vmem>>, vector<16xf32>,
          %parallel_loop3A_1682 = arith.constant 15 : i32
          %parallel_loop3A_1683 = arith.addi %parallel_loop3A_81, %parallel_loop3A_1682 : i32
          %parallel_loop3A_1684 = arith.index_cast %parallel_loop3A_1683 : i32 to index
          %parallel_loop3A_1685 = arith.constant 80 : index
          %parallel_loop3A_1686 = tpu.vector_load %arg14[%parallel_loop3A_1684, %parallel_loop3A_1685] {strides = array<i32>} : memref<80x128xf32, #tpu.memory_space<vmem>>, vector<16xf32>,
          %parallel_loop3A_1687 = arith.mulf %parallel_loop3A_1686, %parallel_loop3A_1626 : vector<16xf32>
          %parallel_loop3A_1688 = arith.constant 15 : i32
          %parallel_loop3A_1689 = arith.addi %parallel_loop3A_81, %parallel_loop3A_1688 : i32
          %parallel_loop3A_1690 = arith.index_cast %parallel_loop3A_1689 : i32 to index
          %parallel_loop3A_1691 = arith.constant 80 : index
          %parallel_loop3A_1692 = tpu.vector_load %arg14[%parallel_loop3A_1690, %parallel_loop3A_1691] {strides = array<i32>} : memref<80x128xf32, #tpu.memory_space<vmem>>, vector<16xf32>,
          tpu.vector_store %arg14[%parallel_loop3A_1690, %parallel_loop3A_1691], %parallel_loop3A_1687 {strides = array<i32>} : memref<80x128xf32, #tpu.memory_space<vmem>>, vector<16xf32>,
          %parallel_loop3A_1693 = arith.constant 15 : i32
          %parallel_loop3A_1694 = arith.addi %parallel_loop3A_81, %parallel_loop3A_1693 : i32
          %parallel_loop3A_1695 = arith.index_cast %parallel_loop3A_1694 : i32 to index
          %parallel_loop3A_1696 = arith.constant 96 : index
          %parallel_loop3A_1697 = tpu.vector_load %arg14[%parallel_loop3A_1695, %parallel_loop3A_1696] {strides = array<i32>} : memref<80x128xf32, #tpu.memory_space<vmem>>, vector<16xf32>,
          %parallel_loop3A_1698 = arith.mulf %parallel_loop3A_1697, %parallel_loop3A_1626 : vector<16xf32>
          %parallel_loop3A_1699 = arith.constant 15 : i32
          %parallel_loop3A_1700 = arith.addi %parallel_loop3A_81, %parallel_loop3A_1699 : i32
          %parallel_loop3A_1701 = arith.index_cast %parallel_loop3A_1700 : i32 to index
          %parallel_loop3A_1702 = arith.constant 96 : index
          %parallel_loop3A_1703 = tpu.vector_load %arg14[%parallel_loop3A_1701, %parallel_loop3A_1702] {strides = array<i32>} : memref<80x128xf32, #tpu.memory_space<vmem>>, vector<16xf32>,
          tpu.vector_store %arg14[%parallel_loop3A_1701, %parallel_loop3A_1702], %parallel_loop3A_1698 {strides = array<i32>} : memref<80x128xf32, #tpu.memory_space<vmem>>, vector<16xf32>,
          %parallel_loop3A_1704 = arith.constant 15 : i32
          %parallel_loop3A_1705 = arith.addi %parallel_loop3A_81, %parallel_loop3A_1704 : i32
          %parallel_loop3A_1706 = arith.index_cast %parallel_loop3A_1705 : i32 to index
          %parallel_loop3A_1707 = arith.constant 112 : index
          %parallel_loop3A_1708 = tpu.vector_load %arg14[%parallel_loop3A_1706, %parallel_loop3A_1707] {strides = array<i32>} : memref<80x128xf32, #tpu.memory_space<vmem>>, vector<16xf32>,
          %parallel_loop3A_1709 = arith.mulf %parallel_loop3A_1708, %parallel_loop3A_1626 : vector<16xf32>
          %parallel_loop3A_1710 = arith.constant 15 : i32
          %parallel_loop3A_1711 = arith.addi %parallel_loop3A_81, %parallel_loop3A_1710 : i32
          %parallel_loop3A_1712 = arith.index_cast %parallel_loop3A_1711 : i32 to index
          %parallel_loop3A_1713 = arith.constant 112 : index
          %parallel_loop3A_1714 = tpu.vector_load %arg14[%parallel_loop3A_1712, %parallel_loop3A_1713] {strides = array<i32>} : memref<80x128xf32, #tpu.memory_space<vmem>>, vector<16xf32>,
          tpu.vector_store %arg14[%parallel_loop3A_1712, %parallel_loop3A_1713], %parallel_loop3A_1709 {strides = array<i32>} : memref<80x128xf32, #tpu.memory_space<vmem>>, vector<16xf32>,
        } {sc.loop_unroll_factor = 1 : i64, sc.parallel_access}
        %add3A_67 = arith.constant 1 : i32
        %add3A_68 = arith.addi %add3A_50, %add3A_67 : i32
        %lt3A_69 = arith.constant 125 : i32
        %lt3A_70 = arith.cmpi slt, %add3A_68, %lt3A_69 : i32
        %convert_element_type3A_71 = arith.extui %lt3A_70 : i1 to i32
        %cond3A_72 = arith.constant 0 : i32
        %cond3A_73 = arith.cmpi ne, %convert_element_type3A_71, %cond3A_72 : i32
        scf.if %cond3A_73 {
          %add3A_81 = arith.constant 1 : i32
          %add3A_82 = arith.addi %add3A_50, %add3A_81 : i32
          %mul3A_83 = arith.constant 80 : i32
          %mul3A_84 = arith.muli %add3A_82, %mul3A_83 : i32
          %add3A_85 = arith.addi %mul3A_2, %mul3A_84 : i32
          %dma_wait3A_86 = tpu.memref_slice %arg2[%add3A_85] : memref<320000xi32, #tpu.memory_space<hbm>> -> memref<80xi32, #tpu.memory_space<hbm>>
          %dma_wait3A_87 = tpu.memref_slice %arg2[%add3A_85] : memref<320000xi32, #tpu.memory_space<hbm>> -> memref<80xi32, #tpu.memory_space<hbm>>
          tpu.wait_dma2 semaphore(%arg18 : memref<!tpu.dma_semaphore, #tpu.memory_space<semaphore_mem>>) src(%dma_wait3A_87 : memref<80xi32, #tpu.memory_space<hbm>>) dst(%arg11 : memref<80xi32, #tpu.memory_space<vmem>>)
          %dma_wait3A_88 = tpu.memref_slice %arg3[%add3A_85] : memref<320000xi32, #tpu.memory_space<hbm>> -> memref<80xi32, #tpu.memory_space<hbm>>
          %dma_wait3A_89 = tpu.memref_slice %arg3[%add3A_85] : memref<320000xi32, #tpu.memory_space<hbm>> -> memref<80xi32, #tpu.memory_space<hbm>>
          tpu.wait_dma2 semaphore(%arg18 : memref<!tpu.dma_semaphore, #tpu.memory_space<semaphore_mem>>) src(%dma_wait3A_89 : memref<80xi32, #tpu.memory_space<hbm>>) dst(%arg13 : memref<80xi32, #tpu.memory_space<vmem>>)
          %dma_start3A_90 = arith.constant 0 : i32
          %dma_start3A_91 = arith.constant 0 : i32
          %dma_start3A_92 = tpu.memref_slice %arg4[%dma_start3A_90, %dma_start3A_91] : memref<10000x128xf32, #tpu.memory_space<hbm>> -> memref<10000x128xf32, #tpu.memory_space<hbm>>
          tpu.enqueue_indirect_dma source(%dma_start3A_92 : memref<10000x128xf32, #tpu.memory_space<hbm>>) target(%arg15 : memref<80x128xf32, #tpu.memory_space<vmem>>) offsets(%arg11 : memref<80xi32, #tpu.memory_space<vmem>>) semaphore(%arg20 : memref<!tpu.dma_semaphore, #tpu.memory_space<semaphore_mem>>)
        } else {
        }
        "tpu.region"() ({
          %run_scoped3A = tpu.sem_alloc : memref<!tpu.dma_semaphore, #tpu.memory_space<semaphore_mem>>
          %dma_start3A_81 = arith.constant 0 : i32
          %dma_start3A_82 = arith.constant 0 : i32
          %dma_start3A_83 = tpu.memref_slice %arg16[%dma_start3A_81, %dma_start3A_82] : memref<10000x128xf32, #tpu.memory_space<vmem_shared>> -> memref<10000x128xf32, #tpu.memory_space<vmem_shared>>
          tpu.enqueue_indirect_dma source(%arg14 : memref<80x128xf32, #tpu.memory_space<vmem>>) target(%dma_start3A_83 : memref<10000x128xf32, #tpu.memory_space<vmem_shared>>) offsets(%arg12 : memref<80xi32, #tpu.memory_space<vmem>>) semaphore(%run_scoped3A : memref<!tpu.dma_semaphore, #tpu.memory_space<semaphore_mem>>) {add = true}
          %dma_wait3A_84 = arith.constant 0 : i32
          %dma_wait3A_85 = arith.constant 0 : i32
          %dma_wait3A_86 = tpu.memref_slice %arg16[%dma_wait3A_84, %dma_wait3A_85] : memref<10000x128xf32, #tpu.memory_space<vmem_shared>> -> memref<10000x128xf32, #tpu.memory_space<vmem_shared>>
          tpu.wait_indirect_dma semaphore(%run_scoped3A : memref<!tpu.dma_semaphore, #tpu.memory_space<semaphore_mem>>) src(%arg14 : memref<80x128xf32, #tpu.memory_space<vmem>>) dst(%dma_wait3A_86 : memref<10000x128xf32, #tpu.memory_space<vmem_shared>>)
          tpu.yield
        }) : () -> ()
        %add3A_74 = arith.constant 2 : i32
        %add3A_75 = arith.addi %add3A_50, %add3A_74 : i32
        %lt3A_76 = arith.constant 125 : i32
        %lt3A_77 = arith.cmpi slt, %add3A_75, %lt3A_76 : i32
        %convert_element_type3A_78 = arith.extui %lt3A_77 : i1 to i32
        %cond3A_79 = arith.constant 0 : i32
        %cond3A_80 = arith.cmpi ne, %convert_element_type3A_78, %cond3A_79 : i32
        scf.if %cond3A_80 {
          %add3A_81 = arith.constant 2 : i32
          %add3A_82 = arith.addi %add3A_50, %add3A_81 : i32
          %mul3A_83 = arith.constant 80 : i32
          %mul3A_84 = arith.muli %add3A_82, %mul3A_83 : i32
          %add3A_85 = arith.addi %mul3A_2, %mul3A_84 : i32
          %dma_start3A_86 = tpu.memref_slice %arg2[%add3A_85] : memref<320000xi32, #tpu.memory_space<hbm>> -> memref<80xi32, #tpu.memory_space<hbm>>
          %dma_start3A_87 = tpu.memref_slice %arg2[%add3A_85] : memref<320000xi32, #tpu.memory_space<hbm>> -> memref<80xi32, #tpu.memory_space<hbm>>
          tpu.enqueue_dma source(%dma_start3A_87 : memref<80xi32, #tpu.memory_space<hbm>>) target(%arg10 : memref<80xi32, #tpu.memory_space<vmem>>) target_semaphore(%arg17 : memref<!tpu.dma_semaphore, #tpu.memory_space<semaphore_mem>>)
          %dma_start3A_88 = tpu.memref_slice %arg3[%add3A_85] : memref<320000xi32, #tpu.memory_space<hbm>> -> memref<80xi32, #tpu.memory_space<hbm>>
          %dma_start3A_89 = tpu.memref_slice %arg3[%add3A_85] : memref<320000xi32, #tpu.memory_space<hbm>> -> memref<80xi32, #tpu.memory_space<hbm>>
          tpu.enqueue_dma source(%dma_start3A_89 : memref<80xi32, #tpu.memory_space<hbm>>) target(%arg12 : memref<80xi32, #tpu.memory_space<vmem>>) target_semaphore(%arg17 : memref<!tpu.dma_semaphore, #tpu.memory_space<semaphore_mem>>)
        } else {
        }
      } else {
      }
      %mul3A_53 = arith.constant 2 : i32
      %mul3A_54 = arith.muli %mul3A_53, %add3A_46 : i32
      %add3A_55 = arith.constant 1 : i32
      %add3A_56 = arith.addi %mul3A_54, %add3A_55 : i32
      %lt3A_57 = arith.constant 125 : i32
      %lt3A_58 = arith.cmpi slt, %add3A_56, %lt3A_57 : i32
      %convert_element_type3A_59 = arith.extui %lt3A_58 : i1 to i32
      %cond3A_60 = arith.constant 0 : i32
      %cond3A_61 = arith.cmpi ne, %convert_element_type3A_59, %cond3A_60 : i32
      scf.if %cond3A_61 {
        %dma_wait3A_62 = arith.constant 0 : i32
        %dma_wait3A_63 = arith.constant 0 : i32
        %dma_wait3A_64 = tpu.memref_slice %arg4[%dma_wait3A_62, %dma_wait3A_63] : memref<10000x128xf32, #tpu.memory_space<hbm>> -> memref<10000x128xf32, #tpu.memory_space<hbm>>
        tpu.wait_indirect_dma semaphore(%arg20 : memref<!tpu.dma_semaphore, #tpu.memory_space<semaphore_mem>>) src(%dma_wait3A_64 : memref<10000x128xf32, #tpu.memory_space<hbm>>) dst(%arg15 : memref<80x128xf32, #tpu.memory_space<vmem>>)
        %parallel_loop3A = arith.constant 0 : i32
        %parallel_loop3A_65 = arith.constant 80 : i32
        %parallel_loop3A_66 = arith.constant 16 : i32
        scf.for %parallel_loop3A_81 = %parallel_loop3A to %parallel_loop3A_65 step %parallel_loop3A_66  : i32 {
          %parallel_loop3A_82 = arith.index_cast %parallel_loop3A_81 : i32 to index
          %parallel_loop3A_83 = tpu.vector_load %arg11[%parallel_loop3A_82] {strides = array<i32>} : memref<80xi32, #tpu.memory_space<vmem>>, vector<16xi32>,
          %parallel_loop3A_84 = arith.index_cast %parallel_loop3A_81 : i32 to index
          %parallel_loop3A_85 = tpu.vector_load %arg13[%parallel_loop3A_84] {strides = array<i32>} : memref<80xi32, #tpu.memory_space<vmem>>, vector<16xi32>,
          %parallel_loop3A_86 = tpu.vector_load_idx %arg8[%parallel_loop3A_83] : memref<10000xf32, #tpu.memory_space<vmem>>[vector<16xi32>], vector<16xf32>,
          %parallel_loop3A_87 = tpu.vector_load_idx %arg9[%parallel_loop3A_85] : memref<10000xf32, #tpu.memory_space<vmem>>[vector<16xi32>], vector<16xf32>,
          %parallel_loop3A_88 = arith.addf %parallel_loop3A_86, %parallel_loop3A_87 : vector<16xf32>
          %parallel_loop3A_89 = math.absf %parallel_loop3A_88 : vector<16xf32>
          %parallel_loop3A_90 = arith.constant -2.000000e+00 : f32
          %parallel_loop3A_91 = vector.broadcast %parallel_loop3A_90 : f32 to vector<16xf32>
          %parallel_loop3A_92 = arith.mulf %parallel_loop3A_91, %parallel_loop3A_89 : vector<16xf32>
          %parallel_loop3A_93 = math.exp %parallel_loop3A_92 : vector<16xf32>
          %parallel_loop3A_94 = tpu.bitcast %parallel_loop3A_88 : vector<16xf32> -> vector<16xi32>
          %parallel_loop3A_95 = arith.constant -2147483648 : i32
          %parallel_loop3A_96 = vector.broadcast %parallel_loop3A_95 : i32 to vector<16xi32>
          %parallel_loop3A_97 = arith.andi %parallel_loop3A_94, %parallel_loop3A_96 : vector<16xi32>
          %parallel_loop3A_98 = arith.constant 1065353216 : i32
          %parallel_loop3A_99 = vector.broadcast %parallel_loop3A_98 : i32 to vector<16xi32>
          %parallel_loop3A_100 = arith.ori %parallel_loop3A_99, %parallel_loop3A_97 : vector<16xi32>
          %parallel_loop3A_101 = tpu.bitcast %parallel_loop3A_100 : vector<16xi32> -> vector<16xf32>
          %parallel_loop3A_102 = math.absf %parallel_loop3A_88 : vector<16xf32>
          %parallel_loop3A_103 = arith.constant 0.000000e+00 : f32
          %parallel_loop3A_104 = vector.broadcast %parallel_loop3A_103 : f32 to vector<16xf32>
          %parallel_loop3A_105 = arith.cmpf ogt, %parallel_loop3A_102, %parallel_loop3A_104 : vector<16xf32>
          %parallel_loop3A_106 = arith.select %parallel_loop3A_105, %parallel_loop3A_101, %parallel_loop3A_88 : vector<16xi1>, vector<16xf32>
          %parallel_loop3A_107 = arith.constant 1.000000e+00 : f32
          %parallel_loop3A_108 = vector.broadcast %parallel_loop3A_107 : f32 to vector<16xf32>
          %parallel_loop3A_109 = arith.subf %parallel_loop3A_108, %parallel_loop3A_93 : vector<16xf32>
          %parallel_loop3A_110 = arith.mulf %parallel_loop3A_106, %parallel_loop3A_109 : vector<16xf32>
          %parallel_loop3A_111 = arith.constant 1.000000e+00 : f32
          %parallel_loop3A_112 = vector.broadcast %parallel_loop3A_111 : f32 to vector<16xf32>
          %parallel_loop3A_113 = arith.addf %parallel_loop3A_112, %parallel_loop3A_93 : vector<16xf32>
          %parallel_loop3A_114 = arith.divf %parallel_loop3A_110, %parallel_loop3A_113 : vector<16xf32>
          %parallel_loop3A_115 = arith.constant 0 : i32
          %parallel_loop3A_116 = vector.broadcast %parallel_loop3A_115 : i32 to vector<16xi32>
          %parallel_loop3A_117 = arith.constant 0 : i32
          %parallel_loop3A_118 = vector.broadcast %parallel_loop3A_117 : i32 to vector<16xi32>
          %parallel_loop3A_119 = arith.cmpi slt, %parallel_loop3A_116, %parallel_loop3A_118 : vector<16xi32>
          %parallel_loop3A_120 = arith.constant 16 : i32
          %parallel_loop3A_121 = vector.broadcast %parallel_loop3A_120 : i32 to vector<16xi32>
          %parallel_loop3A_122 = arith.addi %parallel_loop3A_116, %parallel_loop3A_121 : vector<16xi32>
          %parallel_loop3A_123 = arith.select %parallel_loop3A_119, %parallel_loop3A_122, %parallel_loop3A_116 : vector<16xi1>, vector<16xi32>
          %parallel_loop3A_124 = vector.shape_cast %parallel_loop3A_123 : vector<16xi32> to vector<16x1xi32>
          %parallel_loop3A_125 = vector.shape_cast %parallel_loop3A_124 : vector<16x1xi32> to vector<16xi32>
          %parallel_loop3A_126 = tpu.dynamic_gather %parallel_loop3A_114[%parallel_loop3A_125] in [0] : vector<16xf32>, vector<16xi32> -> vector<16xf32>
          %parallel_loop3A_127 = arith.constant 0 : i32
          %parallel_loop3A_128 = arith.addi %parallel_loop3A_81, %parallel_loop3A_127 : i32
          %parallel_loop3A_129 = arith.index_cast %parallel_loop3A_128 : i32 to index
          %parallel_loop3A_130 = arith.constant 0 : index
          %parallel_loop3A_131 = tpu.vector_load %arg15[%parallel_loop3A_129, %parallel_loop3A_130] {strides = array<i32>} : memref<80x128xf32, #tpu.memory_space<vmem>>, vector<16xf32>,
          %parallel_loop3A_132 = arith.mulf %parallel_loop3A_131, %parallel_loop3A_126 : vector<16xf32>
          %parallel_loop3A_133 = arith.constant 0 : i32
          %parallel_loop3A_134 = arith.addi %parallel_loop3A_81, %parallel_loop3A_133 : i32
          %parallel_loop3A_135 = arith.index_cast %parallel_loop3A_134 : i32 to index
          %parallel_loop3A_136 = arith.constant 0 : index
          %parallel_loop3A_137 = tpu.vector_load %arg15[%parallel_loop3A_135, %parallel_loop3A_136] {strides = array<i32>} : memref<80x128xf32, #tpu.memory_space<vmem>>, vector<16xf32>,
          tpu.vector_store %arg15[%parallel_loop3A_135, %parallel_loop3A_136], %parallel_loop3A_132 {strides = array<i32>} : memref<80x128xf32, #tpu.memory_space<vmem>>, vector<16xf32>,
          %parallel_loop3A_138 = arith.constant 0 : i32
          %parallel_loop3A_139 = arith.addi %parallel_loop3A_81, %parallel_loop3A_138 : i32
          %parallel_loop3A_140 = arith.index_cast %parallel_loop3A_139 : i32 to index
          %parallel_loop3A_141 = arith.constant 16 : index
          %parallel_loop3A_142 = tpu.vector_load %arg15[%parallel_loop3A_140, %parallel_loop3A_141] {strides = array<i32>} : memref<80x128xf32, #tpu.memory_space<vmem>>, vector<16xf32>,
          %parallel_loop3A_143 = arith.mulf %parallel_loop3A_142, %parallel_loop3A_126 : vector<16xf32>
          %parallel_loop3A_144 = arith.constant 0 : i32
          %parallel_loop3A_145 = arith.addi %parallel_loop3A_81, %parallel_loop3A_144 : i32
          %parallel_loop3A_146 = arith.index_cast %parallel_loop3A_145 : i32 to index
          %parallel_loop3A_147 = arith.constant 16 : index
          %parallel_loop3A_148 = tpu.vector_load %arg15[%parallel_loop3A_146, %parallel_loop3A_147] {strides = array<i32>} : memref<80x128xf32, #tpu.memory_space<vmem>>, vector<16xf32>,
          tpu.vector_store %arg15[%parallel_loop3A_146, %parallel_loop3A_147], %parallel_loop3A_143 {strides = array<i32>} : memref<80x128xf32, #tpu.memory_space<vmem>>, vector<16xf32>,
          %parallel_loop3A_149 = arith.constant 0 : i32
          %parallel_loop3A_150 = arith.addi %parallel_loop3A_81, %parallel_loop3A_149 : i32
          %parallel_loop3A_151 = arith.index_cast %parallel_loop3A_150 : i32 to index
          %parallel_loop3A_152 = arith.constant 32 : index
          %parallel_loop3A_153 = tpu.vector_load %arg15[%parallel_loop3A_151, %parallel_loop3A_152] {strides = array<i32>} : memref<80x128xf32, #tpu.memory_space<vmem>>, vector<16xf32>,
          %parallel_loop3A_154 = arith.mulf %parallel_loop3A_153, %parallel_loop3A_126 : vector<16xf32>
          %parallel_loop3A_155 = arith.constant 0 : i32
          %parallel_loop3A_156 = arith.addi %parallel_loop3A_81, %parallel_loop3A_155 : i32
          %parallel_loop3A_157 = arith.index_cast %parallel_loop3A_156 : i32 to index
          %parallel_loop3A_158 = arith.constant 32 : index
          %parallel_loop3A_159 = tpu.vector_load %arg15[%parallel_loop3A_157, %parallel_loop3A_158] {strides = array<i32>} : memref<80x128xf32, #tpu.memory_space<vmem>>, vector<16xf32>,
          tpu.vector_store %arg15[%parallel_loop3A_157, %parallel_loop3A_158], %parallel_loop3A_154 {strides = array<i32>} : memref<80x128xf32, #tpu.memory_space<vmem>>, vector<16xf32>,
          %parallel_loop3A_160 = arith.constant 0 : i32
          %parallel_loop3A_161 = arith.addi %parallel_loop3A_81, %parallel_loop3A_160 : i32
          %parallel_loop3A_162 = arith.index_cast %parallel_loop3A_161 : i32 to index
          %parallel_loop3A_163 = arith.constant 48 : index
          %parallel_loop3A_164 = tpu.vector_load %arg15[%parallel_loop3A_162, %parallel_loop3A_163] {strides = array<i32>} : memref<80x128xf32, #tpu.memory_space<vmem>>, vector<16xf32>,
          %parallel_loop3A_165 = arith.mulf %parallel_loop3A_164, %parallel_loop3A_126 : vector<16xf32>
          %parallel_loop3A_166 = arith.constant 0 : i32
          %parallel_loop3A_167 = arith.addi %parallel_loop3A_81, %parallel_loop3A_166 : i32
          %parallel_loop3A_168 = arith.index_cast %parallel_loop3A_167 : i32 to index
          %parallel_loop3A_169 = arith.constant 48 : index
          %parallel_loop3A_170 = tpu.vector_load %arg15[%parallel_loop3A_168, %parallel_loop3A_169] {strides = array<i32>} : memref<80x128xf32, #tpu.memory_space<vmem>>, vector<16xf32>,
          tpu.vector_store %arg15[%parallel_loop3A_168, %parallel_loop3A_169], %parallel_loop3A_165 {strides = array<i32>} : memref<80x128xf32, #tpu.memory_space<vmem>>, vector<16xf32>,
          %parallel_loop3A_171 = arith.constant 0 : i32
          %parallel_loop3A_172 = arith.addi %parallel_loop3A_81, %parallel_loop3A_171 : i32
          %parallel_loop3A_173 = arith.index_cast %parallel_loop3A_172 : i32 to index
          %parallel_loop3A_174 = arith.constant 64 : index
          %parallel_loop3A_175 = tpu.vector_load %arg15[%parallel_loop3A_173, %parallel_loop3A_174] {strides = array<i32>} : memref<80x128xf32, #tpu.memory_space<vmem>>, vector<16xf32>,
          %parallel_loop3A_176 = arith.mulf %parallel_loop3A_175, %parallel_loop3A_126 : vector<16xf32>
          %parallel_loop3A_177 = arith.constant 0 : i32
          %parallel_loop3A_178 = arith.addi %parallel_loop3A_81, %parallel_loop3A_177 : i32
          %parallel_loop3A_179 = arith.index_cast %parallel_loop3A_178 : i32 to index
          %parallel_loop3A_180 = arith.constant 64 : index
          %parallel_loop3A_181 = tpu.vector_load %arg15[%parallel_loop3A_179, %parallel_loop3A_180] {strides = array<i32>} : memref<80x128xf32, #tpu.memory_space<vmem>>, vector<16xf32>,
          tpu.vector_store %arg15[%parallel_loop3A_179, %parallel_loop3A_180], %parallel_loop3A_176 {strides = array<i32>} : memref<80x128xf32, #tpu.memory_space<vmem>>, vector<16xf32>,
          %parallel_loop3A_182 = arith.constant 0 : i32
          %parallel_loop3A_183 = arith.addi %parallel_loop3A_81, %parallel_loop3A_182 : i32
          %parallel_loop3A_184 = arith.index_cast %parallel_loop3A_183 : i32 to index
          %parallel_loop3A_185 = arith.constant 80 : index
          %parallel_loop3A_186 = tpu.vector_load %arg15[%parallel_loop3A_184, %parallel_loop3A_185] {strides = array<i32>} : memref<80x128xf32, #tpu.memory_space<vmem>>, vector<16xf32>,
          %parallel_loop3A_187 = arith.mulf %parallel_loop3A_186, %parallel_loop3A_126 : vector<16xf32>
          %parallel_loop3A_188 = arith.constant 0 : i32
          %parallel_loop3A_189 = arith.addi %parallel_loop3A_81, %parallel_loop3A_188 : i32
          %parallel_loop3A_190 = arith.index_cast %parallel_loop3A_189 : i32 to index
          %parallel_loop3A_191 = arith.constant 80 : index
          %parallel_loop3A_192 = tpu.vector_load %arg15[%parallel_loop3A_190, %parallel_loop3A_191] {strides = array<i32>} : memref<80x128xf32, #tpu.memory_space<vmem>>, vector<16xf32>,
          tpu.vector_store %arg15[%parallel_loop3A_190, %parallel_loop3A_191], %parallel_loop3A_187 {strides = array<i32>} : memref<80x128xf32, #tpu.memory_space<vmem>>, vector<16xf32>,
          %parallel_loop3A_193 = arith.constant 0 : i32
          %parallel_loop3A_194 = arith.addi %parallel_loop3A_81, %parallel_loop3A_193 : i32
          %parallel_loop3A_195 = arith.index_cast %parallel_loop3A_194 : i32 to index
          %parallel_loop3A_196 = arith.constant 96 : index
          %parallel_loop3A_197 = tpu.vector_load %arg15[%parallel_loop3A_195, %parallel_loop3A_196] {strides = array<i32>} : memref<80x128xf32, #tpu.memory_space<vmem>>, vector<16xf32>,
          %parallel_loop3A_198 = arith.mulf %parallel_loop3A_197, %parallel_loop3A_126 : vector<16xf32>
          %parallel_loop3A_199 = arith.constant 0 : i32
          %parallel_loop3A_200 = arith.addi %parallel_loop3A_81, %parallel_loop3A_199 : i32
          %parallel_loop3A_201 = arith.index_cast %parallel_loop3A_200 : i32 to index
          %parallel_loop3A_202 = arith.constant 96 : index
          %parallel_loop3A_203 = tpu.vector_load %arg15[%parallel_loop3A_201, %parallel_loop3A_202] {strides = array<i32>} : memref<80x128xf32, #tpu.memory_space<vmem>>, vector<16xf32>,
          tpu.vector_store %arg15[%parallel_loop3A_201, %parallel_loop3A_202], %parallel_loop3A_198 {strides = array<i32>} : memref<80x128xf32, #tpu.memory_space<vmem>>, vector<16xf32>,
          %parallel_loop3A_204 = arith.constant 0 : i32
          %parallel_loop3A_205 = arith.addi %parallel_loop3A_81, %parallel_loop3A_204 : i32
          %parallel_loop3A_206 = arith.index_cast %parallel_loop3A_205 : i32 to index
          %parallel_loop3A_207 = arith.constant 112 : index
          %parallel_loop3A_208 = tpu.vector_load %arg15[%parallel_loop3A_206, %parallel_loop3A_207] {strides = array<i32>} : memref<80x128xf32, #tpu.memory_space<vmem>>, vector<16xf32>,
          %parallel_loop3A_209 = arith.mulf %parallel_loop3A_208, %parallel_loop3A_126 : vector<16xf32>
          %parallel_loop3A_210 = arith.constant 0 : i32
          %parallel_loop3A_211 = arith.addi %parallel_loop3A_81, %parallel_loop3A_210 : i32
          %parallel_loop3A_212 = arith.index_cast %parallel_loop3A_211 : i32 to index
          %parallel_loop3A_213 = arith.constant 112 : index
          %parallel_loop3A_214 = tpu.vector_load %arg15[%parallel_loop3A_212, %parallel_loop3A_213] {strides = array<i32>} : memref<80x128xf32, #tpu.memory_space<vmem>>, vector<16xf32>,
          tpu.vector_store %arg15[%parallel_loop3A_212, %parallel_loop3A_213], %parallel_loop3A_209 {strides = array<i32>} : memref<80x128xf32, #tpu.memory_space<vmem>>, vector<16xf32>,
          %parallel_loop3A_215 = arith.constant 1 : i32
          %parallel_loop3A_216 = vector.broadcast %parallel_loop3A_215 : i32 to vector<16xi32>
          %parallel_loop3A_217 = arith.constant 0 : i32
          %parallel_loop3A_218 = vector.broadcast %parallel_loop3A_217 : i32 to vector<16xi32>
          %parallel_loop3A_219 = arith.cmpi slt, %parallel_loop3A_216, %parallel_loop3A_218 : vector<16xi32>
          %parallel_loop3A_220 = arith.constant 16 : i32
          %parallel_loop3A_221 = vector.broadcast %parallel_loop3A_220 : i32 to vector<16xi32>
          %parallel_loop3A_222 = arith.addi %parallel_loop3A_216, %parallel_loop3A_221 : vector<16xi32>
          %parallel_loop3A_223 = arith.select %parallel_loop3A_219, %parallel_loop3A_222, %parallel_loop3A_216 : vector<16xi1>, vector<16xi32>
          %parallel_loop3A_224 = vector.shape_cast %parallel_loop3A_223 : vector<16xi32> to vector<16x1xi32>
          %parallel_loop3A_225 = vector.shape_cast %parallel_loop3A_224 : vector<16x1xi32> to vector<16xi32>
          %parallel_loop3A_226 = tpu.dynamic_gather %parallel_loop3A_114[%parallel_loop3A_225] in [0] : vector<16xf32>, vector<16xi32> -> vector<16xf32>
          %parallel_loop3A_227 = arith.constant 1 : i32
          %parallel_loop3A_228 = arith.addi %parallel_loop3A_81, %parallel_loop3A_227 : i32
          %parallel_loop3A_229 = arith.index_cast %parallel_loop3A_228 : i32 to index
          %parallel_loop3A_230 = arith.constant 0 : index
          %parallel_loop3A_231 = tpu.vector_load %arg15[%parallel_loop3A_229, %parallel_loop3A_230] {strides = array<i32>} : memref<80x128xf32, #tpu.memory_space<vmem>>, vector<16xf32>,
          %parallel_loop3A_232 = arith.mulf %parallel_loop3A_231, %parallel_loop3A_226 : vector<16xf32>
          %parallel_loop3A_233 = arith.constant 1 : i32
          %parallel_loop3A_234 = arith.addi %parallel_loop3A_81, %parallel_loop3A_233 : i32
          %parallel_loop3A_235 = arith.index_cast %parallel_loop3A_234 : i32 to index
          %parallel_loop3A_236 = arith.constant 0 : index
          %parallel_loop3A_237 = tpu.vector_load %arg15[%parallel_loop3A_235, %parallel_loop3A_236] {strides = array<i32>} : memref<80x128xf32, #tpu.memory_space<vmem>>, vector<16xf32>,
          tpu.vector_store %arg15[%parallel_loop3A_235, %parallel_loop3A_236], %parallel_loop3A_232 {strides = array<i32>} : memref<80x128xf32, #tpu.memory_space<vmem>>, vector<16xf32>,
          %parallel_loop3A_238 = arith.constant 1 : i32
          %parallel_loop3A_239 = arith.addi %parallel_loop3A_81, %parallel_loop3A_238 : i32
          %parallel_loop3A_240 = arith.index_cast %parallel_loop3A_239 : i32 to index
          %parallel_loop3A_241 = arith.constant 16 : index
          %parallel_loop3A_242 = tpu.vector_load %arg15[%parallel_loop3A_240, %parallel_loop3A_241] {strides = array<i32>} : memref<80x128xf32, #tpu.memory_space<vmem>>, vector<16xf32>,
          %parallel_loop3A_243 = arith.mulf %parallel_loop3A_242, %parallel_loop3A_226 : vector<16xf32>
          %parallel_loop3A_244 = arith.constant 1 : i32
          %parallel_loop3A_245 = arith.addi %parallel_loop3A_81, %parallel_loop3A_244 : i32
          %parallel_loop3A_246 = arith.index_cast %parallel_loop3A_245 : i32 to index
          %parallel_loop3A_247 = arith.constant 16 : index
          %parallel_loop3A_248 = tpu.vector_load %arg15[%parallel_loop3A_246, %parallel_loop3A_247] {strides = array<i32>} : memref<80x128xf32, #tpu.memory_space<vmem>>, vector<16xf32>,
          tpu.vector_store %arg15[%parallel_loop3A_246, %parallel_loop3A_247], %parallel_loop3A_243 {strides = array<i32>} : memref<80x128xf32, #tpu.memory_space<vmem>>, vector<16xf32>,
          %parallel_loop3A_249 = arith.constant 1 : i32
          %parallel_loop3A_250 = arith.addi %parallel_loop3A_81, %parallel_loop3A_249 : i32
          %parallel_loop3A_251 = arith.index_cast %parallel_loop3A_250 : i32 to index
          %parallel_loop3A_252 = arith.constant 32 : index
          %parallel_loop3A_253 = tpu.vector_load %arg15[%parallel_loop3A_251, %parallel_loop3A_252] {strides = array<i32>} : memref<80x128xf32, #tpu.memory_space<vmem>>, vector<16xf32>,
          %parallel_loop3A_254 = arith.mulf %parallel_loop3A_253, %parallel_loop3A_226 : vector<16xf32>
          %parallel_loop3A_255 = arith.constant 1 : i32
          %parallel_loop3A_256 = arith.addi %parallel_loop3A_81, %parallel_loop3A_255 : i32
          %parallel_loop3A_257 = arith.index_cast %parallel_loop3A_256 : i32 to index
          %parallel_loop3A_258 = arith.constant 32 : index
          %parallel_loop3A_259 = tpu.vector_load %arg15[%parallel_loop3A_257, %parallel_loop3A_258] {strides = array<i32>} : memref<80x128xf32, #tpu.memory_space<vmem>>, vector<16xf32>,
          tpu.vector_store %arg15[%parallel_loop3A_257, %parallel_loop3A_258], %parallel_loop3A_254 {strides = array<i32>} : memref<80x128xf32, #tpu.memory_space<vmem>>, vector<16xf32>,
          %parallel_loop3A_260 = arith.constant 1 : i32
          %parallel_loop3A_261 = arith.addi %parallel_loop3A_81, %parallel_loop3A_260 : i32
          %parallel_loop3A_262 = arith.index_cast %parallel_loop3A_261 : i32 to index
          %parallel_loop3A_263 = arith.constant 48 : index
          %parallel_loop3A_264 = tpu.vector_load %arg15[%parallel_loop3A_262, %parallel_loop3A_263] {strides = array<i32>} : memref<80x128xf32, #tpu.memory_space<vmem>>, vector<16xf32>,
          %parallel_loop3A_265 = arith.mulf %parallel_loop3A_264, %parallel_loop3A_226 : vector<16xf32>
          %parallel_loop3A_266 = arith.constant 1 : i32
          %parallel_loop3A_267 = arith.addi %parallel_loop3A_81, %parallel_loop3A_266 : i32
          %parallel_loop3A_268 = arith.index_cast %parallel_loop3A_267 : i32 to index
          %parallel_loop3A_269 = arith.constant 48 : index
          %parallel_loop3A_270 = tpu.vector_load %arg15[%parallel_loop3A_268, %parallel_loop3A_269] {strides = array<i32>} : memref<80x128xf32, #tpu.memory_space<vmem>>, vector<16xf32>,
          tpu.vector_store %arg15[%parallel_loop3A_268, %parallel_loop3A_269], %parallel_loop3A_265 {strides = array<i32>} : memref<80x128xf32, #tpu.memory_space<vmem>>, vector<16xf32>,
          %parallel_loop3A_271 = arith.constant 1 : i32
          %parallel_loop3A_272 = arith.addi %parallel_loop3A_81, %parallel_loop3A_271 : i32
          %parallel_loop3A_273 = arith.index_cast %parallel_loop3A_272 : i32 to index
          %parallel_loop3A_274 = arith.constant 64 : index
          %parallel_loop3A_275 = tpu.vector_load %arg15[%parallel_loop3A_273, %parallel_loop3A_274] {strides = array<i32>} : memref<80x128xf32, #tpu.memory_space<vmem>>, vector<16xf32>,
          %parallel_loop3A_276 = arith.mulf %parallel_loop3A_275, %parallel_loop3A_226 : vector<16xf32>
          %parallel_loop3A_277 = arith.constant 1 : i32
          %parallel_loop3A_278 = arith.addi %parallel_loop3A_81, %parallel_loop3A_277 : i32
          %parallel_loop3A_279 = arith.index_cast %parallel_loop3A_278 : i32 to index
          %parallel_loop3A_280 = arith.constant 64 : index
          %parallel_loop3A_281 = tpu.vector_load %arg15[%parallel_loop3A_279, %parallel_loop3A_280] {strides = array<i32>} : memref<80x128xf32, #tpu.memory_space<vmem>>, vector<16xf32>,
          tpu.vector_store %arg15[%parallel_loop3A_279, %parallel_loop3A_280], %parallel_loop3A_276 {strides = array<i32>} : memref<80x128xf32, #tpu.memory_space<vmem>>, vector<16xf32>,
          %parallel_loop3A_282 = arith.constant 1 : i32
          %parallel_loop3A_283 = arith.addi %parallel_loop3A_81, %parallel_loop3A_282 : i32
          %parallel_loop3A_284 = arith.index_cast %parallel_loop3A_283 : i32 to index
          %parallel_loop3A_285 = arith.constant 80 : index
          %parallel_loop3A_286 = tpu.vector_load %arg15[%parallel_loop3A_284, %parallel_loop3A_285] {strides = array<i32>} : memref<80x128xf32, #tpu.memory_space<vmem>>, vector<16xf32>,
          %parallel_loop3A_287 = arith.mulf %parallel_loop3A_286, %parallel_loop3A_226 : vector<16xf32>
          %parallel_loop3A_288 = arith.constant 1 : i32
          %parallel_loop3A_289 = arith.addi %parallel_loop3A_81, %parallel_loop3A_288 : i32
          %parallel_loop3A_290 = arith.index_cast %parallel_loop3A_289 : i32 to index
          %parallel_loop3A_291 = arith.constant 80 : index
          %parallel_loop3A_292 = tpu.vector_load %arg15[%parallel_loop3A_290, %parallel_loop3A_291] {strides = array<i32>} : memref<80x128xf32, #tpu.memory_space<vmem>>, vector<16xf32>,
          tpu.vector_store %arg15[%parallel_loop3A_290, %parallel_loop3A_291], %parallel_loop3A_287 {strides = array<i32>} : memref<80x128xf32, #tpu.memory_space<vmem>>, vector<16xf32>,
          %parallel_loop3A_293 = arith.constant 1 : i32
          %parallel_loop3A_294 = arith.addi %parallel_loop3A_81, %parallel_loop3A_293 : i32
          %parallel_loop3A_295 = arith.index_cast %parallel_loop3A_294 : i32 to index
          %parallel_loop3A_296 = arith.constant 96 : index
          %parallel_loop3A_297 = tpu.vector_load %arg15[%parallel_loop3A_295, %parallel_loop3A_296] {strides = array<i32>} : memref<80x128xf32, #tpu.memory_space<vmem>>, vector<16xf32>,
          %parallel_loop3A_298 = arith.mulf %parallel_loop3A_297, %parallel_loop3A_226 : vector<16xf32>
          %parallel_loop3A_299 = arith.constant 1 : i32
          %parallel_loop3A_300 = arith.addi %parallel_loop3A_81, %parallel_loop3A_299 : i32
          %parallel_loop3A_301 = arith.index_cast %parallel_loop3A_300 : i32 to index
          %parallel_loop3A_302 = arith.constant 96 : index
          %parallel_loop3A_303 = tpu.vector_load %arg15[%parallel_loop3A_301, %parallel_loop3A_302] {strides = array<i32>} : memref<80x128xf32, #tpu.memory_space<vmem>>, vector<16xf32>,
          tpu.vector_store %arg15[%parallel_loop3A_301, %parallel_loop3A_302], %parallel_loop3A_298 {strides = array<i32>} : memref<80x128xf32, #tpu.memory_space<vmem>>, vector<16xf32>,
          %parallel_loop3A_304 = arith.constant 1 : i32
          %parallel_loop3A_305 = arith.addi %parallel_loop3A_81, %parallel_loop3A_304 : i32
          %parallel_loop3A_306 = arith.index_cast %parallel_loop3A_305 : i32 to index
          %parallel_loop3A_307 = arith.constant 112 : index
          %parallel_loop3A_308 = tpu.vector_load %arg15[%parallel_loop3A_306, %parallel_loop3A_307] {strides = array<i32>} : memref<80x128xf32, #tpu.memory_space<vmem>>, vector<16xf32>,
          %parallel_loop3A_309 = arith.mulf %parallel_loop3A_308, %parallel_loop3A_226 : vector<16xf32>
          %parallel_loop3A_310 = arith.constant 1 : i32
          %parallel_loop3A_311 = arith.addi %parallel_loop3A_81, %parallel_loop3A_310 : i32
          %parallel_loop3A_312 = arith.index_cast %parallel_loop3A_311 : i32 to index
          %parallel_loop3A_313 = arith.constant 112 : index
          %parallel_loop3A_314 = tpu.vector_load %arg15[%parallel_loop3A_312, %parallel_loop3A_313] {strides = array<i32>} : memref<80x128xf32, #tpu.memory_space<vmem>>, vector<16xf32>,
          tpu.vector_store %arg15[%parallel_loop3A_312, %parallel_loop3A_313], %parallel_loop3A_309 {strides = array<i32>} : memref<80x128xf32, #tpu.memory_space<vmem>>, vector<16xf32>,
          %parallel_loop3A_315 = arith.constant 2 : i32
          %parallel_loop3A_316 = vector.broadcast %parallel_loop3A_315 : i32 to vector<16xi32>
          %parallel_loop3A_317 = arith.constant 0 : i32
          %parallel_loop3A_318 = vector.broadcast %parallel_loop3A_317 : i32 to vector<16xi32>
          %parallel_loop3A_319 = arith.cmpi slt, %parallel_loop3A_316, %parallel_loop3A_318 : vector<16xi32>
          %parallel_loop3A_320 = arith.constant 16 : i32
          %parallel_loop3A_321 = vector.broadcast %parallel_loop3A_320 : i32 to vector<16xi32>
          %parallel_loop3A_322 = arith.addi %parallel_loop3A_316, %parallel_loop3A_321 : vector<16xi32>
          %parallel_loop3A_323 = arith.select %parallel_loop3A_319, %parallel_loop3A_322, %parallel_loop3A_316 : vector<16xi1>, vector<16xi32>
          %parallel_loop3A_324 = vector.shape_cast %parallel_loop3A_323 : vector<16xi32> to vector<16x1xi32>
          %parallel_loop3A_325 = vector.shape_cast %parallel_loop3A_324 : vector<16x1xi32> to vector<16xi32>
          %parallel_loop3A_326 = tpu.dynamic_gather %parallel_loop3A_114[%parallel_loop3A_325] in [0] : vector<16xf32>, vector<16xi32> -> vector<16xf32>
          %parallel_loop3A_327 = arith.constant 2 : i32
          %parallel_loop3A_328 = arith.addi %parallel_loop3A_81, %parallel_loop3A_327 : i32
          %parallel_loop3A_329 = arith.index_cast %parallel_loop3A_328 : i32 to index
          %parallel_loop3A_330 = arith.constant 0 : index
          %parallel_loop3A_331 = tpu.vector_load %arg15[%parallel_loop3A_329, %parallel_loop3A_330] {strides = array<i32>} : memref<80x128xf32, #tpu.memory_space<vmem>>, vector<16xf32>,
          %parallel_loop3A_332 = arith.mulf %parallel_loop3A_331, %parallel_loop3A_326 : vector<16xf32>
          %parallel_loop3A_333 = arith.constant 2 : i32
          %parallel_loop3A_334 = arith.addi %parallel_loop3A_81, %parallel_loop3A_333 : i32
          %parallel_loop3A_335 = arith.index_cast %parallel_loop3A_334 : i32 to index
          %parallel_loop3A_336 = arith.constant 0 : index
          %parallel_loop3A_337 = tpu.vector_load %arg15[%parallel_loop3A_335, %parallel_loop3A_336] {strides = array<i32>} : memref<80x128xf32, #tpu.memory_space<vmem>>, vector<16xf32>,
          tpu.vector_store %arg15[%parallel_loop3A_335, %parallel_loop3A_336], %parallel_loop3A_332 {strides = array<i32>} : memref<80x128xf32, #tpu.memory_space<vmem>>, vector<16xf32>,
          %parallel_loop3A_338 = arith.constant 2 : i32
          %parallel_loop3A_339 = arith.addi %parallel_loop3A_81, %parallel_loop3A_338 : i32
          %parallel_loop3A_340 = arith.index_cast %parallel_loop3A_339 : i32 to index
          %parallel_loop3A_341 = arith.constant 16 : index
          %parallel_loop3A_342 = tpu.vector_load %arg15[%parallel_loop3A_340, %parallel_loop3A_341] {strides = array<i32>} : memref<80x128xf32, #tpu.memory_space<vmem>>, vector<16xf32>,
          %parallel_loop3A_343 = arith.mulf %parallel_loop3A_342, %parallel_loop3A_326 : vector<16xf32>
          %parallel_loop3A_344 = arith.constant 2 : i32
          %parallel_loop3A_345 = arith.addi %parallel_loop3A_81, %parallel_loop3A_344 : i32
          %parallel_loop3A_346 = arith.index_cast %parallel_loop3A_345 : i32 to index
          %parallel_loop3A_347 = arith.constant 16 : index
          %parallel_loop3A_348 = tpu.vector_load %arg15[%parallel_loop3A_346, %parallel_loop3A_347] {strides = array<i32>} : memref<80x128xf32, #tpu.memory_space<vmem>>, vector<16xf32>,
          tpu.vector_store %arg15[%parallel_loop3A_346, %parallel_loop3A_347], %parallel_loop3A_343 {strides = array<i32>} : memref<80x128xf32, #tpu.memory_space<vmem>>, vector<16xf32>,
          %parallel_loop3A_349 = arith.constant 2 : i32
          %parallel_loop3A_350 = arith.addi %parallel_loop3A_81, %parallel_loop3A_349 : i32
          %parallel_loop3A_351 = arith.index_cast %parallel_loop3A_350 : i32 to index
          %parallel_loop3A_352 = arith.constant 32 : index
          %parallel_loop3A_353 = tpu.vector_load %arg15[%parallel_loop3A_351, %parallel_loop3A_352] {strides = array<i32>} : memref<80x128xf32, #tpu.memory_space<vmem>>, vector<16xf32>,
          %parallel_loop3A_354 = arith.mulf %parallel_loop3A_353, %parallel_loop3A_326 : vector<16xf32>
          %parallel_loop3A_355 = arith.constant 2 : i32
          %parallel_loop3A_356 = arith.addi %parallel_loop3A_81, %parallel_loop3A_355 : i32
          %parallel_loop3A_357 = arith.index_cast %parallel_loop3A_356 : i32 to index
          %parallel_loop3A_358 = arith.constant 32 : index
          %parallel_loop3A_359 = tpu.vector_load %arg15[%parallel_loop3A_357, %parallel_loop3A_358] {strides = array<i32>} : memref<80x128xf32, #tpu.memory_space<vmem>>, vector<16xf32>,
          tpu.vector_store %arg15[%parallel_loop3A_357, %parallel_loop3A_358], %parallel_loop3A_354 {strides = array<i32>} : memref<80x128xf32, #tpu.memory_space<vmem>>, vector<16xf32>,
          %parallel_loop3A_360 = arith.constant 2 : i32
          %parallel_loop3A_361 = arith.addi %parallel_loop3A_81, %parallel_loop3A_360 : i32
          %parallel_loop3A_362 = arith.index_cast %parallel_loop3A_361 : i32 to index
          %parallel_loop3A_363 = arith.constant 48 : index
          %parallel_loop3A_364 = tpu.vector_load %arg15[%parallel_loop3A_362, %parallel_loop3A_363] {strides = array<i32>} : memref<80x128xf32, #tpu.memory_space<vmem>>, vector<16xf32>,
          %parallel_loop3A_365 = arith.mulf %parallel_loop3A_364, %parallel_loop3A_326 : vector<16xf32>
          %parallel_loop3A_366 = arith.constant 2 : i32
          %parallel_loop3A_367 = arith.addi %parallel_loop3A_81, %parallel_loop3A_366 : i32
          %parallel_loop3A_368 = arith.index_cast %parallel_loop3A_367 : i32 to index
          %parallel_loop3A_369 = arith.constant 48 : index
          %parallel_loop3A_370 = tpu.vector_load %arg15[%parallel_loop3A_368, %parallel_loop3A_369] {strides = array<i32>} : memref<80x128xf32, #tpu.memory_space<vmem>>, vector<16xf32>,
          tpu.vector_store %arg15[%parallel_loop3A_368, %parallel_loop3A_369], %parallel_loop3A_365 {strides = array<i32>} : memref<80x128xf32, #tpu.memory_space<vmem>>, vector<16xf32>,
          %parallel_loop3A_371 = arith.constant 2 : i32
          %parallel_loop3A_372 = arith.addi %parallel_loop3A_81, %parallel_loop3A_371 : i32
          %parallel_loop3A_373 = arith.index_cast %parallel_loop3A_372 : i32 to index
          %parallel_loop3A_374 = arith.constant 64 : index
          %parallel_loop3A_375 = tpu.vector_load %arg15[%parallel_loop3A_373, %parallel_loop3A_374] {strides = array<i32>} : memref<80x128xf32, #tpu.memory_space<vmem>>, vector<16xf32>,
          %parallel_loop3A_376 = arith.mulf %parallel_loop3A_375, %parallel_loop3A_326 : vector<16xf32>
          %parallel_loop3A_377 = arith.constant 2 : i32
          %parallel_loop3A_378 = arith.addi %parallel_loop3A_81, %parallel_loop3A_377 : i32
          %parallel_loop3A_379 = arith.index_cast %parallel_loop3A_378 : i32 to index
          %parallel_loop3A_380 = arith.constant 64 : index
          %parallel_loop3A_381 = tpu.vector_load %arg15[%parallel_loop3A_379, %parallel_loop3A_380] {strides = array<i32>} : memref<80x128xf32, #tpu.memory_space<vmem>>, vector<16xf32>,
          tpu.vector_store %arg15[%parallel_loop3A_379, %parallel_loop3A_380], %parallel_loop3A_376 {strides = array<i32>} : memref<80x128xf32, #tpu.memory_space<vmem>>, vector<16xf32>,
          %parallel_loop3A_382 = arith.constant 2 : i32
          %parallel_loop3A_383 = arith.addi %parallel_loop3A_81, %parallel_loop3A_382 : i32
          %parallel_loop3A_384 = arith.index_cast %parallel_loop3A_383 : i32 to index
          %parallel_loop3A_385 = arith.constant 80 : index
          %parallel_loop3A_386 = tpu.vector_load %arg15[%parallel_loop3A_384, %parallel_loop3A_385] {strides = array<i32>} : memref<80x128xf32, #tpu.memory_space<vmem>>, vector<16xf32>,
          %parallel_loop3A_387 = arith.mulf %parallel_loop3A_386, %parallel_loop3A_326 : vector<16xf32>
          %parallel_loop3A_388 = arith.constant 2 : i32
          %parallel_loop3A_389 = arith.addi %parallel_loop3A_81, %parallel_loop3A_388 : i32
          %parallel_loop3A_390 = arith.index_cast %parallel_loop3A_389 : i32 to index
          %parallel_loop3A_391 = arith.constant 80 : index
          %parallel_loop3A_392 = tpu.vector_load %arg15[%parallel_loop3A_390, %parallel_loop3A_391] {strides = array<i32>} : memref<80x128xf32, #tpu.memory_space<vmem>>, vector<16xf32>,
          tpu.vector_store %arg15[%parallel_loop3A_390, %parallel_loop3A_391], %parallel_loop3A_387 {strides = array<i32>} : memref<80x128xf32, #tpu.memory_space<vmem>>, vector<16xf32>,
          %parallel_loop3A_393 = arith.constant 2 : i32
          %parallel_loop3A_394 = arith.addi %parallel_loop3A_81, %parallel_loop3A_393 : i32
          %parallel_loop3A_395 = arith.index_cast %parallel_loop3A_394 : i32 to index
          %parallel_loop3A_396 = arith.constant 96 : index
          %parallel_loop3A_397 = tpu.vector_load %arg15[%parallel_loop3A_395, %parallel_loop3A_396] {strides = array<i32>} : memref<80x128xf32, #tpu.memory_space<vmem>>, vector<16xf32>,
          %parallel_loop3A_398 = arith.mulf %parallel_loop3A_397, %parallel_loop3A_326 : vector<16xf32>
          %parallel_loop3A_399 = arith.constant 2 : i32
          %parallel_loop3A_400 = arith.addi %parallel_loop3A_81, %parallel_loop3A_399 : i32
          %parallel_loop3A_401 = arith.index_cast %parallel_loop3A_400 : i32 to index
          %parallel_loop3A_402 = arith.constant 96 : index
          %parallel_loop3A_403 = tpu.vector_load %arg15[%parallel_loop3A_401, %parallel_loop3A_402] {strides = array<i32>} : memref<80x128xf32, #tpu.memory_space<vmem>>, vector<16xf32>,
          tpu.vector_store %arg15[%parallel_loop3A_401, %parallel_loop3A_402], %parallel_loop3A_398 {strides = array<i32>} : memref<80x128xf32, #tpu.memory_space<vmem>>, vector<16xf32>,
          %parallel_loop3A_404 = arith.constant 2 : i32
          %parallel_loop3A_405 = arith.addi %parallel_loop3A_81, %parallel_loop3A_404 : i32
          %parallel_loop3A_406 = arith.index_cast %parallel_loop3A_405 : i32 to index
          %parallel_loop3A_407 = arith.constant 112 : index
          %parallel_loop3A_408 = tpu.vector_load %arg15[%parallel_loop3A_406, %parallel_loop3A_407] {strides = array<i32>} : memref<80x128xf32, #tpu.memory_space<vmem>>, vector<16xf32>,
          %parallel_loop3A_409 = arith.mulf %parallel_loop3A_408, %parallel_loop3A_326 : vector<16xf32>
          %parallel_loop3A_410 = arith.constant 2 : i32
          %parallel_loop3A_411 = arith.addi %parallel_loop3A_81, %parallel_loop3A_410 : i32
          %parallel_loop3A_412 = arith.index_cast %parallel_loop3A_411 : i32 to index
          %parallel_loop3A_413 = arith.constant 112 : index
          %parallel_loop3A_414 = tpu.vector_load %arg15[%parallel_loop3A_412, %parallel_loop3A_413] {strides = array<i32>} : memref<80x128xf32, #tpu.memory_space<vmem>>, vector<16xf32>,
          tpu.vector_store %arg15[%parallel_loop3A_412, %parallel_loop3A_413], %parallel_loop3A_409 {strides = array<i32>} : memref<80x128xf32, #tpu.memory_space<vmem>>, vector<16xf32>,
          %parallel_loop3A_415 = arith.constant 3 : i32
          %parallel_loop3A_416 = vector.broadcast %parallel_loop3A_415 : i32 to vector<16xi32>
          %parallel_loop3A_417 = arith.constant 0 : i32
          %parallel_loop3A_418 = vector.broadcast %parallel_loop3A_417 : i32 to vector<16xi32>
          %parallel_loop3A_419 = arith.cmpi slt, %parallel_loop3A_416, %parallel_loop3A_418 : vector<16xi32>
          %parallel_loop3A_420 = arith.constant 16 : i32
          %parallel_loop3A_421 = vector.broadcast %parallel_loop3A_420 : i32 to vector<16xi32>
          %parallel_loop3A_422 = arith.addi %parallel_loop3A_416, %parallel_loop3A_421 : vector<16xi32>
          %parallel_loop3A_423 = arith.select %parallel_loop3A_419, %parallel_loop3A_422, %parallel_loop3A_416 : vector<16xi1>, vector<16xi32>
          %parallel_loop3A_424 = vector.shape_cast %parallel_loop3A_423 : vector<16xi32> to vector<16x1xi32>
          %parallel_loop3A_425 = vector.shape_cast %parallel_loop3A_424 : vector<16x1xi32> to vector<16xi32>
          %parallel_loop3A_426 = tpu.dynamic_gather %parallel_loop3A_114[%parallel_loop3A_425] in [0] : vector<16xf32>, vector<16xi32> -> vector<16xf32>
          %parallel_loop3A_427 = arith.constant 3 : i32
          %parallel_loop3A_428 = arith.addi %parallel_loop3A_81, %parallel_loop3A_427 : i32
          %parallel_loop3A_429 = arith.index_cast %parallel_loop3A_428 : i32 to index
          %parallel_loop3A_430 = arith.constant 0 : index
          %parallel_loop3A_431 = tpu.vector_load %arg15[%parallel_loop3A_429, %parallel_loop3A_430] {strides = array<i32>} : memref<80x128xf32, #tpu.memory_space<vmem>>, vector<16xf32>,
          %parallel_loop3A_432 = arith.mulf %parallel_loop3A_431, %parallel_loop3A_426 : vector<16xf32>
          %parallel_loop3A_433 = arith.constant 3 : i32
          %parallel_loop3A_434 = arith.addi %parallel_loop3A_81, %parallel_loop3A_433 : i32
          %parallel_loop3A_435 = arith.index_cast %parallel_loop3A_434 : i32 to index
          %parallel_loop3A_436 = arith.constant 0 : index
          %parallel_loop3A_437 = tpu.vector_load %arg15[%parallel_loop3A_435, %parallel_loop3A_436] {strides = array<i32>} : memref<80x128xf32, #tpu.memory_space<vmem>>, vector<16xf32>,
          tpu.vector_store %arg15[%parallel_loop3A_435, %parallel_loop3A_436], %parallel_loop3A_432 {strides = array<i32>} : memref<80x128xf32, #tpu.memory_space<vmem>>, vector<16xf32>,
          %parallel_loop3A_438 = arith.constant 3 : i32
          %parallel_loop3A_439 = arith.addi %parallel_loop3A_81, %parallel_loop3A_438 : i32
          %parallel_loop3A_440 = arith.index_cast %parallel_loop3A_439 : i32 to index
          %parallel_loop3A_441 = arith.constant 16 : index
          %parallel_loop3A_442 = tpu.vector_load %arg15[%parallel_loop3A_440, %parallel_loop3A_441] {strides = array<i32>} : memref<80x128xf32, #tpu.memory_space<vmem>>, vector<16xf32>,
          %parallel_loop3A_443 = arith.mulf %parallel_loop3A_442, %parallel_loop3A_426 : vector<16xf32>
          %parallel_loop3A_444 = arith.constant 3 : i32
          %parallel_loop3A_445 = arith.addi %parallel_loop3A_81, %parallel_loop3A_444 : i32
          %parallel_loop3A_446 = arith.index_cast %parallel_loop3A_445 : i32 to index
          %parallel_loop3A_447 = arith.constant 16 : index
          %parallel_loop3A_448 = tpu.vector_load %arg15[%parallel_loop3A_446, %parallel_loop3A_447] {strides = array<i32>} : memref<80x128xf32, #tpu.memory_space<vmem>>, vector<16xf32>,
          tpu.vector_store %arg15[%parallel_loop3A_446, %parallel_loop3A_447], %parallel_loop3A_443 {strides = array<i32>} : memref<80x128xf32, #tpu.memory_space<vmem>>, vector<16xf32>,
          %parallel_loop3A_449 = arith.constant 3 : i32
          %parallel_loop3A_450 = arith.addi %parallel_loop3A_81, %parallel_loop3A_449 : i32
          %parallel_loop3A_451 = arith.index_cast %parallel_loop3A_450 : i32 to index
          %parallel_loop3A_452 = arith.constant 32 : index
          %parallel_loop3A_453 = tpu.vector_load %arg15[%parallel_loop3A_451, %parallel_loop3A_452] {strides = array<i32>} : memref<80x128xf32, #tpu.memory_space<vmem>>, vector<16xf32>,
          %parallel_loop3A_454 = arith.mulf %parallel_loop3A_453, %parallel_loop3A_426 : vector<16xf32>
          %parallel_loop3A_455 = arith.constant 3 : i32
          %parallel_loop3A_456 = arith.addi %parallel_loop3A_81, %parallel_loop3A_455 : i32
          %parallel_loop3A_457 = arith.index_cast %parallel_loop3A_456 : i32 to index
          %parallel_loop3A_458 = arith.constant 32 : index
          %parallel_loop3A_459 = tpu.vector_load %arg15[%parallel_loop3A_457, %parallel_loop3A_458] {strides = array<i32>} : memref<80x128xf32, #tpu.memory_space<vmem>>, vector<16xf32>,
          tpu.vector_store %arg15[%parallel_loop3A_457, %parallel_loop3A_458], %parallel_loop3A_454 {strides = array<i32>} : memref<80x128xf32, #tpu.memory_space<vmem>>, vector<16xf32>,
          %parallel_loop3A_460 = arith.constant 3 : i32
          %parallel_loop3A_461 = arith.addi %parallel_loop3A_81, %parallel_loop3A_460 : i32
          %parallel_loop3A_462 = arith.index_cast %parallel_loop3A_461 : i32 to index
          %parallel_loop3A_463 = arith.constant 48 : index
          %parallel_loop3A_464 = tpu.vector_load %arg15[%parallel_loop3A_462, %parallel_loop3A_463] {strides = array<i32>} : memref<80x128xf32, #tpu.memory_space<vmem>>, vector<16xf32>,
          %parallel_loop3A_465 = arith.mulf %parallel_loop3A_464, %parallel_loop3A_426 : vector<16xf32>
          %parallel_loop3A_466 = arith.constant 3 : i32
          %parallel_loop3A_467 = arith.addi %parallel_loop3A_81, %parallel_loop3A_466 : i32
          %parallel_loop3A_468 = arith.index_cast %parallel_loop3A_467 : i32 to index
          %parallel_loop3A_469 = arith.constant 48 : index
          %parallel_loop3A_470 = tpu.vector_load %arg15[%parallel_loop3A_468, %parallel_loop3A_469] {strides = array<i32>} : memref<80x128xf32, #tpu.memory_space<vmem>>, vector<16xf32>,
          tpu.vector_store %arg15[%parallel_loop3A_468, %parallel_loop3A_469], %parallel_loop3A_465 {strides = array<i32>} : memref<80x128xf32, #tpu.memory_space<vmem>>, vector<16xf32>,
          %parallel_loop3A_471 = arith.constant 3 : i32
          %parallel_loop3A_472 = arith.addi %parallel_loop3A_81, %parallel_loop3A_471 : i32
          %parallel_loop3A_473 = arith.index_cast %parallel_loop3A_472 : i32 to index
          %parallel_loop3A_474 = arith.constant 64 : index
          %parallel_loop3A_475 = tpu.vector_load %arg15[%parallel_loop3A_473, %parallel_loop3A_474] {strides = array<i32>} : memref<80x128xf32, #tpu.memory_space<vmem>>, vector<16xf32>,
          %parallel_loop3A_476 = arith.mulf %parallel_loop3A_475, %parallel_loop3A_426 : vector<16xf32>
          %parallel_loop3A_477 = arith.constant 3 : i32
          %parallel_loop3A_478 = arith.addi %parallel_loop3A_81, %parallel_loop3A_477 : i32
          %parallel_loop3A_479 = arith.index_cast %parallel_loop3A_478 : i32 to index
          %parallel_loop3A_480 = arith.constant 64 : index
          %parallel_loop3A_481 = tpu.vector_load %arg15[%parallel_loop3A_479, %parallel_loop3A_480] {strides = array<i32>} : memref<80x128xf32, #tpu.memory_space<vmem>>, vector<16xf32>,
          tpu.vector_store %arg15[%parallel_loop3A_479, %parallel_loop3A_480], %parallel_loop3A_476 {strides = array<i32>} : memref<80x128xf32, #tpu.memory_space<vmem>>, vector<16xf32>,
          %parallel_loop3A_482 = arith.constant 3 : i32
          %parallel_loop3A_483 = arith.addi %parallel_loop3A_81, %parallel_loop3A_482 : i32
          %parallel_loop3A_484 = arith.index_cast %parallel_loop3A_483 : i32 to index
          %parallel_loop3A_485 = arith.constant 80 : index
          %parallel_loop3A_486 = tpu.vector_load %arg15[%parallel_loop3A_484, %parallel_loop3A_485] {strides = array<i32>} : memref<80x128xf32, #tpu.memory_space<vmem>>, vector<16xf32>,
          %parallel_loop3A_487 = arith.mulf %parallel_loop3A_486, %parallel_loop3A_426 : vector<16xf32>
          %parallel_loop3A_488 = arith.constant 3 : i32
          %parallel_loop3A_489 = arith.addi %parallel_loop3A_81, %parallel_loop3A_488 : i32
          %parallel_loop3A_490 = arith.index_cast %parallel_loop3A_489 : i32 to index
          %parallel_loop3A_491 = arith.constant 80 : index
          %parallel_loop3A_492 = tpu.vector_load %arg15[%parallel_loop3A_490, %parallel_loop3A_491] {strides = array<i32>} : memref<80x128xf32, #tpu.memory_space<vmem>>, vector<16xf32>,
          tpu.vector_store %arg15[%parallel_loop3A_490, %parallel_loop3A_491], %parallel_loop3A_487 {strides = array<i32>} : memref<80x128xf32, #tpu.memory_space<vmem>>, vector<16xf32>,
          %parallel_loop3A_493 = arith.constant 3 : i32
          %parallel_loop3A_494 = arith.addi %parallel_loop3A_81, %parallel_loop3A_493 : i32
          %parallel_loop3A_495 = arith.index_cast %parallel_loop3A_494 : i32 to index
          %parallel_loop3A_496 = arith.constant 96 : index
          %parallel_loop3A_497 = tpu.vector_load %arg15[%parallel_loop3A_495, %parallel_loop3A_496] {strides = array<i32>} : memref<80x128xf32, #tpu.memory_space<vmem>>, vector<16xf32>,
          %parallel_loop3A_498 = arith.mulf %parallel_loop3A_497, %parallel_loop3A_426 : vector<16xf32>
          %parallel_loop3A_499 = arith.constant 3 : i32
          %parallel_loop3A_500 = arith.addi %parallel_loop3A_81, %parallel_loop3A_499 : i32
          %parallel_loop3A_501 = arith.index_cast %parallel_loop3A_500 : i32 to index
          %parallel_loop3A_502 = arith.constant 96 : index
          %parallel_loop3A_503 = tpu.vector_load %arg15[%parallel_loop3A_501, %parallel_loop3A_502] {strides = array<i32>} : memref<80x128xf32, #tpu.memory_space<vmem>>, vector<16xf32>,
          tpu.vector_store %arg15[%parallel_loop3A_501, %parallel_loop3A_502], %parallel_loop3A_498 {strides = array<i32>} : memref<80x128xf32, #tpu.memory_space<vmem>>, vector<16xf32>,
          %parallel_loop3A_504 = arith.constant 3 : i32
          %parallel_loop3A_505 = arith.addi %parallel_loop3A_81, %parallel_loop3A_504 : i32
          %parallel_loop3A_506 = arith.index_cast %parallel_loop3A_505 : i32 to index
          %parallel_loop3A_507 = arith.constant 112 : index
          %parallel_loop3A_508 = tpu.vector_load %arg15[%parallel_loop3A_506, %parallel_loop3A_507] {strides = array<i32>} : memref<80x128xf32, #tpu.memory_space<vmem>>, vector<16xf32>,
          %parallel_loop3A_509 = arith.mulf %parallel_loop3A_508, %parallel_loop3A_426 : vector<16xf32>
          %parallel_loop3A_510 = arith.constant 3 : i32
          %parallel_loop3A_511 = arith.addi %parallel_loop3A_81, %parallel_loop3A_510 : i32
          %parallel_loop3A_512 = arith.index_cast %parallel_loop3A_511 : i32 to index
          %parallel_loop3A_513 = arith.constant 112 : index
          %parallel_loop3A_514 = tpu.vector_load %arg15[%parallel_loop3A_512, %parallel_loop3A_513] {strides = array<i32>} : memref<80x128xf32, #tpu.memory_space<vmem>>, vector<16xf32>,
          tpu.vector_store %arg15[%parallel_loop3A_512, %parallel_loop3A_513], %parallel_loop3A_509 {strides = array<i32>} : memref<80x128xf32, #tpu.memory_space<vmem>>, vector<16xf32>,
          %parallel_loop3A_515 = arith.constant 4 : i32
          %parallel_loop3A_516 = vector.broadcast %parallel_loop3A_515 : i32 to vector<16xi32>
          %parallel_loop3A_517 = arith.constant 0 : i32
          %parallel_loop3A_518 = vector.broadcast %parallel_loop3A_517 : i32 to vector<16xi32>
          %parallel_loop3A_519 = arith.cmpi slt, %parallel_loop3A_516, %parallel_loop3A_518 : vector<16xi32>
          %parallel_loop3A_520 = arith.constant 16 : i32
          %parallel_loop3A_521 = vector.broadcast %parallel_loop3A_520 : i32 to vector<16xi32>
          %parallel_loop3A_522 = arith.addi %parallel_loop3A_516, %parallel_loop3A_521 : vector<16xi32>
          %parallel_loop3A_523 = arith.select %parallel_loop3A_519, %parallel_loop3A_522, %parallel_loop3A_516 : vector<16xi1>, vector<16xi32>
          %parallel_loop3A_524 = vector.shape_cast %parallel_loop3A_523 : vector<16xi32> to vector<16x1xi32>
          %parallel_loop3A_525 = vector.shape_cast %parallel_loop3A_524 : vector<16x1xi32> to vector<16xi32>
          %parallel_loop3A_526 = tpu.dynamic_gather %parallel_loop3A_114[%parallel_loop3A_525] in [0] : vector<16xf32>, vector<16xi32> -> vector<16xf32>
          %parallel_loop3A_527 = arith.constant 4 : i32
          %parallel_loop3A_528 = arith.addi %parallel_loop3A_81, %parallel_loop3A_527 : i32
          %parallel_loop3A_529 = arith.index_cast %parallel_loop3A_528 : i32 to index
          %parallel_loop3A_530 = arith.constant 0 : index
          %parallel_loop3A_531 = tpu.vector_load %arg15[%parallel_loop3A_529, %parallel_loop3A_530] {strides = array<i32>} : memref<80x128xf32, #tpu.memory_space<vmem>>, vector<16xf32>,
          %parallel_loop3A_532 = arith.mulf %parallel_loop3A_531, %parallel_loop3A_526 : vector<16xf32>
          %parallel_loop3A_533 = arith.constant 4 : i32
          %parallel_loop3A_534 = arith.addi %parallel_loop3A_81, %parallel_loop3A_533 : i32
          %parallel_loop3A_535 = arith.index_cast %parallel_loop3A_534 : i32 to index
          %parallel_loop3A_536 = arith.constant 0 : index
          %parallel_loop3A_537 = tpu.vector_load %arg15[%parallel_loop3A_535, %parallel_loop3A_536] {strides = array<i32>} : memref<80x128xf32, #tpu.memory_space<vmem>>, vector<16xf32>,
          tpu.vector_store %arg15[%parallel_loop3A_535, %parallel_loop3A_536], %parallel_loop3A_532 {strides = array<i32>} : memref<80x128xf32, #tpu.memory_space<vmem>>, vector<16xf32>,
          %parallel_loop3A_538 = arith.constant 4 : i32
          %parallel_loop3A_539 = arith.addi %parallel_loop3A_81, %parallel_loop3A_538 : i32
          %parallel_loop3A_540 = arith.index_cast %parallel_loop3A_539 : i32 to index
          %parallel_loop3A_541 = arith.constant 16 : index
          %parallel_loop3A_542 = tpu.vector_load %arg15[%parallel_loop3A_540, %parallel_loop3A_541] {strides = array<i32>} : memref<80x128xf32, #tpu.memory_space<vmem>>, vector<16xf32>,
          %parallel_loop3A_543 = arith.mulf %parallel_loop3A_542, %parallel_loop3A_526 : vector<16xf32>
          %parallel_loop3A_544 = arith.constant 4 : i32
          %parallel_loop3A_545 = arith.addi %parallel_loop3A_81, %parallel_loop3A_544 : i32
          %parallel_loop3A_546 = arith.index_cast %parallel_loop3A_545 : i32 to index
          %parallel_loop3A_547 = arith.constant 16 : index
          %parallel_loop3A_548 = tpu.vector_load %arg15[%parallel_loop3A_546, %parallel_loop3A_547] {strides = array<i32>} : memref<80x128xf32, #tpu.memory_space<vmem>>, vector<16xf32>,
          tpu.vector_store %arg15[%parallel_loop3A_546, %parallel_loop3A_547], %parallel_loop3A_543 {strides = array<i32>} : memref<80x128xf32, #tpu.memory_space<vmem>>, vector<16xf32>,
          %parallel_loop3A_549 = arith.constant 4 : i32
          %parallel_loop3A_550 = arith.addi %parallel_loop3A_81, %parallel_loop3A_549 : i32
          %parallel_loop3A_551 = arith.index_cast %parallel_loop3A_550 : i32 to index
          %parallel_loop3A_552 = arith.constant 32 : index
          %parallel_loop3A_553 = tpu.vector_load %arg15[%parallel_loop3A_551, %parallel_loop3A_552] {strides = array<i32>} : memref<80x128xf32, #tpu.memory_space<vmem>>, vector<16xf32>,
          %parallel_loop3A_554 = arith.mulf %parallel_loop3A_553, %parallel_loop3A_526 : vector<16xf32>
          %parallel_loop3A_555 = arith.constant 4 : i32
          %parallel_loop3A_556 = arith.addi %parallel_loop3A_81, %parallel_loop3A_555 : i32
          %parallel_loop3A_557 = arith.index_cast %parallel_loop3A_556 : i32 to index
          %parallel_loop3A_558 = arith.constant 32 : index
          %parallel_loop3A_559 = tpu.vector_load %arg15[%parallel_loop3A_557, %parallel_loop3A_558] {strides = array<i32>} : memref<80x128xf32, #tpu.memory_space<vmem>>, vector<16xf32>,
          tpu.vector_store %arg15[%parallel_loop3A_557, %parallel_loop3A_558], %parallel_loop3A_554 {strides = array<i32>} : memref<80x128xf32, #tpu.memory_space<vmem>>, vector<16xf32>,
          %parallel_loop3A_560 = arith.constant 4 : i32
          %parallel_loop3A_561 = arith.addi %parallel_loop3A_81, %parallel_loop3A_560 : i32
          %parallel_loop3A_562 = arith.index_cast %parallel_loop3A_561 : i32 to index
          %parallel_loop3A_563 = arith.constant 48 : index
          %parallel_loop3A_564 = tpu.vector_load %arg15[%parallel_loop3A_562, %parallel_loop3A_563] {strides = array<i32>} : memref<80x128xf32, #tpu.memory_space<vmem>>, vector<16xf32>,
          %parallel_loop3A_565 = arith.mulf %parallel_loop3A_564, %parallel_loop3A_526 : vector<16xf32>
          %parallel_loop3A_566 = arith.constant 4 : i32
          %parallel_loop3A_567 = arith.addi %parallel_loop3A_81, %parallel_loop3A_566 : i32
          %parallel_loop3A_568 = arith.index_cast %parallel_loop3A_567 : i32 to index
          %parallel_loop3A_569 = arith.constant 48 : index
          %parallel_loop3A_570 = tpu.vector_load %arg15[%parallel_loop3A_568, %parallel_loop3A_569] {strides = array<i32>} : memref<80x128xf32, #tpu.memory_space<vmem>>, vector<16xf32>,
          tpu.vector_store %arg15[%parallel_loop3A_568, %parallel_loop3A_569], %parallel_loop3A_565 {strides = array<i32>} : memref<80x128xf32, #tpu.memory_space<vmem>>, vector<16xf32>,
          %parallel_loop3A_571 = arith.constant 4 : i32
          %parallel_loop3A_572 = arith.addi %parallel_loop3A_81, %parallel_loop3A_571 : i32
          %parallel_loop3A_573 = arith.index_cast %parallel_loop3A_572 : i32 to index
          %parallel_loop3A_574 = arith.constant 64 : index
          %parallel_loop3A_575 = tpu.vector_load %arg15[%parallel_loop3A_573, %parallel_loop3A_574] {strides = array<i32>} : memref<80x128xf32, #tpu.memory_space<vmem>>, vector<16xf32>,
          %parallel_loop3A_576 = arith.mulf %parallel_loop3A_575, %parallel_loop3A_526 : vector<16xf32>
          %parallel_loop3A_577 = arith.constant 4 : i32
          %parallel_loop3A_578 = arith.addi %parallel_loop3A_81, %parallel_loop3A_577 : i32
          %parallel_loop3A_579 = arith.index_cast %parallel_loop3A_578 : i32 to index
          %parallel_loop3A_580 = arith.constant 64 : index
          %parallel_loop3A_581 = tpu.vector_load %arg15[%parallel_loop3A_579, %parallel_loop3A_580] {strides = array<i32>} : memref<80x128xf32, #tpu.memory_space<vmem>>, vector<16xf32>,
          tpu.vector_store %arg15[%parallel_loop3A_579, %parallel_loop3A_580], %parallel_loop3A_576 {strides = array<i32>} : memref<80x128xf32, #tpu.memory_space<vmem>>, vector<16xf32>,
          %parallel_loop3A_582 = arith.constant 4 : i32
          %parallel_loop3A_583 = arith.addi %parallel_loop3A_81, %parallel_loop3A_582 : i32
          %parallel_loop3A_584 = arith.index_cast %parallel_loop3A_583 : i32 to index
          %parallel_loop3A_585 = arith.constant 80 : index
          %parallel_loop3A_586 = tpu.vector_load %arg15[%parallel_loop3A_584, %parallel_loop3A_585] {strides = array<i32>} : memref<80x128xf32, #tpu.memory_space<vmem>>, vector<16xf32>,
          %parallel_loop3A_587 = arith.mulf %parallel_loop3A_586, %parallel_loop3A_526 : vector<16xf32>
          %parallel_loop3A_588 = arith.constant 4 : i32
          %parallel_loop3A_589 = arith.addi %parallel_loop3A_81, %parallel_loop3A_588 : i32
          %parallel_loop3A_590 = arith.index_cast %parallel_loop3A_589 : i32 to index
          %parallel_loop3A_591 = arith.constant 80 : index
          %parallel_loop3A_592 = tpu.vector_load %arg15[%parallel_loop3A_590, %parallel_loop3A_591] {strides = array<i32>} : memref<80x128xf32, #tpu.memory_space<vmem>>, vector<16xf32>,
          tpu.vector_store %arg15[%parallel_loop3A_590, %parallel_loop3A_591], %parallel_loop3A_587 {strides = array<i32>} : memref<80x128xf32, #tpu.memory_space<vmem>>, vector<16xf32>,
          %parallel_loop3A_593 = arith.constant 4 : i32
          %parallel_loop3A_594 = arith.addi %parallel_loop3A_81, %parallel_loop3A_593 : i32
          %parallel_loop3A_595 = arith.index_cast %parallel_loop3A_594 : i32 to index
          %parallel_loop3A_596 = arith.constant 96 : index
          %parallel_loop3A_597 = tpu.vector_load %arg15[%parallel_loop3A_595, %parallel_loop3A_596] {strides = array<i32>} : memref<80x128xf32, #tpu.memory_space<vmem>>, vector<16xf32>,
          %parallel_loop3A_598 = arith.mulf %parallel_loop3A_597, %parallel_loop3A_526 : vector<16xf32>
          %parallel_loop3A_599 = arith.constant 4 : i32
          %parallel_loop3A_600 = arith.addi %parallel_loop3A_81, %parallel_loop3A_599 : i32
          %parallel_loop3A_601 = arith.index_cast %parallel_loop3A_600 : i32 to index
          %parallel_loop3A_602 = arith.constant 96 : index
          %parallel_loop3A_603 = tpu.vector_load %arg15[%parallel_loop3A_601, %parallel_loop3A_602] {strides = array<i32>} : memref<80x128xf32, #tpu.memory_space<vmem>>, vector<16xf32>,
          tpu.vector_store %arg15[%parallel_loop3A_601, %parallel_loop3A_602], %parallel_loop3A_598 {strides = array<i32>} : memref<80x128xf32, #tpu.memory_space<vmem>>, vector<16xf32>,
          %parallel_loop3A_604 = arith.constant 4 : i32
          %parallel_loop3A_605 = arith.addi %parallel_loop3A_81, %parallel_loop3A_604 : i32
          %parallel_loop3A_606 = arith.index_cast %parallel_loop3A_605 : i32 to index
          %parallel_loop3A_607 = arith.constant 112 : index
          %parallel_loop3A_608 = tpu.vector_load %arg15[%parallel_loop3A_606, %parallel_loop3A_607] {strides = array<i32>} : memref<80x128xf32, #tpu.memory_space<vmem>>, vector<16xf32>,
          %parallel_loop3A_609 = arith.mulf %parallel_loop3A_608, %parallel_loop3A_526 : vector<16xf32>
          %parallel_loop3A_610 = arith.constant 4 : i32
          %parallel_loop3A_611 = arith.addi %parallel_loop3A_81, %parallel_loop3A_610 : i32
          %parallel_loop3A_612 = arith.index_cast %parallel_loop3A_611 : i32 to index
          %parallel_loop3A_613 = arith.constant 112 : index
          %parallel_loop3A_614 = tpu.vector_load %arg15[%parallel_loop3A_612, %parallel_loop3A_613] {strides = array<i32>} : memref<80x128xf32, #tpu.memory_space<vmem>>, vector<16xf32>,
          tpu.vector_store %arg15[%parallel_loop3A_612, %parallel_loop3A_613], %parallel_loop3A_609 {strides = array<i32>} : memref<80x128xf32, #tpu.memory_space<vmem>>, vector<16xf32>,
          %parallel_loop3A_615 = arith.constant 5 : i32
          %parallel_loop3A_616 = vector.broadcast %parallel_loop3A_615 : i32 to vector<16xi32>
          %parallel_loop3A_617 = arith.constant 0 : i32
          %parallel_loop3A_618 = vector.broadcast %parallel_loop3A_617 : i32 to vector<16xi32>
          %parallel_loop3A_619 = arith.cmpi slt, %parallel_loop3A_616, %parallel_loop3A_618 : vector<16xi32>
          %parallel_loop3A_620 = arith.constant 16 : i32
          %parallel_loop3A_621 = vector.broadcast %parallel_loop3A_620 : i32 to vector<16xi32>
          %parallel_loop3A_622 = arith.addi %parallel_loop3A_616, %parallel_loop3A_621 : vector<16xi32>
          %parallel_loop3A_623 = arith.select %parallel_loop3A_619, %parallel_loop3A_622, %parallel_loop3A_616 : vector<16xi1>, vector<16xi32>
          %parallel_loop3A_624 = vector.shape_cast %parallel_loop3A_623 : vector<16xi32> to vector<16x1xi32>
          %parallel_loop3A_625 = vector.shape_cast %parallel_loop3A_624 : vector<16x1xi32> to vector<16xi32>
          %parallel_loop3A_626 = tpu.dynamic_gather %parallel_loop3A_114[%parallel_loop3A_625] in [0] : vector<16xf32>, vector<16xi32> -> vector<16xf32>
          %parallel_loop3A_627 = arith.constant 5 : i32
          %parallel_loop3A_628 = arith.addi %parallel_loop3A_81, %parallel_loop3A_627 : i32
          %parallel_loop3A_629 = arith.index_cast %parallel_loop3A_628 : i32 to index
          %parallel_loop3A_630 = arith.constant 0 : index
          %parallel_loop3A_631 = tpu.vector_load %arg15[%parallel_loop3A_629, %parallel_loop3A_630] {strides = array<i32>} : memref<80x128xf32, #tpu.memory_space<vmem>>, vector<16xf32>,
          %parallel_loop3A_632 = arith.mulf %parallel_loop3A_631, %parallel_loop3A_626 : vector<16xf32>
          %parallel_loop3A_633 = arith.constant 5 : i32
          %parallel_loop3A_634 = arith.addi %parallel_loop3A_81, %parallel_loop3A_633 : i32
          %parallel_loop3A_635 = arith.index_cast %parallel_loop3A_634 : i32 to index
          %parallel_loop3A_636 = arith.constant 0 : index
          %parallel_loop3A_637 = tpu.vector_load %arg15[%parallel_loop3A_635, %parallel_loop3A_636] {strides = array<i32>} : memref<80x128xf32, #tpu.memory_space<vmem>>, vector<16xf32>,
          tpu.vector_store %arg15[%parallel_loop3A_635, %parallel_loop3A_636], %parallel_loop3A_632 {strides = array<i32>} : memref<80x128xf32, #tpu.memory_space<vmem>>, vector<16xf32>,
          %parallel_loop3A_638 = arith.constant 5 : i32
          %parallel_loop3A_639 = arith.addi %parallel_loop3A_81, %parallel_loop3A_638 : i32
          %parallel_loop3A_640 = arith.index_cast %parallel_loop3A_639 : i32 to index
          %parallel_loop3A_641 = arith.constant 16 : index
          %parallel_loop3A_642 = tpu.vector_load %arg15[%parallel_loop3A_640, %parallel_loop3A_641] {strides = array<i32>} : memref<80x128xf32, #tpu.memory_space<vmem>>, vector<16xf32>,
          %parallel_loop3A_643 = arith.mulf %parallel_loop3A_642, %parallel_loop3A_626 : vector<16xf32>
          %parallel_loop3A_644 = arith.constant 5 : i32
          %parallel_loop3A_645 = arith.addi %parallel_loop3A_81, %parallel_loop3A_644 : i32
          %parallel_loop3A_646 = arith.index_cast %parallel_loop3A_645 : i32 to index
          %parallel_loop3A_647 = arith.constant 16 : index
          %parallel_loop3A_648 = tpu.vector_load %arg15[%parallel_loop3A_646, %parallel_loop3A_647] {strides = array<i32>} : memref<80x128xf32, #tpu.memory_space<vmem>>, vector<16xf32>,
          tpu.vector_store %arg15[%parallel_loop3A_646, %parallel_loop3A_647], %parallel_loop3A_643 {strides = array<i32>} : memref<80x128xf32, #tpu.memory_space<vmem>>, vector<16xf32>,
          %parallel_loop3A_649 = arith.constant 5 : i32
          %parallel_loop3A_650 = arith.addi %parallel_loop3A_81, %parallel_loop3A_649 : i32
          %parallel_loop3A_651 = arith.index_cast %parallel_loop3A_650 : i32 to index
          %parallel_loop3A_652 = arith.constant 32 : index
          %parallel_loop3A_653 = tpu.vector_load %arg15[%parallel_loop3A_651, %parallel_loop3A_652] {strides = array<i32>} : memref<80x128xf32, #tpu.memory_space<vmem>>, vector<16xf32>,
          %parallel_loop3A_654 = arith.mulf %parallel_loop3A_653, %parallel_loop3A_626 : vector<16xf32>
          %parallel_loop3A_655 = arith.constant 5 : i32
          %parallel_loop3A_656 = arith.addi %parallel_loop3A_81, %parallel_loop3A_655 : i32
          %parallel_loop3A_657 = arith.index_cast %parallel_loop3A_656 : i32 to index
          %parallel_loop3A_658 = arith.constant 32 : index
          %parallel_loop3A_659 = tpu.vector_load %arg15[%parallel_loop3A_657, %parallel_loop3A_658] {strides = array<i32>} : memref<80x128xf32, #tpu.memory_space<vmem>>, vector<16xf32>,
          tpu.vector_store %arg15[%parallel_loop3A_657, %parallel_loop3A_658], %parallel_loop3A_654 {strides = array<i32>} : memref<80x128xf32, #tpu.memory_space<vmem>>, vector<16xf32>,
          %parallel_loop3A_660 = arith.constant 5 : i32
          %parallel_loop3A_661 = arith.addi %parallel_loop3A_81, %parallel_loop3A_660 : i32
          %parallel_loop3A_662 = arith.index_cast %parallel_loop3A_661 : i32 to index
          %parallel_loop3A_663 = arith.constant 48 : index
          %parallel_loop3A_664 = tpu.vector_load %arg15[%parallel_loop3A_662, %parallel_loop3A_663] {strides = array<i32>} : memref<80x128xf32, #tpu.memory_space<vmem>>, vector<16xf32>,
          %parallel_loop3A_665 = arith.mulf %parallel_loop3A_664, %parallel_loop3A_626 : vector<16xf32>
          %parallel_loop3A_666 = arith.constant 5 : i32
          %parallel_loop3A_667 = arith.addi %parallel_loop3A_81, %parallel_loop3A_666 : i32
          %parallel_loop3A_668 = arith.index_cast %parallel_loop3A_667 : i32 to index
          %parallel_loop3A_669 = arith.constant 48 : index
          %parallel_loop3A_670 = tpu.vector_load %arg15[%parallel_loop3A_668, %parallel_loop3A_669] {strides = array<i32>} : memref<80x128xf32, #tpu.memory_space<vmem>>, vector<16xf32>,
          tpu.vector_store %arg15[%parallel_loop3A_668, %parallel_loop3A_669], %parallel_loop3A_665 {strides = array<i32>} : memref<80x128xf32, #tpu.memory_space<vmem>>, vector<16xf32>,
          %parallel_loop3A_671 = arith.constant 5 : i32
          %parallel_loop3A_672 = arith.addi %parallel_loop3A_81, %parallel_loop3A_671 : i32
          %parallel_loop3A_673 = arith.index_cast %parallel_loop3A_672 : i32 to index
          %parallel_loop3A_674 = arith.constant 64 : index
          %parallel_loop3A_675 = tpu.vector_load %arg15[%parallel_loop3A_673, %parallel_loop3A_674] {strides = array<i32>} : memref<80x128xf32, #tpu.memory_space<vmem>>, vector<16xf32>,
          %parallel_loop3A_676 = arith.mulf %parallel_loop3A_675, %parallel_loop3A_626 : vector<16xf32>
          %parallel_loop3A_677 = arith.constant 5 : i32
          %parallel_loop3A_678 = arith.addi %parallel_loop3A_81, %parallel_loop3A_677 : i32
          %parallel_loop3A_679 = arith.index_cast %parallel_loop3A_678 : i32 to index
          %parallel_loop3A_680 = arith.constant 64 : index
          %parallel_loop3A_681 = tpu.vector_load %arg15[%parallel_loop3A_679, %parallel_loop3A_680] {strides = array<i32>} : memref<80x128xf32, #tpu.memory_space<vmem>>, vector<16xf32>,
          tpu.vector_store %arg15[%parallel_loop3A_679, %parallel_loop3A_680], %parallel_loop3A_676 {strides = array<i32>} : memref<80x128xf32, #tpu.memory_space<vmem>>, vector<16xf32>,
          %parallel_loop3A_682 = arith.constant 5 : i32
          %parallel_loop3A_683 = arith.addi %parallel_loop3A_81, %parallel_loop3A_682 : i32
          %parallel_loop3A_684 = arith.index_cast %parallel_loop3A_683 : i32 to index
          %parallel_loop3A_685 = arith.constant 80 : index
          %parallel_loop3A_686 = tpu.vector_load %arg15[%parallel_loop3A_684, %parallel_loop3A_685] {strides = array<i32>} : memref<80x128xf32, #tpu.memory_space<vmem>>, vector<16xf32>,
          %parallel_loop3A_687 = arith.mulf %parallel_loop3A_686, %parallel_loop3A_626 : vector<16xf32>
          %parallel_loop3A_688 = arith.constant 5 : i32
          %parallel_loop3A_689 = arith.addi %parallel_loop3A_81, %parallel_loop3A_688 : i32
          %parallel_loop3A_690 = arith.index_cast %parallel_loop3A_689 : i32 to index
          %parallel_loop3A_691 = arith.constant 80 : index
          %parallel_loop3A_692 = tpu.vector_load %arg15[%parallel_loop3A_690, %parallel_loop3A_691] {strides = array<i32>} : memref<80x128xf32, #tpu.memory_space<vmem>>, vector<16xf32>,
          tpu.vector_store %arg15[%parallel_loop3A_690, %parallel_loop3A_691], %parallel_loop3A_687 {strides = array<i32>} : memref<80x128xf32, #tpu.memory_space<vmem>>, vector<16xf32>,
          %parallel_loop3A_693 = arith.constant 5 : i32
          %parallel_loop3A_694 = arith.addi %parallel_loop3A_81, %parallel_loop3A_693 : i32
          %parallel_loop3A_695 = arith.index_cast %parallel_loop3A_694 : i32 to index
          %parallel_loop3A_696 = arith.constant 96 : index
          %parallel_loop3A_697 = tpu.vector_load %arg15[%parallel_loop3A_695, %parallel_loop3A_696] {strides = array<i32>} : memref<80x128xf32, #tpu.memory_space<vmem>>, vector<16xf32>,
          %parallel_loop3A_698 = arith.mulf %parallel_loop3A_697, %parallel_loop3A_626 : vector<16xf32>
          %parallel_loop3A_699 = arith.constant 5 : i32
          %parallel_loop3A_700 = arith.addi %parallel_loop3A_81, %parallel_loop3A_699 : i32
          %parallel_loop3A_701 = arith.index_cast %parallel_loop3A_700 : i32 to index
          %parallel_loop3A_702 = arith.constant 96 : index
          %parallel_loop3A_703 = tpu.vector_load %arg15[%parallel_loop3A_701, %parallel_loop3A_702] {strides = array<i32>} : memref<80x128xf32, #tpu.memory_space<vmem>>, vector<16xf32>,
          tpu.vector_store %arg15[%parallel_loop3A_701, %parallel_loop3A_702], %parallel_loop3A_698 {strides = array<i32>} : memref<80x128xf32, #tpu.memory_space<vmem>>, vector<16xf32>,
          %parallel_loop3A_704 = arith.constant 5 : i32
          %parallel_loop3A_705 = arith.addi %parallel_loop3A_81, %parallel_loop3A_704 : i32
          %parallel_loop3A_706 = arith.index_cast %parallel_loop3A_705 : i32 to index
          %parallel_loop3A_707 = arith.constant 112 : index
          %parallel_loop3A_708 = tpu.vector_load %arg15[%parallel_loop3A_706, %parallel_loop3A_707] {strides = array<i32>} : memref<80x128xf32, #tpu.memory_space<vmem>>, vector<16xf32>,
          %parallel_loop3A_709 = arith.mulf %parallel_loop3A_708, %parallel_loop3A_626 : vector<16xf32>
          %parallel_loop3A_710 = arith.constant 5 : i32
          %parallel_loop3A_711 = arith.addi %parallel_loop3A_81, %parallel_loop3A_710 : i32
          %parallel_loop3A_712 = arith.index_cast %parallel_loop3A_711 : i32 to index
          %parallel_loop3A_713 = arith.constant 112 : index
          %parallel_loop3A_714 = tpu.vector_load %arg15[%parallel_loop3A_712, %parallel_loop3A_713] {strides = array<i32>} : memref<80x128xf32, #tpu.memory_space<vmem>>, vector<16xf32>,
          tpu.vector_store %arg15[%parallel_loop3A_712, %parallel_loop3A_713], %parallel_loop3A_709 {strides = array<i32>} : memref<80x128xf32, #tpu.memory_space<vmem>>, vector<16xf32>,
          %parallel_loop3A_715 = arith.constant 6 : i32
          %parallel_loop3A_716 = vector.broadcast %parallel_loop3A_715 : i32 to vector<16xi32>
          %parallel_loop3A_717 = arith.constant 0 : i32
          %parallel_loop3A_718 = vector.broadcast %parallel_loop3A_717 : i32 to vector<16xi32>
          %parallel_loop3A_719 = arith.cmpi slt, %parallel_loop3A_716, %parallel_loop3A_718 : vector<16xi32>
          %parallel_loop3A_720 = arith.constant 16 : i32
          %parallel_loop3A_721 = vector.broadcast %parallel_loop3A_720 : i32 to vector<16xi32>
          %parallel_loop3A_722 = arith.addi %parallel_loop3A_716, %parallel_loop3A_721 : vector<16xi32>
          %parallel_loop3A_723 = arith.select %parallel_loop3A_719, %parallel_loop3A_722, %parallel_loop3A_716 : vector<16xi1>, vector<16xi32>
          %parallel_loop3A_724 = vector.shape_cast %parallel_loop3A_723 : vector<16xi32> to vector<16x1xi32>
          %parallel_loop3A_725 = vector.shape_cast %parallel_loop3A_724 : vector<16x1xi32> to vector<16xi32>
          %parallel_loop3A_726 = tpu.dynamic_gather %parallel_loop3A_114[%parallel_loop3A_725] in [0] : vector<16xf32>, vector<16xi32> -> vector<16xf32>
          %parallel_loop3A_727 = arith.constant 6 : i32
          %parallel_loop3A_728 = arith.addi %parallel_loop3A_81, %parallel_loop3A_727 : i32
          %parallel_loop3A_729 = arith.index_cast %parallel_loop3A_728 : i32 to index
          %parallel_loop3A_730 = arith.constant 0 : index
          %parallel_loop3A_731 = tpu.vector_load %arg15[%parallel_loop3A_729, %parallel_loop3A_730] {strides = array<i32>} : memref<80x128xf32, #tpu.memory_space<vmem>>, vector<16xf32>,
          %parallel_loop3A_732 = arith.mulf %parallel_loop3A_731, %parallel_loop3A_726 : vector<16xf32>
          %parallel_loop3A_733 = arith.constant 6 : i32
          %parallel_loop3A_734 = arith.addi %parallel_loop3A_81, %parallel_loop3A_733 : i32
          %parallel_loop3A_735 = arith.index_cast %parallel_loop3A_734 : i32 to index
          %parallel_loop3A_736 = arith.constant 0 : index
          %parallel_loop3A_737 = tpu.vector_load %arg15[%parallel_loop3A_735, %parallel_loop3A_736] {strides = array<i32>} : memref<80x128xf32, #tpu.memory_space<vmem>>, vector<16xf32>,
          tpu.vector_store %arg15[%parallel_loop3A_735, %parallel_loop3A_736], %parallel_loop3A_732 {strides = array<i32>} : memref<80x128xf32, #tpu.memory_space<vmem>>, vector<16xf32>,
          %parallel_loop3A_738 = arith.constant 6 : i32
          %parallel_loop3A_739 = arith.addi %parallel_loop3A_81, %parallel_loop3A_738 : i32
          %parallel_loop3A_740 = arith.index_cast %parallel_loop3A_739 : i32 to index
          %parallel_loop3A_741 = arith.constant 16 : index
          %parallel_loop3A_742 = tpu.vector_load %arg15[%parallel_loop3A_740, %parallel_loop3A_741] {strides = array<i32>} : memref<80x128xf32, #tpu.memory_space<vmem>>, vector<16xf32>,
          %parallel_loop3A_743 = arith.mulf %parallel_loop3A_742, %parallel_loop3A_726 : vector<16xf32>
          %parallel_loop3A_744 = arith.constant 6 : i32
          %parallel_loop3A_745 = arith.addi %parallel_loop3A_81, %parallel_loop3A_744 : i32
          %parallel_loop3A_746 = arith.index_cast %parallel_loop3A_745 : i32 to index
          %parallel_loop3A_747 = arith.constant 16 : index
          %parallel_loop3A_748 = tpu.vector_load %arg15[%parallel_loop3A_746, %parallel_loop3A_747] {strides = array<i32>} : memref<80x128xf32, #tpu.memory_space<vmem>>, vector<16xf32>,
          tpu.vector_store %arg15[%parallel_loop3A_746, %parallel_loop3A_747], %parallel_loop3A_743 {strides = array<i32>} : memref<80x128xf32, #tpu.memory_space<vmem>>, vector<16xf32>,
          %parallel_loop3A_749 = arith.constant 6 : i32
          %parallel_loop3A_750 = arith.addi %parallel_loop3A_81, %parallel_loop3A_749 : i32
          %parallel_loop3A_751 = arith.index_cast %parallel_loop3A_750 : i32 to index
          %parallel_loop3A_752 = arith.constant 32 : index
          %parallel_loop3A_753 = tpu.vector_load %arg15[%parallel_loop3A_751, %parallel_loop3A_752] {strides = array<i32>} : memref<80x128xf32, #tpu.memory_space<vmem>>, vector<16xf32>,
          %parallel_loop3A_754 = arith.mulf %parallel_loop3A_753, %parallel_loop3A_726 : vector<16xf32>
          %parallel_loop3A_755 = arith.constant 6 : i32
          %parallel_loop3A_756 = arith.addi %parallel_loop3A_81, %parallel_loop3A_755 : i32
          %parallel_loop3A_757 = arith.index_cast %parallel_loop3A_756 : i32 to index
          %parallel_loop3A_758 = arith.constant 32 : index
          %parallel_loop3A_759 = tpu.vector_load %arg15[%parallel_loop3A_757, %parallel_loop3A_758] {strides = array<i32>} : memref<80x128xf32, #tpu.memory_space<vmem>>, vector<16xf32>,
          tpu.vector_store %arg15[%parallel_loop3A_757, %parallel_loop3A_758], %parallel_loop3A_754 {strides = array<i32>} : memref<80x128xf32, #tpu.memory_space<vmem>>, vector<16xf32>,
          %parallel_loop3A_760 = arith.constant 6 : i32
          %parallel_loop3A_761 = arith.addi %parallel_loop3A_81, %parallel_loop3A_760 : i32
          %parallel_loop3A_762 = arith.index_cast %parallel_loop3A_761 : i32 to index
          %parallel_loop3A_763 = arith.constant 48 : index
          %parallel_loop3A_764 = tpu.vector_load %arg15[%parallel_loop3A_762, %parallel_loop3A_763] {strides = array<i32>} : memref<80x128xf32, #tpu.memory_space<vmem>>, vector<16xf32>,
          %parallel_loop3A_765 = arith.mulf %parallel_loop3A_764, %parallel_loop3A_726 : vector<16xf32>
          %parallel_loop3A_766 = arith.constant 6 : i32
          %parallel_loop3A_767 = arith.addi %parallel_loop3A_81, %parallel_loop3A_766 : i32
          %parallel_loop3A_768 = arith.index_cast %parallel_loop3A_767 : i32 to index
          %parallel_loop3A_769 = arith.constant 48 : index
          %parallel_loop3A_770 = tpu.vector_load %arg15[%parallel_loop3A_768, %parallel_loop3A_769] {strides = array<i32>} : memref<80x128xf32, #tpu.memory_space<vmem>>, vector<16xf32>,
          tpu.vector_store %arg15[%parallel_loop3A_768, %parallel_loop3A_769], %parallel_loop3A_765 {strides = array<i32>} : memref<80x128xf32, #tpu.memory_space<vmem>>, vector<16xf32>,
          %parallel_loop3A_771 = arith.constant 6 : i32
          %parallel_loop3A_772 = arith.addi %parallel_loop3A_81, %parallel_loop3A_771 : i32
          %parallel_loop3A_773 = arith.index_cast %parallel_loop3A_772 : i32 to index
          %parallel_loop3A_774 = arith.constant 64 : index
          %parallel_loop3A_775 = tpu.vector_load %arg15[%parallel_loop3A_773, %parallel_loop3A_774] {strides = array<i32>} : memref<80x128xf32, #tpu.memory_space<vmem>>, vector<16xf32>,
          %parallel_loop3A_776 = arith.mulf %parallel_loop3A_775, %parallel_loop3A_726 : vector<16xf32>
          %parallel_loop3A_777 = arith.constant 6 : i32
          %parallel_loop3A_778 = arith.addi %parallel_loop3A_81, %parallel_loop3A_777 : i32
          %parallel_loop3A_779 = arith.index_cast %parallel_loop3A_778 : i32 to index
          %parallel_loop3A_780 = arith.constant 64 : index
          %parallel_loop3A_781 = tpu.vector_load %arg15[%parallel_loop3A_779, %parallel_loop3A_780] {strides = array<i32>} : memref<80x128xf32, #tpu.memory_space<vmem>>, vector<16xf32>,
          tpu.vector_store %arg15[%parallel_loop3A_779, %parallel_loop3A_780], %parallel_loop3A_776 {strides = array<i32>} : memref<80x128xf32, #tpu.memory_space<vmem>>, vector<16xf32>,
          %parallel_loop3A_782 = arith.constant 6 : i32
          %parallel_loop3A_783 = arith.addi %parallel_loop3A_81, %parallel_loop3A_782 : i32
          %parallel_loop3A_784 = arith.index_cast %parallel_loop3A_783 : i32 to index
          %parallel_loop3A_785 = arith.constant 80 : index
          %parallel_loop3A_786 = tpu.vector_load %arg15[%parallel_loop3A_784, %parallel_loop3A_785] {strides = array<i32>} : memref<80x128xf32, #tpu.memory_space<vmem>>, vector<16xf32>,
          %parallel_loop3A_787 = arith.mulf %parallel_loop3A_786, %parallel_loop3A_726 : vector<16xf32>
          %parallel_loop3A_788 = arith.constant 6 : i32
          %parallel_loop3A_789 = arith.addi %parallel_loop3A_81, %parallel_loop3A_788 : i32
          %parallel_loop3A_790 = arith.index_cast %parallel_loop3A_789 : i32 to index
          %parallel_loop3A_791 = arith.constant 80 : index
          %parallel_loop3A_792 = tpu.vector_load %arg15[%parallel_loop3A_790, %parallel_loop3A_791] {strides = array<i32>} : memref<80x128xf32, #tpu.memory_space<vmem>>, vector<16xf32>,
          tpu.vector_store %arg15[%parallel_loop3A_790, %parallel_loop3A_791], %parallel_loop3A_787 {strides = array<i32>} : memref<80x128xf32, #tpu.memory_space<vmem>>, vector<16xf32>,
          %parallel_loop3A_793 = arith.constant 6 : i32
          %parallel_loop3A_794 = arith.addi %parallel_loop3A_81, %parallel_loop3A_793 : i32
          %parallel_loop3A_795 = arith.index_cast %parallel_loop3A_794 : i32 to index
          %parallel_loop3A_796 = arith.constant 96 : index
          %parallel_loop3A_797 = tpu.vector_load %arg15[%parallel_loop3A_795, %parallel_loop3A_796] {strides = array<i32>} : memref<80x128xf32, #tpu.memory_space<vmem>>, vector<16xf32>,
          %parallel_loop3A_798 = arith.mulf %parallel_loop3A_797, %parallel_loop3A_726 : vector<16xf32>
          %parallel_loop3A_799 = arith.constant 6 : i32
          %parallel_loop3A_800 = arith.addi %parallel_loop3A_81, %parallel_loop3A_799 : i32
          %parallel_loop3A_801 = arith.index_cast %parallel_loop3A_800 : i32 to index
          %parallel_loop3A_802 = arith.constant 96 : index
          %parallel_loop3A_803 = tpu.vector_load %arg15[%parallel_loop3A_801, %parallel_loop3A_802] {strides = array<i32>} : memref<80x128xf32, #tpu.memory_space<vmem>>, vector<16xf32>,
          tpu.vector_store %arg15[%parallel_loop3A_801, %parallel_loop3A_802], %parallel_loop3A_798 {strides = array<i32>} : memref<80x128xf32, #tpu.memory_space<vmem>>, vector<16xf32>,
          %parallel_loop3A_804 = arith.constant 6 : i32
          %parallel_loop3A_805 = arith.addi %parallel_loop3A_81, %parallel_loop3A_804 : i32
          %parallel_loop3A_806 = arith.index_cast %parallel_loop3A_805 : i32 to index
          %parallel_loop3A_807 = arith.constant 112 : index
          %parallel_loop3A_808 = tpu.vector_load %arg15[%parallel_loop3A_806, %parallel_loop3A_807] {strides = array<i32>} : memref<80x128xf32, #tpu.memory_space<vmem>>, vector<16xf32>,
          %parallel_loop3A_809 = arith.mulf %parallel_loop3A_808, %parallel_loop3A_726 : vector<16xf32>
          %parallel_loop3A_810 = arith.constant 6 : i32
          %parallel_loop3A_811 = arith.addi %parallel_loop3A_81, %parallel_loop3A_810 : i32
          %parallel_loop3A_812 = arith.index_cast %parallel_loop3A_811 : i32 to index
          %parallel_loop3A_813 = arith.constant 112 : index
          %parallel_loop3A_814 = tpu.vector_load %arg15[%parallel_loop3A_812, %parallel_loop3A_813] {strides = array<i32>} : memref<80x128xf32, #tpu.memory_space<vmem>>, vector<16xf32>,
          tpu.vector_store %arg15[%parallel_loop3A_812, %parallel_loop3A_813], %parallel_loop3A_809 {strides = array<i32>} : memref<80x128xf32, #tpu.memory_space<vmem>>, vector<16xf32>,
          %parallel_loop3A_815 = arith.constant 7 : i32
          %parallel_loop3A_816 = vector.broadcast %parallel_loop3A_815 : i32 to vector<16xi32>
          %parallel_loop3A_817 = arith.constant 0 : i32
          %parallel_loop3A_818 = vector.broadcast %parallel_loop3A_817 : i32 to vector<16xi32>
          %parallel_loop3A_819 = arith.cmpi slt, %parallel_loop3A_816, %parallel_loop3A_818 : vector<16xi32>
          %parallel_loop3A_820 = arith.constant 16 : i32
          %parallel_loop3A_821 = vector.broadcast %parallel_loop3A_820 : i32 to vector<16xi32>
          %parallel_loop3A_822 = arith.addi %parallel_loop3A_816, %parallel_loop3A_821 : vector<16xi32>
          %parallel_loop3A_823 = arith.select %parallel_loop3A_819, %parallel_loop3A_822, %parallel_loop3A_816 : vector<16xi1>, vector<16xi32>
          %parallel_loop3A_824 = vector.shape_cast %parallel_loop3A_823 : vector<16xi32> to vector<16x1xi32>
          %parallel_loop3A_825 = vector.shape_cast %parallel_loop3A_824 : vector<16x1xi32> to vector<16xi32>
          %parallel_loop3A_826 = tpu.dynamic_gather %parallel_loop3A_114[%parallel_loop3A_825] in [0] : vector<16xf32>, vector<16xi32> -> vector<16xf32>
          %parallel_loop3A_827 = arith.constant 7 : i32
          %parallel_loop3A_828 = arith.addi %parallel_loop3A_81, %parallel_loop3A_827 : i32
          %parallel_loop3A_829 = arith.index_cast %parallel_loop3A_828 : i32 to index
          %parallel_loop3A_830 = arith.constant 0 : index
          %parallel_loop3A_831 = tpu.vector_load %arg15[%parallel_loop3A_829, %parallel_loop3A_830] {strides = array<i32>} : memref<80x128xf32, #tpu.memory_space<vmem>>, vector<16xf32>,
          %parallel_loop3A_832 = arith.mulf %parallel_loop3A_831, %parallel_loop3A_826 : vector<16xf32>
          %parallel_loop3A_833 = arith.constant 7 : i32
          %parallel_loop3A_834 = arith.addi %parallel_loop3A_81, %parallel_loop3A_833 : i32
          %parallel_loop3A_835 = arith.index_cast %parallel_loop3A_834 : i32 to index
          %parallel_loop3A_836 = arith.constant 0 : index
          %parallel_loop3A_837 = tpu.vector_load %arg15[%parallel_loop3A_835, %parallel_loop3A_836] {strides = array<i32>} : memref<80x128xf32, #tpu.memory_space<vmem>>, vector<16xf32>,
          tpu.vector_store %arg15[%parallel_loop3A_835, %parallel_loop3A_836], %parallel_loop3A_832 {strides = array<i32>} : memref<80x128xf32, #tpu.memory_space<vmem>>, vector<16xf32>,
          %parallel_loop3A_838 = arith.constant 7 : i32
          %parallel_loop3A_839 = arith.addi %parallel_loop3A_81, %parallel_loop3A_838 : i32
          %parallel_loop3A_840 = arith.index_cast %parallel_loop3A_839 : i32 to index
          %parallel_loop3A_841 = arith.constant 16 : index
          %parallel_loop3A_842 = tpu.vector_load %arg15[%parallel_loop3A_840, %parallel_loop3A_841] {strides = array<i32>} : memref<80x128xf32, #tpu.memory_space<vmem>>, vector<16xf32>,
          %parallel_loop3A_843 = arith.mulf %parallel_loop3A_842, %parallel_loop3A_826 : vector<16xf32>
          %parallel_loop3A_844 = arith.constant 7 : i32
          %parallel_loop3A_845 = arith.addi %parallel_loop3A_81, %parallel_loop3A_844 : i32
          %parallel_loop3A_846 = arith.index_cast %parallel_loop3A_845 : i32 to index
          %parallel_loop3A_847 = arith.constant 16 : index
          %parallel_loop3A_848 = tpu.vector_load %arg15[%parallel_loop3A_846, %parallel_loop3A_847] {strides = array<i32>} : memref<80x128xf32, #tpu.memory_space<vmem>>, vector<16xf32>,
          tpu.vector_store %arg15[%parallel_loop3A_846, %parallel_loop3A_847], %parallel_loop3A_843 {strides = array<i32>} : memref<80x128xf32, #tpu.memory_space<vmem>>, vector<16xf32>,
          %parallel_loop3A_849 = arith.constant 7 : i32
          %parallel_loop3A_850 = arith.addi %parallel_loop3A_81, %parallel_loop3A_849 : i32
          %parallel_loop3A_851 = arith.index_cast %parallel_loop3A_850 : i32 to index
          %parallel_loop3A_852 = arith.constant 32 : index
          %parallel_loop3A_853 = tpu.vector_load %arg15[%parallel_loop3A_851, %parallel_loop3A_852] {strides = array<i32>} : memref<80x128xf32, #tpu.memory_space<vmem>>, vector<16xf32>,
          %parallel_loop3A_854 = arith.mulf %parallel_loop3A_853, %parallel_loop3A_826 : vector<16xf32>
          %parallel_loop3A_855 = arith.constant 7 : i32
          %parallel_loop3A_856 = arith.addi %parallel_loop3A_81, %parallel_loop3A_855 : i32
          %parallel_loop3A_857 = arith.index_cast %parallel_loop3A_856 : i32 to index
          %parallel_loop3A_858 = arith.constant 32 : index
          %parallel_loop3A_859 = tpu.vector_load %arg15[%parallel_loop3A_857, %parallel_loop3A_858] {strides = array<i32>} : memref<80x128xf32, #tpu.memory_space<vmem>>, vector<16xf32>,
          tpu.vector_store %arg15[%parallel_loop3A_857, %parallel_loop3A_858], %parallel_loop3A_854 {strides = array<i32>} : memref<80x128xf32, #tpu.memory_space<vmem>>, vector<16xf32>,
          %parallel_loop3A_860 = arith.constant 7 : i32
          %parallel_loop3A_861 = arith.addi %parallel_loop3A_81, %parallel_loop3A_860 : i32
          %parallel_loop3A_862 = arith.index_cast %parallel_loop3A_861 : i32 to index
          %parallel_loop3A_863 = arith.constant 48 : index
          %parallel_loop3A_864 = tpu.vector_load %arg15[%parallel_loop3A_862, %parallel_loop3A_863] {strides = array<i32>} : memref<80x128xf32, #tpu.memory_space<vmem>>, vector<16xf32>,
          %parallel_loop3A_865 = arith.mulf %parallel_loop3A_864, %parallel_loop3A_826 : vector<16xf32>
          %parallel_loop3A_866 = arith.constant 7 : i32
          %parallel_loop3A_867 = arith.addi %parallel_loop3A_81, %parallel_loop3A_866 : i32
          %parallel_loop3A_868 = arith.index_cast %parallel_loop3A_867 : i32 to index
          %parallel_loop3A_869 = arith.constant 48 : index
          %parallel_loop3A_870 = tpu.vector_load %arg15[%parallel_loop3A_868, %parallel_loop3A_869] {strides = array<i32>} : memref<80x128xf32, #tpu.memory_space<vmem>>, vector<16xf32>,
          tpu.vector_store %arg15[%parallel_loop3A_868, %parallel_loop3A_869], %parallel_loop3A_865 {strides = array<i32>} : memref<80x128xf32, #tpu.memory_space<vmem>>, vector<16xf32>,
          %parallel_loop3A_871 = arith.constant 7 : i32
          %parallel_loop3A_872 = arith.addi %parallel_loop3A_81, %parallel_loop3A_871 : i32
          %parallel_loop3A_873 = arith.index_cast %parallel_loop3A_872 : i32 to index
          %parallel_loop3A_874 = arith.constant 64 : index
          %parallel_loop3A_875 = tpu.vector_load %arg15[%parallel_loop3A_873, %parallel_loop3A_874] {strides = array<i32>} : memref<80x128xf32, #tpu.memory_space<vmem>>, vector<16xf32>,
          %parallel_loop3A_876 = arith.mulf %parallel_loop3A_875, %parallel_loop3A_826 : vector<16xf32>
          %parallel_loop3A_877 = arith.constant 7 : i32
          %parallel_loop3A_878 = arith.addi %parallel_loop3A_81, %parallel_loop3A_877 : i32
          %parallel_loop3A_879 = arith.index_cast %parallel_loop3A_878 : i32 to index
          %parallel_loop3A_880 = arith.constant 64 : index
          %parallel_loop3A_881 = tpu.vector_load %arg15[%parallel_loop3A_879, %parallel_loop3A_880] {strides = array<i32>} : memref<80x128xf32, #tpu.memory_space<vmem>>, vector<16xf32>,
          tpu.vector_store %arg15[%parallel_loop3A_879, %parallel_loop3A_880], %parallel_loop3A_876 {strides = array<i32>} : memref<80x128xf32, #tpu.memory_space<vmem>>, vector<16xf32>,
          %parallel_loop3A_882 = arith.constant 7 : i32
          %parallel_loop3A_883 = arith.addi %parallel_loop3A_81, %parallel_loop3A_882 : i32
          %parallel_loop3A_884 = arith.index_cast %parallel_loop3A_883 : i32 to index
          %parallel_loop3A_885 = arith.constant 80 : index
          %parallel_loop3A_886 = tpu.vector_load %arg15[%parallel_loop3A_884, %parallel_loop3A_885] {strides = array<i32>} : memref<80x128xf32, #tpu.memory_space<vmem>>, vector<16xf32>,
          %parallel_loop3A_887 = arith.mulf %parallel_loop3A_886, %parallel_loop3A_826 : vector<16xf32>
          %parallel_loop3A_888 = arith.constant 7 : i32
          %parallel_loop3A_889 = arith.addi %parallel_loop3A_81, %parallel_loop3A_888 : i32
          %parallel_loop3A_890 = arith.index_cast %parallel_loop3A_889 : i32 to index
          %parallel_loop3A_891 = arith.constant 80 : index
          %parallel_loop3A_892 = tpu.vector_load %arg15[%parallel_loop3A_890, %parallel_loop3A_891] {strides = array<i32>} : memref<80x128xf32, #tpu.memory_space<vmem>>, vector<16xf32>,
          tpu.vector_store %arg15[%parallel_loop3A_890, %parallel_loop3A_891], %parallel_loop3A_887 {strides = array<i32>} : memref<80x128xf32, #tpu.memory_space<vmem>>, vector<16xf32>,
          %parallel_loop3A_893 = arith.constant 7 : i32
          %parallel_loop3A_894 = arith.addi %parallel_loop3A_81, %parallel_loop3A_893 : i32
          %parallel_loop3A_895 = arith.index_cast %parallel_loop3A_894 : i32 to index
          %parallel_loop3A_896 = arith.constant 96 : index
          %parallel_loop3A_897 = tpu.vector_load %arg15[%parallel_loop3A_895, %parallel_loop3A_896] {strides = array<i32>} : memref<80x128xf32, #tpu.memory_space<vmem>>, vector<16xf32>,
          %parallel_loop3A_898 = arith.mulf %parallel_loop3A_897, %parallel_loop3A_826 : vector<16xf32>
          %parallel_loop3A_899 = arith.constant 7 : i32
          %parallel_loop3A_900 = arith.addi %parallel_loop3A_81, %parallel_loop3A_899 : i32
          %parallel_loop3A_901 = arith.index_cast %parallel_loop3A_900 : i32 to index
          %parallel_loop3A_902 = arith.constant 96 : index
          %parallel_loop3A_903 = tpu.vector_load %arg15[%parallel_loop3A_901, %parallel_loop3A_902] {strides = array<i32>} : memref<80x128xf32, #tpu.memory_space<vmem>>, vector<16xf32>,
          tpu.vector_store %arg15[%parallel_loop3A_901, %parallel_loop3A_902], %parallel_loop3A_898 {strides = array<i32>} : memref<80x128xf32, #tpu.memory_space<vmem>>, vector<16xf32>,
          %parallel_loop3A_904 = arith.constant 7 : i32
          %parallel_loop3A_905 = arith.addi %parallel_loop3A_81, %parallel_loop3A_904 : i32
          %parallel_loop3A_906 = arith.index_cast %parallel_loop3A_905 : i32 to index
          %parallel_loop3A_907 = arith.constant 112 : index
          %parallel_loop3A_908 = tpu.vector_load %arg15[%parallel_loop3A_906, %parallel_loop3A_907] {strides = array<i32>} : memref<80x128xf32, #tpu.memory_space<vmem>>, vector<16xf32>,
          %parallel_loop3A_909 = arith.mulf %parallel_loop3A_908, %parallel_loop3A_826 : vector<16xf32>
          %parallel_loop3A_910 = arith.constant 7 : i32
          %parallel_loop3A_911 = arith.addi %parallel_loop3A_81, %parallel_loop3A_910 : i32
          %parallel_loop3A_912 = arith.index_cast %parallel_loop3A_911 : i32 to index
          %parallel_loop3A_913 = arith.constant 112 : index
          %parallel_loop3A_914 = tpu.vector_load %arg15[%parallel_loop3A_912, %parallel_loop3A_913] {strides = array<i32>} : memref<80x128xf32, #tpu.memory_space<vmem>>, vector<16xf32>,
          tpu.vector_store %arg15[%parallel_loop3A_912, %parallel_loop3A_913], %parallel_loop3A_909 {strides = array<i32>} : memref<80x128xf32, #tpu.memory_space<vmem>>, vector<16xf32>,
          %parallel_loop3A_915 = arith.constant 8 : i32
          %parallel_loop3A_916 = vector.broadcast %parallel_loop3A_915 : i32 to vector<16xi32>
          %parallel_loop3A_917 = arith.constant 0 : i32
          %parallel_loop3A_918 = vector.broadcast %parallel_loop3A_917 : i32 to vector<16xi32>
          %parallel_loop3A_919 = arith.cmpi slt, %parallel_loop3A_916, %parallel_loop3A_918 : vector<16xi32>
          %parallel_loop3A_920 = arith.constant 16 : i32
          %parallel_loop3A_921 = vector.broadcast %parallel_loop3A_920 : i32 to vector<16xi32>
          %parallel_loop3A_922 = arith.addi %parallel_loop3A_916, %parallel_loop3A_921 : vector<16xi32>
          %parallel_loop3A_923 = arith.select %parallel_loop3A_919, %parallel_loop3A_922, %parallel_loop3A_916 : vector<16xi1>, vector<16xi32>
          %parallel_loop3A_924 = vector.shape_cast %parallel_loop3A_923 : vector<16xi32> to vector<16x1xi32>
          %parallel_loop3A_925 = vector.shape_cast %parallel_loop3A_924 : vector<16x1xi32> to vector<16xi32>
          %parallel_loop3A_926 = tpu.dynamic_gather %parallel_loop3A_114[%parallel_loop3A_925] in [0] : vector<16xf32>, vector<16xi32> -> vector<16xf32>
          %parallel_loop3A_927 = arith.constant 8 : i32
          %parallel_loop3A_928 = arith.addi %parallel_loop3A_81, %parallel_loop3A_927 : i32
          %parallel_loop3A_929 = arith.index_cast %parallel_loop3A_928 : i32 to index
          %parallel_loop3A_930 = arith.constant 0 : index
          %parallel_loop3A_931 = tpu.vector_load %arg15[%parallel_loop3A_929, %parallel_loop3A_930] {strides = array<i32>} : memref<80x128xf32, #tpu.memory_space<vmem>>, vector<16xf32>,
          %parallel_loop3A_932 = arith.mulf %parallel_loop3A_931, %parallel_loop3A_926 : vector<16xf32>
          %parallel_loop3A_933 = arith.constant 8 : i32
          %parallel_loop3A_934 = arith.addi %parallel_loop3A_81, %parallel_loop3A_933 : i32
          %parallel_loop3A_935 = arith.index_cast %parallel_loop3A_934 : i32 to index
          %parallel_loop3A_936 = arith.constant 0 : index
          %parallel_loop3A_937 = tpu.vector_load %arg15[%parallel_loop3A_935, %parallel_loop3A_936] {strides = array<i32>} : memref<80x128xf32, #tpu.memory_space<vmem>>, vector<16xf32>,
          tpu.vector_store %arg15[%parallel_loop3A_935, %parallel_loop3A_936], %parallel_loop3A_932 {strides = array<i32>} : memref<80x128xf32, #tpu.memory_space<vmem>>, vector<16xf32>,
          %parallel_loop3A_938 = arith.constant 8 : i32
          %parallel_loop3A_939 = arith.addi %parallel_loop3A_81, %parallel_loop3A_938 : i32
          %parallel_loop3A_940 = arith.index_cast %parallel_loop3A_939 : i32 to index
          %parallel_loop3A_941 = arith.constant 16 : index
          %parallel_loop3A_942 = tpu.vector_load %arg15[%parallel_loop3A_940, %parallel_loop3A_941] {strides = array<i32>} : memref<80x128xf32, #tpu.memory_space<vmem>>, vector<16xf32>,
          %parallel_loop3A_943 = arith.mulf %parallel_loop3A_942, %parallel_loop3A_926 : vector<16xf32>
          %parallel_loop3A_944 = arith.constant 8 : i32
          %parallel_loop3A_945 = arith.addi %parallel_loop3A_81, %parallel_loop3A_944 : i32
          %parallel_loop3A_946 = arith.index_cast %parallel_loop3A_945 : i32 to index
          %parallel_loop3A_947 = arith.constant 16 : index
          %parallel_loop3A_948 = tpu.vector_load %arg15[%parallel_loop3A_946, %parallel_loop3A_947] {strides = array<i32>} : memref<80x128xf32, #tpu.memory_space<vmem>>, vector<16xf32>,
          tpu.vector_store %arg15[%parallel_loop3A_946, %parallel_loop3A_947], %parallel_loop3A_943 {strides = array<i32>} : memref<80x128xf32, #tpu.memory_space<vmem>>, vector<16xf32>,
          %parallel_loop3A_949 = arith.constant 8 : i32
          %parallel_loop3A_950 = arith.addi %parallel_loop3A_81, %parallel_loop3A_949 : i32
          %parallel_loop3A_951 = arith.index_cast %parallel_loop3A_950 : i32 to index
          %parallel_loop3A_952 = arith.constant 32 : index
          %parallel_loop3A_953 = tpu.vector_load %arg15[%parallel_loop3A_951, %parallel_loop3A_952] {strides = array<i32>} : memref<80x128xf32, #tpu.memory_space<vmem>>, vector<16xf32>,
          %parallel_loop3A_954 = arith.mulf %parallel_loop3A_953, %parallel_loop3A_926 : vector<16xf32>
          %parallel_loop3A_955 = arith.constant 8 : i32
          %parallel_loop3A_956 = arith.addi %parallel_loop3A_81, %parallel_loop3A_955 : i32
          %parallel_loop3A_957 = arith.index_cast %parallel_loop3A_956 : i32 to index
          %parallel_loop3A_958 = arith.constant 32 : index
          %parallel_loop3A_959 = tpu.vector_load %arg15[%parallel_loop3A_957, %parallel_loop3A_958] {strides = array<i32>} : memref<80x128xf32, #tpu.memory_space<vmem>>, vector<16xf32>,
          tpu.vector_store %arg15[%parallel_loop3A_957, %parallel_loop3A_958], %parallel_loop3A_954 {strides = array<i32>} : memref<80x128xf32, #tpu.memory_space<vmem>>, vector<16xf32>,
          %parallel_loop3A_960 = arith.constant 8 : i32
          %parallel_loop3A_961 = arith.addi %parallel_loop3A_81, %parallel_loop3A_960 : i32
          %parallel_loop3A_962 = arith.index_cast %parallel_loop3A_961 : i32 to index
          %parallel_loop3A_963 = arith.constant 48 : index
          %parallel_loop3A_964 = tpu.vector_load %arg15[%parallel_loop3A_962, %parallel_loop3A_963] {strides = array<i32>} : memref<80x128xf32, #tpu.memory_space<vmem>>, vector<16xf32>,
          %parallel_loop3A_965 = arith.mulf %parallel_loop3A_964, %parallel_loop3A_926 : vector<16xf32>
          %parallel_loop3A_966 = arith.constant 8 : i32
          %parallel_loop3A_967 = arith.addi %parallel_loop3A_81, %parallel_loop3A_966 : i32
          %parallel_loop3A_968 = arith.index_cast %parallel_loop3A_967 : i32 to index
          %parallel_loop3A_969 = arith.constant 48 : index
          %parallel_loop3A_970 = tpu.vector_load %arg15[%parallel_loop3A_968, %parallel_loop3A_969] {strides = array<i32>} : memref<80x128xf32, #tpu.memory_space<vmem>>, vector<16xf32>,
          tpu.vector_store %arg15[%parallel_loop3A_968, %parallel_loop3A_969], %parallel_loop3A_965 {strides = array<i32>} : memref<80x128xf32, #tpu.memory_space<vmem>>, vector<16xf32>,
          %parallel_loop3A_971 = arith.constant 8 : i32
          %parallel_loop3A_972 = arith.addi %parallel_loop3A_81, %parallel_loop3A_971 : i32
          %parallel_loop3A_973 = arith.index_cast %parallel_loop3A_972 : i32 to index
          %parallel_loop3A_974 = arith.constant 64 : index
          %parallel_loop3A_975 = tpu.vector_load %arg15[%parallel_loop3A_973, %parallel_loop3A_974] {strides = array<i32>} : memref<80x128xf32, #tpu.memory_space<vmem>>, vector<16xf32>,
          %parallel_loop3A_976 = arith.mulf %parallel_loop3A_975, %parallel_loop3A_926 : vector<16xf32>
          %parallel_loop3A_977 = arith.constant 8 : i32
          %parallel_loop3A_978 = arith.addi %parallel_loop3A_81, %parallel_loop3A_977 : i32
          %parallel_loop3A_979 = arith.index_cast %parallel_loop3A_978 : i32 to index
          %parallel_loop3A_980 = arith.constant 64 : index
          %parallel_loop3A_981 = tpu.vector_load %arg15[%parallel_loop3A_979, %parallel_loop3A_980] {strides = array<i32>} : memref<80x128xf32, #tpu.memory_space<vmem>>, vector<16xf32>,
          tpu.vector_store %arg15[%parallel_loop3A_979, %parallel_loop3A_980], %parallel_loop3A_976 {strides = array<i32>} : memref<80x128xf32, #tpu.memory_space<vmem>>, vector<16xf32>,
          %parallel_loop3A_982 = arith.constant 8 : i32
          %parallel_loop3A_983 = arith.addi %parallel_loop3A_81, %parallel_loop3A_982 : i32
          %parallel_loop3A_984 = arith.index_cast %parallel_loop3A_983 : i32 to index
          %parallel_loop3A_985 = arith.constant 80 : index
          %parallel_loop3A_986 = tpu.vector_load %arg15[%parallel_loop3A_984, %parallel_loop3A_985] {strides = array<i32>} : memref<80x128xf32, #tpu.memory_space<vmem>>, vector<16xf32>,
          %parallel_loop3A_987 = arith.mulf %parallel_loop3A_986, %parallel_loop3A_926 : vector<16xf32>
          %parallel_loop3A_988 = arith.constant 8 : i32
          %parallel_loop3A_989 = arith.addi %parallel_loop3A_81, %parallel_loop3A_988 : i32
          %parallel_loop3A_990 = arith.index_cast %parallel_loop3A_989 : i32 to index
          %parallel_loop3A_991 = arith.constant 80 : index
          %parallel_loop3A_992 = tpu.vector_load %arg15[%parallel_loop3A_990, %parallel_loop3A_991] {strides = array<i32>} : memref<80x128xf32, #tpu.memory_space<vmem>>, vector<16xf32>,
          tpu.vector_store %arg15[%parallel_loop3A_990, %parallel_loop3A_991], %parallel_loop3A_987 {strides = array<i32>} : memref<80x128xf32, #tpu.memory_space<vmem>>, vector<16xf32>,
          %parallel_loop3A_993 = arith.constant 8 : i32
          %parallel_loop3A_994 = arith.addi %parallel_loop3A_81, %parallel_loop3A_993 : i32
          %parallel_loop3A_995 = arith.index_cast %parallel_loop3A_994 : i32 to index
          %parallel_loop3A_996 = arith.constant 96 : index
          %parallel_loop3A_997 = tpu.vector_load %arg15[%parallel_loop3A_995, %parallel_loop3A_996] {strides = array<i32>} : memref<80x128xf32, #tpu.memory_space<vmem>>, vector<16xf32>,
          %parallel_loop3A_998 = arith.mulf %parallel_loop3A_997, %parallel_loop3A_926 : vector<16xf32>
          %parallel_loop3A_999 = arith.constant 8 : i32
          %parallel_loop3A_1000 = arith.addi %parallel_loop3A_81, %parallel_loop3A_999 : i32
          %parallel_loop3A_1001 = arith.index_cast %parallel_loop3A_1000 : i32 to index
          %parallel_loop3A_1002 = arith.constant 96 : index
          %parallel_loop3A_1003 = tpu.vector_load %arg15[%parallel_loop3A_1001, %parallel_loop3A_1002] {strides = array<i32>} : memref<80x128xf32, #tpu.memory_space<vmem>>, vector<16xf32>,
          tpu.vector_store %arg15[%parallel_loop3A_1001, %parallel_loop3A_1002], %parallel_loop3A_998 {strides = array<i32>} : memref<80x128xf32, #tpu.memory_space<vmem>>, vector<16xf32>,
          %parallel_loop3A_1004 = arith.constant 8 : i32
          %parallel_loop3A_1005 = arith.addi %parallel_loop3A_81, %parallel_loop3A_1004 : i32
          %parallel_loop3A_1006 = arith.index_cast %parallel_loop3A_1005 : i32 to index
          %parallel_loop3A_1007 = arith.constant 112 : index
          %parallel_loop3A_1008 = tpu.vector_load %arg15[%parallel_loop3A_1006, %parallel_loop3A_1007] {strides = array<i32>} : memref<80x128xf32, #tpu.memory_space<vmem>>, vector<16xf32>,
          %parallel_loop3A_1009 = arith.mulf %parallel_loop3A_1008, %parallel_loop3A_926 : vector<16xf32>
          %parallel_loop3A_1010 = arith.constant 8 : i32
          %parallel_loop3A_1011 = arith.addi %parallel_loop3A_81, %parallel_loop3A_1010 : i32
          %parallel_loop3A_1012 = arith.index_cast %parallel_loop3A_1011 : i32 to index
          %parallel_loop3A_1013 = arith.constant 112 : index
          %parallel_loop3A_1014 = tpu.vector_load %arg15[%parallel_loop3A_1012, %parallel_loop3A_1013] {strides = array<i32>} : memref<80x128xf32, #tpu.memory_space<vmem>>, vector<16xf32>,
          tpu.vector_store %arg15[%parallel_loop3A_1012, %parallel_loop3A_1013], %parallel_loop3A_1009 {strides = array<i32>} : memref<80x128xf32, #tpu.memory_space<vmem>>, vector<16xf32>,
          %parallel_loop3A_1015 = arith.constant 9 : i32
          %parallel_loop3A_1016 = vector.broadcast %parallel_loop3A_1015 : i32 to vector<16xi32>
          %parallel_loop3A_1017 = arith.constant 0 : i32
          %parallel_loop3A_1018 = vector.broadcast %parallel_loop3A_1017 : i32 to vector<16xi32>
          %parallel_loop3A_1019 = arith.cmpi slt, %parallel_loop3A_1016, %parallel_loop3A_1018 : vector<16xi32>
          %parallel_loop3A_1020 = arith.constant 16 : i32
          %parallel_loop3A_1021 = vector.broadcast %parallel_loop3A_1020 : i32 to vector<16xi32>
          %parallel_loop3A_1022 = arith.addi %parallel_loop3A_1016, %parallel_loop3A_1021 : vector<16xi32>
          %parallel_loop3A_1023 = arith.select %parallel_loop3A_1019, %parallel_loop3A_1022, %parallel_loop3A_1016 : vector<16xi1>, vector<16xi32>
          %parallel_loop3A_1024 = vector.shape_cast %parallel_loop3A_1023 : vector<16xi32> to vector<16x1xi32>
          %parallel_loop3A_1025 = vector.shape_cast %parallel_loop3A_1024 : vector<16x1xi32> to vector<16xi32>
          %parallel_loop3A_1026 = tpu.dynamic_gather %parallel_loop3A_114[%parallel_loop3A_1025] in [0] : vector<16xf32>, vector<16xi32> -> vector<16xf32>
          %parallel_loop3A_1027 = arith.constant 9 : i32
          %parallel_loop3A_1028 = arith.addi %parallel_loop3A_81, %parallel_loop3A_1027 : i32
          %parallel_loop3A_1029 = arith.index_cast %parallel_loop3A_1028 : i32 to index
          %parallel_loop3A_1030 = arith.constant 0 : index
          %parallel_loop3A_1031 = tpu.vector_load %arg15[%parallel_loop3A_1029, %parallel_loop3A_1030] {strides = array<i32>} : memref<80x128xf32, #tpu.memory_space<vmem>>, vector<16xf32>,
          %parallel_loop3A_1032 = arith.mulf %parallel_loop3A_1031, %parallel_loop3A_1026 : vector<16xf32>
          %parallel_loop3A_1033 = arith.constant 9 : i32
          %parallel_loop3A_1034 = arith.addi %parallel_loop3A_81, %parallel_loop3A_1033 : i32
          %parallel_loop3A_1035 = arith.index_cast %parallel_loop3A_1034 : i32 to index
          %parallel_loop3A_1036 = arith.constant 0 : index
          %parallel_loop3A_1037 = tpu.vector_load %arg15[%parallel_loop3A_1035, %parallel_loop3A_1036] {strides = array<i32>} : memref<80x128xf32, #tpu.memory_space<vmem>>, vector<16xf32>,
          tpu.vector_store %arg15[%parallel_loop3A_1035, %parallel_loop3A_1036], %parallel_loop3A_1032 {strides = array<i32>} : memref<80x128xf32, #tpu.memory_space<vmem>>, vector<16xf32>,
          %parallel_loop3A_1038 = arith.constant 9 : i32
          %parallel_loop3A_1039 = arith.addi %parallel_loop3A_81, %parallel_loop3A_1038 : i32
          %parallel_loop3A_1040 = arith.index_cast %parallel_loop3A_1039 : i32 to index
          %parallel_loop3A_1041 = arith.constant 16 : index
          %parallel_loop3A_1042 = tpu.vector_load %arg15[%parallel_loop3A_1040, %parallel_loop3A_1041] {strides = array<i32>} : memref<80x128xf32, #tpu.memory_space<vmem>>, vector<16xf32>,
          %parallel_loop3A_1043 = arith.mulf %parallel_loop3A_1042, %parallel_loop3A_1026 : vector<16xf32>
          %parallel_loop3A_1044 = arith.constant 9 : i32
          %parallel_loop3A_1045 = arith.addi %parallel_loop3A_81, %parallel_loop3A_1044 : i32
          %parallel_loop3A_1046 = arith.index_cast %parallel_loop3A_1045 : i32 to index
          %parallel_loop3A_1047 = arith.constant 16 : index
          %parallel_loop3A_1048 = tpu.vector_load %arg15[%parallel_loop3A_1046, %parallel_loop3A_1047] {strides = array<i32>} : memref<80x128xf32, #tpu.memory_space<vmem>>, vector<16xf32>,
          tpu.vector_store %arg15[%parallel_loop3A_1046, %parallel_loop3A_1047], %parallel_loop3A_1043 {strides = array<i32>} : memref<80x128xf32, #tpu.memory_space<vmem>>, vector<16xf32>,
          %parallel_loop3A_1049 = arith.constant 9 : i32
          %parallel_loop3A_1050 = arith.addi %parallel_loop3A_81, %parallel_loop3A_1049 : i32
          %parallel_loop3A_1051 = arith.index_cast %parallel_loop3A_1050 : i32 to index
          %parallel_loop3A_1052 = arith.constant 32 : index
          %parallel_loop3A_1053 = tpu.vector_load %arg15[%parallel_loop3A_1051, %parallel_loop3A_1052] {strides = array<i32>} : memref<80x128xf32, #tpu.memory_space<vmem>>, vector<16xf32>,
          %parallel_loop3A_1054 = arith.mulf %parallel_loop3A_1053, %parallel_loop3A_1026 : vector<16xf32>
          %parallel_loop3A_1055 = arith.constant 9 : i32
          %parallel_loop3A_1056 = arith.addi %parallel_loop3A_81, %parallel_loop3A_1055 : i32
          %parallel_loop3A_1057 = arith.index_cast %parallel_loop3A_1056 : i32 to index
          %parallel_loop3A_1058 = arith.constant 32 : index
          %parallel_loop3A_1059 = tpu.vector_load %arg15[%parallel_loop3A_1057, %parallel_loop3A_1058] {strides = array<i32>} : memref<80x128xf32, #tpu.memory_space<vmem>>, vector<16xf32>,
          tpu.vector_store %arg15[%parallel_loop3A_1057, %parallel_loop3A_1058], %parallel_loop3A_1054 {strides = array<i32>} : memref<80x128xf32, #tpu.memory_space<vmem>>, vector<16xf32>,
          %parallel_loop3A_1060 = arith.constant 9 : i32
          %parallel_loop3A_1061 = arith.addi %parallel_loop3A_81, %parallel_loop3A_1060 : i32
          %parallel_loop3A_1062 = arith.index_cast %parallel_loop3A_1061 : i32 to index
          %parallel_loop3A_1063 = arith.constant 48 : index
          %parallel_loop3A_1064 = tpu.vector_load %arg15[%parallel_loop3A_1062, %parallel_loop3A_1063] {strides = array<i32>} : memref<80x128xf32, #tpu.memory_space<vmem>>, vector<16xf32>,
          %parallel_loop3A_1065 = arith.mulf %parallel_loop3A_1064, %parallel_loop3A_1026 : vector<16xf32>
          %parallel_loop3A_1066 = arith.constant 9 : i32
          %parallel_loop3A_1067 = arith.addi %parallel_loop3A_81, %parallel_loop3A_1066 : i32
          %parallel_loop3A_1068 = arith.index_cast %parallel_loop3A_1067 : i32 to index
          %parallel_loop3A_1069 = arith.constant 48 : index
          %parallel_loop3A_1070 = tpu.vector_load %arg15[%parallel_loop3A_1068, %parallel_loop3A_1069] {strides = array<i32>} : memref<80x128xf32, #tpu.memory_space<vmem>>, vector<16xf32>,
          tpu.vector_store %arg15[%parallel_loop3A_1068, %parallel_loop3A_1069], %parallel_loop3A_1065 {strides = array<i32>} : memref<80x128xf32, #tpu.memory_space<vmem>>, vector<16xf32>,
          %parallel_loop3A_1071 = arith.constant 9 : i32
          %parallel_loop3A_1072 = arith.addi %parallel_loop3A_81, %parallel_loop3A_1071 : i32
          %parallel_loop3A_1073 = arith.index_cast %parallel_loop3A_1072 : i32 to index
          %parallel_loop3A_1074 = arith.constant 64 : index
          %parallel_loop3A_1075 = tpu.vector_load %arg15[%parallel_loop3A_1073, %parallel_loop3A_1074] {strides = array<i32>} : memref<80x128xf32, #tpu.memory_space<vmem>>, vector<16xf32>,
          %parallel_loop3A_1076 = arith.mulf %parallel_loop3A_1075, %parallel_loop3A_1026 : vector<16xf32>
          %parallel_loop3A_1077 = arith.constant 9 : i32
          %parallel_loop3A_1078 = arith.addi %parallel_loop3A_81, %parallel_loop3A_1077 : i32
          %parallel_loop3A_1079 = arith.index_cast %parallel_loop3A_1078 : i32 to index
          %parallel_loop3A_1080 = arith.constant 64 : index
          %parallel_loop3A_1081 = tpu.vector_load %arg15[%parallel_loop3A_1079, %parallel_loop3A_1080] {strides = array<i32>} : memref<80x128xf32, #tpu.memory_space<vmem>>, vector<16xf32>,
          tpu.vector_store %arg15[%parallel_loop3A_1079, %parallel_loop3A_1080], %parallel_loop3A_1076 {strides = array<i32>} : memref<80x128xf32, #tpu.memory_space<vmem>>, vector<16xf32>,
          %parallel_loop3A_1082 = arith.constant 9 : i32
          %parallel_loop3A_1083 = arith.addi %parallel_loop3A_81, %parallel_loop3A_1082 : i32
          %parallel_loop3A_1084 = arith.index_cast %parallel_loop3A_1083 : i32 to index
          %parallel_loop3A_1085 = arith.constant 80 : index
          %parallel_loop3A_1086 = tpu.vector_load %arg15[%parallel_loop3A_1084, %parallel_loop3A_1085] {strides = array<i32>} : memref<80x128xf32, #tpu.memory_space<vmem>>, vector<16xf32>,
          %parallel_loop3A_1087 = arith.mulf %parallel_loop3A_1086, %parallel_loop3A_1026 : vector<16xf32>
          %parallel_loop3A_1088 = arith.constant 9 : i32
          %parallel_loop3A_1089 = arith.addi %parallel_loop3A_81, %parallel_loop3A_1088 : i32
          %parallel_loop3A_1090 = arith.index_cast %parallel_loop3A_1089 : i32 to index
          %parallel_loop3A_1091 = arith.constant 80 : index
          %parallel_loop3A_1092 = tpu.vector_load %arg15[%parallel_loop3A_1090, %parallel_loop3A_1091] {strides = array<i32>} : memref<80x128xf32, #tpu.memory_space<vmem>>, vector<16xf32>,
          tpu.vector_store %arg15[%parallel_loop3A_1090, %parallel_loop3A_1091], %parallel_loop3A_1087 {strides = array<i32>} : memref<80x128xf32, #tpu.memory_space<vmem>>, vector<16xf32>,
          %parallel_loop3A_1093 = arith.constant 9 : i32
          %parallel_loop3A_1094 = arith.addi %parallel_loop3A_81, %parallel_loop3A_1093 : i32
          %parallel_loop3A_1095 = arith.index_cast %parallel_loop3A_1094 : i32 to index
          %parallel_loop3A_1096 = arith.constant 96 : index
          %parallel_loop3A_1097 = tpu.vector_load %arg15[%parallel_loop3A_1095, %parallel_loop3A_1096] {strides = array<i32>} : memref<80x128xf32, #tpu.memory_space<vmem>>, vector<16xf32>,
          %parallel_loop3A_1098 = arith.mulf %parallel_loop3A_1097, %parallel_loop3A_1026 : vector<16xf32>
          %parallel_loop3A_1099 = arith.constant 9 : i32
          %parallel_loop3A_1100 = arith.addi %parallel_loop3A_81, %parallel_loop3A_1099 : i32
          %parallel_loop3A_1101 = arith.index_cast %parallel_loop3A_1100 : i32 to index
          %parallel_loop3A_1102 = arith.constant 96 : index
          %parallel_loop3A_1103 = tpu.vector_load %arg15[%parallel_loop3A_1101, %parallel_loop3A_1102] {strides = array<i32>} : memref<80x128xf32, #tpu.memory_space<vmem>>, vector<16xf32>,
          tpu.vector_store %arg15[%parallel_loop3A_1101, %parallel_loop3A_1102], %parallel_loop3A_1098 {strides = array<i32>} : memref<80x128xf32, #tpu.memory_space<vmem>>, vector<16xf32>,
          %parallel_loop3A_1104 = arith.constant 9 : i32
          %parallel_loop3A_1105 = arith.addi %parallel_loop3A_81, %parallel_loop3A_1104 : i32
          %parallel_loop3A_1106 = arith.index_cast %parallel_loop3A_1105 : i32 to index
          %parallel_loop3A_1107 = arith.constant 112 : index
          %parallel_loop3A_1108 = tpu.vector_load %arg15[%parallel_loop3A_1106, %parallel_loop3A_1107] {strides = array<i32>} : memref<80x128xf32, #tpu.memory_space<vmem>>, vector<16xf32>,
          %parallel_loop3A_1109 = arith.mulf %parallel_loop3A_1108, %parallel_loop3A_1026 : vector<16xf32>
          %parallel_loop3A_1110 = arith.constant 9 : i32
          %parallel_loop3A_1111 = arith.addi %parallel_loop3A_81, %parallel_loop3A_1110 : i32
          %parallel_loop3A_1112 = arith.index_cast %parallel_loop3A_1111 : i32 to index
          %parallel_loop3A_1113 = arith.constant 112 : index
          %parallel_loop3A_1114 = tpu.vector_load %arg15[%parallel_loop3A_1112, %parallel_loop3A_1113] {strides = array<i32>} : memref<80x128xf32, #tpu.memory_space<vmem>>, vector<16xf32>,
          tpu.vector_store %arg15[%parallel_loop3A_1112, %parallel_loop3A_1113], %parallel_loop3A_1109 {strides = array<i32>} : memref<80x128xf32, #tpu.memory_space<vmem>>, vector<16xf32>,
          %parallel_loop3A_1115 = arith.constant 10 : i32
          %parallel_loop3A_1116 = vector.broadcast %parallel_loop3A_1115 : i32 to vector<16xi32>
          %parallel_loop3A_1117 = arith.constant 0 : i32
          %parallel_loop3A_1118 = vector.broadcast %parallel_loop3A_1117 : i32 to vector<16xi32>
          %parallel_loop3A_1119 = arith.cmpi slt, %parallel_loop3A_1116, %parallel_loop3A_1118 : vector<16xi32>
          %parallel_loop3A_1120 = arith.constant 16 : i32
          %parallel_loop3A_1121 = vector.broadcast %parallel_loop3A_1120 : i32 to vector<16xi32>
          %parallel_loop3A_1122 = arith.addi %parallel_loop3A_1116, %parallel_loop3A_1121 : vector<16xi32>
          %parallel_loop3A_1123 = arith.select %parallel_loop3A_1119, %parallel_loop3A_1122, %parallel_loop3A_1116 : vector<16xi1>, vector<16xi32>
          %parallel_loop3A_1124 = vector.shape_cast %parallel_loop3A_1123 : vector<16xi32> to vector<16x1xi32>
          %parallel_loop3A_1125 = vector.shape_cast %parallel_loop3A_1124 : vector<16x1xi32> to vector<16xi32>
          %parallel_loop3A_1126 = tpu.dynamic_gather %parallel_loop3A_114[%parallel_loop3A_1125] in [0] : vector<16xf32>, vector<16xi32> -> vector<16xf32>
          %parallel_loop3A_1127 = arith.constant 10 : i32
          %parallel_loop3A_1128 = arith.addi %parallel_loop3A_81, %parallel_loop3A_1127 : i32
          %parallel_loop3A_1129 = arith.index_cast %parallel_loop3A_1128 : i32 to index
          %parallel_loop3A_1130 = arith.constant 0 : index
          %parallel_loop3A_1131 = tpu.vector_load %arg15[%parallel_loop3A_1129, %parallel_loop3A_1130] {strides = array<i32>} : memref<80x128xf32, #tpu.memory_space<vmem>>, vector<16xf32>,
          %parallel_loop3A_1132 = arith.mulf %parallel_loop3A_1131, %parallel_loop3A_1126 : vector<16xf32>
          %parallel_loop3A_1133 = arith.constant 10 : i32
          %parallel_loop3A_1134 = arith.addi %parallel_loop3A_81, %parallel_loop3A_1133 : i32
          %parallel_loop3A_1135 = arith.index_cast %parallel_loop3A_1134 : i32 to index
          %parallel_loop3A_1136 = arith.constant 0 : index
          %parallel_loop3A_1137 = tpu.vector_load %arg15[%parallel_loop3A_1135, %parallel_loop3A_1136] {strides = array<i32>} : memref<80x128xf32, #tpu.memory_space<vmem>>, vector<16xf32>,
          tpu.vector_store %arg15[%parallel_loop3A_1135, %parallel_loop3A_1136], %parallel_loop3A_1132 {strides = array<i32>} : memref<80x128xf32, #tpu.memory_space<vmem>>, vector<16xf32>,
          %parallel_loop3A_1138 = arith.constant 10 : i32
          %parallel_loop3A_1139 = arith.addi %parallel_loop3A_81, %parallel_loop3A_1138 : i32
          %parallel_loop3A_1140 = arith.index_cast %parallel_loop3A_1139 : i32 to index
          %parallel_loop3A_1141 = arith.constant 16 : index
          %parallel_loop3A_1142 = tpu.vector_load %arg15[%parallel_loop3A_1140, %parallel_loop3A_1141] {strides = array<i32>} : memref<80x128xf32, #tpu.memory_space<vmem>>, vector<16xf32>,
          %parallel_loop3A_1143 = arith.mulf %parallel_loop3A_1142, %parallel_loop3A_1126 : vector<16xf32>
          %parallel_loop3A_1144 = arith.constant 10 : i32
          %parallel_loop3A_1145 = arith.addi %parallel_loop3A_81, %parallel_loop3A_1144 : i32
          %parallel_loop3A_1146 = arith.index_cast %parallel_loop3A_1145 : i32 to index
          %parallel_loop3A_1147 = arith.constant 16 : index
          %parallel_loop3A_1148 = tpu.vector_load %arg15[%parallel_loop3A_1146, %parallel_loop3A_1147] {strides = array<i32>} : memref<80x128xf32, #tpu.memory_space<vmem>>, vector<16xf32>,
          tpu.vector_store %arg15[%parallel_loop3A_1146, %parallel_loop3A_1147], %parallel_loop3A_1143 {strides = array<i32>} : memref<80x128xf32, #tpu.memory_space<vmem>>, vector<16xf32>,
          %parallel_loop3A_1149 = arith.constant 10 : i32
          %parallel_loop3A_1150 = arith.addi %parallel_loop3A_81, %parallel_loop3A_1149 : i32
          %parallel_loop3A_1151 = arith.index_cast %parallel_loop3A_1150 : i32 to index
          %parallel_loop3A_1152 = arith.constant 32 : index
          %parallel_loop3A_1153 = tpu.vector_load %arg15[%parallel_loop3A_1151, %parallel_loop3A_1152] {strides = array<i32>} : memref<80x128xf32, #tpu.memory_space<vmem>>, vector<16xf32>,
          %parallel_loop3A_1154 = arith.mulf %parallel_loop3A_1153, %parallel_loop3A_1126 : vector<16xf32>
          %parallel_loop3A_1155 = arith.constant 10 : i32
          %parallel_loop3A_1156 = arith.addi %parallel_loop3A_81, %parallel_loop3A_1155 : i32
          %parallel_loop3A_1157 = arith.index_cast %parallel_loop3A_1156 : i32 to index
          %parallel_loop3A_1158 = arith.constant 32 : index
          %parallel_loop3A_1159 = tpu.vector_load %arg15[%parallel_loop3A_1157, %parallel_loop3A_1158] {strides = array<i32>} : memref<80x128xf32, #tpu.memory_space<vmem>>, vector<16xf32>,
          tpu.vector_store %arg15[%parallel_loop3A_1157, %parallel_loop3A_1158], %parallel_loop3A_1154 {strides = array<i32>} : memref<80x128xf32, #tpu.memory_space<vmem>>, vector<16xf32>,
          %parallel_loop3A_1160 = arith.constant 10 : i32
          %parallel_loop3A_1161 = arith.addi %parallel_loop3A_81, %parallel_loop3A_1160 : i32
          %parallel_loop3A_1162 = arith.index_cast %parallel_loop3A_1161 : i32 to index
          %parallel_loop3A_1163 = arith.constant 48 : index
          %parallel_loop3A_1164 = tpu.vector_load %arg15[%parallel_loop3A_1162, %parallel_loop3A_1163] {strides = array<i32>} : memref<80x128xf32, #tpu.memory_space<vmem>>, vector<16xf32>,
          %parallel_loop3A_1165 = arith.mulf %parallel_loop3A_1164, %parallel_loop3A_1126 : vector<16xf32>
          %parallel_loop3A_1166 = arith.constant 10 : i32
          %parallel_loop3A_1167 = arith.addi %parallel_loop3A_81, %parallel_loop3A_1166 : i32
          %parallel_loop3A_1168 = arith.index_cast %parallel_loop3A_1167 : i32 to index
          %parallel_loop3A_1169 = arith.constant 48 : index
          %parallel_loop3A_1170 = tpu.vector_load %arg15[%parallel_loop3A_1168, %parallel_loop3A_1169] {strides = array<i32>} : memref<80x128xf32, #tpu.memory_space<vmem>>, vector<16xf32>,
          tpu.vector_store %arg15[%parallel_loop3A_1168, %parallel_loop3A_1169], %parallel_loop3A_1165 {strides = array<i32>} : memref<80x128xf32, #tpu.memory_space<vmem>>, vector<16xf32>,
          %parallel_loop3A_1171 = arith.constant 10 : i32
          %parallel_loop3A_1172 = arith.addi %parallel_loop3A_81, %parallel_loop3A_1171 : i32
          %parallel_loop3A_1173 = arith.index_cast %parallel_loop3A_1172 : i32 to index
          %parallel_loop3A_1174 = arith.constant 64 : index
          %parallel_loop3A_1175 = tpu.vector_load %arg15[%parallel_loop3A_1173, %parallel_loop3A_1174] {strides = array<i32>} : memref<80x128xf32, #tpu.memory_space<vmem>>, vector<16xf32>,
          %parallel_loop3A_1176 = arith.mulf %parallel_loop3A_1175, %parallel_loop3A_1126 : vector<16xf32>
          %parallel_loop3A_1177 = arith.constant 10 : i32
          %parallel_loop3A_1178 = arith.addi %parallel_loop3A_81, %parallel_loop3A_1177 : i32
          %parallel_loop3A_1179 = arith.index_cast %parallel_loop3A_1178 : i32 to index
          %parallel_loop3A_1180 = arith.constant 64 : index
          %parallel_loop3A_1181 = tpu.vector_load %arg15[%parallel_loop3A_1179, %parallel_loop3A_1180] {strides = array<i32>} : memref<80x128xf32, #tpu.memory_space<vmem>>, vector<16xf32>,
          tpu.vector_store %arg15[%parallel_loop3A_1179, %parallel_loop3A_1180], %parallel_loop3A_1176 {strides = array<i32>} : memref<80x128xf32, #tpu.memory_space<vmem>>, vector<16xf32>,
          %parallel_loop3A_1182 = arith.constant 10 : i32
          %parallel_loop3A_1183 = arith.addi %parallel_loop3A_81, %parallel_loop3A_1182 : i32
          %parallel_loop3A_1184 = arith.index_cast %parallel_loop3A_1183 : i32 to index
          %parallel_loop3A_1185 = arith.constant 80 : index
          %parallel_loop3A_1186 = tpu.vector_load %arg15[%parallel_loop3A_1184, %parallel_loop3A_1185] {strides = array<i32>} : memref<80x128xf32, #tpu.memory_space<vmem>>, vector<16xf32>,
          %parallel_loop3A_1187 = arith.mulf %parallel_loop3A_1186, %parallel_loop3A_1126 : vector<16xf32>
          %parallel_loop3A_1188 = arith.constant 10 : i32
          %parallel_loop3A_1189 = arith.addi %parallel_loop3A_81, %parallel_loop3A_1188 : i32
          %parallel_loop3A_1190 = arith.index_cast %parallel_loop3A_1189 : i32 to index
          %parallel_loop3A_1191 = arith.constant 80 : index
          %parallel_loop3A_1192 = tpu.vector_load %arg15[%parallel_loop3A_1190, %parallel_loop3A_1191] {strides = array<i32>} : memref<80x128xf32, #tpu.memory_space<vmem>>, vector<16xf32>,
          tpu.vector_store %arg15[%parallel_loop3A_1190, %parallel_loop3A_1191], %parallel_loop3A_1187 {strides = array<i32>} : memref<80x128xf32, #tpu.memory_space<vmem>>, vector<16xf32>,
          %parallel_loop3A_1193 = arith.constant 10 : i32
          %parallel_loop3A_1194 = arith.addi %parallel_loop3A_81, %parallel_loop3A_1193 : i32
          %parallel_loop3A_1195 = arith.index_cast %parallel_loop3A_1194 : i32 to index
          %parallel_loop3A_1196 = arith.constant 96 : index
          %parallel_loop3A_1197 = tpu.vector_load %arg15[%parallel_loop3A_1195, %parallel_loop3A_1196] {strides = array<i32>} : memref<80x128xf32, #tpu.memory_space<vmem>>, vector<16xf32>,
          %parallel_loop3A_1198 = arith.mulf %parallel_loop3A_1197, %parallel_loop3A_1126 : vector<16xf32>
          %parallel_loop3A_1199 = arith.constant 10 : i32
          %parallel_loop3A_1200 = arith.addi %parallel_loop3A_81, %parallel_loop3A_1199 : i32
          %parallel_loop3A_1201 = arith.index_cast %parallel_loop3A_1200 : i32 to index
          %parallel_loop3A_1202 = arith.constant 96 : index
          %parallel_loop3A_1203 = tpu.vector_load %arg15[%parallel_loop3A_1201, %parallel_loop3A_1202] {strides = array<i32>} : memref<80x128xf32, #tpu.memory_space<vmem>>, vector<16xf32>,
          tpu.vector_store %arg15[%parallel_loop3A_1201, %parallel_loop3A_1202], %parallel_loop3A_1198 {strides = array<i32>} : memref<80x128xf32, #tpu.memory_space<vmem>>, vector<16xf32>,
          %parallel_loop3A_1204 = arith.constant 10 : i32
          %parallel_loop3A_1205 = arith.addi %parallel_loop3A_81, %parallel_loop3A_1204 : i32
          %parallel_loop3A_1206 = arith.index_cast %parallel_loop3A_1205 : i32 to index
          %parallel_loop3A_1207 = arith.constant 112 : index
          %parallel_loop3A_1208 = tpu.vector_load %arg15[%parallel_loop3A_1206, %parallel_loop3A_1207] {strides = array<i32>} : memref<80x128xf32, #tpu.memory_space<vmem>>, vector<16xf32>,
          %parallel_loop3A_1209 = arith.mulf %parallel_loop3A_1208, %parallel_loop3A_1126 : vector<16xf32>
          %parallel_loop3A_1210 = arith.constant 10 : i32
          %parallel_loop3A_1211 = arith.addi %parallel_loop3A_81, %parallel_loop3A_1210 : i32
          %parallel_loop3A_1212 = arith.index_cast %parallel_loop3A_1211 : i32 to index
          %parallel_loop3A_1213 = arith.constant 112 : index
          %parallel_loop3A_1214 = tpu.vector_load %arg15[%parallel_loop3A_1212, %parallel_loop3A_1213] {strides = array<i32>} : memref<80x128xf32, #tpu.memory_space<vmem>>, vector<16xf32>,
          tpu.vector_store %arg15[%parallel_loop3A_1212, %parallel_loop3A_1213], %parallel_loop3A_1209 {strides = array<i32>} : memref<80x128xf32, #tpu.memory_space<vmem>>, vector<16xf32>,
          %parallel_loop3A_1215 = arith.constant 11 : i32
          %parallel_loop3A_1216 = vector.broadcast %parallel_loop3A_1215 : i32 to vector<16xi32>
          %parallel_loop3A_1217 = arith.constant 0 : i32
          %parallel_loop3A_1218 = vector.broadcast %parallel_loop3A_1217 : i32 to vector<16xi32>
          %parallel_loop3A_1219 = arith.cmpi slt, %parallel_loop3A_1216, %parallel_loop3A_1218 : vector<16xi32>
          %parallel_loop3A_1220 = arith.constant 16 : i32
          %parallel_loop3A_1221 = vector.broadcast %parallel_loop3A_1220 : i32 to vector<16xi32>
          %parallel_loop3A_1222 = arith.addi %parallel_loop3A_1216, %parallel_loop3A_1221 : vector<16xi32>
          %parallel_loop3A_1223 = arith.select %parallel_loop3A_1219, %parallel_loop3A_1222, %parallel_loop3A_1216 : vector<16xi1>, vector<16xi32>
          %parallel_loop3A_1224 = vector.shape_cast %parallel_loop3A_1223 : vector<16xi32> to vector<16x1xi32>
          %parallel_loop3A_1225 = vector.shape_cast %parallel_loop3A_1224 : vector<16x1xi32> to vector<16xi32>
          %parallel_loop3A_1226 = tpu.dynamic_gather %parallel_loop3A_114[%parallel_loop3A_1225] in [0] : vector<16xf32>, vector<16xi32> -> vector<16xf32>
          %parallel_loop3A_1227 = arith.constant 11 : i32
          %parallel_loop3A_1228 = arith.addi %parallel_loop3A_81, %parallel_loop3A_1227 : i32
          %parallel_loop3A_1229 = arith.index_cast %parallel_loop3A_1228 : i32 to index
          %parallel_loop3A_1230 = arith.constant 0 : index
          %parallel_loop3A_1231 = tpu.vector_load %arg15[%parallel_loop3A_1229, %parallel_loop3A_1230] {strides = array<i32>} : memref<80x128xf32, #tpu.memory_space<vmem>>, vector<16xf32>,
          %parallel_loop3A_1232 = arith.mulf %parallel_loop3A_1231, %parallel_loop3A_1226 : vector<16xf32>
          %parallel_loop3A_1233 = arith.constant 11 : i32
          %parallel_loop3A_1234 = arith.addi %parallel_loop3A_81, %parallel_loop3A_1233 : i32
          %parallel_loop3A_1235 = arith.index_cast %parallel_loop3A_1234 : i32 to index
          %parallel_loop3A_1236 = arith.constant 0 : index
          %parallel_loop3A_1237 = tpu.vector_load %arg15[%parallel_loop3A_1235, %parallel_loop3A_1236] {strides = array<i32>} : memref<80x128xf32, #tpu.memory_space<vmem>>, vector<16xf32>,
          tpu.vector_store %arg15[%parallel_loop3A_1235, %parallel_loop3A_1236], %parallel_loop3A_1232 {strides = array<i32>} : memref<80x128xf32, #tpu.memory_space<vmem>>, vector<16xf32>,
          %parallel_loop3A_1238 = arith.constant 11 : i32
          %parallel_loop3A_1239 = arith.addi %parallel_loop3A_81, %parallel_loop3A_1238 : i32
          %parallel_loop3A_1240 = arith.index_cast %parallel_loop3A_1239 : i32 to index
          %parallel_loop3A_1241 = arith.constant 16 : index
          %parallel_loop3A_1242 = tpu.vector_load %arg15[%parallel_loop3A_1240, %parallel_loop3A_1241] {strides = array<i32>} : memref<80x128xf32, #tpu.memory_space<vmem>>, vector<16xf32>,
          %parallel_loop3A_1243 = arith.mulf %parallel_loop3A_1242, %parallel_loop3A_1226 : vector<16xf32>
          %parallel_loop3A_1244 = arith.constant 11 : i32
          %parallel_loop3A_1245 = arith.addi %parallel_loop3A_81, %parallel_loop3A_1244 : i32
          %parallel_loop3A_1246 = arith.index_cast %parallel_loop3A_1245 : i32 to index
          %parallel_loop3A_1247 = arith.constant 16 : index
          %parallel_loop3A_1248 = tpu.vector_load %arg15[%parallel_loop3A_1246, %parallel_loop3A_1247] {strides = array<i32>} : memref<80x128xf32, #tpu.memory_space<vmem>>, vector<16xf32>,
          tpu.vector_store %arg15[%parallel_loop3A_1246, %parallel_loop3A_1247], %parallel_loop3A_1243 {strides = array<i32>} : memref<80x128xf32, #tpu.memory_space<vmem>>, vector<16xf32>,
          %parallel_loop3A_1249 = arith.constant 11 : i32
          %parallel_loop3A_1250 = arith.addi %parallel_loop3A_81, %parallel_loop3A_1249 : i32
          %parallel_loop3A_1251 = arith.index_cast %parallel_loop3A_1250 : i32 to index
          %parallel_loop3A_1252 = arith.constant 32 : index
          %parallel_loop3A_1253 = tpu.vector_load %arg15[%parallel_loop3A_1251, %parallel_loop3A_1252] {strides = array<i32>} : memref<80x128xf32, #tpu.memory_space<vmem>>, vector<16xf32>,
          %parallel_loop3A_1254 = arith.mulf %parallel_loop3A_1253, %parallel_loop3A_1226 : vector<16xf32>
          %parallel_loop3A_1255 = arith.constant 11 : i32
          %parallel_loop3A_1256 = arith.addi %parallel_loop3A_81, %parallel_loop3A_1255 : i32
          %parallel_loop3A_1257 = arith.index_cast %parallel_loop3A_1256 : i32 to index
          %parallel_loop3A_1258 = arith.constant 32 : index
          %parallel_loop3A_1259 = tpu.vector_load %arg15[%parallel_loop3A_1257, %parallel_loop3A_1258] {strides = array<i32>} : memref<80x128xf32, #tpu.memory_space<vmem>>, vector<16xf32>,
          tpu.vector_store %arg15[%parallel_loop3A_1257, %parallel_loop3A_1258], %parallel_loop3A_1254 {strides = array<i32>} : memref<80x128xf32, #tpu.memory_space<vmem>>, vector<16xf32>,
          %parallel_loop3A_1260 = arith.constant 11 : i32
          %parallel_loop3A_1261 = arith.addi %parallel_loop3A_81, %parallel_loop3A_1260 : i32
          %parallel_loop3A_1262 = arith.index_cast %parallel_loop3A_1261 : i32 to index
          %parallel_loop3A_1263 = arith.constant 48 : index
          %parallel_loop3A_1264 = tpu.vector_load %arg15[%parallel_loop3A_1262, %parallel_loop3A_1263] {strides = array<i32>} : memref<80x128xf32, #tpu.memory_space<vmem>>, vector<16xf32>,
          %parallel_loop3A_1265 = arith.mulf %parallel_loop3A_1264, %parallel_loop3A_1226 : vector<16xf32>
          %parallel_loop3A_1266 = arith.constant 11 : i32
          %parallel_loop3A_1267 = arith.addi %parallel_loop3A_81, %parallel_loop3A_1266 : i32
          %parallel_loop3A_1268 = arith.index_cast %parallel_loop3A_1267 : i32 to index
          %parallel_loop3A_1269 = arith.constant 48 : index
          %parallel_loop3A_1270 = tpu.vector_load %arg15[%parallel_loop3A_1268, %parallel_loop3A_1269] {strides = array<i32>} : memref<80x128xf32, #tpu.memory_space<vmem>>, vector<16xf32>,
          tpu.vector_store %arg15[%parallel_loop3A_1268, %parallel_loop3A_1269], %parallel_loop3A_1265 {strides = array<i32>} : memref<80x128xf32, #tpu.memory_space<vmem>>, vector<16xf32>,
          %parallel_loop3A_1271 = arith.constant 11 : i32
          %parallel_loop3A_1272 = arith.addi %parallel_loop3A_81, %parallel_loop3A_1271 : i32
          %parallel_loop3A_1273 = arith.index_cast %parallel_loop3A_1272 : i32 to index
          %parallel_loop3A_1274 = arith.constant 64 : index
          %parallel_loop3A_1275 = tpu.vector_load %arg15[%parallel_loop3A_1273, %parallel_loop3A_1274] {strides = array<i32>} : memref<80x128xf32, #tpu.memory_space<vmem>>, vector<16xf32>,
          %parallel_loop3A_1276 = arith.mulf %parallel_loop3A_1275, %parallel_loop3A_1226 : vector<16xf32>
          %parallel_loop3A_1277 = arith.constant 11 : i32
          %parallel_loop3A_1278 = arith.addi %parallel_loop3A_81, %parallel_loop3A_1277 : i32
          %parallel_loop3A_1279 = arith.index_cast %parallel_loop3A_1278 : i32 to index
          %parallel_loop3A_1280 = arith.constant 64 : index
          %parallel_loop3A_1281 = tpu.vector_load %arg15[%parallel_loop3A_1279, %parallel_loop3A_1280] {strides = array<i32>} : memref<80x128xf32, #tpu.memory_space<vmem>>, vector<16xf32>,
          tpu.vector_store %arg15[%parallel_loop3A_1279, %parallel_loop3A_1280], %parallel_loop3A_1276 {strides = array<i32>} : memref<80x128xf32, #tpu.memory_space<vmem>>, vector<16xf32>,
          %parallel_loop3A_1282 = arith.constant 11 : i32
          %parallel_loop3A_1283 = arith.addi %parallel_loop3A_81, %parallel_loop3A_1282 : i32
          %parallel_loop3A_1284 = arith.index_cast %parallel_loop3A_1283 : i32 to index
          %parallel_loop3A_1285 = arith.constant 80 : index
          %parallel_loop3A_1286 = tpu.vector_load %arg15[%parallel_loop3A_1284, %parallel_loop3A_1285] {strides = array<i32>} : memref<80x128xf32, #tpu.memory_space<vmem>>, vector<16xf32>,
          %parallel_loop3A_1287 = arith.mulf %parallel_loop3A_1286, %parallel_loop3A_1226 : vector<16xf32>
          %parallel_loop3A_1288 = arith.constant 11 : i32
          %parallel_loop3A_1289 = arith.addi %parallel_loop3A_81, %parallel_loop3A_1288 : i32
          %parallel_loop3A_1290 = arith.index_cast %parallel_loop3A_1289 : i32 to index
          %parallel_loop3A_1291 = arith.constant 80 : index
          %parallel_loop3A_1292 = tpu.vector_load %arg15[%parallel_loop3A_1290, %parallel_loop3A_1291] {strides = array<i32>} : memref<80x128xf32, #tpu.memory_space<vmem>>, vector<16xf32>,
          tpu.vector_store %arg15[%parallel_loop3A_1290, %parallel_loop3A_1291], %parallel_loop3A_1287 {strides = array<i32>} : memref<80x128xf32, #tpu.memory_space<vmem>>, vector<16xf32>,
          %parallel_loop3A_1293 = arith.constant 11 : i32
          %parallel_loop3A_1294 = arith.addi %parallel_loop3A_81, %parallel_loop3A_1293 : i32
          %parallel_loop3A_1295 = arith.index_cast %parallel_loop3A_1294 : i32 to index
          %parallel_loop3A_1296 = arith.constant 96 : index
          %parallel_loop3A_1297 = tpu.vector_load %arg15[%parallel_loop3A_1295, %parallel_loop3A_1296] {strides = array<i32>} : memref<80x128xf32, #tpu.memory_space<vmem>>, vector<16xf32>,
          %parallel_loop3A_1298 = arith.mulf %parallel_loop3A_1297, %parallel_loop3A_1226 : vector<16xf32>
          %parallel_loop3A_1299 = arith.constant 11 : i32
          %parallel_loop3A_1300 = arith.addi %parallel_loop3A_81, %parallel_loop3A_1299 : i32
          %parallel_loop3A_1301 = arith.index_cast %parallel_loop3A_1300 : i32 to index
          %parallel_loop3A_1302 = arith.constant 96 : index
          %parallel_loop3A_1303 = tpu.vector_load %arg15[%parallel_loop3A_1301, %parallel_loop3A_1302] {strides = array<i32>} : memref<80x128xf32, #tpu.memory_space<vmem>>, vector<16xf32>,
          tpu.vector_store %arg15[%parallel_loop3A_1301, %parallel_loop3A_1302], %parallel_loop3A_1298 {strides = array<i32>} : memref<80x128xf32, #tpu.memory_space<vmem>>, vector<16xf32>,
          %parallel_loop3A_1304 = arith.constant 11 : i32
          %parallel_loop3A_1305 = arith.addi %parallel_loop3A_81, %parallel_loop3A_1304 : i32
          %parallel_loop3A_1306 = arith.index_cast %parallel_loop3A_1305 : i32 to index
          %parallel_loop3A_1307 = arith.constant 112 : index
          %parallel_loop3A_1308 = tpu.vector_load %arg15[%parallel_loop3A_1306, %parallel_loop3A_1307] {strides = array<i32>} : memref<80x128xf32, #tpu.memory_space<vmem>>, vector<16xf32>,
          %parallel_loop3A_1309 = arith.mulf %parallel_loop3A_1308, %parallel_loop3A_1226 : vector<16xf32>
          %parallel_loop3A_1310 = arith.constant 11 : i32
          %parallel_loop3A_1311 = arith.addi %parallel_loop3A_81, %parallel_loop3A_1310 : i32
          %parallel_loop3A_1312 = arith.index_cast %parallel_loop3A_1311 : i32 to index
          %parallel_loop3A_1313 = arith.constant 112 : index
          %parallel_loop3A_1314 = tpu.vector_load %arg15[%parallel_loop3A_1312, %parallel_loop3A_1313] {strides = array<i32>} : memref<80x128xf32, #tpu.memory_space<vmem>>, vector<16xf32>,
          tpu.vector_store %arg15[%parallel_loop3A_1312, %parallel_loop3A_1313], %parallel_loop3A_1309 {strides = array<i32>} : memref<80x128xf32, #tpu.memory_space<vmem>>, vector<16xf32>,
          %parallel_loop3A_1315 = arith.constant 12 : i32
          %parallel_loop3A_1316 = vector.broadcast %parallel_loop3A_1315 : i32 to vector<16xi32>
          %parallel_loop3A_1317 = arith.constant 0 : i32
          %parallel_loop3A_1318 = vector.broadcast %parallel_loop3A_1317 : i32 to vector<16xi32>
          %parallel_loop3A_1319 = arith.cmpi slt, %parallel_loop3A_1316, %parallel_loop3A_1318 : vector<16xi32>
          %parallel_loop3A_1320 = arith.constant 16 : i32
          %parallel_loop3A_1321 = vector.broadcast %parallel_loop3A_1320 : i32 to vector<16xi32>
          %parallel_loop3A_1322 = arith.addi %parallel_loop3A_1316, %parallel_loop3A_1321 : vector<16xi32>
          %parallel_loop3A_1323 = arith.select %parallel_loop3A_1319, %parallel_loop3A_1322, %parallel_loop3A_1316 : vector<16xi1>, vector<16xi32>
          %parallel_loop3A_1324 = vector.shape_cast %parallel_loop3A_1323 : vector<16xi32> to vector<16x1xi32>
          %parallel_loop3A_1325 = vector.shape_cast %parallel_loop3A_1324 : vector<16x1xi32> to vector<16xi32>
          %parallel_loop3A_1326 = tpu.dynamic_gather %parallel_loop3A_114[%parallel_loop3A_1325] in [0] : vector<16xf32>, vector<16xi32> -> vector<16xf32>
          %parallel_loop3A_1327 = arith.constant 12 : i32
          %parallel_loop3A_1328 = arith.addi %parallel_loop3A_81, %parallel_loop3A_1327 : i32
          %parallel_loop3A_1329 = arith.index_cast %parallel_loop3A_1328 : i32 to index
          %parallel_loop3A_1330 = arith.constant 0 : index
          %parallel_loop3A_1331 = tpu.vector_load %arg15[%parallel_loop3A_1329, %parallel_loop3A_1330] {strides = array<i32>} : memref<80x128xf32, #tpu.memory_space<vmem>>, vector<16xf32>,
          %parallel_loop3A_1332 = arith.mulf %parallel_loop3A_1331, %parallel_loop3A_1326 : vector<16xf32>
          %parallel_loop3A_1333 = arith.constant 12 : i32
          %parallel_loop3A_1334 = arith.addi %parallel_loop3A_81, %parallel_loop3A_1333 : i32
          %parallel_loop3A_1335 = arith.index_cast %parallel_loop3A_1334 : i32 to index
          %parallel_loop3A_1336 = arith.constant 0 : index
          %parallel_loop3A_1337 = tpu.vector_load %arg15[%parallel_loop3A_1335, %parallel_loop3A_1336] {strides = array<i32>} : memref<80x128xf32, #tpu.memory_space<vmem>>, vector<16xf32>,
          tpu.vector_store %arg15[%parallel_loop3A_1335, %parallel_loop3A_1336], %parallel_loop3A_1332 {strides = array<i32>} : memref<80x128xf32, #tpu.memory_space<vmem>>, vector<16xf32>,
          %parallel_loop3A_1338 = arith.constant 12 : i32
          %parallel_loop3A_1339 = arith.addi %parallel_loop3A_81, %parallel_loop3A_1338 : i32
          %parallel_loop3A_1340 = arith.index_cast %parallel_loop3A_1339 : i32 to index
          %parallel_loop3A_1341 = arith.constant 16 : index
          %parallel_loop3A_1342 = tpu.vector_load %arg15[%parallel_loop3A_1340, %parallel_loop3A_1341] {strides = array<i32>} : memref<80x128xf32, #tpu.memory_space<vmem>>, vector<16xf32>,
          %parallel_loop3A_1343 = arith.mulf %parallel_loop3A_1342, %parallel_loop3A_1326 : vector<16xf32>
          %parallel_loop3A_1344 = arith.constant 12 : i32
          %parallel_loop3A_1345 = arith.addi %parallel_loop3A_81, %parallel_loop3A_1344 : i32
          %parallel_loop3A_1346 = arith.index_cast %parallel_loop3A_1345 : i32 to index
          %parallel_loop3A_1347 = arith.constant 16 : index
          %parallel_loop3A_1348 = tpu.vector_load %arg15[%parallel_loop3A_1346, %parallel_loop3A_1347] {strides = array<i32>} : memref<80x128xf32, #tpu.memory_space<vmem>>, vector<16xf32>,
          tpu.vector_store %arg15[%parallel_loop3A_1346, %parallel_loop3A_1347], %parallel_loop3A_1343 {strides = array<i32>} : memref<80x128xf32, #tpu.memory_space<vmem>>, vector<16xf32>,
          %parallel_loop3A_1349 = arith.constant 12 : i32
          %parallel_loop3A_1350 = arith.addi %parallel_loop3A_81, %parallel_loop3A_1349 : i32
          %parallel_loop3A_1351 = arith.index_cast %parallel_loop3A_1350 : i32 to index
          %parallel_loop3A_1352 = arith.constant 32 : index
          %parallel_loop3A_1353 = tpu.vector_load %arg15[%parallel_loop3A_1351, %parallel_loop3A_1352] {strides = array<i32>} : memref<80x128xf32, #tpu.memory_space<vmem>>, vector<16xf32>,
          %parallel_loop3A_1354 = arith.mulf %parallel_loop3A_1353, %parallel_loop3A_1326 : vector<16xf32>
          %parallel_loop3A_1355 = arith.constant 12 : i32
          %parallel_loop3A_1356 = arith.addi %parallel_loop3A_81, %parallel_loop3A_1355 : i32
          %parallel_loop3A_1357 = arith.index_cast %parallel_loop3A_1356 : i32 to index
          %parallel_loop3A_1358 = arith.constant 32 : index
          %parallel_loop3A_1359 = tpu.vector_load %arg15[%parallel_loop3A_1357, %parallel_loop3A_1358] {strides = array<i32>} : memref<80x128xf32, #tpu.memory_space<vmem>>, vector<16xf32>,
          tpu.vector_store %arg15[%parallel_loop3A_1357, %parallel_loop3A_1358], %parallel_loop3A_1354 {strides = array<i32>} : memref<80x128xf32, #tpu.memory_space<vmem>>, vector<16xf32>,
          %parallel_loop3A_1360 = arith.constant 12 : i32
          %parallel_loop3A_1361 = arith.addi %parallel_loop3A_81, %parallel_loop3A_1360 : i32
          %parallel_loop3A_1362 = arith.index_cast %parallel_loop3A_1361 : i32 to index
          %parallel_loop3A_1363 = arith.constant 48 : index
          %parallel_loop3A_1364 = tpu.vector_load %arg15[%parallel_loop3A_1362, %parallel_loop3A_1363] {strides = array<i32>} : memref<80x128xf32, #tpu.memory_space<vmem>>, vector<16xf32>,
          %parallel_loop3A_1365 = arith.mulf %parallel_loop3A_1364, %parallel_loop3A_1326 : vector<16xf32>
          %parallel_loop3A_1366 = arith.constant 12 : i32
          %parallel_loop3A_1367 = arith.addi %parallel_loop3A_81, %parallel_loop3A_1366 : i32
          %parallel_loop3A_1368 = arith.index_cast %parallel_loop3A_1367 : i32 to index
          %parallel_loop3A_1369 = arith.constant 48 : index
          %parallel_loop3A_1370 = tpu.vector_load %arg15[%parallel_loop3A_1368, %parallel_loop3A_1369] {strides = array<i32>} : memref<80x128xf32, #tpu.memory_space<vmem>>, vector<16xf32>,
          tpu.vector_store %arg15[%parallel_loop3A_1368, %parallel_loop3A_1369], %parallel_loop3A_1365 {strides = array<i32>} : memref<80x128xf32, #tpu.memory_space<vmem>>, vector<16xf32>,
          %parallel_loop3A_1371 = arith.constant 12 : i32
          %parallel_loop3A_1372 = arith.addi %parallel_loop3A_81, %parallel_loop3A_1371 : i32
          %parallel_loop3A_1373 = arith.index_cast %parallel_loop3A_1372 : i32 to index
          %parallel_loop3A_1374 = arith.constant 64 : index
          %parallel_loop3A_1375 = tpu.vector_load %arg15[%parallel_loop3A_1373, %parallel_loop3A_1374] {strides = array<i32>} : memref<80x128xf32, #tpu.memory_space<vmem>>, vector<16xf32>,
          %parallel_loop3A_1376 = arith.mulf %parallel_loop3A_1375, %parallel_loop3A_1326 : vector<16xf32>
          %parallel_loop3A_1377 = arith.constant 12 : i32
          %parallel_loop3A_1378 = arith.addi %parallel_loop3A_81, %parallel_loop3A_1377 : i32
          %parallel_loop3A_1379 = arith.index_cast %parallel_loop3A_1378 : i32 to index
          %parallel_loop3A_1380 = arith.constant 64 : index
          %parallel_loop3A_1381 = tpu.vector_load %arg15[%parallel_loop3A_1379, %parallel_loop3A_1380] {strides = array<i32>} : memref<80x128xf32, #tpu.memory_space<vmem>>, vector<16xf32>,
          tpu.vector_store %arg15[%parallel_loop3A_1379, %parallel_loop3A_1380], %parallel_loop3A_1376 {strides = array<i32>} : memref<80x128xf32, #tpu.memory_space<vmem>>, vector<16xf32>,
          %parallel_loop3A_1382 = arith.constant 12 : i32
          %parallel_loop3A_1383 = arith.addi %parallel_loop3A_81, %parallel_loop3A_1382 : i32
          %parallel_loop3A_1384 = arith.index_cast %parallel_loop3A_1383 : i32 to index
          %parallel_loop3A_1385 = arith.constant 80 : index
          %parallel_loop3A_1386 = tpu.vector_load %arg15[%parallel_loop3A_1384, %parallel_loop3A_1385] {strides = array<i32>} : memref<80x128xf32, #tpu.memory_space<vmem>>, vector<16xf32>,
          %parallel_loop3A_1387 = arith.mulf %parallel_loop3A_1386, %parallel_loop3A_1326 : vector<16xf32>
          %parallel_loop3A_1388 = arith.constant 12 : i32
          %parallel_loop3A_1389 = arith.addi %parallel_loop3A_81, %parallel_loop3A_1388 : i32
          %parallel_loop3A_1390 = arith.index_cast %parallel_loop3A_1389 : i32 to index
          %parallel_loop3A_1391 = arith.constant 80 : index
          %parallel_loop3A_1392 = tpu.vector_load %arg15[%parallel_loop3A_1390, %parallel_loop3A_1391] {strides = array<i32>} : memref<80x128xf32, #tpu.memory_space<vmem>>, vector<16xf32>,
          tpu.vector_store %arg15[%parallel_loop3A_1390, %parallel_loop3A_1391], %parallel_loop3A_1387 {strides = array<i32>} : memref<80x128xf32, #tpu.memory_space<vmem>>, vector<16xf32>,
          %parallel_loop3A_1393 = arith.constant 12 : i32
          %parallel_loop3A_1394 = arith.addi %parallel_loop3A_81, %parallel_loop3A_1393 : i32
          %parallel_loop3A_1395 = arith.index_cast %parallel_loop3A_1394 : i32 to index
          %parallel_loop3A_1396 = arith.constant 96 : index
          %parallel_loop3A_1397 = tpu.vector_load %arg15[%parallel_loop3A_1395, %parallel_loop3A_1396] {strides = array<i32>} : memref<80x128xf32, #tpu.memory_space<vmem>>, vector<16xf32>,
          %parallel_loop3A_1398 = arith.mulf %parallel_loop3A_1397, %parallel_loop3A_1326 : vector<16xf32>
          %parallel_loop3A_1399 = arith.constant 12 : i32
          %parallel_loop3A_1400 = arith.addi %parallel_loop3A_81, %parallel_loop3A_1399 : i32
          %parallel_loop3A_1401 = arith.index_cast %parallel_loop3A_1400 : i32 to index
          %parallel_loop3A_1402 = arith.constant 96 : index
          %parallel_loop3A_1403 = tpu.vector_load %arg15[%parallel_loop3A_1401, %parallel_loop3A_1402] {strides = array<i32>} : memref<80x128xf32, #tpu.memory_space<vmem>>, vector<16xf32>,
          tpu.vector_store %arg15[%parallel_loop3A_1401, %parallel_loop3A_1402], %parallel_loop3A_1398 {strides = array<i32>} : memref<80x128xf32, #tpu.memory_space<vmem>>, vector<16xf32>,
          %parallel_loop3A_1404 = arith.constant 12 : i32
          %parallel_loop3A_1405 = arith.addi %parallel_loop3A_81, %parallel_loop3A_1404 : i32
          %parallel_loop3A_1406 = arith.index_cast %parallel_loop3A_1405 : i32 to index
          %parallel_loop3A_1407 = arith.constant 112 : index
          %parallel_loop3A_1408 = tpu.vector_load %arg15[%parallel_loop3A_1406, %parallel_loop3A_1407] {strides = array<i32>} : memref<80x128xf32, #tpu.memory_space<vmem>>, vector<16xf32>,
          %parallel_loop3A_1409 = arith.mulf %parallel_loop3A_1408, %parallel_loop3A_1326 : vector<16xf32>
          %parallel_loop3A_1410 = arith.constant 12 : i32
          %parallel_loop3A_1411 = arith.addi %parallel_loop3A_81, %parallel_loop3A_1410 : i32
          %parallel_loop3A_1412 = arith.index_cast %parallel_loop3A_1411 : i32 to index
          %parallel_loop3A_1413 = arith.constant 112 : index
          %parallel_loop3A_1414 = tpu.vector_load %arg15[%parallel_loop3A_1412, %parallel_loop3A_1413] {strides = array<i32>} : memref<80x128xf32, #tpu.memory_space<vmem>>, vector<16xf32>,
          tpu.vector_store %arg15[%parallel_loop3A_1412, %parallel_loop3A_1413], %parallel_loop3A_1409 {strides = array<i32>} : memref<80x128xf32, #tpu.memory_space<vmem>>, vector<16xf32>,
          %parallel_loop3A_1415 = arith.constant 13 : i32
          %parallel_loop3A_1416 = vector.broadcast %parallel_loop3A_1415 : i32 to vector<16xi32>
          %parallel_loop3A_1417 = arith.constant 0 : i32
          %parallel_loop3A_1418 = vector.broadcast %parallel_loop3A_1417 : i32 to vector<16xi32>
          %parallel_loop3A_1419 = arith.cmpi slt, %parallel_loop3A_1416, %parallel_loop3A_1418 : vector<16xi32>
          %parallel_loop3A_1420 = arith.constant 16 : i32
          %parallel_loop3A_1421 = vector.broadcast %parallel_loop3A_1420 : i32 to vector<16xi32>
          %parallel_loop3A_1422 = arith.addi %parallel_loop3A_1416, %parallel_loop3A_1421 : vector<16xi32>
          %parallel_loop3A_1423 = arith.select %parallel_loop3A_1419, %parallel_loop3A_1422, %parallel_loop3A_1416 : vector<16xi1>, vector<16xi32>
          %parallel_loop3A_1424 = vector.shape_cast %parallel_loop3A_1423 : vector<16xi32> to vector<16x1xi32>
          %parallel_loop3A_1425 = vector.shape_cast %parallel_loop3A_1424 : vector<16x1xi32> to vector<16xi32>
          %parallel_loop3A_1426 = tpu.dynamic_gather %parallel_loop3A_114[%parallel_loop3A_1425] in [0] : vector<16xf32>, vector<16xi32> -> vector<16xf32>
          %parallel_loop3A_1427 = arith.constant 13 : i32
          %parallel_loop3A_1428 = arith.addi %parallel_loop3A_81, %parallel_loop3A_1427 : i32
          %parallel_loop3A_1429 = arith.index_cast %parallel_loop3A_1428 : i32 to index
          %parallel_loop3A_1430 = arith.constant 0 : index
          %parallel_loop3A_1431 = tpu.vector_load %arg15[%parallel_loop3A_1429, %parallel_loop3A_1430] {strides = array<i32>} : memref<80x128xf32, #tpu.memory_space<vmem>>, vector<16xf32>,
          %parallel_loop3A_1432 = arith.mulf %parallel_loop3A_1431, %parallel_loop3A_1426 : vector<16xf32>
          %parallel_loop3A_1433 = arith.constant 13 : i32
          %parallel_loop3A_1434 = arith.addi %parallel_loop3A_81, %parallel_loop3A_1433 : i32
          %parallel_loop3A_1435 = arith.index_cast %parallel_loop3A_1434 : i32 to index
          %parallel_loop3A_1436 = arith.constant 0 : index
          %parallel_loop3A_1437 = tpu.vector_load %arg15[%parallel_loop3A_1435, %parallel_loop3A_1436] {strides = array<i32>} : memref<80x128xf32, #tpu.memory_space<vmem>>, vector<16xf32>,
          tpu.vector_store %arg15[%parallel_loop3A_1435, %parallel_loop3A_1436], %parallel_loop3A_1432 {strides = array<i32>} : memref<80x128xf32, #tpu.memory_space<vmem>>, vector<16xf32>,
          %parallel_loop3A_1438 = arith.constant 13 : i32
          %parallel_loop3A_1439 = arith.addi %parallel_loop3A_81, %parallel_loop3A_1438 : i32
          %parallel_loop3A_1440 = arith.index_cast %parallel_loop3A_1439 : i32 to index
          %parallel_loop3A_1441 = arith.constant 16 : index
          %parallel_loop3A_1442 = tpu.vector_load %arg15[%parallel_loop3A_1440, %parallel_loop3A_1441] {strides = array<i32>} : memref<80x128xf32, #tpu.memory_space<vmem>>, vector<16xf32>,
          %parallel_loop3A_1443 = arith.mulf %parallel_loop3A_1442, %parallel_loop3A_1426 : vector<16xf32>
          %parallel_loop3A_1444 = arith.constant 13 : i32
          %parallel_loop3A_1445 = arith.addi %parallel_loop3A_81, %parallel_loop3A_1444 : i32
          %parallel_loop3A_1446 = arith.index_cast %parallel_loop3A_1445 : i32 to index
          %parallel_loop3A_1447 = arith.constant 16 : index
          %parallel_loop3A_1448 = tpu.vector_load %arg15[%parallel_loop3A_1446, %parallel_loop3A_1447] {strides = array<i32>} : memref<80x128xf32, #tpu.memory_space<vmem>>, vector<16xf32>,
          tpu.vector_store %arg15[%parallel_loop3A_1446, %parallel_loop3A_1447], %parallel_loop3A_1443 {strides = array<i32>} : memref<80x128xf32, #tpu.memory_space<vmem>>, vector<16xf32>,
          %parallel_loop3A_1449 = arith.constant 13 : i32
          %parallel_loop3A_1450 = arith.addi %parallel_loop3A_81, %parallel_loop3A_1449 : i32
          %parallel_loop3A_1451 = arith.index_cast %parallel_loop3A_1450 : i32 to index
          %parallel_loop3A_1452 = arith.constant 32 : index
          %parallel_loop3A_1453 = tpu.vector_load %arg15[%parallel_loop3A_1451, %parallel_loop3A_1452] {strides = array<i32>} : memref<80x128xf32, #tpu.memory_space<vmem>>, vector<16xf32>,
          %parallel_loop3A_1454 = arith.mulf %parallel_loop3A_1453, %parallel_loop3A_1426 : vector<16xf32>
          %parallel_loop3A_1455 = arith.constant 13 : i32
          %parallel_loop3A_1456 = arith.addi %parallel_loop3A_81, %parallel_loop3A_1455 : i32
          %parallel_loop3A_1457 = arith.index_cast %parallel_loop3A_1456 : i32 to index
          %parallel_loop3A_1458 = arith.constant 32 : index
          %parallel_loop3A_1459 = tpu.vector_load %arg15[%parallel_loop3A_1457, %parallel_loop3A_1458] {strides = array<i32>} : memref<80x128xf32, #tpu.memory_space<vmem>>, vector<16xf32>,
          tpu.vector_store %arg15[%parallel_loop3A_1457, %parallel_loop3A_1458], %parallel_loop3A_1454 {strides = array<i32>} : memref<80x128xf32, #tpu.memory_space<vmem>>, vector<16xf32>,
          %parallel_loop3A_1460 = arith.constant 13 : i32
          %parallel_loop3A_1461 = arith.addi %parallel_loop3A_81, %parallel_loop3A_1460 : i32
          %parallel_loop3A_1462 = arith.index_cast %parallel_loop3A_1461 : i32 to index
          %parallel_loop3A_1463 = arith.constant 48 : index
          %parallel_loop3A_1464 = tpu.vector_load %arg15[%parallel_loop3A_1462, %parallel_loop3A_1463] {strides = array<i32>} : memref<80x128xf32, #tpu.memory_space<vmem>>, vector<16xf32>,
          %parallel_loop3A_1465 = arith.mulf %parallel_loop3A_1464, %parallel_loop3A_1426 : vector<16xf32>
          %parallel_loop3A_1466 = arith.constant 13 : i32
          %parallel_loop3A_1467 = arith.addi %parallel_loop3A_81, %parallel_loop3A_1466 : i32
          %parallel_loop3A_1468 = arith.index_cast %parallel_loop3A_1467 : i32 to index
          %parallel_loop3A_1469 = arith.constant 48 : index
          %parallel_loop3A_1470 = tpu.vector_load %arg15[%parallel_loop3A_1468, %parallel_loop3A_1469] {strides = array<i32>} : memref<80x128xf32, #tpu.memory_space<vmem>>, vector<16xf32>,
          tpu.vector_store %arg15[%parallel_loop3A_1468, %parallel_loop3A_1469], %parallel_loop3A_1465 {strides = array<i32>} : memref<80x128xf32, #tpu.memory_space<vmem>>, vector<16xf32>,
          %parallel_loop3A_1471 = arith.constant 13 : i32
          %parallel_loop3A_1472 = arith.addi %parallel_loop3A_81, %parallel_loop3A_1471 : i32
          %parallel_loop3A_1473 = arith.index_cast %parallel_loop3A_1472 : i32 to index
          %parallel_loop3A_1474 = arith.constant 64 : index
          %parallel_loop3A_1475 = tpu.vector_load %arg15[%parallel_loop3A_1473, %parallel_loop3A_1474] {strides = array<i32>} : memref<80x128xf32, #tpu.memory_space<vmem>>, vector<16xf32>,
          %parallel_loop3A_1476 = arith.mulf %parallel_loop3A_1475, %parallel_loop3A_1426 : vector<16xf32>
          %parallel_loop3A_1477 = arith.constant 13 : i32
          %parallel_loop3A_1478 = arith.addi %parallel_loop3A_81, %parallel_loop3A_1477 : i32
          %parallel_loop3A_1479 = arith.index_cast %parallel_loop3A_1478 : i32 to index
          %parallel_loop3A_1480 = arith.constant 64 : index
          %parallel_loop3A_1481 = tpu.vector_load %arg15[%parallel_loop3A_1479, %parallel_loop3A_1480] {strides = array<i32>} : memref<80x128xf32, #tpu.memory_space<vmem>>, vector<16xf32>,
          tpu.vector_store %arg15[%parallel_loop3A_1479, %parallel_loop3A_1480], %parallel_loop3A_1476 {strides = array<i32>} : memref<80x128xf32, #tpu.memory_space<vmem>>, vector<16xf32>,
          %parallel_loop3A_1482 = arith.constant 13 : i32
          %parallel_loop3A_1483 = arith.addi %parallel_loop3A_81, %parallel_loop3A_1482 : i32
          %parallel_loop3A_1484 = arith.index_cast %parallel_loop3A_1483 : i32 to index
          %parallel_loop3A_1485 = arith.constant 80 : index
          %parallel_loop3A_1486 = tpu.vector_load %arg15[%parallel_loop3A_1484, %parallel_loop3A_1485] {strides = array<i32>} : memref<80x128xf32, #tpu.memory_space<vmem>>, vector<16xf32>,
          %parallel_loop3A_1487 = arith.mulf %parallel_loop3A_1486, %parallel_loop3A_1426 : vector<16xf32>
          %parallel_loop3A_1488 = arith.constant 13 : i32
          %parallel_loop3A_1489 = arith.addi %parallel_loop3A_81, %parallel_loop3A_1488 : i32
          %parallel_loop3A_1490 = arith.index_cast %parallel_loop3A_1489 : i32 to index
          %parallel_loop3A_1491 = arith.constant 80 : index
          %parallel_loop3A_1492 = tpu.vector_load %arg15[%parallel_loop3A_1490, %parallel_loop3A_1491] {strides = array<i32>} : memref<80x128xf32, #tpu.memory_space<vmem>>, vector<16xf32>,
          tpu.vector_store %arg15[%parallel_loop3A_1490, %parallel_loop3A_1491], %parallel_loop3A_1487 {strides = array<i32>} : memref<80x128xf32, #tpu.memory_space<vmem>>, vector<16xf32>,
          %parallel_loop3A_1493 = arith.constant 13 : i32
          %parallel_loop3A_1494 = arith.addi %parallel_loop3A_81, %parallel_loop3A_1493 : i32
          %parallel_loop3A_1495 = arith.index_cast %parallel_loop3A_1494 : i32 to index
          %parallel_loop3A_1496 = arith.constant 96 : index
          %parallel_loop3A_1497 = tpu.vector_load %arg15[%parallel_loop3A_1495, %parallel_loop3A_1496] {strides = array<i32>} : memref<80x128xf32, #tpu.memory_space<vmem>>, vector<16xf32>,
          %parallel_loop3A_1498 = arith.mulf %parallel_loop3A_1497, %parallel_loop3A_1426 : vector<16xf32>
          %parallel_loop3A_1499 = arith.constant 13 : i32
          %parallel_loop3A_1500 = arith.addi %parallel_loop3A_81, %parallel_loop3A_1499 : i32
          %parallel_loop3A_1501 = arith.index_cast %parallel_loop3A_1500 : i32 to index
          %parallel_loop3A_1502 = arith.constant 96 : index
          %parallel_loop3A_1503 = tpu.vector_load %arg15[%parallel_loop3A_1501, %parallel_loop3A_1502] {strides = array<i32>} : memref<80x128xf32, #tpu.memory_space<vmem>>, vector<16xf32>,
          tpu.vector_store %arg15[%parallel_loop3A_1501, %parallel_loop3A_1502], %parallel_loop3A_1498 {strides = array<i32>} : memref<80x128xf32, #tpu.memory_space<vmem>>, vector<16xf32>,
          %parallel_loop3A_1504 = arith.constant 13 : i32
          %parallel_loop3A_1505 = arith.addi %parallel_loop3A_81, %parallel_loop3A_1504 : i32
          %parallel_loop3A_1506 = arith.index_cast %parallel_loop3A_1505 : i32 to index
          %parallel_loop3A_1507 = arith.constant 112 : index
          %parallel_loop3A_1508 = tpu.vector_load %arg15[%parallel_loop3A_1506, %parallel_loop3A_1507] {strides = array<i32>} : memref<80x128xf32, #tpu.memory_space<vmem>>, vector<16xf32>,
          %parallel_loop3A_1509 = arith.mulf %parallel_loop3A_1508, %parallel_loop3A_1426 : vector<16xf32>
          %parallel_loop3A_1510 = arith.constant 13 : i32
          %parallel_loop3A_1511 = arith.addi %parallel_loop3A_81, %parallel_loop3A_1510 : i32
          %parallel_loop3A_1512 = arith.index_cast %parallel_loop3A_1511 : i32 to index
          %parallel_loop3A_1513 = arith.constant 112 : index
          %parallel_loop3A_1514 = tpu.vector_load %arg15[%parallel_loop3A_1512, %parallel_loop3A_1513] {strides = array<i32>} : memref<80x128xf32, #tpu.memory_space<vmem>>, vector<16xf32>,
          tpu.vector_store %arg15[%parallel_loop3A_1512, %parallel_loop3A_1513], %parallel_loop3A_1509 {strides = array<i32>} : memref<80x128xf32, #tpu.memory_space<vmem>>, vector<16xf32>,
          %parallel_loop3A_1515 = arith.constant 14 : i32
          %parallel_loop3A_1516 = vector.broadcast %parallel_loop3A_1515 : i32 to vector<16xi32>
          %parallel_loop3A_1517 = arith.constant 0 : i32
          %parallel_loop3A_1518 = vector.broadcast %parallel_loop3A_1517 : i32 to vector<16xi32>
          %parallel_loop3A_1519 = arith.cmpi slt, %parallel_loop3A_1516, %parallel_loop3A_1518 : vector<16xi32>
          %parallel_loop3A_1520 = arith.constant 16 : i32
          %parallel_loop3A_1521 = vector.broadcast %parallel_loop3A_1520 : i32 to vector<16xi32>
          %parallel_loop3A_1522 = arith.addi %parallel_loop3A_1516, %parallel_loop3A_1521 : vector<16xi32>
          %parallel_loop3A_1523 = arith.select %parallel_loop3A_1519, %parallel_loop3A_1522, %parallel_loop3A_1516 : vector<16xi1>, vector<16xi32>
          %parallel_loop3A_1524 = vector.shape_cast %parallel_loop3A_1523 : vector<16xi32> to vector<16x1xi32>
          %parallel_loop3A_1525 = vector.shape_cast %parallel_loop3A_1524 : vector<16x1xi32> to vector<16xi32>
          %parallel_loop3A_1526 = tpu.dynamic_gather %parallel_loop3A_114[%parallel_loop3A_1525] in [0] : vector<16xf32>, vector<16xi32> -> vector<16xf32>
          %parallel_loop3A_1527 = arith.constant 14 : i32
          %parallel_loop3A_1528 = arith.addi %parallel_loop3A_81, %parallel_loop3A_1527 : i32
          %parallel_loop3A_1529 = arith.index_cast %parallel_loop3A_1528 : i32 to index
          %parallel_loop3A_1530 = arith.constant 0 : index
          %parallel_loop3A_1531 = tpu.vector_load %arg15[%parallel_loop3A_1529, %parallel_loop3A_1530] {strides = array<i32>} : memref<80x128xf32, #tpu.memory_space<vmem>>, vector<16xf32>,
          %parallel_loop3A_1532 = arith.mulf %parallel_loop3A_1531, %parallel_loop3A_1526 : vector<16xf32>
          %parallel_loop3A_1533 = arith.constant 14 : i32
          %parallel_loop3A_1534 = arith.addi %parallel_loop3A_81, %parallel_loop3A_1533 : i32
          %parallel_loop3A_1535 = arith.index_cast %parallel_loop3A_1534 : i32 to index
          %parallel_loop3A_1536 = arith.constant 0 : index
          %parallel_loop3A_1537 = tpu.vector_load %arg15[%parallel_loop3A_1535, %parallel_loop3A_1536] {strides = array<i32>} : memref<80x128xf32, #tpu.memory_space<vmem>>, vector<16xf32>,
          tpu.vector_store %arg15[%parallel_loop3A_1535, %parallel_loop3A_1536], %parallel_loop3A_1532 {strides = array<i32>} : memref<80x128xf32, #tpu.memory_space<vmem>>, vector<16xf32>,
          %parallel_loop3A_1538 = arith.constant 14 : i32
          %parallel_loop3A_1539 = arith.addi %parallel_loop3A_81, %parallel_loop3A_1538 : i32
          %parallel_loop3A_1540 = arith.index_cast %parallel_loop3A_1539 : i32 to index
          %parallel_loop3A_1541 = arith.constant 16 : index
          %parallel_loop3A_1542 = tpu.vector_load %arg15[%parallel_loop3A_1540, %parallel_loop3A_1541] {strides = array<i32>} : memref<80x128xf32, #tpu.memory_space<vmem>>, vector<16xf32>,
          %parallel_loop3A_1543 = arith.mulf %parallel_loop3A_1542, %parallel_loop3A_1526 : vector<16xf32>
          %parallel_loop3A_1544 = arith.constant 14 : i32
          %parallel_loop3A_1545 = arith.addi %parallel_loop3A_81, %parallel_loop3A_1544 : i32
          %parallel_loop3A_1546 = arith.index_cast %parallel_loop3A_1545 : i32 to index
          %parallel_loop3A_1547 = arith.constant 16 : index
          %parallel_loop3A_1548 = tpu.vector_load %arg15[%parallel_loop3A_1546, %parallel_loop3A_1547] {strides = array<i32>} : memref<80x128xf32, #tpu.memory_space<vmem>>, vector<16xf32>,
          tpu.vector_store %arg15[%parallel_loop3A_1546, %parallel_loop3A_1547], %parallel_loop3A_1543 {strides = array<i32>} : memref<80x128xf32, #tpu.memory_space<vmem>>, vector<16xf32>,
          %parallel_loop3A_1549 = arith.constant 14 : i32
          %parallel_loop3A_1550 = arith.addi %parallel_loop3A_81, %parallel_loop3A_1549 : i32
          %parallel_loop3A_1551 = arith.index_cast %parallel_loop3A_1550 : i32 to index
          %parallel_loop3A_1552 = arith.constant 32 : index
          %parallel_loop3A_1553 = tpu.vector_load %arg15[%parallel_loop3A_1551, %parallel_loop3A_1552] {strides = array<i32>} : memref<80x128xf32, #tpu.memory_space<vmem>>, vector<16xf32>,
          %parallel_loop3A_1554 = arith.mulf %parallel_loop3A_1553, %parallel_loop3A_1526 : vector<16xf32>
          %parallel_loop3A_1555 = arith.constant 14 : i32
          %parallel_loop3A_1556 = arith.addi %parallel_loop3A_81, %parallel_loop3A_1555 : i32
          %parallel_loop3A_1557 = arith.index_cast %parallel_loop3A_1556 : i32 to index
          %parallel_loop3A_1558 = arith.constant 32 : index
          %parallel_loop3A_1559 = tpu.vector_load %arg15[%parallel_loop3A_1557, %parallel_loop3A_1558] {strides = array<i32>} : memref<80x128xf32, #tpu.memory_space<vmem>>, vector<16xf32>,
          tpu.vector_store %arg15[%parallel_loop3A_1557, %parallel_loop3A_1558], %parallel_loop3A_1554 {strides = array<i32>} : memref<80x128xf32, #tpu.memory_space<vmem>>, vector<16xf32>,
          %parallel_loop3A_1560 = arith.constant 14 : i32
          %parallel_loop3A_1561 = arith.addi %parallel_loop3A_81, %parallel_loop3A_1560 : i32
          %parallel_loop3A_1562 = arith.index_cast %parallel_loop3A_1561 : i32 to index
          %parallel_loop3A_1563 = arith.constant 48 : index
          %parallel_loop3A_1564 = tpu.vector_load %arg15[%parallel_loop3A_1562, %parallel_loop3A_1563] {strides = array<i32>} : memref<80x128xf32, #tpu.memory_space<vmem>>, vector<16xf32>,
          %parallel_loop3A_1565 = arith.mulf %parallel_loop3A_1564, %parallel_loop3A_1526 : vector<16xf32>
          %parallel_loop3A_1566 = arith.constant 14 : i32
          %parallel_loop3A_1567 = arith.addi %parallel_loop3A_81, %parallel_loop3A_1566 : i32
          %parallel_loop3A_1568 = arith.index_cast %parallel_loop3A_1567 : i32 to index
          %parallel_loop3A_1569 = arith.constant 48 : index
          %parallel_loop3A_1570 = tpu.vector_load %arg15[%parallel_loop3A_1568, %parallel_loop3A_1569] {strides = array<i32>} : memref<80x128xf32, #tpu.memory_space<vmem>>, vector<16xf32>,
          tpu.vector_store %arg15[%parallel_loop3A_1568, %parallel_loop3A_1569], %parallel_loop3A_1565 {strides = array<i32>} : memref<80x128xf32, #tpu.memory_space<vmem>>, vector<16xf32>,
          %parallel_loop3A_1571 = arith.constant 14 : i32
          %parallel_loop3A_1572 = arith.addi %parallel_loop3A_81, %parallel_loop3A_1571 : i32
          %parallel_loop3A_1573 = arith.index_cast %parallel_loop3A_1572 : i32 to index
          %parallel_loop3A_1574 = arith.constant 64 : index
          %parallel_loop3A_1575 = tpu.vector_load %arg15[%parallel_loop3A_1573, %parallel_loop3A_1574] {strides = array<i32>} : memref<80x128xf32, #tpu.memory_space<vmem>>, vector<16xf32>,
          %parallel_loop3A_1576 = arith.mulf %parallel_loop3A_1575, %parallel_loop3A_1526 : vector<16xf32>
          %parallel_loop3A_1577 = arith.constant 14 : i32
          %parallel_loop3A_1578 = arith.addi %parallel_loop3A_81, %parallel_loop3A_1577 : i32
          %parallel_loop3A_1579 = arith.index_cast %parallel_loop3A_1578 : i32 to index
          %parallel_loop3A_1580 = arith.constant 64 : index
          %parallel_loop3A_1581 = tpu.vector_load %arg15[%parallel_loop3A_1579, %parallel_loop3A_1580] {strides = array<i32>} : memref<80x128xf32, #tpu.memory_space<vmem>>, vector<16xf32>,
          tpu.vector_store %arg15[%parallel_loop3A_1579, %parallel_loop3A_1580], %parallel_loop3A_1576 {strides = array<i32>} : memref<80x128xf32, #tpu.memory_space<vmem>>, vector<16xf32>,
          %parallel_loop3A_1582 = arith.constant 14 : i32
          %parallel_loop3A_1583 = arith.addi %parallel_loop3A_81, %parallel_loop3A_1582 : i32
          %parallel_loop3A_1584 = arith.index_cast %parallel_loop3A_1583 : i32 to index
          %parallel_loop3A_1585 = arith.constant 80 : index
          %parallel_loop3A_1586 = tpu.vector_load %arg15[%parallel_loop3A_1584, %parallel_loop3A_1585] {strides = array<i32>} : memref<80x128xf32, #tpu.memory_space<vmem>>, vector<16xf32>,
          %parallel_loop3A_1587 = arith.mulf %parallel_loop3A_1586, %parallel_loop3A_1526 : vector<16xf32>
          %parallel_loop3A_1588 = arith.constant 14 : i32
          %parallel_loop3A_1589 = arith.addi %parallel_loop3A_81, %parallel_loop3A_1588 : i32
          %parallel_loop3A_1590 = arith.index_cast %parallel_loop3A_1589 : i32 to index
          %parallel_loop3A_1591 = arith.constant 80 : index
          %parallel_loop3A_1592 = tpu.vector_load %arg15[%parallel_loop3A_1590, %parallel_loop3A_1591] {strides = array<i32>} : memref<80x128xf32, #tpu.memory_space<vmem>>, vector<16xf32>,
          tpu.vector_store %arg15[%parallel_loop3A_1590, %parallel_loop3A_1591], %parallel_loop3A_1587 {strides = array<i32>} : memref<80x128xf32, #tpu.memory_space<vmem>>, vector<16xf32>,
          %parallel_loop3A_1593 = arith.constant 14 : i32
          %parallel_loop3A_1594 = arith.addi %parallel_loop3A_81, %parallel_loop3A_1593 : i32
          %parallel_loop3A_1595 = arith.index_cast %parallel_loop3A_1594 : i32 to index
          %parallel_loop3A_1596 = arith.constant 96 : index
          %parallel_loop3A_1597 = tpu.vector_load %arg15[%parallel_loop3A_1595, %parallel_loop3A_1596] {strides = array<i32>} : memref<80x128xf32, #tpu.memory_space<vmem>>, vector<16xf32>,
          %parallel_loop3A_1598 = arith.mulf %parallel_loop3A_1597, %parallel_loop3A_1526 : vector<16xf32>
          %parallel_loop3A_1599 = arith.constant 14 : i32
          %parallel_loop3A_1600 = arith.addi %parallel_loop3A_81, %parallel_loop3A_1599 : i32
          %parallel_loop3A_1601 = arith.index_cast %parallel_loop3A_1600 : i32 to index
          %parallel_loop3A_1602 = arith.constant 96 : index
          %parallel_loop3A_1603 = tpu.vector_load %arg15[%parallel_loop3A_1601, %parallel_loop3A_1602] {strides = array<i32>} : memref<80x128xf32, #tpu.memory_space<vmem>>, vector<16xf32>,
          tpu.vector_store %arg15[%parallel_loop3A_1601, %parallel_loop3A_1602], %parallel_loop3A_1598 {strides = array<i32>} : memref<80x128xf32, #tpu.memory_space<vmem>>, vector<16xf32>,
          %parallel_loop3A_1604 = arith.constant 14 : i32
          %parallel_loop3A_1605 = arith.addi %parallel_loop3A_81, %parallel_loop3A_1604 : i32
          %parallel_loop3A_1606 = arith.index_cast %parallel_loop3A_1605 : i32 to index
          %parallel_loop3A_1607 = arith.constant 112 : index
          %parallel_loop3A_1608 = tpu.vector_load %arg15[%parallel_loop3A_1606, %parallel_loop3A_1607] {strides = array<i32>} : memref<80x128xf32, #tpu.memory_space<vmem>>, vector<16xf32>,
          %parallel_loop3A_1609 = arith.mulf %parallel_loop3A_1608, %parallel_loop3A_1526 : vector<16xf32>
          %parallel_loop3A_1610 = arith.constant 14 : i32
          %parallel_loop3A_1611 = arith.addi %parallel_loop3A_81, %parallel_loop3A_1610 : i32
          %parallel_loop3A_1612 = arith.index_cast %parallel_loop3A_1611 : i32 to index
          %parallel_loop3A_1613 = arith.constant 112 : index
          %parallel_loop3A_1614 = tpu.vector_load %arg15[%parallel_loop3A_1612, %parallel_loop3A_1613] {strides = array<i32>} : memref<80x128xf32, #tpu.memory_space<vmem>>, vector<16xf32>,
          tpu.vector_store %arg15[%parallel_loop3A_1612, %parallel_loop3A_1613], %parallel_loop3A_1609 {strides = array<i32>} : memref<80x128xf32, #tpu.memory_space<vmem>>, vector<16xf32>,
          %parallel_loop3A_1615 = arith.constant 15 : i32
          %parallel_loop3A_1616 = vector.broadcast %parallel_loop3A_1615 : i32 to vector<16xi32>
          %parallel_loop3A_1617 = arith.constant 0 : i32
          %parallel_loop3A_1618 = vector.broadcast %parallel_loop3A_1617 : i32 to vector<16xi32>
          %parallel_loop3A_1619 = arith.cmpi slt, %parallel_loop3A_1616, %parallel_loop3A_1618 : vector<16xi32>
          %parallel_loop3A_1620 = arith.constant 16 : i32
          %parallel_loop3A_1621 = vector.broadcast %parallel_loop3A_1620 : i32 to vector<16xi32>
          %parallel_loop3A_1622 = arith.addi %parallel_loop3A_1616, %parallel_loop3A_1621 : vector<16xi32>
          %parallel_loop3A_1623 = arith.select %parallel_loop3A_1619, %parallel_loop3A_1622, %parallel_loop3A_1616 : vector<16xi1>, vector<16xi32>
          %parallel_loop3A_1624 = vector.shape_cast %parallel_loop3A_1623 : vector<16xi32> to vector<16x1xi32>
          %parallel_loop3A_1625 = vector.shape_cast %parallel_loop3A_1624 : vector<16x1xi32> to vector<16xi32>
          %parallel_loop3A_1626 = tpu.dynamic_gather %parallel_loop3A_114[%parallel_loop3A_1625] in [0] : vector<16xf32>, vector<16xi32> -> vector<16xf32>
          %parallel_loop3A_1627 = arith.constant 15 : i32
          %parallel_loop3A_1628 = arith.addi %parallel_loop3A_81, %parallel_loop3A_1627 : i32
          %parallel_loop3A_1629 = arith.index_cast %parallel_loop3A_1628 : i32 to index
          %parallel_loop3A_1630 = arith.constant 0 : index
          %parallel_loop3A_1631 = tpu.vector_load %arg15[%parallel_loop3A_1629, %parallel_loop3A_1630] {strides = array<i32>} : memref<80x128xf32, #tpu.memory_space<vmem>>, vector<16xf32>,
          %parallel_loop3A_1632 = arith.mulf %parallel_loop3A_1631, %parallel_loop3A_1626 : vector<16xf32>
          %parallel_loop3A_1633 = arith.constant 15 : i32
          %parallel_loop3A_1634 = arith.addi %parallel_loop3A_81, %parallel_loop3A_1633 : i32
          %parallel_loop3A_1635 = arith.index_cast %parallel_loop3A_1634 : i32 to index
          %parallel_loop3A_1636 = arith.constant 0 : index
          %parallel_loop3A_1637 = tpu.vector_load %arg15[%parallel_loop3A_1635, %parallel_loop3A_1636] {strides = array<i32>} : memref<80x128xf32, #tpu.memory_space<vmem>>, vector<16xf32>,
          tpu.vector_store %arg15[%parallel_loop3A_1635, %parallel_loop3A_1636], %parallel_loop3A_1632 {strides = array<i32>} : memref<80x128xf32, #tpu.memory_space<vmem>>, vector<16xf32>,
          %parallel_loop3A_1638 = arith.constant 15 : i32
          %parallel_loop3A_1639 = arith.addi %parallel_loop3A_81, %parallel_loop3A_1638 : i32
          %parallel_loop3A_1640 = arith.index_cast %parallel_loop3A_1639 : i32 to index
          %parallel_loop3A_1641 = arith.constant 16 : index
          %parallel_loop3A_1642 = tpu.vector_load %arg15[%parallel_loop3A_1640, %parallel_loop3A_1641] {strides = array<i32>} : memref<80x128xf32, #tpu.memory_space<vmem>>, vector<16xf32>,
          %parallel_loop3A_1643 = arith.mulf %parallel_loop3A_1642, %parallel_loop3A_1626 : vector<16xf32>
          %parallel_loop3A_1644 = arith.constant 15 : i32
          %parallel_loop3A_1645 = arith.addi %parallel_loop3A_81, %parallel_loop3A_1644 : i32
          %parallel_loop3A_1646 = arith.index_cast %parallel_loop3A_1645 : i32 to index
          %parallel_loop3A_1647 = arith.constant 16 : index
          %parallel_loop3A_1648 = tpu.vector_load %arg15[%parallel_loop3A_1646, %parallel_loop3A_1647] {strides = array<i32>} : memref<80x128xf32, #tpu.memory_space<vmem>>, vector<16xf32>,
          tpu.vector_store %arg15[%parallel_loop3A_1646, %parallel_loop3A_1647], %parallel_loop3A_1643 {strides = array<i32>} : memref<80x128xf32, #tpu.memory_space<vmem>>, vector<16xf32>,
          %parallel_loop3A_1649 = arith.constant 15 : i32
          %parallel_loop3A_1650 = arith.addi %parallel_loop3A_81, %parallel_loop3A_1649 : i32
          %parallel_loop3A_1651 = arith.index_cast %parallel_loop3A_1650 : i32 to index
          %parallel_loop3A_1652 = arith.constant 32 : index
          %parallel_loop3A_1653 = tpu.vector_load %arg15[%parallel_loop3A_1651, %parallel_loop3A_1652] {strides = array<i32>} : memref<80x128xf32, #tpu.memory_space<vmem>>, vector<16xf32>,
          %parallel_loop3A_1654 = arith.mulf %parallel_loop3A_1653, %parallel_loop3A_1626 : vector<16xf32>
          %parallel_loop3A_1655 = arith.constant 15 : i32
          %parallel_loop3A_1656 = arith.addi %parallel_loop3A_81, %parallel_loop3A_1655 : i32
          %parallel_loop3A_1657 = arith.index_cast %parallel_loop3A_1656 : i32 to index
          %parallel_loop3A_1658 = arith.constant 32 : index
          %parallel_loop3A_1659 = tpu.vector_load %arg15[%parallel_loop3A_1657, %parallel_loop3A_1658] {strides = array<i32>} : memref<80x128xf32, #tpu.memory_space<vmem>>, vector<16xf32>,
          tpu.vector_store %arg15[%parallel_loop3A_1657, %parallel_loop3A_1658], %parallel_loop3A_1654 {strides = array<i32>} : memref<80x128xf32, #tpu.memory_space<vmem>>, vector<16xf32>,
          %parallel_loop3A_1660 = arith.constant 15 : i32
          %parallel_loop3A_1661 = arith.addi %parallel_loop3A_81, %parallel_loop3A_1660 : i32
          %parallel_loop3A_1662 = arith.index_cast %parallel_loop3A_1661 : i32 to index
          %parallel_loop3A_1663 = arith.constant 48 : index
          %parallel_loop3A_1664 = tpu.vector_load %arg15[%parallel_loop3A_1662, %parallel_loop3A_1663] {strides = array<i32>} : memref<80x128xf32, #tpu.memory_space<vmem>>, vector<16xf32>,
          %parallel_loop3A_1665 = arith.mulf %parallel_loop3A_1664, %parallel_loop3A_1626 : vector<16xf32>
          %parallel_loop3A_1666 = arith.constant 15 : i32
          %parallel_loop3A_1667 = arith.addi %parallel_loop3A_81, %parallel_loop3A_1666 : i32
          %parallel_loop3A_1668 = arith.index_cast %parallel_loop3A_1667 : i32 to index
          %parallel_loop3A_1669 = arith.constant 48 : index
          %parallel_loop3A_1670 = tpu.vector_load %arg15[%parallel_loop3A_1668, %parallel_loop3A_1669] {strides = array<i32>} : memref<80x128xf32, #tpu.memory_space<vmem>>, vector<16xf32>,
          tpu.vector_store %arg15[%parallel_loop3A_1668, %parallel_loop3A_1669], %parallel_loop3A_1665 {strides = array<i32>} : memref<80x128xf32, #tpu.memory_space<vmem>>, vector<16xf32>,
          %parallel_loop3A_1671 = arith.constant 15 : i32
          %parallel_loop3A_1672 = arith.addi %parallel_loop3A_81, %parallel_loop3A_1671 : i32
          %parallel_loop3A_1673 = arith.index_cast %parallel_loop3A_1672 : i32 to index
          %parallel_loop3A_1674 = arith.constant 64 : index
          %parallel_loop3A_1675 = tpu.vector_load %arg15[%parallel_loop3A_1673, %parallel_loop3A_1674] {strides = array<i32>} : memref<80x128xf32, #tpu.memory_space<vmem>>, vector<16xf32>,
          %parallel_loop3A_1676 = arith.mulf %parallel_loop3A_1675, %parallel_loop3A_1626 : vector<16xf32>
          %parallel_loop3A_1677 = arith.constant 15 : i32
          %parallel_loop3A_1678 = arith.addi %parallel_loop3A_81, %parallel_loop3A_1677 : i32
          %parallel_loop3A_1679 = arith.index_cast %parallel_loop3A_1678 : i32 to index
          %parallel_loop3A_1680 = arith.constant 64 : index
          %parallel_loop3A_1681 = tpu.vector_load %arg15[%parallel_loop3A_1679, %parallel_loop3A_1680] {strides = array<i32>} : memref<80x128xf32, #tpu.memory_space<vmem>>, vector<16xf32>,
          tpu.vector_store %arg15[%parallel_loop3A_1679, %parallel_loop3A_1680], %parallel_loop3A_1676 {strides = array<i32>} : memref<80x128xf32, #tpu.memory_space<vmem>>, vector<16xf32>,
          %parallel_loop3A_1682 = arith.constant 15 : i32
          %parallel_loop3A_1683 = arith.addi %parallel_loop3A_81, %parallel_loop3A_1682 : i32
          %parallel_loop3A_1684 = arith.index_cast %parallel_loop3A_1683 : i32 to index
          %parallel_loop3A_1685 = arith.constant 80 : index
          %parallel_loop3A_1686 = tpu.vector_load %arg15[%parallel_loop3A_1684, %parallel_loop3A_1685] {strides = array<i32>} : memref<80x128xf32, #tpu.memory_space<vmem>>, vector<16xf32>,
          %parallel_loop3A_1687 = arith.mulf %parallel_loop3A_1686, %parallel_loop3A_1626 : vector<16xf32>
          %parallel_loop3A_1688 = arith.constant 15 : i32
          %parallel_loop3A_1689 = arith.addi %parallel_loop3A_81, %parallel_loop3A_1688 : i32
          %parallel_loop3A_1690 = arith.index_cast %parallel_loop3A_1689 : i32 to index
          %parallel_loop3A_1691 = arith.constant 80 : index
          %parallel_loop3A_1692 = tpu.vector_load %arg15[%parallel_loop3A_1690, %parallel_loop3A_1691] {strides = array<i32>} : memref<80x128xf32, #tpu.memory_space<vmem>>, vector<16xf32>,
          tpu.vector_store %arg15[%parallel_loop3A_1690, %parallel_loop3A_1691], %parallel_loop3A_1687 {strides = array<i32>} : memref<80x128xf32, #tpu.memory_space<vmem>>, vector<16xf32>,
          %parallel_loop3A_1693 = arith.constant 15 : i32
          %parallel_loop3A_1694 = arith.addi %parallel_loop3A_81, %parallel_loop3A_1693 : i32
          %parallel_loop3A_1695 = arith.index_cast %parallel_loop3A_1694 : i32 to index
          %parallel_loop3A_1696 = arith.constant 96 : index
          %parallel_loop3A_1697 = tpu.vector_load %arg15[%parallel_loop3A_1695, %parallel_loop3A_1696] {strides = array<i32>} : memref<80x128xf32, #tpu.memory_space<vmem>>, vector<16xf32>,
          %parallel_loop3A_1698 = arith.mulf %parallel_loop3A_1697, %parallel_loop3A_1626 : vector<16xf32>
          %parallel_loop3A_1699 = arith.constant 15 : i32
          %parallel_loop3A_1700 = arith.addi %parallel_loop3A_81, %parallel_loop3A_1699 : i32
          %parallel_loop3A_1701 = arith.index_cast %parallel_loop3A_1700 : i32 to index
          %parallel_loop3A_1702 = arith.constant 96 : index
          %parallel_loop3A_1703 = tpu.vector_load %arg15[%parallel_loop3A_1701, %parallel_loop3A_1702] {strides = array<i32>} : memref<80x128xf32, #tpu.memory_space<vmem>>, vector<16xf32>,
          tpu.vector_store %arg15[%parallel_loop3A_1701, %parallel_loop3A_1702], %parallel_loop3A_1698 {strides = array<i32>} : memref<80x128xf32, #tpu.memory_space<vmem>>, vector<16xf32>,
          %parallel_loop3A_1704 = arith.constant 15 : i32
          %parallel_loop3A_1705 = arith.addi %parallel_loop3A_81, %parallel_loop3A_1704 : i32
          %parallel_loop3A_1706 = arith.index_cast %parallel_loop3A_1705 : i32 to index
          %parallel_loop3A_1707 = arith.constant 112 : index
          %parallel_loop3A_1708 = tpu.vector_load %arg15[%parallel_loop3A_1706, %parallel_loop3A_1707] {strides = array<i32>} : memref<80x128xf32, #tpu.memory_space<vmem>>, vector<16xf32>,
          %parallel_loop3A_1709 = arith.mulf %parallel_loop3A_1708, %parallel_loop3A_1626 : vector<16xf32>
          %parallel_loop3A_1710 = arith.constant 15 : i32
          %parallel_loop3A_1711 = arith.addi %parallel_loop3A_81, %parallel_loop3A_1710 : i32
          %parallel_loop3A_1712 = arith.index_cast %parallel_loop3A_1711 : i32 to index
          %parallel_loop3A_1713 = arith.constant 112 : index
          %parallel_loop3A_1714 = tpu.vector_load %arg15[%parallel_loop3A_1712, %parallel_loop3A_1713] {strides = array<i32>} : memref<80x128xf32, #tpu.memory_space<vmem>>, vector<16xf32>,
          tpu.vector_store %arg15[%parallel_loop3A_1712, %parallel_loop3A_1713], %parallel_loop3A_1709 {strides = array<i32>} : memref<80x128xf32, #tpu.memory_space<vmem>>, vector<16xf32>,
        } {sc.loop_unroll_factor = 1 : i64, sc.parallel_access}
        %add3A_67 = arith.constant 1 : i32
        %add3A_68 = arith.addi %add3A_56, %add3A_67 : i32
        %lt3A_69 = arith.constant 125 : i32
        %lt3A_70 = arith.cmpi slt, %add3A_68, %lt3A_69 : i32
        %convert_element_type3A_71 = arith.extui %lt3A_70 : i1 to i32
        %cond3A_72 = arith.constant 0 : i32
        %cond3A_73 = arith.cmpi ne, %convert_element_type3A_71, %cond3A_72 : i32
        scf.if %cond3A_73 {
          %add3A_81 = arith.constant 1 : i32
          %add3A_82 = arith.addi %add3A_56, %add3A_81 : i32
          %mul3A_83 = arith.constant 80 : i32
          %mul3A_84 = arith.muli %add3A_82, %mul3A_83 : i32
          %add3A_85 = arith.addi %mul3A_2, %mul3A_84 : i32
          %dma_wait3A_86 = tpu.memref_slice %arg2[%add3A_85] : memref<320000xi32, #tpu.memory_space<hbm>> -> memref<80xi32, #tpu.memory_space<hbm>>
          %dma_wait3A_87 = tpu.memref_slice %arg2[%add3A_85] : memref<320000xi32, #tpu.memory_space<hbm>> -> memref<80xi32, #tpu.memory_space<hbm>>
          tpu.wait_dma2 semaphore(%arg17 : memref<!tpu.dma_semaphore, #tpu.memory_space<semaphore_mem>>) src(%dma_wait3A_87 : memref<80xi32, #tpu.memory_space<hbm>>) dst(%arg10 : memref<80xi32, #tpu.memory_space<vmem>>)
          %dma_wait3A_88 = tpu.memref_slice %arg3[%add3A_85] : memref<320000xi32, #tpu.memory_space<hbm>> -> memref<80xi32, #tpu.memory_space<hbm>>
          %dma_wait3A_89 = tpu.memref_slice %arg3[%add3A_85] : memref<320000xi32, #tpu.memory_space<hbm>> -> memref<80xi32, #tpu.memory_space<hbm>>
          tpu.wait_dma2 semaphore(%arg17 : memref<!tpu.dma_semaphore, #tpu.memory_space<semaphore_mem>>) src(%dma_wait3A_89 : memref<80xi32, #tpu.memory_space<hbm>>) dst(%arg12 : memref<80xi32, #tpu.memory_space<vmem>>)
          %dma_start3A_90 = arith.constant 0 : i32
          %dma_start3A_91 = arith.constant 0 : i32
          %dma_start3A_92 = tpu.memref_slice %arg4[%dma_start3A_90, %dma_start3A_91] : memref<10000x128xf32, #tpu.memory_space<hbm>> -> memref<10000x128xf32, #tpu.memory_space<hbm>>
          tpu.enqueue_indirect_dma source(%dma_start3A_92 : memref<10000x128xf32, #tpu.memory_space<hbm>>) target(%arg14 : memref<80x128xf32, #tpu.memory_space<vmem>>) offsets(%arg10 : memref<80xi32, #tpu.memory_space<vmem>>) semaphore(%arg19 : memref<!tpu.dma_semaphore, #tpu.memory_space<semaphore_mem>>)
        } else {
        }
        "tpu.region"() ({
          %run_scoped3A = tpu.sem_alloc : memref<!tpu.dma_semaphore, #tpu.memory_space<semaphore_mem>>
          %dma_start3A_81 = arith.constant 0 : i32
          %dma_start3A_82 = arith.constant 0 : i32
          %dma_start3A_83 = tpu.memref_slice %arg16[%dma_start3A_81, %dma_start3A_82] : memref<10000x128xf32, #tpu.memory_space<vmem_shared>> -> memref<10000x128xf32, #tpu.memory_space<vmem_shared>>
          tpu.enqueue_indirect_dma source(%arg15 : memref<80x128xf32, #tpu.memory_space<vmem>>) target(%dma_start3A_83 : memref<10000x128xf32, #tpu.memory_space<vmem_shared>>) offsets(%arg13 : memref<80xi32, #tpu.memory_space<vmem>>) semaphore(%run_scoped3A : memref<!tpu.dma_semaphore, #tpu.memory_space<semaphore_mem>>) {add = true}
          %dma_wait3A_84 = arith.constant 0 : i32
          %dma_wait3A_85 = arith.constant 0 : i32
          %dma_wait3A_86 = tpu.memref_slice %arg16[%dma_wait3A_84, %dma_wait3A_85] : memref<10000x128xf32, #tpu.memory_space<vmem_shared>> -> memref<10000x128xf32, #tpu.memory_space<vmem_shared>>
          tpu.wait_indirect_dma semaphore(%run_scoped3A : memref<!tpu.dma_semaphore, #tpu.memory_space<semaphore_mem>>) src(%arg15 : memref<80x128xf32, #tpu.memory_space<vmem>>) dst(%dma_wait3A_86 : memref<10000x128xf32, #tpu.memory_space<vmem_shared>>)
          tpu.yield
        }) : () -> ()
        %add3A_74 = arith.constant 2 : i32
        %add3A_75 = arith.addi %add3A_56, %add3A_74 : i32
        %lt3A_76 = arith.constant 125 : i32
        %lt3A_77 = arith.cmpi slt, %add3A_75, %lt3A_76 : i32
        %convert_element_type3A_78 = arith.extui %lt3A_77 : i1 to i32
        %cond3A_79 = arith.constant 0 : i32
        %cond3A_80 = arith.cmpi ne, %convert_element_type3A_78, %cond3A_79 : i32
        scf.if %cond3A_80 {
          %add3A_81 = arith.constant 2 : i32
          %add3A_82 = arith.addi %add3A_56, %add3A_81 : i32
          %mul3A_83 = arith.constant 80 : i32
          %mul3A_84 = arith.muli %add3A_82, %mul3A_83 : i32
          %add3A_85 = arith.addi %mul3A_2, %mul3A_84 : i32
          %dma_start3A_86 = tpu.memref_slice %arg2[%add3A_85] : memref<320000xi32, #tpu.memory_space<hbm>> -> memref<80xi32, #tpu.memory_space<hbm>>
          %dma_start3A_87 = tpu.memref_slice %arg2[%add3A_85] : memref<320000xi32, #tpu.memory_space<hbm>> -> memref<80xi32, #tpu.memory_space<hbm>>
          tpu.enqueue_dma source(%dma_start3A_87 : memref<80xi32, #tpu.memory_space<hbm>>) target(%arg11 : memref<80xi32, #tpu.memory_space<vmem>>) target_semaphore(%arg18 : memref<!tpu.dma_semaphore, #tpu.memory_space<semaphore_mem>>)
          %dma_start3A_88 = tpu.memref_slice %arg3[%add3A_85] : memref<320000xi32, #tpu.memory_space<hbm>> -> memref<80xi32, #tpu.memory_space<hbm>>
          %dma_start3A_89 = tpu.memref_slice %arg3[%add3A_85] : memref<320000xi32, #tpu.memory_space<hbm>> -> memref<80xi32, #tpu.memory_space<hbm>>
          tpu.enqueue_dma source(%dma_start3A_89 : memref<80xi32, #tpu.memory_space<hbm>>) target(%arg13 : memref<80xi32, #tpu.memory_space<vmem>>) target_semaphore(%arg18 : memref<!tpu.dma_semaphore, #tpu.memory_space<semaphore_mem>>)
        } else {
        }
      } else {
      }
    }
    %scan3A_35 = arith.constant 63 : i32
    %barrier3A_36 = arith.constant 0 : index
    tpu.barrier barrier_id(%barrier3A_36)
    %scan3A_37 = arith.constant 0 : i32
    %scan3A_38 = arith.constant 8 : i32
    %scan3A_39 = arith.addi %scan3A_37, %scan3A_38 : i32
    %scan3A_40 = arith.constant 1 : i32
    scf.for %scan3A_42 = %scan3A_37 to %scan3A_39 step %scan3A_40  : i32 {
      %mul3A_43 = arith.constant 1 : i32
      %mul3A_44 = arith.muli %scan3A_42, %mul3A_43 : i32
      %add3A_45 = arith.constant 0 : i32
      %add3A_46 = arith.addi %add3A_45, %mul3A_44 : i32
      %mul3A_47 = arith.constant 8 : i32
      %mul3A_48 = arith.muli %arg1, %mul3A_47 : i32
      %add3A_49 = arith.addi %mul3A_48, %add3A_46 : i32
      %lt3A = arith.constant 125 : i32
      %lt3A_50 = arith.cmpi slt, %add3A_49, %lt3A : i32
      %convert_element_type3A = arith.extui %lt3A_50 : i1 to i32
      %cond3A = arith.constant 0 : i32
      %cond3A_51 = arith.cmpi ne, %convert_element_type3A, %cond3A : i32
      scf.if %cond3A_51 {
        %mul3A_52 = arith.constant 80 : i32
        %mul3A_53 = arith.muli %add3A_49, %mul3A_52 : i32
        "tpu.region"() ({
          %run_scoped3A = tpu.sem_alloc : memref<!tpu.dma_semaphore, #tpu.memory_space<semaphore_mem>>
          %dma_start3A_56 = arith.constant 0 : i32
          %dma_start3A_57 = tpu.memref_slice %arg16[%mul3A_53, %dma_start3A_56] : memref<10000x128xf32, #tpu.memory_space<vmem_shared>> -> memref<80x128xf32, #tpu.memory_space<vmem_shared>>
          %dma_start3A_58 = arith.constant 0 : i32
          %dma_start3A_59 = tpu.memref_slice %arg16[%mul3A_53, %dma_start3A_58] : memref<10000x128xf32, #tpu.memory_space<vmem_shared>> -> memref<80x128xf32, #tpu.memory_space<vmem_shared>>
          tpu.enqueue_dma source(%dma_start3A_59 : memref<80x128xf32, #tpu.memory_space<vmem_shared>>) target(%arg14 : memref<80x128xf32, #tpu.memory_space<vmem>>) target_semaphore(%run_scoped3A : memref<!tpu.dma_semaphore, #tpu.memory_space<semaphore_mem>>)
          %dma_wait3A_60 = arith.constant 0 : i32
          %dma_wait3A_61 = tpu.memref_slice %arg16[%mul3A_53, %dma_wait3A_60] : memref<10000x128xf32, #tpu.memory_space<vmem_shared>> -> memref<80x128xf32, #tpu.memory_space<vmem_shared>>
          %dma_wait3A_62 = arith.constant 0 : i32
          %dma_wait3A_63 = tpu.memref_slice %arg16[%mul3A_53, %dma_wait3A_62] : memref<10000x128xf32, #tpu.memory_space<vmem_shared>> -> memref<80x128xf32, #tpu.memory_space<vmem_shared>>
          tpu.wait_dma2 semaphore(%run_scoped3A : memref<!tpu.dma_semaphore, #tpu.memory_space<semaphore_mem>>) src(%dma_wait3A_63 : memref<80x128xf32, #tpu.memory_space<vmem_shared>>) dst(%arg14 : memref<80x128xf32, #tpu.memory_space<vmem>>)
          tpu.yield
        }) : () -> ()
        %mul3A_54 = arith.constant 80 : i32
        %mul3A_55 = arith.muli %add3A_49, %mul3A_54 : i32
        "tpu.region"() ({
          %run_scoped3A = tpu.sem_alloc : memref<!tpu.dma_semaphore, #tpu.memory_space<semaphore_mem>>
          %dma_start3A_56 = arith.constant 0 : i32
          %dma_start3A_57 = tpu.memref_slice %arg7[%arg0, %mul3A_55, %dma_start3A_56] : memref<2x10000x128xf32, #tpu.memory_space<hbm>> -> memref<1x80x128xf32, #tpu.memory_space<hbm>>
          %dma_start3A_58 = tpu.memref_squeeze %dma_start3A_57 : memref<1x80x128xf32, #tpu.memory_space<hbm>> -> memref<80x128xf32, #tpu.memory_space<hbm>>
          %dma_start3A_59 = arith.constant 0 : i32
          %dma_start3A_60 = tpu.memref_slice %arg7[%arg0, %mul3A_55, %dma_start3A_59] : memref<2x10000x128xf32, #tpu.memory_space<hbm>> -> memref<1x80x128xf32, #tpu.memory_space<hbm>>
          %dma_start3A_61 = tpu.memref_squeeze %dma_start3A_60 : memref<1x80x128xf32, #tpu.memory_space<hbm>> -> memref<80x128xf32, #tpu.memory_space<hbm>>
          tpu.enqueue_dma source(%arg14 : memref<80x128xf32, #tpu.memory_space<vmem>>) target(%dma_start3A_61 : memref<80x128xf32, #tpu.memory_space<hbm>>) target_semaphore(%run_scoped3A : memref<!tpu.dma_semaphore, #tpu.memory_space<semaphore_mem>>)
          %dma_wait3A_62 = arith.constant 0 : i32
          %dma_wait3A_63 = tpu.memref_slice %arg7[%arg0, %mul3A_55, %dma_wait3A_62] : memref<2x10000x128xf32, #tpu.memory_space<hbm>> -> memref<1x80x128xf32, #tpu.memory_space<hbm>>
          %dma_wait3A_64 = tpu.memref_squeeze %dma_wait3A_63 : memref<1x80x128xf32, #tpu.memory_space<hbm>> -> memref<80x128xf32, #tpu.memory_space<hbm>>
          %dma_wait3A_65 = arith.constant 0 : i32
          %dma_wait3A_66 = tpu.memref_slice %arg7[%arg0, %mul3A_55, %dma_wait3A_65] : memref<2x10000x128xf32, #tpu.memory_space<hbm>> -> memref<1x80x128xf32, #tpu.memory_space<hbm>>
          %dma_wait3A_67 = tpu.memref_squeeze %dma_wait3A_66 : memref<1x80x128xf32, #tpu.memory_space<hbm>> -> memref<80x128xf32, #tpu.memory_space<hbm>>
          tpu.wait_dma2 semaphore(%run_scoped3A : memref<!tpu.dma_semaphore, #tpu.memory_space<semaphore_mem>>) src(%arg14 : memref<80x128xf32, #tpu.memory_space<vmem>>) dst(%dma_wait3A_67 : memref<80x128xf32, #tpu.memory_space<hbm>>)
          tpu.yield
        }) : () -> ()
      } else {
      }
    }
    %scan3A_41 = arith.constant 8 : i32
    return
  }
}

#map = affine_map<(d0, d1) -> (0)>
module attributes {stable_mosaic.version = 14 : i64} {
  func.func @deg_kernel(%arg0: i32, %arg1: i32, %arg2: memref<320000xi32, #tpu.memory_space<hbm>>, %arg3: memref<320000xf32, #tpu.memory_space<hbm>>, %arg4: memref<10000xi32, #tpu.memory_space<vmem>>, %arg5: memref<10000xf32, #tpu.memory_space<vmem>>, %arg6: memref<!tpu.dma_semaphore, #tpu.memory_space<semaphore_mem>>) attributes {dimension_semantics = [#tpu.dimension_semantics<core_parallel>, #tpu.dimension_semantics<subcore_parallel>], iteration_bounds = array<i64: 2, 16>, scalar_prefetch = 0 : i64, scratch_operands = 3 : i64, tpu.core_type = #tpu.core_type<sc_vector_subcore>, window_params = [{transform_indices = #map}, {transform_indices = #map}]} {
    %mul3A = arith.constant 16 : i32
    %mul3A_0 = arith.muli %arg0, %mul3A : i32
    %add3A = arith.addi %mul3A_0, %arg1 : i32
    %mul3A_1 = arith.constant 10000 : i32
    %mul3A_2 = arith.muli %add3A, %mul3A_1 : i32
    %broadcast_in_dim3A = arith.constant 1.000000e+00 : f32
    %broadcast_in_dim3A_3 = vector.broadcast %broadcast_in_dim3A : f32 to vector<16xf32>
    %dma_start3A = tpu.memref_slice %arg2[%mul3A_2] : memref<320000xi32, #tpu.memory_space<hbm>> -> memref<10000xi32, #tpu.memory_space<hbm>>
    %dma_start3A_4 = tpu.memref_slice %arg2[%mul3A_2] : memref<320000xi32, #tpu.memory_space<hbm>> -> memref<10000xi32, #tpu.memory_space<hbm>>
    tpu.enqueue_dma source(%dma_start3A_4 : memref<10000xi32, #tpu.memory_space<hbm>>) target(%arg4 : memref<10000xi32, #tpu.memory_space<vmem>>) target_semaphore(%arg6 : memref<!tpu.dma_semaphore, #tpu.memory_space<semaphore_mem>>)
    %scan3A = arith.constant 0 : i32
    %scan3A_5 = arith.constant 79 : i32
    %scan3A_6 = arith.addi %scan3A, %scan3A_5 : i32
    %scan3A_7 = arith.constant 1 : i32
    scf.for %scan3A_17 = %scan3A to %scan3A_6 step %scan3A_7  : i32 {
      %mul3A_18 = arith.constant 128 : i32
      %mul3A_19 = arith.muli %scan3A_17, %mul3A_18 : i32
      %add3A_20 = arith.constant 0 : i32
      %add3A_21 = arith.addi %add3A_20, %mul3A_19 : i32
      %broadcast_in_dim3A_22 = arith.constant 0.000000e+00 : f32
      %broadcast_in_dim3A_23 = vector.broadcast %broadcast_in_dim3A_22 : f32 to vector<16xf32>
      %add3A_24 = arith.constant 0 : i32
      %add3A_25 = arith.addi %add3A_21, %add3A_24 : i32
      %swap3A = arith.index_cast %add3A_25 : i32 to index
      %swap3A_26 = tpu.vector_load %arg5[%swap3A] {strides = array<i32>} : memref<10000xf32, #tpu.memory_space<vmem>>, vector<16xf32>,
      tpu.vector_store %arg5[%swap3A], %broadcast_in_dim3A_23 {strides = array<i32>} : memref<10000xf32, #tpu.memory_space<vmem>>, vector<16xf32>,
      %broadcast_in_dim3A_27 = arith.constant 0.000000e+00 : f32
      %broadcast_in_dim3A_28 = vector.broadcast %broadcast_in_dim3A_27 : f32 to vector<16xf32>
      %add3A_29 = arith.constant 16 : i32
      %add3A_30 = arith.addi %add3A_21, %add3A_29 : i32
      %swap3A_31 = arith.index_cast %add3A_30 : i32 to index
      %swap3A_32 = tpu.vector_load %arg5[%swap3A_31] {strides = array<i32>} : memref<10000xf32, #tpu.memory_space<vmem>>, vector<16xf32>,
      tpu.vector_store %arg5[%swap3A_31], %broadcast_in_dim3A_28 {strides = array<i32>} : memref<10000xf32, #tpu.memory_space<vmem>>, vector<16xf32>,
      %broadcast_in_dim3A_33 = arith.constant 0.000000e+00 : f32
      %broadcast_in_dim3A_34 = vector.broadcast %broadcast_in_dim3A_33 : f32 to vector<16xf32>
      %add3A_35 = arith.constant 32 : i32
      %add3A_36 = arith.addi %add3A_21, %add3A_35 : i32
      %swap3A_37 = arith.index_cast %add3A_36 : i32 to index
      %swap3A_38 = tpu.vector_load %arg5[%swap3A_37] {strides = array<i32>} : memref<10000xf32, #tpu.memory_space<vmem>>, vector<16xf32>,
      tpu.vector_store %arg5[%swap3A_37], %broadcast_in_dim3A_34 {strides = array<i32>} : memref<10000xf32, #tpu.memory_space<vmem>>, vector<16xf32>,
      %broadcast_in_dim3A_39 = arith.constant 0.000000e+00 : f32
      %broadcast_in_dim3A_40 = vector.broadcast %broadcast_in_dim3A_39 : f32 to vector<16xf32>
      %add3A_41 = arith.constant 48 : i32
      %add3A_42 = arith.addi %add3A_21, %add3A_41 : i32
      %swap3A_43 = arith.index_cast %add3A_42 : i32 to index
      %swap3A_44 = tpu.vector_load %arg5[%swap3A_43] {strides = array<i32>} : memref<10000xf32, #tpu.memory_space<vmem>>, vector<16xf32>,
      tpu.vector_store %arg5[%swap3A_43], %broadcast_in_dim3A_40 {strides = array<i32>} : memref<10000xf32, #tpu.memory_space<vmem>>, vector<16xf32>,
      %broadcast_in_dim3A_45 = arith.constant 0.000000e+00 : f32
      %broadcast_in_dim3A_46 = vector.broadcast %broadcast_in_dim3A_45 : f32 to vector<16xf32>
      %add3A_47 = arith.constant 64 : i32
      %add3A_48 = arith.addi %add3A_21, %add3A_47 : i32
      %swap3A_49 = arith.index_cast %add3A_48 : i32 to index
      %swap3A_50 = tpu.vector_load %arg5[%swap3A_49] {strides = array<i32>} : memref<10000xf32, #tpu.memory_space<vmem>>, vector<16xf32>,
      tpu.vector_store %arg5[%swap3A_49], %broadcast_in_dim3A_46 {strides = array<i32>} : memref<10000xf32, #tpu.memory_space<vmem>>, vector<16xf32>,
      %broadcast_in_dim3A_51 = arith.constant 0.000000e+00 : f32
      %broadcast_in_dim3A_52 = vector.broadcast %broadcast_in_dim3A_51 : f32 to vector<16xf32>
      %add3A_53 = arith.constant 80 : i32
      %add3A_54 = arith.addi %add3A_21, %add3A_53 : i32
      %swap3A_55 = arith.index_cast %add3A_54 : i32 to index
      %swap3A_56 = tpu.vector_load %arg5[%swap3A_55] {strides = array<i32>} : memref<10000xf32, #tpu.memory_space<vmem>>, vector<16xf32>,
      tpu.vector_store %arg5[%swap3A_55], %broadcast_in_dim3A_52 {strides = array<i32>} : memref<10000xf32, #tpu.memory_space<vmem>>, vector<16xf32>,
      %broadcast_in_dim3A_57 = arith.constant 0.000000e+00 : f32
      %broadcast_in_dim3A_58 = vector.broadcast %broadcast_in_dim3A_57 : f32 to vector<16xf32>
      %add3A_59 = arith.constant 96 : i32
      %add3A_60 = arith.addi %add3A_21, %add3A_59 : i32
      %swap3A_61 = arith.index_cast %add3A_60 : i32 to index
      %swap3A_62 = tpu.vector_load %arg5[%swap3A_61] {strides = array<i32>} : memref<10000xf32, #tpu.memory_space<vmem>>, vector<16xf32>,
      tpu.vector_store %arg5[%swap3A_61], %broadcast_in_dim3A_58 {strides = array<i32>} : memref<10000xf32, #tpu.memory_space<vmem>>, vector<16xf32>,
      %broadcast_in_dim3A_63 = arith.constant 0.000000e+00 : f32
      %broadcast_in_dim3A_64 = vector.broadcast %broadcast_in_dim3A_63 : f32 to vector<16xf32>
      %add3A_65 = arith.constant 112 : i32
      %add3A_66 = arith.addi %add3A_21, %add3A_65 : i32
      %swap3A_67 = arith.index_cast %add3A_66 : i32 to index
      %swap3A_68 = tpu.vector_load %arg5[%swap3A_67] {strides = array<i32>} : memref<10000xf32, #tpu.memory_space<vmem>>, vector<16xf32>,
      tpu.vector_store %arg5[%swap3A_67], %broadcast_in_dim3A_64 {strides = array<i32>} : memref<10000xf32, #tpu.memory_space<vmem>>, vector<16xf32>,
    }
    %scan3A_8 = arith.constant 79 : i32
    %dma_wait3A = tpu.memref_slice %arg2[%mul3A_2] : memref<320000xi32, #tpu.memory_space<hbm>> -> memref<10000xi32, #tpu.memory_space<hbm>>
    %dma_wait3A_9 = tpu.memref_slice %arg2[%mul3A_2] : memref<320000xi32, #tpu.memory_space<hbm>> -> memref<10000xi32, #tpu.memory_space<hbm>>
    tpu.wait_dma2 semaphore(%arg6 : memref<!tpu.dma_semaphore, #tpu.memory_space<semaphore_mem>>) src(%dma_wait3A_9 : memref<10000xi32, #tpu.memory_space<hbm>>) dst(%arg4 : memref<10000xi32, #tpu.memory_space<vmem>>)
    %scan3A_10 = arith.constant 0 : i32
    %scan3A_11 = arith.constant 125 : i32
    %scan3A_12 = arith.addi %scan3A_10, %scan3A_11 : i32
    %scan3A_13 = arith.constant 1 : i32
    scf.for %scan3A_17 = %scan3A_10 to %scan3A_12 step %scan3A_13  : i32 {
      %mul3A_18 = arith.constant 80 : i32
      %mul3A_19 = arith.muli %scan3A_17, %mul3A_18 : i32
      %add3A_20 = arith.constant 0 : i32
      %add3A_21 = arith.addi %add3A_20, %mul3A_19 : i32
      %add3A_22 = arith.constant 0 : i32
      %add3A_23 = arith.addi %add3A_21, %add3A_22 : i32
      %get3A = arith.index_cast %add3A_23 : i32 to index
      %get3A_24 = tpu.vector_load %arg4[%get3A] {strides = array<i32>} : memref<10000xi32, #tpu.memory_space<vmem>>, vector<16xi32>,
      tpu.vector_store_idx %arg5[%get3A_24], %broadcast_in_dim3A_3 {add = true} : memref<10000xf32, #tpu.memory_space<vmem>>[vector<16xi32>], vector<16xf32>,
      %add3A_25 = arith.constant 16 : i32
      %add3A_26 = arith.addi %add3A_21, %add3A_25 : i32
      %get3A_27 = arith.index_cast %add3A_26 : i32 to index
      %get3A_28 = tpu.vector_load %arg4[%get3A_27] {strides = array<i32>} : memref<10000xi32, #tpu.memory_space<vmem>>, vector<16xi32>,
      tpu.vector_store_idx %arg5[%get3A_28], %broadcast_in_dim3A_3 {add = true} : memref<10000xf32, #tpu.memory_space<vmem>>[vector<16xi32>], vector<16xf32>,
      %add3A_29 = arith.constant 32 : i32
      %add3A_30 = arith.addi %add3A_21, %add3A_29 : i32
      %get3A_31 = arith.index_cast %add3A_30 : i32 to index
      %get3A_32 = tpu.vector_load %arg4[%get3A_31] {strides = array<i32>} : memref<10000xi32, #tpu.memory_space<vmem>>, vector<16xi32>,
      tpu.vector_store_idx %arg5[%get3A_32], %broadcast_in_dim3A_3 {add = true} : memref<10000xf32, #tpu.memory_space<vmem>>[vector<16xi32>], vector<16xf32>,
      %add3A_33 = arith.constant 48 : i32
      %add3A_34 = arith.addi %add3A_21, %add3A_33 : i32
      %get3A_35 = arith.index_cast %add3A_34 : i32 to index
      %get3A_36 = tpu.vector_load %arg4[%get3A_35] {strides = array<i32>} : memref<10000xi32, #tpu.memory_space<vmem>>, vector<16xi32>,
      tpu.vector_store_idx %arg5[%get3A_36], %broadcast_in_dim3A_3 {add = true} : memref<10000xf32, #tpu.memory_space<vmem>>[vector<16xi32>], vector<16xf32>,
      %add3A_37 = arith.constant 64 : i32
      %add3A_38 = arith.addi %add3A_21, %add3A_37 : i32
      %get3A_39 = arith.index_cast %add3A_38 : i32 to index
      %get3A_40 = tpu.vector_load %arg4[%get3A_39] {strides = array<i32>} : memref<10000xi32, #tpu.memory_space<vmem>>, vector<16xi32>,
      tpu.vector_store_idx %arg5[%get3A_40], %broadcast_in_dim3A_3 {add = true} : memref<10000xf32, #tpu.memory_space<vmem>>[vector<16xi32>], vector<16xf32>,
    }
    %scan3A_14 = arith.constant 125 : i32
    %mul3A_15 = arith.constant 10000 : i32
    %mul3A_16 = arith.muli %add3A, %mul3A_15 : i32
    "tpu.region"() ({
      %run_scoped3A = tpu.sem_alloc : memref<!tpu.dma_semaphore, #tpu.memory_space<semaphore_mem>>
      %dma_start3A_17 = tpu.memref_slice %arg3[%mul3A_16] : memref<320000xf32, #tpu.memory_space<hbm>> -> memref<10000xf32, #tpu.memory_space<hbm>>
      %dma_start3A_18 = tpu.memref_slice %arg3[%mul3A_16] : memref<320000xf32, #tpu.memory_space<hbm>> -> memref<10000xf32, #tpu.memory_space<hbm>>
      tpu.enqueue_dma source(%arg5 : memref<10000xf32, #tpu.memory_space<vmem>>) target(%dma_start3A_18 : memref<10000xf32, #tpu.memory_space<hbm>>) target_semaphore(%run_scoped3A : memref<!tpu.dma_semaphore, #tpu.memory_space<semaphore_mem>>)
      %dma_wait3A_19 = tpu.memref_slice %arg3[%mul3A_16] : memref<320000xf32, #tpu.memory_space<hbm>> -> memref<10000xf32, #tpu.memory_space<hbm>>
      %dma_wait3A_20 = tpu.memref_slice %arg3[%mul3A_16] : memref<320000xf32, #tpu.memory_space<hbm>> -> memref<10000xf32, #tpu.memory_space<hbm>>
      tpu.wait_dma2 semaphore(%run_scoped3A : memref<!tpu.dma_semaphore, #tpu.memory_space<semaphore_mem>>) src(%arg5 : memref<10000xf32, #tpu.memory_space<vmem>>) dst(%dma_wait3A_20 : memref<10000xf32, #tpu.memory_space<hbm>>)
      tpu.yield
    }) : () -> ()
    return
  }
}

module attributes {stable_mosaic.version = 14 : i64} {
  func.func @_scal_body(%arg0: memref<10000x128xf32, #tpu.memory_space<vmem>>, %arg1: memref<128xf32, #tpu.memory_space<vmem>>, %arg2: memref<128xf32, #tpu.memory_space<vmem>>, %arg3: memref<32x10000xf32, #tpu.memory_space<vmem>>, %arg4: memref<10000xf32, #tpu.memory_space<vmem>>, %arg5: memref<10000xf32, #tpu.memory_space<vmem>>, %arg6: memref<10000xf32, #tpu.memory_space<vmem>>, %arg7: memref<10000x128xf32, #tpu.memory_space<vmem>>) attributes {dimension_semantics = [], scalar_prefetch = 0 : i64, scratch_operands = 0 : i64, tpu.core_type = #tpu.core_type<tc>} {
    %get3A = arith.constant 0 : index
    %get3A_0 = arith.constant 0 : index
    %get3A_1 = vector.load %arg0[%get3A, %get3A_0] : memref<10000x128xf32, #tpu.memory_space<vmem>>, vector<10000x128xf32>
    %get3A_2 = arith.constant 0 : index
    %get3A_3 = vector.load %arg1[%get3A_2] : memref<128xf32, #tpu.memory_space<vmem>>, vector<128xf32>
    %broadcast_in_dim3A = vector.shape_cast %get3A_3 : vector<128xf32> to vector<1x128xf32>
    %mul3A = vector.broadcast %broadcast_in_dim3A : vector<1x128xf32> to vector<10000x128xf32>
    %mul3A_4 = arith.mulf %get3A_1, %mul3A : vector<10000x128xf32>
    %reduce_sum3A = arith.constant dense<0.000000e+00> : vector<10000xf32>
    %reduce_sum3A_5 = vector.multi_reduction <add>, %mul3A_4, %reduce_sum3A [1] : vector<10000x128xf32> to vector<10000xf32>
    %swap3A = arith.constant 0 : index
    %swap3A_6 = vector.load %arg4[%swap3A] : memref<10000xf32, #tpu.memory_space<vmem>>, vector<10000xf32>
    tpu.vector_store %arg4[%swap3A], %reduce_sum3A_5 {strides = array<i32>} : memref<10000xf32, #tpu.memory_space<vmem>>, vector<10000xf32>,
    %get3A_7 = arith.constant 0 : index
    %get3A_8 = vector.load %arg2[%get3A_7] : memref<128xf32, #tpu.memory_space<vmem>>, vector<128xf32>
    %broadcast_in_dim3A_9 = vector.shape_cast %get3A_8 : vector<128xf32> to vector<1x128xf32>
    %mul3A_10 = vector.broadcast %broadcast_in_dim3A_9 : vector<1x128xf32> to vector<10000x128xf32>
    %mul3A_11 = arith.mulf %get3A_1, %mul3A_10 : vector<10000x128xf32>
    %reduce_sum3A_12 = arith.constant dense<0.000000e+00> : vector<10000xf32>
    %reduce_sum3A_13 = vector.multi_reduction <add>, %mul3A_11, %reduce_sum3A_12 [1] : vector<10000x128xf32> to vector<10000xf32>
    %swap3A_14 = arith.constant 0 : index
    %swap3A_15 = vector.load %arg5[%swap3A_14] : memref<10000xf32, #tpu.memory_space<vmem>>, vector<10000xf32>
    tpu.vector_store %arg5[%swap3A_14], %reduce_sum3A_13 {strides = array<i32>} : memref<10000xf32, #tpu.memory_space<vmem>>, vector<10000xf32>,
    %get3A_16 = arith.constant 0 : index
    %get3A_17 = arith.constant 0 : index
    %get3A_18 = vector.load %arg3[%get3A_16, %get3A_17] : memref<32x10000xf32, #tpu.memory_space<vmem>>, vector<32x10000xf32>
    %reduce_sum3A_19 = arith.constant dense<0.000000e+00> : vector<10000xf32>
    %reduce_sum3A_20 = vector.multi_reduction <add>, %get3A_18, %reduce_sum3A_19 [0] : vector<32x10000xf32> to vector<10000xf32>
    %add3A = arith.constant 1.000000e+00 : f32
    %add3A_21 = vector.broadcast %add3A : f32 to vector<10000xf32>
    %add3A_22 = arith.addf %reduce_sum3A_20, %add3A_21 : vector<10000xf32>
    %rsqrt3A = math.rsqrt %add3A_22 : vector<10000xf32>
    %swap3A_23 = arith.constant 0 : index
    %swap3A_24 = vector.load %arg6[%swap3A_23] : memref<10000xf32, #tpu.memory_space<vmem>>, vector<10000xf32>
    tpu.vector_store %arg6[%swap3A_23], %rsqrt3A {strides = array<i32>} : memref<10000xf32, #tpu.memory_space<vmem>>, vector<10000xf32>,
    %broadcast_in_dim3A_25 = vector.shape_cast %rsqrt3A : vector<10000xf32> to vector<10000x1xf32>
    %mul3A_26 = vector.broadcast %broadcast_in_dim3A_25 : vector<10000x1xf32> to vector<10000x128xf32>
    %mul3A_27 = arith.mulf %get3A_1, %mul3A_26 : vector<10000x128xf32>
    %swap3A_28 = arith.constant 0 : index
    %swap3A_29 = arith.constant 0 : index
    %swap3A_30 = vector.load %arg7[%swap3A_28, %swap3A_29] : memref<10000x128xf32, #tpu.memory_space<vmem>>, vector<10000x128xf32>
    tpu.vector_store %arg7[%swap3A_28, %swap3A_29], %mul3A_27 {strides = array<i32>} : memref<10000x128xf32, #tpu.memory_space<vmem>>, vector<10000x128xf32>,
    return
  }
}

module attributes {stable_mosaic.version = 14 : i64} {
  func.func @_final_body(%arg0: memref<2x10000x128xf32, #tpu.memory_space<vmem>>, %arg1: memref<10000x128xf32, #tpu.memory_space<vmem>>, %arg2: memref<10000x128xf32, #tpu.memory_space<vmem>>, %arg3: memref<10000xf32, #tpu.memory_space<vmem>>, %arg4: memref<10000xf32, #tpu.memory_space<vmem>>, %arg5: memref<10000xf32, #tpu.memory_space<vmem>>, %arg6: memref<10000x128xf32, #tpu.memory_space<vmem>>) attributes {dimension_semantics = [], scalar_prefetch = 0 : i64, scratch_operands = 0 : i64, tpu.core_type = #tpu.core_type<tc>} {
    %get3A = arith.constant 0 : index
    %get3A_0 = vector.load %arg5[%get3A] : memref<10000xf32, #tpu.memory_space<vmem>>, vector<10000xf32>
    %get3A_1 = arith.constant 0 : index
    %get3A_2 = vector.load %arg3[%get3A_1] : memref<10000xf32, #tpu.memory_space<vmem>>, vector<10000xf32>
    %get3A_3 = arith.constant 0 : index
    %get3A_4 = vector.load %arg4[%get3A_3] : memref<10000xf32, #tpu.memory_space<vmem>>, vector<10000xf32>
    %add3A = arith.addf %get3A_2, %get3A_4 : vector<10000xf32>
    %tanh3A = math.tanh %add3A : vector<10000xf32>
    %mul3A = arith.mulf %tanh3A, %get3A_0 : vector<10000xf32>
    %mul3A_5 = arith.mulf %mul3A, %get3A_0 : vector<10000xf32>
    %get3A_6 = arith.constant 0 : index
    %get3A_7 = arith.constant 0 : index
    %get3A_8 = arith.constant 0 : index
    %get3A_9 = vector.load %arg0[%get3A_6, %get3A_7, %get3A_8] : memref<2x10000x128xf32, #tpu.memory_space<vmem>>, vector<1x10000x128xf32>
    %get3A_10 = vector.shape_cast %get3A_9 : vector<1x10000x128xf32> to vector<10000x128xf32>
    %get3A_11 = arith.constant 1 : index
    %get3A_12 = arith.constant 0 : index
    %get3A_13 = arith.constant 0 : index
    %get3A_14 = vector.load %arg0[%get3A_11, %get3A_12, %get3A_13] : memref<2x10000x128xf32, #tpu.memory_space<vmem>>, vector<1x10000x128xf32>
    %get3A_15 = vector.shape_cast %get3A_14 : vector<1x10000x128xf32> to vector<10000x128xf32>
    %add3A_16 = arith.addf %get3A_10, %get3A_15 : vector<10000x128xf32>
    %broadcast_in_dim3A = vector.shape_cast %get3A_0 : vector<10000xf32> to vector<10000x1xf32>
    %mul3A_17 = vector.broadcast %broadcast_in_dim3A : vector<10000x1xf32> to vector<10000x128xf32>
    %mul3A_18 = arith.mulf %add3A_16, %mul3A_17 : vector<10000x128xf32>
    %get3A_19 = arith.constant 0 : index
    %get3A_20 = arith.constant 0 : index
    %get3A_21 = vector.load %arg1[%get3A_19, %get3A_20] : memref<10000x128xf32, #tpu.memory_space<vmem>>, vector<10000x128xf32>
    %broadcast_in_dim3A_22 = vector.shape_cast %mul3A_5 : vector<10000xf32> to vector<10000x1xf32>
    %mul3A_23 = vector.broadcast %broadcast_in_dim3A_22 : vector<10000x1xf32> to vector<10000x128xf32>
    %mul3A_24 = arith.mulf %get3A_21, %mul3A_23 : vector<10000x128xf32>
    %add3A_25 = arith.addf %mul3A_18, %mul3A_24 : vector<10000x128xf32>
    %get3A_26 = arith.constant 0 : index
    %get3A_27 = arith.constant 0 : index
    %get3A_28 = vector.load %arg2[%get3A_26, %get3A_27] : memref<10000x128xf32, #tpu.memory_space<vmem>>, vector<10000x128xf32>
    %mul3A_29 = arith.constant 1.000000e-01 : f32
    %mul3A_30 = vector.broadcast %mul3A_29 : f32 to vector<10000x128xf32>
    %mul3A_31 = arith.mulf %mul3A_30, %get3A_28 : vector<10000x128xf32>
    %add3A_32 = arith.addf %add3A_25, %mul3A_31 : vector<10000x128xf32>
    %swap3A = arith.constant 0 : index
    %swap3A_33 = arith.constant 0 : index
    %swap3A_34 = vector.load %arg6[%swap3A, %swap3A_33] : memref<10000x128xf32, #tpu.memory_space<vmem>>, vector<10000x128xf32>
    tpu.vector_store %arg6[%swap3A, %swap3A_33], %add3A_32 {strides = array<i32>} : memref<10000x128xf32, #tpu.memory_space<vmem>>, vector<10000x128xf32>,
    return
  }
}

</mosaic_0001>

<sc_bundles>
// kernel: kernel.6.cloned.1.call-start
scs
__scs_entry_jumppad:
0x0: {  	(pc) =	sbr.rel $0x88, $3  }
0x1: {  	(tag) =	ssettag $0x0;
	lr =	simm.s32 $0x1  }
0x2: {  	[smem:$0x3F9C] =	sst lr;
	_ =	strace $0xD0000000  }
0x3: {  	_ = 	snop  }
0x4: {  	_ = 	snop  }
0x5: {  	_ = 	snop  }
0x6: {  	_ = 	snop  }
0x7: {  	_ = 	snop  }
__scs_overlays_trampoline_lowered:
0x8: {  	[smem:$0x3FAB] =	sst s0  }
0x9: {  	[smem:$0x3FAC] =	sst s1  }
0xa: {  	[smem:$0x3FAD] =	sst s2  }
0xb: {  	[smem:$0x3FAE] =	sst s3  }
0xc: {  	[smem:$0x3FAF] =	sst s4  }
0xd: {  	[smem:$0x3FB0] =	sst s5  }
0xe: {  	[smem:$0x3FB1] =	sst s6  }
0xf: {  	[smem:$0x3FB2] =	sst s7  }
0x10: {  	[smem:$0x3FB3] =	sst s8  }
0x11: {  	[smem:$0x3FB4] =	sst s9;
	s0 =	simm.s32 @!p0 $0x0  }
0x12: {  	s1 =	sld [smem:$0x3F9A];
	s0 =	simm.s32 @p0 $0x1  }
0x13: {  	[smem:$0x3FB5] =	sst s0;
	s0 =	simm.s32 @!p1 $0x0  }
0x14: {  	s2 =	sld [smem:$0x3F99];
	s0 =	simm.s32 @p1 $0x1  }
0x15: {  	[smem:$0x3FB6] =	sst s0;
	s0 =	simm.s32 @!p2 $0x0  }
0x16: {  	s3 =	sld [smem:$0x3FDB];
	s0 =	simm.s32 @p2 $0x1  }
0x17: {  	s4 =	simm.s32 $0x1BF5;
	[smem:$0x3FB8] =	sst s0  }
0x18: {  	s0 =	sld [smem:$0x3F9B];
	_ =	swait.ge [sflag:s4], $0x0  }
0x19: {  	s7 =	sld [smem:$0x3F9C]  }
0x1a: {  	s8 =	sadd.s32 $0xFFFFE003, lr  }
0x1b: {  	s9 =	sadd.s32 $0xFFFFFEF7, lr;
	s5 =	simm.s32 $0xFFFFFFFF;
	p2 =	slt.u32 s8, $0xFFFFF086  }
0x1c: {  	p1 =	slt.u32 s9, $0xF7A;
	s5 =	simm.s32 @!p2 $0x0  }
0x1d: {  	s5 =	simm.s32 @p1 $0x1;
	p0 =	seq.s32 s7, s2  }
0x1e: {  	s7 =	smul.u32 @!p0 $0xF7A, s2;
	p2 =	seq.s32 @!p0 s5, $0x0  }
0x1f: {  	s9 =	smul.u32 $0xF7A, s1;
	s8 =	simm.s32 @!p0 $0x1BF5;
	p2 =	por !p2, p0  }
0x20: {  	[sflag:s8] =	ssyncset.s32 @!p0 $0xFFFFF086;
	s6 =	sadd.s32 @!p0 s3, s7;
	s7 =	simm.s32 @!p0 $0x108  }
0x21: {  	s3 =	sadd.s32 s3, s9;
	s6 =	sadd.s32 @!p0 $0x88, s6;
	s7 =	simm.s32 @p2 $0x1082  }
0x22: {  	[simem:s7], [sflag:s8] =	dma.local @!p0 [hbm:s6], $0xF7A  }
0x23: {  	s9 =	sor.u32 $0xD0000000, s2;
	s6 =	simm.s32 $0x108;
	_ =	swait.ge @!p0 [sflag:s8], $0x0  }
0x24: {  	s3 =	sadd.s32 $0x88, s3;
	s6 =	simm.s32 @!p1 $0x1082;
	[sflag:s4] =	ssyncset.s32 $0xFFFFF086  }
0x25: {  	[simem:s6], [sflag:s4] =	dma.local [hbm:s3], $0xF7A  }
0x26: {  	[smem:$0x3F9C] =	sst s1;
	(tag) =	ssettag s2;
	_ =	strace s9  }
0x27: {  	s1 =	sld [smem:$0x3FAC]  }
0x28: {  	s2 =	sld [smem:$0x3FAD]  }
0x29: {  	s4 =	sld [smem:$0x3FAF]  }
0x2a: {  	p0 =	seq.s32 s5, $0x0;
	s5 =	sld [smem:$0x3FB0]  }
0x2b: {  	s6 =	sld [smem:$0x3FB1]  }
0x2c: {  	s7 =	sld [smem:$0x3FB2]  }
0x2d: {  	s3 =	simm.s32 $0x108;
	s8 =	sld [smem:$0x3FB3]  }
0x2e: {  	s3 =	simm.s32 @!p0 $0x1082;
	s9 =	sld [smem:$0x3FB4]  }
0x2f: {  	lr =	sadd.s32 s0, s3;
	s0 =	sld [smem:$0x3FAB]  }
0x30: {  	s3 =	sld [smem:$0x3FAE]  }
0x31: {  	[smem:$0x3FB7] =	sst s10  }
0x32: {  	s10 =	sld [smem:$0x3FB5];
	_ =	sdelay $0x3  }
0x33: {  	p0 =	seq.s32 s10, $0x1;
	s10 =	sld [smem:$0x3FB7];
	_ =	sdelay $0x3  }
0x34: {  	[smem:$0x3FB7] =	sst s10  }
0x35: {  	s10 =	sld [smem:$0x3FB6];
	_ =	sdelay $0x3  }
0x36: {  	p1 =	seq.s32 s10, $0x1;
	s10 =	sld [smem:$0x3FB7];
	_ =	sdelay $0x3  }
0x37: {  	[smem:$0x3FB7] =	sst s10  }
0x38: {  	s10 =	sld [smem:$0x3FB8]  }
0x39: {  	_ = 	snop;
	(pc) =	sbr.ind lr, $3  }
0x3a: {  	_ = 	snop  }
0x3b: {  	_ = 	snop  }
0x3c: {  	p2 =	seq.s32 s10, $0x1;
	s10 =	sld [smem:$0x3FB7]  }
0x3d: {  	_ =	shalt  }
0x3e: {  	_ =	shalt  }
0x3f: {  	_ =	shalt  }
0x40: {  	_ =	shalt  }
0x41: {  	_ =	shalt  }
0x42: {  	_ =	shalt  }
0x43: {  	_ =	shalt  }
0x44: {  	_ =	shalt  }
0x45: {  	_ =	shalt  }
0x46: {  	_ =	shalt  }
0x47: {  	_ =	shalt  }
0x48: {  	_ =	shalt  }
0x49: {  	_ =	shalt  }
0x4a: {  	_ =	shalt  }
0x4b: {  	_ =	shalt  }
0x4c: {  	_ =	shalt  }
0x4d: {  	_ =	shalt  }
0x4e: {  	_ =	shalt  }
0x4f: {  	_ =	shalt  }
0x50: {  	_ =	shalt  }
0x51: {  	_ =	shalt  }
0x52: {  	_ =	shalt  }
0x53: {  	_ =	shalt  }
0x54: {  	_ =	shalt  }
0x55: {  	_ =	shalt  }
0x56: {  	_ =	shalt  }
0x57: {  	_ =	shalt  }
0x58: {  	_ =	shalt  }
0x59: {  	_ =	shalt  }
0x5a: {  	_ =	shalt  }
0x5b: {  	_ =	shalt  }
0x5c: {  	_ =	shalt  }
0x5d: {  	_ =	shalt  }
0x5e: {  	_ =	shalt  }
0x5f: {  	_ =	shalt  }
0x60: {  	_ =	shalt  }
0x61: {  	_ =	shalt  }
0x62: {  	_ =	shalt  }
0x63: {  	_ =	shalt  }
0x64: {  	_ =	shalt  }
0x65: {  	_ =	shalt  }
0x66: {  	_ =	shalt  }
0x67: {  	_ =	shalt  }
0x68: {  	_ =	shalt  }
0x69: {  	_ =	shalt  }
0x6a: {  	_ =	shalt  }
0x6b: {  	_ =	shalt  }
0x6c: {  	_ =	shalt  }
0x6d: {  	_ =	shalt  }
0x6e: {  	_ =	shalt  }
0x6f: {  	_ =	shalt  }
0x70: {  	_ =	shalt  }
0x71: {  	_ =	shalt  }
0x72: {  	_ =	shalt  }
0x73: {  	_ =	shalt  }
0x74: {  	_ =	shalt  }
0x75: {  	_ =	shalt  }
0x76: {  	_ =	shalt  }
0x77: {  	_ =	shalt  }
0x78: {  	_ =	shalt  }
0x79: {  	_ =	shalt  }
0x7a: {  	_ =	shalt  }
0x7b: {  	_ =	shalt  }
0x7c: {  	_ =	shalt  }
0x7d: {  	_ =	shalt  }
0x7e: {  	_ =	shalt  }
0x7f: {  	_ =	shalt  }
0x80: {  	_ =	shalt  }
0x81: {  	_ =	shalt  }
0x82: {  	_ =	shalt  }
0x83: {  	_ =	shalt  }
0x84: {  	_ =	shalt  }
0x85: {  	_ =	shalt  }
0x86: {  	_ =	shalt  }
0x87: {  	_ =	shalt  }
.Lfunc_end0:
.L_simem_size_0:
called_computation_lowered:
.L_overlay_start_0:
0x88: {  	s2 =	sld [smem:$0x3FD9]  }
0x89: {  	s3 =	sld [smem:$0x3FFE];
	_ =	sdelay $0x1  }
0x8a: {  	s1 =	srdreg.scid  }
0x8b: {  	s0 =	sand.u32 $0x1, s1  }
0x8c: {  	s17 =	sshll.u32 s0, $0xA;
	s2 =	sadd.s32 s3, s2  }
0x8d: {  	s2 =	sadd.s32 s2, s17  }
0x8e: {  	[smem:$0x3FC3] =	sst s2  }
0x8f: {  	_ = 	snop  }
0x90: {  	s2 =	sld [smem:$0x3FD0];
	(tm) =	ssettm $0x1  }
0x91: {  	s18 =	sld [smem:$0x3FFB];
	_ =	sdelay $0x3  }
0x92: {  	_ =	strace s18  }
0x93: {  	s3 =	sld [smem:$0x3FFC];
	_ =	sdelay $0x3  }
0x94: {  	_ =	strace s3  }
0x95: {  	s3 =	sld [smem:$0x3FFD];
	_ =	sdelay $0x3  }
0x96: {  	_ =	strace s3  }
0x97: {  	_ =	strace $0x8FFFFFFF  }
0x98: {  	s19 =	sld [smem:$0x3FDB];
	_ =	sdelay $0x1  }
0x99: {  	s4 =	simm.s32 $_scs_section_size  }
0x9a: {  	s5 =	simm.s32 $_size__tile_overlayer_lowered;
	s6 =	simm.s32 $_tile_overlayer_lowered  }
0x9b: {  	s22 =	simm.s32 $0x1BFF;
	s21 =	sshll.u32 s6, $0x1;
	s3 =	sadd.s32 s4, s19  }
0x9c: {  	s7 =	simm.s32 $0x0;
	s20 =	sshll.u32 s5, $0x1;
	s5 =	sadd.s32 s21, s3  }
0x9d: {  	[timem:s7], [sflag:s22] =	dma.local [hbm:s5], s20  }
0x9e: {  	_ =	swait.ge [sflag:s22], s20  }
0x9f: {  	s4 =	ssub.s32 $0x0, s20;
	[sflag:s22] =	ssyncset.done $0x0  }
0xa0: {  	[sflag:s22] =	ssyncadd.s32 s4;
	_ =	sdelay $0x1  }
0xa1: {  	s23 =	simm.s32 $0x1B8B  }
0xa2: {  	_ =	swait.ge [sflag:s23], $0x1  }
0xa3: {  	[sflag:s23] =	ssyncset.done $0x0  }
0xa4: {  	s25 =	simm.s32 $0x1B8E;
	s24 =	sld [smem:$0x3FFE];
	[sflag:s23] =	ssyncadd.s32 $0xFFFFFFFF  }
0xa5: {  	s26 =	simm.s32 $execute0_lowered;
	[smem:$0x3FD2] =	sst s25  }
0xa6: {  	s5 =	sshll.u32 s26, $0x1;
	_ =	strace $0x80000046;
	[dreg:$0x1] =	wrdreg $0xFFFFFFFF  }
0xa7: {  	s28 =	simm.s32 $_size_execute0_lowered;
	s3 =	sadd.s32 s3, s5;
	[dreg:$0x0] =	wrdreg $0x0  }
0xa8: {  	s5 =	sshll.u32 s28, $0x1;
	[dreg:$0x2] =	wrdreg s3  }
0xa9: {  	[dreg:$0x3] =	wrdreg s5  }
0xaa: {  	[dreg:$0x4] =	wrdreg $0xC0  }
0xab: {  	_ =	task [dreg:s7], $0x5FFFF  }
0xac: {  	[dreg:$0x1] =	wrdreg $0xFFFFFFFF  }
0xad: {  	[dreg:$0x0] =	wrdreg $0x60  }
0xae: {  	[dreg:$0x2] =	wrdreg s24  }
0xaf: {  	[dreg:$0x3] =	wrdreg s2  }
0xb0: {  	[dreg:$0x4] =	wrdreg $0x9  }
0xb1: {  	_ =	task.clear_ibuf [dreg:s7], $0x5FFFF;
	_ =	strace $0x90000046  }
0xb2: {  	s29 =	simm.s32 $0x9;
	_ =	strace $0x80000048  }
0xb3: {  	_ =	swait.ge [sflag:s29], $0x1  }
0xb4: {  	[sflag:s29] =	ssyncadd.s32 $0xFFFFFFFF  }
0xb5: {  	_ =	strace $0x90000048  }
0xb6: {  	_ =	sfence  }
0xb7: {  	s30 =	sld [smem:$0x0];
	_ =	sdelay $0x2  }
0xb8: {  	s31 =	sshll.u32 s1, $0xD;
	s1 =	sshrl.u32 s1, $0x2  }
0xb9: {  	s3 =	sand.u32 $0x4000, s31;
	s1 =	sadd.s32 s1, s30  }
0xba: {  	s0 =	sor.u32 s3, s0;
	s1 =	sshll.u32 s1, $0x11  }
0xbb: {  	s0 =	sor.u32 s1, s0  }
0xbc: {  	s0 =	sadd.s32 $0x8F2B, s0  }
0xbd: {  	[sflag:s0] =	ssyncadd.remote.s32 $0x1  }
0xbe: {  	_ =	sfence.sel $0xFFFF  }
0xbf: {  	[dreg:$0x0] =	wrdreg $0xFFFFFFFF;
	(pc) =	sbr.abs _section_cstart, $3  }
0xc0: {  	[dreg:$0x1] =	wrdreg $0xFFFFFFFF  }
0xc1: {  	_ =	task.clear_ibuf [dreg:s7], $0x2FFFF;
	_ =	strace $0x9FFFFFFF  }
0xc2: {  	(tm) =	ssettm $0x7FFFFFFF  }
0xc3: {  	_ =	shalt  }
tec
execute0_lowered:
.L_overlay_start_1:
0x0: {  	(tag) =	ssettag $0x1  }
0x1: {  	s0 =	srdreg.scid  }
0x2: {  	s3 =	sand.u32 $0x1, s0  }
0x3: {  	s4 =	rddreg [dreg:$0x0];
	s0 =	stileid.u32;
	s1 =	sshll.u32 s3, $0x4  }
0x4: {  	s5 =	rddreg [dreg:$0x1];
	s2 =	simm.s32 $0x0;
	s1 =	sor.u32 s0, s1  }
0x5: {  	s8 =	simm.s32 $0x2;
	s3 =	ssub.s32 $0x2, s3;
	s6 =	smul.u32 $0x4E2, s1  }
0x6: {  	s9 =	simm.s32 $0x0;
	[smem:$0x7FF] =	sst s2;
	s7 =	sshrl.u32 s3, $0x1  }
0x7: {  	s1 =	rddreg [dreg:$0x2];
	_ =	strace $0x80000047;
	s4 =	sadd.s32 s6, s4  }
0x8: {  	s7 =	ssub.s32 s3, s7;
	s3 =	sadd.s32 $0x2200, s4;
	s4 =	sadd.s32 s5, s6  }
0x9: {  	v0 =	vimm.f32 $0.0e+00;
	v1 =	vimm.f32 $1.000000000e+00;
	s5 =	smax.u32 s7, $0x1;
	s6 =	simm.s32 $0x1;
	s7 =	simm.s32 $0x2780  }
.LBB2_1:
0xa: {  	[tilespmem:s2], [sflag:$0x1] =	stream.linear.gather [hbm4b:s3+s2], $0x2710, $0x38;
	[tilespmem:$0x4F00] =	vst v63  }
0xb: {  	s10 =	simm.s32 $0x0;
	s11 =	simm.s32 $0x200  }
.LBB2_2:
0xc: {  	p0 =	sne.s32 s11, $0x9C00;
	[tilespmem:s10+$0x27F0] =	vst v0  }
0xd: {  	[tilespmem:s10+$0x2780] =	vst v0  }
0xe: {  	[tilespmem:s10+$0x2790] =	vst v0  }
.Ltmp0:
0xf: {  	[tilespmem:s10+$0x27A0] =	vst v0;
	(pc) =	sbr.rel @p0 .LBB2_2-.Ltmp0, $4  }
0x10: {  	[tilespmem:s10+$0x27B0] =	vst v0  }
0x11: {  	[tilespmem:s10+$0x27C0] =	vst v0  }
0x12: {  	[tilespmem:s10+$0x27D0] =	vst v0  }
0x13: {  	[tilespmem:s10+$0x27E0] =	vst v0;
	s10 =	sshra.s32 s11, $0x2;
	s11 =	sadd.s32 $0x200, s11  }
0x14: {  	[tilespmem:s10+$0x27F0] =	vst v0  }
0x15: {  	[tilespmem:s10+$0x2780] =	vst v0  }
0x16: {  	[tilespmem:s10+$0x2790] =	vst v0  }
0x17: {  	[tilespmem:s10+$0x27A0] =	vst v0  }
0x18: {  	[tilespmem:s10+$0x27B0] =	vst v0  }
0x19: {  	[tilespmem:s10+$0x27C0] =	vst v0  }
0x1a: {  	[tilespmem:s10+$0x27D0] =	vst v0  }
0x1b: {  	[tilespmem:s10+$0x27E0] =	vst v0  }
0x1c: {  	_ =	swait.ge [sflag:s6], $0x2710  }
0x1d: {  	[sflag:s6] =	ssyncset.done $0x0  }
0x1e: {  	s10 =	simm.s32 $0x0;
	[sflag:s6] =	ssyncadd.s32 $0xFFFFD8F0  }
.LBB2_4:
0x1f: {  	s11 =	sshra.s32 s10, $0x2  }
0x20: {  	v2 =	vld [tilespmem:s11+$0x0];
	_ =	sdelay $0x7  }
0x21: {  	[tilespmem:v2+s7+$0x0] =	vst.idx.add.f32.msk $0xffff, v1  }
0x22: {  	v2 =	vld [tilespmem:s11+$0x10];
	_ =	sdelay $0x7  }
0x23: {  	[tilespmem:v2+s7+$0x0] =	vst.idx.add.f32.msk $0xffff, v1  }
0x24: {  	v2 =	vld [tilespmem:s11+$0x20];
	_ =	sdelay $0x7  }
0x25: {  	[tilespmem:v2+s7+$0x0] =	vst.idx.add.f32.msk $0xffff, v1  }
0x26: {  	v2 =	vld [tilespmem:s11+$0x30];
	_ =	sdelay $0x7  }
0x27: {  	[tilespmem:v2+s7+$0x0] =	vst.idx.add.f32.msk $0xffff, v1  }
0x28: {  	v2 =	vld [tilespmem:s11+$0x40];
	_ =	sdelay $0x2  }
0x29: {  	p0 =	sne.s32 s10, $0x9B00  }
.Ltmp1:
0x2a: {  	_ = 	snop;
	(pc) =	sbr.rel @p0 .LBB2_4-.Ltmp1, $2  }
0x2b: {  	_ =	sdelay $0x2  }
0x2c: {  	s10 =	sadd.s32 $0x140, s10;
	[tilespmem:v2+s7+$0x0] =	vst.idx.add.f32.msk $0xffff, v1  }
0x2d: {  	s9 =	sadd.s32 $0x1, s9  }
0x2e: {  	p0 =	sne.s32 s9, s5  }
.Ltmp2:
0x2f: {  	_ = 	snop;
	(pc) =	sbr.rel @p0 .LBB2_1-.Ltmp2, $4  }
0x30: {  	[hbm4b:s4+s2] =	stream.linear.scatter [tilespmem:s7], [sflag:$0x2], $0x2710, $0x38;
	[tilespmem:$0x4F00] =	vst v63  }
0x31: {  	_ =	swait.ge [sflag:s8], $0x2710  }
0x32: {  	[sflag:s8] =	ssyncset.done $0x0  }
0x33: {  	[sflag:s8] =	ssyncadd.s32 $0xFFFFD8F0  }
0x34: {  	_ =	sfence.sel $0x180000  }
0x35: {  	[bflag:$0x0] =	sbarrier.arrive $0xFFFF  }
0x36: {  	p0 =	sne.s32 s0, $0x0;
	_ =	strace $0x90000047  }
0x37: {  	s0 =	sadd.s32 @!p0 $0x100000, s1;
	[bflag:$0x2] =	sbarrier.arrive $0xFFFF  }
0x38: {  	[sflag:s0] =	ssyncadd.tile.s32 @!p0 $0x1;
	_ =	shalt  }
.Lfunc_end2:
_tile_overlayer_lowered:
.L_overlay_start_2:
0x39: {  	(tag) =	ssettag $0x2  }
0x3a: {  	s0 =	rddreg [dreg:$0x0];
	s2 =	stileid.u32  }
0x3b: {  	s1 =	rddreg [dreg:$0x1];
	p0 =	sne.s32 s2, $0x0  }
0x3c: {  	s3 =	rddreg [dreg:$0x2];
	[bflag:$0x3] =	sbarrier.arrive $0xFFFF;
	s2 =	simm.s32 @!p0 $0x1C02  }
0x3d: {  	[timem:s3], [sflag:s2] =	dma.local @!p0 [hbm:s0], s1  }
0x3e: {  	s0 =	simm.s32 @!p0 $0x2  }
0x3f: {  	_ =	swait.ge @!p0 [sflag:s0], s1  }
0x40: {  	s1 =	ssub.s32 @!p0 $0x0, s1;
	[sflag:s0] =	ssyncset.done @!p0 $0x0  }
0x41: {  	[sflag:s0] =	ssyncadd.s32 @!p0 s1  }
0x42: {  	[bflag:$0x3] =	sbarrier.arrive $0xFFFF  }
0x43: {  	_ =	shalt  }

// kernel: kernel.9.cloned.1.call-start
scs
__scs_entry_jumppad:
0x0: {  	(pc) =	sbr.rel $0x88, $3  }
0x1: {  	(tag) =	ssettag $0x0;
	lr =	simm.s32 $0x1  }
0x2: {  	[smem:$0x3F9C] =	sst lr;
	_ =	strace $0xD0000000  }
0x3: {  	_ = 	snop  }
0x4: {  	_ = 	snop  }
0x5: {  	_ = 	snop  }
0x6: {  	_ = 	snop  }
0x7: {  	_ = 	snop  }
__scs_overlays_trampoline_lowered:
0x8: {  	[smem:$0x3FAB] =	sst s0  }
0x9: {  	[smem:$0x3FAC] =	sst s1  }
0xa: {  	[smem:$0x3FAD] =	sst s2  }
0xb: {  	[smem:$0x3FAE] =	sst s3  }
0xc: {  	[smem:$0x3FAF] =	sst s4  }
0xd: {  	[smem:$0x3FB0] =	sst s5  }
0xe: {  	[smem:$0x3FB1] =	sst s6  }
0xf: {  	[smem:$0x3FB2] =	sst s7  }
0x10: {  	[smem:$0x3FB3] =	sst s8  }
0x11: {  	[smem:$0x3FB4] =	sst s9;
	s0 =	simm.s32 @!p0 $0x0  }
0x12: {  	s1 =	sld [smem:$0x3F9A];
	s0 =	simm.s32 @p0 $0x1  }
0x13: {  	[smem:$0x3FB5] =	sst s0;
	s0 =	simm.s32 @!p1 $0x0  }
0x14: {  	s2 =	sld [smem:$0x3F99];
	s0 =	simm.s32 @p1 $0x1  }
0x15: {  	[smem:$0x3FB6] =	sst s0;
	s0 =	simm.s32 @!p2 $0x0  }
0x16: {  	s3 =	sld [smem:$0x3FDB];
	s0 =	simm.s32 @p2 $0x1  }
0x17: {  	s4 =	simm.s32 $0x1BF5;
	[smem:$0x3FB8] =	sst s0  }
0x18: {  	s0 =	sld [smem:$0x3F9B];
	_ =	swait.ge [sflag:s4], $0x0  }
0x19: {  	s7 =	sld [smem:$0x3F9C]  }
0x1a: {  	s8 =	sadd.s32 $0xFFFFE003, lr  }
0x1b: {  	s9 =	sadd.s32 $0xFFFFFEF7, lr;
	s5 =	simm.s32 $0xFFFFFFFF;
	p2 =	slt.u32 s8, $0xFFFFF086  }
0x1c: {  	p1 =	slt.u32 s9, $0xF7A;
	s5 =	simm.s32 @!p2 $0x0  }
0x1d: {  	s5 =	simm.s32 @p1 $0x1;
	p0 =	seq.s32 s7, s2  }
0x1e: {  	s7 =	smul.u32 @!p0 $0xF7A, s2;
	p2 =	seq.s32 @!p0 s5, $0x0  }
0x1f: {  	s9 =	smul.u32 $0xF7A, s1;
	s8 =	simm.s32 @!p0 $0x1BF5;
	p2 =	por !p2, p0  }
0x20: {  	[sflag:s8] =	ssyncset.s32 @!p0 $0xFFFFF086;
	s6 =	sadd.s32 @!p0 s3, s7;
	s7 =	simm.s32 @!p0 $0x108  }
0x21: {  	s3 =	sadd.s32 s3, s9;
	s6 =	sadd.s32 @!p0 $0x88, s6;
	s7 =	simm.s32 @p2 $0x1082  }
0x22: {  	[simem:s7], [sflag:s8] =	dma.local @!p0 [hbm:s6], $0xF7A  }
0x23: {  	s9 =	sor.u32 $0xD0000000, s2;
	s6 =	simm.s32 $0x108;
	_ =	swait.ge @!p0 [sflag:s8], $0x0  }
0x24: {  	s3 =	sadd.s32 $0x88, s3;
	s6 =	simm.s32 @!p1 $0x1082;
	[sflag:s4] =	ssyncset.s32 $0xFFFFF086  }
0x25: {  	[simem:s6], [sflag:s4] =	dma.local [hbm:s3], $0xF7A  }
0x26: {  	[smem:$0x3F9C] =	sst s1;
	(tag) =	ssettag s2;
	_ =	strace s9  }
0x27: {  	s1 =	sld [smem:$0x3FAC]  }
0x28: {  	s2 =	sld [smem:$0x3FAD]  }
0x29: {  	s4 =	sld [smem:$0x3FAF]  }
0x2a: {  	p0 =	seq.s32 s5, $0x0;
	s5 =	sld [smem:$0x3FB0]  }
0x2b: {  	s6 =	sld [smem:$0x3FB1]  }
0x2c: {  	s7 =	sld [smem:$0x3FB2]  }
0x2d: {  	s3 =	simm.s32 $0x108;
	s8 =	sld [smem:$0x3FB3]  }
0x2e: {  	s3 =	simm.s32 @!p0 $0x1082;
	s9 =	sld [smem:$0x3FB4]  }
0x2f: {  	lr =	sadd.s32 s0, s3;
	s0 =	sld [smem:$0x3FAB]  }
0x30: {  	s3 =	sld [smem:$0x3FAE]  }
0x31: {  	[smem:$0x3FB7] =	sst s10  }
0x32: {  	s10 =	sld [smem:$0x3FB5];
	_ =	sdelay $0x3  }
0x33: {  	p0 =	seq.s32 s10, $0x1;
	s10 =	sld [smem:$0x3FB7];
	_ =	sdelay $0x3  }
0x34: {  	[smem:$0x3FB7] =	sst s10  }
0x35: {  	s10 =	sld [smem:$0x3FB6];
	_ =	sdelay $0x3  }
0x36: {  	p1 =	seq.s32 s10, $0x1;
	s10 =	sld [smem:$0x3FB7];
	_ =	sdelay $0x3  }
0x37: {  	[smem:$0x3FB7] =	sst s10  }
0x38: {  	s10 =	sld [smem:$0x3FB8]  }
0x39: {  	_ = 	snop;
	(pc) =	sbr.ind lr, $3  }
0x3a: {  	_ = 	snop  }
0x3b: {  	_ = 	snop  }
0x3c: {  	p2 =	seq.s32 s10, $0x1;
	s10 =	sld [smem:$0x3FB7]  }
0x3d: {  	_ =	shalt  }
0x3e: {  	_ =	shalt  }
0x3f: {  	_ =	shalt  }
0x40: {  	_ =	shalt  }
0x41: {  	_ =	shalt  }
0x42: {  	_ =	shalt  }
0x43: {  	_ =	shalt  }
0x44: {  	_ =	shalt  }
0x45: {  	_ =	shalt  }
0x46: {  	_ =	shalt  }
0x47: {  	_ =	shalt  }
0x48: {  	_ =	shalt  }
0x49: {  	_ =	shalt  }
0x4a: {  	_ =	shalt  }
0x4b: {  	_ =	shalt  }
0x4c: {  	_ =	shalt  }
0x4d: {  	_ =	shalt  }
0x4e: {  	_ =	shalt  }
0x4f: {  	_ =	shalt  }
0x50: {  	_ =	shalt  }
0x51: {  	_ =	shalt  }
0x52: {  	_ =	shalt  }
0x53: {  	_ =	shalt  }
0x54: {  	_ =	shalt  }
0x55: {  	_ =	shalt  }
0x56: {  	_ =	shalt  }
0x57: {  	_ =	shalt  }
0x58: {  	_ =	shalt  }
0x59: {  	_ =	shalt  }
0x5a: {  	_ =	shalt  }
0x5b: {  	_ =	shalt  }
0x5c: {  	_ =	shalt  }
0x5d: {  	_ =	shalt  }
0x5e: {  	_ =	shalt  }
0x5f: {  	_ =	shalt  }
0x60: {  	_ =	shalt  }
0x61: {  	_ =	shalt  }
0x62: {  	_ =	shalt  }
0x63: {  	_ =	shalt  }
0x64: {  	_ =	shalt  }
0x65: {  	_ =	shalt  }
0x66: {  	_ =	shalt  }
0x67: {  	_ =	shalt  }
0x68: {  	_ =	shalt  }
0x69: {  	_ =	shalt  }
0x6a: {  	_ =	shalt  }
0x6b: {  	_ =	shalt  }
0x6c: {  	_ =	shalt  }
0x6d: {  	_ =	shalt  }
0x6e: {  	_ =	shalt  }
0x6f: {  	_ =	shalt  }
0x70: {  	_ =	shalt  }
0x71: {  	_ =	shalt  }
0x72: {  	_ =	shalt  }
0x73: {  	_ =	shalt  }
0x74: {  	_ =	shalt  }
0x75: {  	_ =	shalt  }
0x76: {  	_ =	shalt  }
0x77: {  	_ =	shalt  }
0x78: {  	_ =	shalt  }
0x79: {  	_ =	shalt  }
0x7a: {  	_ =	shalt  }
0x7b: {  	_ =	shalt  }
0x7c: {  	_ =	shalt  }
0x7d: {  	_ =	shalt  }
0x7e: {  	_ =	shalt  }
0x7f: {  	_ =	shalt  }
0x80: {  	_ =	shalt  }
0x81: {  	_ =	shalt  }
0x82: {  	_ =	shalt  }
0x83: {  	_ =	shalt  }
0x84: {  	_ =	shalt  }
0x85: {  	_ =	shalt  }
0x86: {  	_ =	shalt  }
0x87: {  	_ =	shalt  }
.Lfunc_end0:
.L_simem_size_0:
called_computation.1_lowered:
.L_overlay_start_0:
0x88: {  	s2 =	sld [smem:$0x3FD9]  }
0x89: {  	s3 =	sld [smem:$0x3FFE];
	_ =	sdelay $0x1  }
0x8a: {  	s1 =	srdreg.scid  }
0x8b: {  	s0 =	sand.u32 $0x1, s1  }
0x8c: {  	s17 =	sshll.u32 s0, $0xA;
	s2 =	sadd.s32 s3, s2  }
0x8d: {  	s2 =	sadd.s32 s2, s17  }
0x8e: {  	[smem:$0x3FC3] =	sst s2  }
0x8f: {  	_ = 	snop  }
0x90: {  	s2 =	sld [smem:$0x3FD0];
	(tm) =	ssettm $0x1  }
0x91: {  	s18 =	sld [smem:$0x3FFB];
	_ =	sdelay $0x3  }
0x92: {  	_ =	strace s18  }
0x93: {  	s3 =	sld [smem:$0x3FFC];
	_ =	sdelay $0x3  }
0x94: {  	_ =	strace s3  }
0x95: {  	s3 =	sld [smem:$0x3FFD];
	_ =	sdelay $0x3  }
0x96: {  	_ =	strace s3  }
0x97: {  	_ =	strace $0x8FFFFFFF  }
0x98: {  	s19 =	sld [smem:$0x3FDB];
	_ =	sdelay $0x1  }
0x99: {  	s4 =	simm.s32 $_scs_section_size  }
0x9a: {  	s5 =	simm.s32 $_size__tile_overlayer_lowered;
	s6 =	simm.s32 $_tile_overlayer_lowered  }
0x9b: {  	s22 =	simm.s32 $0x1BFF;
	s21 =	sshll.u32 s6, $0x1;
	s3 =	sadd.s32 s4, s19  }
0x9c: {  	s7 =	simm.s32 $0x0;
	s20 =	sshll.u32 s5, $0x1;
	s5 =	sadd.s32 s21, s3  }
0x9d: {  	[timem:s7], [sflag:s22] =	dma.local [hbm:s5], s20  }
0x9e: {  	_ =	swait.ge [sflag:s22], s20  }
0x9f: {  	s4 =	ssub.s32 $0x0, s20;
	[sflag:s22] =	ssyncset.done $0x0  }
0xa0: {  	[sflag:s22] =	ssyncadd.s32 s4;
	_ =	sdelay $0x1  }
0xa1: {  	s23 =	simm.s32 $0x1B8B  }
0xa2: {  	_ =	swait.ge [sflag:s23], $0x1  }
0xa3: {  	[sflag:s23] =	ssyncset.done $0x0  }
0xa4: {  	s25 =	simm.s32 $0x1B8E;
	s24 =	sld [smem:$0x3FFE];
	[sflag:s23] =	ssyncadd.s32 $0xFFFFFFFF  }
0xa5: {  	s26 =	simm.s32 $execute0_lowered;
	[smem:$0x3FD2] =	sst s25  }
0xa6: {  	s5 =	sshll.u32 s26, $0x1;
	_ =	strace $0x80000049;
	[dreg:$0x1] =	wrdreg $0xFFFFFFFF  }
0xa7: {  	s28 =	simm.s32 $_size_execute0_lowered;
	s3 =	sadd.s32 s3, s5;
	[dreg:$0x0] =	wrdreg $0x0  }
0xa8: {  	s5 =	sshll.u32 s28, $0x1;
	[dreg:$0x2] =	wrdreg s3  }
0xa9: {  	[dreg:$0x3] =	wrdreg s5  }
0xaa: {  	[dreg:$0x4] =	wrdreg $0xC0  }
0xab: {  	_ =	task [dreg:s7], $0x5FFFF  }
0xac: {  	[dreg:$0x1] =	wrdreg $0xFFFFFFFF  }
0xad: {  	[dreg:$0x0] =	wrdreg $0x60  }
0xae: {  	[dreg:$0x2] =	wrdreg s24  }
0xaf: {  	[dreg:$0x3] =	wrdreg s2  }
0xb0: {  	[dreg:$0x4] =	wrdreg $0xA1000  }
0xb1: {  	[dreg:$0x5] =	wrdreg $0x9  }
0xb2: {  	_ =	task.clear_ibuf [dreg:s7], $0x6FFFF;
	_ =	strace $0x90000049  }
0xb3: {  	s29 =	simm.s32 $0x9;
	_ =	strace $0x8000004B  }
0xb4: {  	_ =	swait.ge [sflag:s29], $0x1  }
0xb5: {  	[sflag:s29] =	ssyncadd.s32 $0xFFFFFFFF  }
0xb6: {  	_ =	strace $0x9000004B  }
0xb7: {  	_ =	sfence  }
0xb8: {  	s30 =	sld [smem:$0x0];
	_ =	sdelay $0x2  }
0xb9: {  	s31 =	sshll.u32 s1, $0xD;
	s1 =	sshrl.u32 s1, $0x2  }
0xba: {  	s3 =	sand.u32 $0x4000, s31;
	s1 =	sadd.s32 s1, s30  }
0xbb: {  	s0 =	sor.u32 s3, s0;
	s1 =	sshll.u32 s1, $0x11  }
0xbc: {  	s0 =	sor.u32 s1, s0  }
0xbd: {  	s0 =	sadd.s32 $0x8F2B, s0  }
0xbe: {  	[sflag:s0] =	ssyncadd.remote.s32 $0x1  }
0xbf: {  	_ =	sfence.sel $0xFFFF  }
0xc0: {  	[dreg:$0x0] =	wrdreg $0xFFFFFFFF;
	(pc) =	sbr.abs _section_cstart, $3  }
0xc1: {  	[dreg:$0x1] =	wrdreg $0xFFFFFFFF  }
0xc2: {  	_ =	task.clear_ibuf [dreg:s7], $0x2FFFF;
	_ =	strace $0x9FFFFFFF  }
0xc3: {  	(tm) =	ssettm $0x7FFFFFFF  }
tec
execute0_lowered:
.L_overlay_start_1:
0x0: {  	(tag) =	ssettag $0x1  }
0x1: {  	s0 =	rddreg [dreg:$0x0]  }
0x2: {  	s1 =	rddreg [dreg:$0x1]  }
0x3: {  	s2 =	rddreg [dreg:$0x2];
	s3 =	srdreg.scid  }
0x4: {  	s4 =	simm.s32 $0x0;
	s17 =	stileid.u32;
	p1 =	por $0x0, $0x0  }
0x5: {  	s28 =	simm.s32 $0x50;
	s29 =	simm.s32 $0x3;
	s30 =	simm.s32 $0x6  }
0x6: {  	s31 =	simm.s32 $0x4;
	s3 =	sand.u32 $0x1, s3;
	[smem:$0x7FF] =	sst s4  }
0x7: {  	s5 =	sadd.s32 $0xC000, s0;
	s9 =	sadd.s32 $0x15E00, s0;
	s25 =	sadd.s32 $0x16400, s0  }
0x8: {  	s18 =	smul.u32 $0x50000, s17;
	p0 =	seq.s32 s17, $0xF;
	s6 =	sshll.u32 s3, $0x4  }
0x9: {  	_ =	strace $0x8000004A;
	s8 =	ssub.s32 $0x2, s3;
	[dreg:$0x4] =	wrdreg s9  }
0xa: {  	[dreg:$0x5] =	wrdreg s25;
	s7 =	sor.u32 s17, s6;
	s10 =	sshrl.u32 s8, $0x1  }
0xb: {  	s7 =	smul.u32 $0x2710, s7;
	s26 =	ssub.s32 s8, s10;
	s10 =	sshll.u32 s17, $0x3  }
0xc: {  	s9 =	sadd.s32 $0x16A00, s0;
	s6 =	sadd.s32 $0x2200, s0;
	s12 =	sor.u32 $0x2, s10  }
0xd: {  	s0 =	smax.u32 s26, $0x1;
	s13 =	sshrl.u32 s7, $0x3;
	s20 =	smul.u32 $0xA000, s12  }
0xe: {  	[dreg:$0xa] =	wrdreg s0;
	s0 =	sor.u32 $0x3, s10;
	s11 =	sadd.s32 s5, s13  }
0xf: {  	s14 =	sadd.s32 $0xA, s13;
	s8 =	sadd.s32 s6, s13;
	s13 =	smul.u32 $0x138800, s3  }
0x10: {  	s3 =	sshrl.u32 s18, $0x2;
	s23 =	smul.u32 $0xA000, s0;
	[dreg:$0x6] =	wrdreg s11  }
0x11: {  	s0 =	smul.u32 $0x2800, s0;
	[dreg:$0x7] =	wrdreg s8;
	s15 =	sadd.s32 s5, s14  }
0x12: {  	s16 =	sadd.s32 s6, s14;
	s8 =	sor.u32 $0x1, s10;
	[dreg:$0x8] =	wrdreg s15  }
0x13: {  	s21 =	sadd.s32 s3, s2;
	s14 =	sor.u32 $0x5, s10;
	[dreg:$0x9] =	wrdreg s16  }
0x14: {  	s15 =	sadd.s32 $0xA0, s7;
	s19 =	smul.u32 $0xA000, s8;
	s16 =	sadd.s32 $0xF0, s7  }
0x15: {  	[dreg:$0xb] =	wrdreg s21;
	s7 =	sshrl.u32 s20, $0x2;
	s18 =	smul.u32 $0xA000, s14  }
0x16: {  	s25 =	sshrl.u32 s23, $0x2;
	s23 =	sshllo.u32 s17, $0x3;
	s8 =	smul.u32 $0x2800, s8  }
0x17: {  	s0 =	sadd.s32 s13, s0;
	s24 =	sadd.s32 s7, s2;
	s7 =	sadd.s32 s25, s2  }
0x18: {  	s21 =	smul.u32 $0xA000, s23;
	s0 =	sshrl.u32 s0, $0x3;
	p4 =	sgt.u32 @!p0 s23, $0x7C  }
0x19: {  	s23 =	simm.s32 @p0 $0x7F;
	s22 =	sshrl.u32 s19, $0x2;
	[dreg:$0xd] =	wrdreg s24  }
0x1a: {  	[dreg:$0xe] =	wrdreg s7;
	s7 =	sshrl.u32 s18, $0x2;
	s8 =	sadd.s32 s13, s8  }
0x1b: {  	s0 =	sadd.s32 s9, s0;
	p3 =	por p4, p0;
	p4 =	por !p4, p0  }
0x1c: {  	s3 =	sadd.s32 s22, s2;
	s22 =	sor.u32 $0x6, s10;
	[dreg:$0x14] =	wrdreg s0  }
0x1d: {  	s25 =	sadd.s32 s7, s2;
	[dreg:$0xc] =	wrdreg s3;
	s3 =	sor.u32 $0x4, s10  }
0x1e: {  	s20 =	smul.u32 $0xA000, s22;
	p5 =	slt.u32 s22, $0x7D;
	s10 =	sshrl.u32 s21, $0x2  }
0x1f: {  	p2 =	sgt.u32 @!p0 s22, $0x7C;
	s22 =	simm.s32 @p0 $0x7E;
	s26 =	smul.u32 $0xA000, s3  }
0x20: {  	s10 =	sadd.s32 s10, s2;
	s3 =	smul.u32 $0x2800, s3;
	p2 =	por p2, p0  }
0x21: {  	p1 =	por @!p0 p5, p5;
	s11 =	sshrl.u32 s20, $0x2;
	[dreg:$0x10] =	wrdreg s10  }
0x22: {  	s10 =	simm.s32 $0x2780;
	s19 =	sshrl.u32 s26, $0x2;
	s26 =	smul.u32 $0x14000, s17  }
0x23: {  	s11 =	sadd.s32 s11, s2;
	s3 =	sadd.s32 s13, s3;
	s17 =	simm.s32 $0x5080  }
0x24: {  	s24 =	sadd.s32 s19, s2;
	[dreg:$0xf] =	wrdreg s11;
	s11 =	smul.u32 $0x2800, s12  }
0x25: {  	s12 =	sshrl.u32 s8, $0x3;
	s19 =	smul.u32 $0x2800, s14;
	s20 =	sshrl.u32 s3, $0x3  }
0x26: {  	s8 =	simm.s32 $0x5;
	s14 =	simm.s32 $0x5000;
	s7 =	sadd.s32 s13, s26  }
0x27: {  	s3 =	simm.s32 $0x0;
	s0 =	sadd.s32 s9, s20;
	s7 =	sshrl.u32 s7, $0x3  }
0x28: {  	v1 =	vimm.f32 $1.000000000e+00;
	s18 =	sadd.s32 s13, s11;
	s21 =	sadd.s32 s13, s19;
	[dreg:$0x15] =	wrdreg s0  }
0x29: {  	v0 =	vimm.f32 $0.0e+00;
	v2 =	vimm.s32 $0x0;
	v3 =	vimm.s32 $0x1;
	s11 =	simm.s32 $0x5100;
	s7 =	sadd.s32 s9, s7;
	s26 =	sshrl.u32 s21, $0x3  }
.Ltmp0:
0x2a: {  	v4 =	vimm.s32 $0x2;
	v5 =	vimm.s32 $0x3;
	v6 =	vimm.s32 $0x4;
	[dreg:$0x11] =	wrdreg s7;
	s7 =	sadd.s32 s9, s12;
	(pc) =	sbr.rel .LBB2_1-.Ltmp0, $4  }
0x2b: {  	v7 =	vimm.s32 $0x5;
	v8 =	vimm.s32 $0x6;
	v9 =	vimm.s32 $0x7;
	s0 =	sadd.s32 s9, s26;
	[dreg:$0x12] =	wrdreg s7;
	s7 =	sshrl.u32 s18, $0x3  }
0x2c: {  	v10 =	vimm.s32 $0x8;
	v11 =	vimm.s32 $0x9;
	v12 =	vimm.s32 $0xA;
	[dreg:$0x16] =	wrdreg s0;
	s0 =	simm.s32 @!p4 $0x0;
	s7 =	sadd.s32 s9, s7  }
0x2d: {  	v13 =	vimm.s32 $0xB;
	v14 =	vimm.s32 $0xC;
	v15 =	vimm.s32 $0xD;
	s12 =	simm.s32 $0x4F00;
	s0 =	simm.s32 @p4 $0x1;
	[dreg:$0x13] =	wrdreg s7  }
0x2e: {  	v16 =	vimm.s32 $0xE;
	v17 =	vimm.s32 $0xF;
	v1 =	vand.u32 $0x7FFFFFFF, v1;
	s26 =	simm.s32 $0x1;
	[smem:$0x7FD] =	sst s0;
	s0 =	simm.s32 $0x7900  }
.LBB2_12:
0x2f: {  	[bflag:$0x0] =	sbarrier.arrive $0xFFFF  }
0x30: {  	s7 =	rddreg [dreg:$0xb]  }
0x31: {  	[tilespmem:s11], [sflag:$0x6] =	stream.linear.gather [spmem:s7], $0x2800, $0x38;
	[tilespmem:$0x1D980] =	vst v63  }
0x32: {  	_ =	swait.ge [sflag:s30], $0x2800  }
0x33: {  	[sflag:s30] =	ssyncset.done $0x0  }
0x34: {  	s21 =	rddreg [dreg:$0x11];
	[sflag:s30] =	ssyncadd.s32 $0xFFFFD800  }
0x35: {  	[hbm4b:s21+s4] =	stream.linear.scatter [tilespmem:s11], [sflag:$0x5], $0x2800, $0x38;
	[tilespmem:$0x1D980] =	vst v63  }
0x36: {  	_ =	swait.ge [sflag:s8], $0x2800  }
0x37: {  	[sflag:s8] =	ssyncset.done $0x0  }
0x38: {  	s18 =	rddreg [dreg:$0xc];
	[sflag:s8] =	ssyncadd.s32 $0xFFFFD800  }
0x39: {  	[tilespmem:s11], [sflag:$0x6] =	stream.linear.gather [spmem:s18], $0x2800, $0x38;
	[tilespmem:$0x1D980] =	vst v63  }
0x3a: {  	_ =	swait.ge [sflag:s30], $0x2800  }
0x3b: {  	[sflag:s30] =	ssyncset.done $0x0  }
0x3c: {  	s19 =	rddreg [dreg:$0x12];
	[sflag:s30] =	ssyncadd.s32 $0xFFFFD800  }
0x3d: {  	[hbm4b:s19+s4] =	stream.linear.scatter [tilespmem:s11], [sflag:$0x5], $0x2800, $0x38;
	[tilespmem:$0x1D980] =	vst v63  }
0x3e: {  	_ =	swait.ge [sflag:s8], $0x2800  }
0x3f: {  	[sflag:s8] =	ssyncset.done $0x0  }
0x40: {  	s20 =	rddreg [dreg:$0xd];
	[sflag:s8] =	ssyncadd.s32 $0xFFFFD800  }
0x41: {  	[tilespmem:s11], [sflag:$0x6] =	stream.linear.gather [spmem:s20], $0x2800, $0x38;
	[tilespmem:$0x1D980] =	vst v63  }
0x42: {  	_ =	swait.ge [sflag:s30], $0x2800  }
0x43: {  	[sflag:s30] =	ssyncset.done $0x0  }
0x44: {  	s21 =	rddreg [dreg:$0x13];
	[sflag:s30] =	ssyncadd.s32 $0xFFFFD800  }
0x45: {  	[hbm4b:s21+s4] =	stream.linear.scatter [tilespmem:s11], [sflag:$0x5], $0x2800, $0x38;
	[tilespmem:$0x1D980] =	vst v63  }
0x46: {  	_ =	swait.ge [sflag:s8], $0x2800  }
0x47: {  	[sflag:s8] =	ssyncset.done $0x0  }
0x48: {  	s18 =	rddreg [dreg:$0xe];
	[sflag:s8] =	ssyncadd.s32 $0xFFFFD800  }
0x49: {  	[tilespmem:s11], [sflag:$0x6] =	stream.linear.gather [spmem:s18], $0x2800, $0x38;
	[tilespmem:$0x1D980] =	vst v63  }
0x4a: {  	_ =	swait.ge [sflag:s30], $0x2800  }
0x4b: {  	[sflag:s30] =	ssyncset.done $0x0  }
0x4c: {  	s19 =	rddreg [dreg:$0x14];
	[sflag:s30] =	ssyncadd.s32 $0xFFFFD800  }
0x4d: {  	[hbm4b:s19+s4] =	stream.linear.scatter [tilespmem:s11], [sflag:$0x5], $0x2800, $0x38;
	[tilespmem:$0x1D980] =	vst v63  }
0x4e: {  	_ =	swait.ge [sflag:s8], $0x2800  }
0x4f: {  	[sflag:s8] =	ssyncset.done $0x0  }
0x50: {  	[sflag:s8] =	ssyncadd.s32 $0xFFFFD800  }
0x51: {  	[tilespmem:s11], [sflag:$0x6] =	stream.linear.gather [spmem:s24], $0x2800, $0x38;
	[tilespmem:$0x1D980] =	vst v63  }
0x52: {  	_ =	swait.ge [sflag:s30], $0x2800  }
0x53: {  	[sflag:s30] =	ssyncset.done $0x0  }
0x54: {  	s20 =	rddreg [dreg:$0x15];
	[sflag:s30] =	ssyncadd.s32 $0xFFFFD800  }
0x55: {  	[hbm4b:s20+s4] =	stream.linear.scatter [tilespmem:s11], [sflag:$0x5], $0x2800, $0x38;
	[tilespmem:$0x1D980] =	vst v63  }
0x56: {  	_ =	swait.ge [sflag:s8], $0x2800  }
0x57: {  	[sflag:s8] =	ssyncset.done $0x0  }
0x58: {  	s7 =	simm.s32 @!p0 $0x5100;
	s18 =	simm.s32 @!p0 $0x6;
	[sflag:s8] =	ssyncadd.s32 $0xFFFFD800  }
0x59: {  	[tilespmem:s7], [sflag:$0x6] =	stream.linear.gather @!p0 [spmem:s25], $0x2800, $0x38;
	[tilespmem:$0x1D980] =	vst v63  }
0x5a: {  	_ =	swait.ge @!p0 [sflag:s18], $0x2800  }
0x5b: {  	[sflag:s18] =	ssyncset.done @!p0 $0x0  }
0x5c: {  	s19 =	rddreg [dreg:$0x16];
	[sflag:s18] =	ssyncadd.s32 @!p0 $0xFFFFD800;
	s18 =	simm.s32 @!p0 $0x0  }
0x5d: {  	[hbm4b:s19+s18] =	stream.linear.scatter @!p0 [tilespmem:s7], [sflag:$0x5], $0x2800, $0x38;
	[tilespmem:$0x1D980] =	vst v63  }
0x5e: {  	s7 =	simm.s32 @!p0 $0x5;
	s18 =	smul.u32 @p1 $0xA000, s22  }
0x5f: {  	_ =	swait.ge @!p0 [sflag:s7], $0x2800  }
0x60: {  	[sflag:s7] =	ssyncset.done @!p0 $0x0;
	s18 =	sshrl.u32 @p1 s18, $0x2  }
0x61: {  	[sflag:s7] =	ssyncadd.s32 @!p0 $0xFFFFD800;
	s7 =	sadd.s32 @p1 s18, s2;
	s18 =	simm.s32 @p1 $0x5100  }
0x62: {  	[tilespmem:s18], [sflag:$0x6] =	stream.linear.gather @p1 [spmem:s7], $0x2800, $0x38;
	[tilespmem:$0x1D980] =	vst v63  }
0x63: {  	s7 =	smul.u32 @p1 $0x2800, s22  }
0x64: {  	s19 =	simm.s32 @p1 $0x6  }
0x65: {  	_ =	swait.ge @p1 [sflag:s19], $0x2800;
	s7 =	sadd.s32 @p1 s13, s7  }
0x66: {  	[sflag:s19] =	ssyncset.done @p1 $0x0;
	s7 =	sshrl.u32 @p1 s7, $0x3  }
0x67: {  	[sflag:s19] =	ssyncadd.s32 @p1 $0xFFFFD800;
	s19 =	simm.s32 @p1 $0x0;
	s7 =	sadd.s32 @p1 s9, s7  }
0x68: {  	[hbm4b:s7+s19] =	stream.linear.scatter @p1 [tilespmem:s18], [sflag:$0x5], $0x2800, $0x38;
	[tilespmem:$0x1D980] =	vst v63  }
0x69: {  	s7 =	simm.s32 @p1 $0x5;
	s18 =	smul.u32 @p5 $0xA000, s23  }
0x6a: {  	_ =	swait.ge @p1 [sflag:s7], $0x2800  }
0x6b: {  	[sflag:s7] =	ssyncset.done @p1 $0x0;
	s18 =	sshrl.u32 @p5 s18, $0x2  }
0x6c: {  	[sflag:s7] =	ssyncadd.s32 @p1 $0xFFFFD800;
	s7 =	sadd.s32 @p5 s18, s2;
	s18 =	simm.s32 @p5 $0x5100  }
0x6d: {  	[tilespmem:s18], [sflag:$0x6] =	stream.linear.gather @p5 [spmem:s7], $0x2800, $0x38;
	[tilespmem:$0x1D980] =	vst v63  }
0x6e: {  	s7 =	smul.u32 @p5 $0x2800, s23  }
0x6f: {  	s19 =	simm.s32 @p5 $0x6  }
0x70: {  	_ =	swait.ge @p5 [sflag:s19], $0x2800;
	s7 =	sadd.s32 @p5 s13, s7  }
0x71: {  	[sflag:s19] =	ssyncset.done @p5 $0x0;
	s7 =	sshrl.u32 @p5 s7, $0x3  }
0x72: {  	[sflag:s19] =	ssyncadd.s32 @p5 $0xFFFFD800;
	s19 =	simm.s32 @p5 $0x0;
	s7 =	sadd.s32 @p5 s9, s7  }
0x73: {  	[hbm4b:s7+s19] =	stream.linear.scatter @p5 [tilespmem:s18], [sflag:$0x5], $0x2800, $0x38;
	[tilespmem:$0x1D980] =	vst v63  }
0x74: {  	s7 =	simm.s32 @p5 $0x5  }
0x75: {  	_ =	swait.ge @p5 [sflag:s7], $0x2800  }
0x76: {  	s3 =	sadd.s32 $0x1, s3;
	s21 =	rddreg [dreg:$0xa]  }
0x77: {  	p4 =	sne.s32 s3, s21  }
.Ltmp1:
0x78: {  	_ = 	snop;
	(pc) =	sbr.rel @!p4 .LBB2_13-.Ltmp1, $3  }
0x79: {  	_ =	sdelay $0x1  }
0x7a: {  	[sflag:s7] =	ssyncset.done @p5 $0x0  }
0x7b: {  	[sflag:s7] =	ssyncadd.s32 @p5 $0xFFFFD800  }
.LBB2_1:
0x7c: {  	s7 =	rddreg [dreg:$0x4]  }
0x7d: {  	[tilespmem:s4], [sflag:$0x5] =	stream.linear.gather [hbm4b:s7+s4], $0x2780, $0x38;
	[tilespmem:$0x1D980] =	vst v63  }
0x7e: {  	_ =	swait.ge [sflag:s8], $0x2780  }
0x7f: {  	[sflag:s8] =	ssyncset.done $0x0  }
0x80: {  	s21 =	rddreg [dreg:$0x5];
	[sflag:s8] =	ssyncadd.s32 $0xFFFFD880  }
0x81: {  	[tilespmem:s10], [sflag:$0x5] =	stream.linear.gather [hbm4b:s21+s4], $0x2780, $0x38;
	[tilespmem:$0x1D980] =	vst v63  }
0x82: {  	_ =	swait.ge [sflag:s8], $0x2780  }
0x83: {  	[sflag:s8] =	ssyncset.done $0x0  }
0x84: {  	s18 =	simm.s32 $0x200;
	s7 =	simm.s32 $0x0;
	[sflag:s8] =	ssyncadd.s32 $0xFFFFD880  }
.LBB2_2:
0x85: {  	p5 =	sne.s32 s18, $0x9E00;
	[tilespmem:s7+$0x5170] =	vst v0  }
0x86: {  	[tilespmem:s7+$0x5100] =	vst v0  }
0x87: {  	[tilespmem:s7+$0x5110] =	vst v0  }
.Ltmp2:
0x88: {  	[tilespmem:s7+$0x5120] =	vst v0;
	(pc) =	sbr.rel @p5 .LBB2_2-.Ltmp2, $4  }
0x89: {  	[tilespmem:s7+$0x5130] =	vst v0  }
0x8a: {  	[tilespmem:s7+$0x5140] =	vst v0  }
0x8b: {  	[tilespmem:s7+$0x5150] =	vst v0  }
0x8c: {  	[tilespmem:s7+$0x5160] =	vst v0;
	s7 =	sshra.s32 s18, $0x2;
	s18 =	sadd.s32 $0x200, s18  }
0x8d: {  	[tilespmem:s7+$0x5170] =	vst v0  }
0x8e: {  	[tilespmem:s7+$0x5100] =	vst v0  }
0x8f: {  	[tilespmem:s7+$0x5110] =	vst v0  }
0x90: {  	[tilespmem:s7+$0x5120] =	vst v0  }
0x91: {  	[tilespmem:s7+$0x5130] =	vst v0  }
0x92: {  	[tilespmem:s7+$0x5140] =	vst v0  }
0x93: {  	[tilespmem:s7+$0x5150] =	vst v0  }
0x94: {  	[tilespmem:s7+$0x5160] =	vst v0;
	s19 =	rddreg [dreg:$0xb]  }
0x95: {  	[spmem:s19] =	stream.linear.scatter [tilespmem:s11], [sflag:$0x5], $0x2800, $0x38;
	[tilespmem:$0x1D980] =	vst v63  }
0x96: {  	_ =	swait.ge [sflag:s8], $0x2800  }
0x97: {  	[sflag:s8] =	ssyncset.done $0x0  }
0x98: {  	s20 =	rddreg [dreg:$0xc];
	[sflag:s8] =	ssyncadd.s32 $0xFFFFD800  }
0x99: {  	[spmem:s20] =	stream.linear.scatter [tilespmem:s11], [sflag:$0x5], $0x2800, $0x38;
	[tilespmem:$0x1D980] =	vst v63  }
0x9a: {  	_ =	swait.ge [sflag:s8], $0x2800  }
0x9b: {  	[sflag:s8] =	ssyncset.done $0x0  }
0x9c: {  	s21 =	rddreg [dreg:$0xd];
	[sflag:s8] =	ssyncadd.s32 $0xFFFFD800  }
0x9d: {  	[spmem:s21] =	stream.linear.scatter [tilespmem:s11], [sflag:$0x5], $0x2800, $0x38;
	[tilespmem:$0x1D980] =	vst v63  }
0x9e: {  	_ =	swait.ge [sflag:s8], $0x2800  }
0x9f: {  	[sflag:s8] =	ssyncset.done $0x0  }
0xa0: {  	s18 =	rddreg [dreg:$0xe];
	[sflag:s8] =	ssyncadd.s32 $0xFFFFD800  }
0xa1: {  	[spmem:s18] =	stream.linear.scatter [tilespmem:s11], [sflag:$0x5], $0x2800, $0x38;
	[tilespmem:$0x1D980] =	vst v63  }
0xa2: {  	_ =	swait.ge [sflag:s8], $0x2800  }
0xa3: {  	[sflag:s8] =	ssyncset.done $0x0  }
0xa4: {  	[sflag:s8] =	ssyncadd.s32 $0xFFFFD800  }
0xa5: {  	[spmem:s24] =	stream.linear.scatter [tilespmem:s11], [sflag:$0x5], $0x2800, $0x38;
	[tilespmem:$0x1D980] =	vst v63  }
0xa6: {  	_ =	swait.ge [sflag:s8], $0x2800  }
0xa7: {  	[sflag:s8] =	ssyncset.done $0x0  }
0xa8: {  	s7 =	simm.s32 @!p0 $0x5100;
	[sflag:s8] =	ssyncadd.s32 $0xFFFFD800  }
0xa9: {  	[spmem:s25] =	stream.linear.scatter @!p0 [tilespmem:s7], [sflag:$0x5], $0x2800, $0x38;
	[tilespmem:$0x1D980] =	vst v63  }
0xaa: {  	s7 =	simm.s32 @!p0 $0x5  }
0xab: {  	_ =	swait.ge @!p0 [sflag:s7], $0x2800  }
0xac: {  	[sflag:s7] =	ssyncset.done @!p0 $0x0  }
0xad: {  	s18 =	rddreg [dreg:$0xf];
	[sflag:s7] =	ssyncadd.s32 @!p0 $0xFFFFD800;
	s7 =	simm.s32 @!p2 $0x5100  }
0xae: {  	[spmem:s18] =	stream.linear.scatter @!p2 [tilespmem:s7], [sflag:$0x5], $0x2800, $0x38;
	[tilespmem:$0x1D980] =	vst v63  }
0xaf: {  	s7 =	simm.s32 @!p2 $0x5  }
0xb0: {  	_ =	swait.ge @!p2 [sflag:s7], $0x2800  }
0xb1: {  	[sflag:s7] =	ssyncset.done @!p2 $0x0  }
0xb2: {  	s18 =	rddreg [dreg:$0x10];
	[sflag:s7] =	ssyncadd.s32 @!p2 $0xFFFFD800;
	s7 =	simm.s32 @!p3 $0x5100  }
0xb3: {  	[spmem:s18] =	stream.linear.scatter @!p3 [tilespmem:s7], [sflag:$0x5], $0x2800, $0x38;
	[tilespmem:$0x1D980] =	vst v63  }
0xb4: {  	s7 =	simm.s32 @!p3 $0x5  }
0xb5: {  	_ =	swait.ge @!p3 [sflag:s7], $0x2800  }
0xb6: {  	[sflag:s7] =	ssyncset.done @!p3 $0x0  }
0xb7: {  	[sflag:s7] =	ssyncadd.s32 @!p3 $0xFFFFD800  }
0xb8: {  	[bflag:$0x0] =	sbarrier.arrive $0xFFFF  }
0xb9: {  	s7 =	simm.s32 $0x0;
	s19 =	rddreg [dreg:$0x6]  }
0xba: {  	[tilespmem:s12], [sflag:$0x1] =	stream.linear.gather [hbm4b:s19+s7], $0x50, $0x38;
	[tilespmem:$0x1D980] =	vst v63  }
0xbb: {  	s20 =	rddreg [dreg:$0x7]  }
0xbc: {  	[tilespmem:s14], [sflag:$0x1] =	stream.linear.gather [hbm4b:s20+s7], $0x50, $0x38;
	[tilespmem:$0x1D980] =	vst v63  }
0xbd: {  	s21 =	rddreg [dreg:$0x8];
	s19 =	simm.s32 $0x4F80  }
0xbe: {  	[tilespmem:s19], [sflag:$0x2] =	stream.linear.gather [hbm4b:s21+s7], $0x50, $0x38;
	[tilespmem:$0x1D980] =	vst v63  }
0xbf: {  	s20 =	rddreg [dreg:$0x9]  }
0xc0: {  	[tilespmem:s17], [sflag:$0x2] =	stream.linear.gather [hbm4b:s20+s7], $0x50, $0x38;
	[tilespmem:$0x1D980] =	vst v63  }
0xc1: {  	_ =	swait.ge [sflag:s26], $0x50  }
0xc2: {  	[sflag:s26] =	ssyncset.done $0x0  }
0xc3: {  	[sflag:s26] =	ssyncadd.s32 $0xFFFFFFB0  }
0xc4: {  	_ =	swait.ge [sflag:s26], $0x50  }
0xc5: {  	[sflag:s26] =	ssyncset.done $0x0;
	s21 =	sld [smem:$0x7FD]  }
.Ltmp3:
0xc6: {  	[sflag:s26] =	ssyncadd.s32 $0xFFFFFFB0;
	(pc) =	sbr.rel .LBB2_4-.Ltmp3, $4  }
0xc7: {  	[tilespmem:s11], [sflag:$0x3] =	stream.indirect.gather [hbm4b:s1+s28], $0x80, s12, s28, $0xb8;
	[tilespmem:$0x1D980] =	vst v63  }
0xc8: {  	p5 =	por @!p0 $0x0, $0x0;
	p6 =	por @!p3 $0x1, $0x1;
	p4 =	seq.s32 s21, $0x1  }
0xc9: {  	p6 =	por @!p4 p5, p5;
	p5 =	por $0x0, $0x0  }
0xca: {  	p5 =	por @!p0 p6, p6  }
.LBB2_11:
0xcb: {  	s7 =	sadd.s32 $0x1, s7  }
.LBB2_4:
0xcc: {  	_ =	swait.ge [sflag:s29], $0x2800  }
0xcd: {  	[sflag:s29] =	ssyncset.done $0x0  }
0xce: {  	s18 =	simm.s32 $0x0;
	[sflag:s29] =	ssyncadd.s32 $0xFFFFD800  }
.LBB2_5:
0xcf: {  	v18 =	vld [tilespmem:s18+$0x4F00]  }
0xd0: {  	v19 =	vld [tilespmem:s18+$0x5000];
	_ =	sdelay $0x6  }
0xd1: {  	v18 =	vld.idx.msk [tilespmem:v18+s4+$0x0], $0xffff  }
0xd2: {  	v19 =	vld.idx.msk [tilespmem:v19+s10+$0x0], $0xffff;
	_ =	sdelay $0x4  }
0xd3: {  	v18 =	vadd.f32 v19, v18;
	_ =	sdelay $0x1  }
0xd4: {  	v19 =	vand.u32 $0x7FFFFFFF, v18  }
0xd5: {  	v19 =	vmul.f32 $-2.000000000e+00, v19;
	_ =	sdelay $0x1  }
0xd6: {  	v19 =	vmul.f32 $1.442695020e+00, v19;
	_ =	sdelay $0x1  }
0xd7: {  	(erf) = vpow2.f32 v19;
	_ =	sdelay $0x8  }
0xd8: {  	v19 =	vpop (erf)  }
0xd9: {  	v20 =	vadd.f32 $1.000000000e+00, v19;
	_ =	sdelay $0x1  }
0xda: {  	(erf) = vrcp.f32 v20;
	_ =	sdelay $0x3  }
0xdb: {  	v39 =	vand.u32 $0x80000000, v18  }
0xdc: {  	vm0 =	vlt.f32 v18, $0.0e+00;
	vm1 =	vgt.f32 v18, $0.0e+00;
	v19 =	vsub.f32 $1.000000000e+00, v19  }
0xdd: {  	s19 =	sshll.u32 s18, $0x7;
	vm0 =	vmor vm1, vm0;
	v20 =	vor.u32 v39, v1  }
0xde: {  	s19 =	sand.u32 $0x3FFFFF80, s19;
	v18 =	vsel vm0, v20, v18  }
0xdf: {  	v40 =	vld [tilespmem:s19+$0x5100];
	v18 =	vmul.f32 v19, v18  }
0xe0: {  	v21 =	vld [tilespmem:s19+$0x5120];
	v19 =	vpop (erf)  }
0xe1: {  	v23 =	vld [tilespmem:s19+$0x5130];
	v18 =	vmul.f32 v19, v18  }
0xe2: {  	v19 =	vld [tilespmem:s19+$0x5110]  }
0xe3: {  	v24 =	vld [tilespmem:s19+$0x5140];
	v22 =	vperm.xlane v18, v2  }
0xe4: {  	v25 =	vld [tilespmem:s19+$0x5150]  }
0xe5: {  	v26 =	vld [tilespmem:s19+$0x5160];
	v20 =	vmul.f32 v40, v22  }
0xe6: {  	v42 =	vld [tilespmem:s19+$0x5170];
	v41 =	vmul.f32 v21, v22  }
0xe7: {  	v43 =	vld [tilespmem:s19+$0x5180];
	v19 =	vmul.f32 v19, v22;
	[tilespmem:s19+$0x5100] =	vst v20  }
0xe8: {  	v45 =	vld [tilespmem:s19+$0x5190];
	v44 =	vmul.f32 v24, v22;
	[tilespmem:s19+$0x5120] =	vst v41  }
0xe9: {  	v46 =	vld [tilespmem:s19+$0x51A0];
	[tilespmem:s19+$0x5110] =	vst v19;
	v19 =	vmul.f32 v23, v22  }
0xea: {  	v27 =	vld [tilespmem:s19+$0x51B0];
	v48 =	vperm.xlane v18, v3;
	v47 =	vmul.f32 v26, v22;
	[tilespmem:s19+$0x5140] =	vst v44  }
0xeb: {  	v49 =	vld [tilespmem:s19+$0x51C0];
	[tilespmem:s19+$0x5130] =	vst v19;
	v19 =	vmul.f32 v25, v22  }
0xec: {  	v51 =	vld [tilespmem:s19+$0x51D0];
	v50 =	vmul.f32 v43, v48;
	[tilespmem:s19+$0x5160] =	vst v47  }
0xed: {  	v52 =	vld [tilespmem:s19+$0x51E0];
	[tilespmem:s19+$0x5150] =	vst v19;
	v19 =	vmul.f32 v42, v22  }
0xee: {  	v54 =	vld [tilespmem:s19+$0x51F0];
	v53 =	vmul.f32 v46, v48;
	[tilespmem:s19+$0x5180] =	vst v50  }
0xef: {  	v55 =	vld [tilespmem:s19+$0x5200];
	[tilespmem:s19+$0x5170] =	vst v19;
	v19 =	vmul.f32 v45, v48  }
0xf0: {  	v57 =	vld [tilespmem:s19+$0x5210];
	v56 =	vmul.f32 v49, v48;
	[tilespmem:s19+$0x51A0] =	vst v53  }
0xf1: {  	v58 =	vld [tilespmem:s19+$0x5220];
	[tilespmem:s19+$0x5190] =	vst v19;
	v19 =	vmul.f32 v27, v48  }
0xf2: {  	v61 =	vld [tilespmem:s19+$0x5230];
	v60 =	vperm.xlane v18, v4;
	v59 =	vmul.f32 v52, v48;
	[tilespmem:s19+$0x51C0] =	vst v56  }
0xf3: {  	v62 =	vld [tilespmem:s19+$0x5240];
	[tilespmem:s19+$0x51B0] =	vst v19;
	v19 =	vmul.f32 v51, v48  }
0xf4: {  	v28 =	vld [tilespmem:s19+$0x5250];
	v63 =	vmul.f32 v55, v60;
	[tilespmem:s19+$0x51E0] =	vst v59  }
0xf5: {  	v29 =	vld [tilespmem:s19+$0x5260];
	[tilespmem:s19+$0x51D0] =	vst v19;
	v19 =	vmul.f32 v54, v48  }
0xf6: {  	v31 =	vld [tilespmem:s19+$0x5270];
	v30 =	vmul.f32 v58, v60;
	[tilespmem:s19+$0x5200] =	vst v63  }
0xf7: {  	v32 =	vld [tilespmem:s19+$0x5280];
	[tilespmem:s19+$0x51F0] =	vst v19;
	v19 =	vmul.f32 v57, v60  }
0xf8: {  	v34 =	vld [tilespmem:s19+$0x5290];
	v33 =	vmul.f32 v62, v60;
	[tilespmem:s19+$0x5220] =	vst v30  }
0xf9: {  	v35 =	vld [tilespmem:s19+$0x52A0];
	[tilespmem:s19+$0x5210] =	vst v19;
	v19 =	vmul.f32 v61, v60  }
0xfa: {  	v38 =	vld [tilespmem:s19+$0x52B0];
	v37 =	vperm.xlane v18, v5;
	v36 =	vmul.f32 v29, v60;
	[tilespmem:s19+$0x5240] =	vst v33  }
0xfb: {  	v39 =	vld [tilespmem:s19+$0x52C0];
	[tilespmem:s19+$0x5230] =	vst v19;
	v19 =	vmul.f32 v28, v60  }
0xfc: {  	v40 =	vmul.f32 v32, v37;
	v52 =	vld [tilespmem:s19+$0x5340];
	[tilespmem:s19+$0x5260] =	vst v36  }
0xfd: {  	v55 =	vld [tilespmem:s19+$0x5360];
	[tilespmem:s19+$0x5250] =	vst v19;
	v19 =	vmul.f32 v31, v60  }
0xfe: {  	v43 =	vmul.f32 v35, v37;
	v41 =	vld [tilespmem:s19+$0x52D0];
	[tilespmem:s19+$0x5280] =	vst v40  }
0xff: {  	v58 =	vld [tilespmem:s19+$0x5380];
	[tilespmem:s19+$0x5270] =	vst v19;
	v19 =	vmul.f32 v34, v37  }
0x100: {  	v46 =	vmul.f32 v39, v37;
	v44 =	vld [tilespmem:s19+$0x52F0];
	[tilespmem:s19+$0x52A0] =	vst v43;
	v50 =	vperm.xlane v18, v6  }
0x101: {  	v39 =	vld [tilespmem:s19+$0x5410];
	[tilespmem:s19+$0x5290] =	vst v19;
	v19 =	vmul.f32 v38, v37  }
0x102: {  	v47 =	vld [tilespmem:s19+$0x5310];
	[tilespmem:s19+$0x52C0] =	vst v46;
	v59 =	vmul.f32 v52, v50  }
0x103: {  	v42 =	vld [tilespmem:s19+$0x52E0];
	[tilespmem:s19+$0x52B0] =	vst v19;
	v19 =	vmul.f32 v41, v37  }
0x104: {  	v63 =	vperm.xlane v18, v7;
	v62 =	vmul.f32 v55, v50;
	[tilespmem:s19+$0x5340] =	vst v59;
	v51 =	vld [tilespmem:s19+$0x5330]  }
0x105: {  	v45 =	vld [tilespmem:s19+$0x5300];
	[tilespmem:s19+$0x52D0] =	vst v19;
	v19 =	vmul.f32 v44, v37  }
0x106: {  	v32 =	vmul.f32 v58, v63;
	[tilespmem:s19+$0x5360] =	vst v62;
	v54 =	vld [tilespmem:s19+$0x5350]  }
0x107: {  	v48 =	vld [tilespmem:s19+$0x5320];
	[tilespmem:s19+$0x52F0] =	vst v19;
	v19 =	vmul.f32 v47, v50  }
0x108: {  	[tilespmem:s19+$0x5380] =	vst v32;
	v49 =	vmul.f32 v42, v37;
	v57 =	vld [tilespmem:s19+$0x5370]  }
0x109: {  	v40 =	vld [tilespmem:s19+$0x5420];
	[tilespmem:s19+$0x5310] =	vst v19;
	v19 =	vmul.f32 v51, v50  }
0x10a: {  	[tilespmem:s19+$0x52E0] =	vst v49;
	v53 =	vmul.f32 v45, v50;
	v60 =	vld [tilespmem:s19+$0x5390]  }
0x10b: {  	v61 =	vld [tilespmem:s19+$0x53A0];
	[tilespmem:s19+$0x5330] =	vst v19;
	v19 =	vmul.f32 v54, v50  }
0x10c: {  	v30 =	vld [tilespmem:s19+$0x53B0];
	v42 =	vperm.xlane v18, v8;
	[tilespmem:s19+$0x5300] =	vst v53;
	v56 =	vmul.f32 v48, v50  }
0x10d: {  	v53 =	vld [tilespmem:s19+$0x54A0];
	[tilespmem:s19+$0x5350] =	vst v19;
	v19 =	vmul.f32 v57, v50  }
0x10e: {  	v33 =	vld [tilespmem:s19+$0x53D0];
	v48 =	vmul.f32 v40, v42;
	[tilespmem:s19+$0x5320] =	vst v56  }
0x10f: {  	v31 =	vld [tilespmem:s19+$0x53C0];
	[tilespmem:s19+$0x5370] =	vst v19;
	v19 =	vmul.f32 v60, v63  }
0x110: {  	v36 =	vld [tilespmem:s19+$0x53F0];
	v55 =	vperm.xlane v18, v9;
	[tilespmem:s19+$0x5420] =	vst v48;
	v35 =	vmul.f32 v61, v63  }
0x111: {  	v34 =	vld [tilespmem:s19+$0x53E0];
	[tilespmem:s19+$0x5390] =	vst v19;
	v19 =	vmul.f32 v30, v63  }
0x112: {  	v29 =	vld [tilespmem:s19+$0x5660];
	v61 =	vmul.f32 v53, v55;
	[tilespmem:s19+$0x53A0] =	vst v35  }
0x113: {  	v32 =	vld [tilespmem:s19+$0x5520];
	[tilespmem:s19+$0x53B0] =	vst v19;
	v19 =	vmul.f32 v33, v63  }
0x114: {  	v43 =	vld [tilespmem:s19+$0x5430];
	[tilespmem:s19+$0x54A0] =	vst v61;
	v38 =	vmul.f32 v31, v63  }
0x115: {  	v37 =	vld [tilespmem:s19+$0x5400];
	[tilespmem:s19+$0x53D0] =	vst v19;
	v19 =	vmul.f32 v36, v63  }
0x116: {  	v46 =	vld [tilespmem:s19+$0x5450];
	[tilespmem:s19+$0x53C0] =	vst v38;
	v41 =	vmul.f32 v34, v63;
	v34 =	vperm.xlane v18, v10  }
0x117: {  	v44 =	vld [tilespmem:s19+$0x5440];
	[tilespmem:s19+$0x53F0] =	vst v19;
	v19 =	vmul.f32 v39, v42  }
0x118: {  	v49 =	vld [tilespmem:s19+$0x5470];
	[tilespmem:s19+$0x53E0] =	vst v41;
	v40 =	vmul.f32 v32, v34  }
0x119: {  	v47 =	vld [tilespmem:s19+$0x5460];
	[tilespmem:s19+$0x5410] =	vst v19;
	v19 =	vmul.f32 v43, v42  }
0x11a: {  	v52 =	vld [tilespmem:s19+$0x5490];
	[tilespmem:s19+$0x5520] =	vst v40;
	v45 =	vmul.f32 v37, v42  }
0x11b: {  	v50 =	vld [tilespmem:s19+$0x5480];
	[tilespmem:s19+$0x5430] =	vst v19;
	v19 =	vmul.f32 v46, v42  }
0x11c: {  	v56 =	vld [tilespmem:s19+$0x54B0];
	v51 =	vmul.f32 v44, v42;
	[tilespmem:s19+$0x5400] =	vst v45  }
0x11d: {  	v45 =	vld [tilespmem:s19+$0x55A0];
	[tilespmem:s19+$0x5450] =	vst v19;
	v19 =	vmul.f32 v49, v42  }
0x11e: {  	v59 =	vld [tilespmem:s19+$0x54D0];
	[tilespmem:s19+$0x5440] =	vst v51;
	v54 =	vmul.f32 v47, v42  }
0x11f: {  	v57 =	vld [tilespmem:s19+$0x54C0];
	[tilespmem:s19+$0x5470] =	vst v19;
	v19 =	vmul.f32 v52, v55  }
0x120: {  	v62 =	vld [tilespmem:s19+$0x54F0];
	v47 =	vperm.xlane v18, v11;
	[tilespmem:s19+$0x5460] =	vst v54;
	v58 =	vmul.f32 v50, v55  }
0x121: {  	v60 =	vld [tilespmem:s19+$0x54E0];
	[tilespmem:s19+$0x5490] =	vst v19;
	v19 =	vmul.f32 v56, v55  }
0x122: {  	v31 =	vld [tilespmem:s19+$0x5510];
	v53 =	vmul.f32 v45, v47;
	[tilespmem:s19+$0x5480] =	vst v58  }
0x123: {  	v58 =	vld [tilespmem:s19+$0x5620];
	[tilespmem:s19+$0x54B0] =	vst v19;
	v19 =	vmul.f32 v59, v55  }
0x124: {  	v35 =	vld [tilespmem:s19+$0x5530];
	v30 =	vmul.f32 v57, v55;
	[tilespmem:s19+$0x55A0] =	vst v53  }
0x125: {  	v63 =	vld [tilespmem:s19+$0x5500];
	[tilespmem:s19+$0x54D0] =	vst v19;
	v19 =	vmul.f32 v62, v55  }
0x126: {  	v38 =	vld [tilespmem:s19+$0x5550];
	[tilespmem:s19+$0x54C0] =	vst v30;
	v33 =	vmul.f32 v60, v55;
	v60 =	vperm.xlane v18, v12  }
0x127: {  	v36 =	vld [tilespmem:s19+$0x5540];
	[tilespmem:s19+$0x54F0] =	vst v19;
	v19 =	vmul.f32 v31, v34  }
0x128: {  	v41 =	vld [tilespmem:s19+$0x5570];
	[tilespmem:s19+$0x54E0] =	vst v33;
	v30 =	vmul.f32 v58, v60  }
0x129: {  	v44 =	vld [tilespmem:s19+$0x5590];
	[tilespmem:s19+$0x5510] =	vst v19;
	v19 =	vmul.f32 v35, v34  }
0x12a: {  	v39 =	vld [tilespmem:s19+$0x5560];
	v37 =	vmul.f32 v63, v34;
	[tilespmem:s19+$0x5620] =	vst v30  }
0x12b: {  	[tilespmem:s19+$0x5530] =	vst v19;
	v19 =	vmul.f32 v38, v34  }
0x12c: {  	v48 =	vld [tilespmem:s19+$0x55B0];
	v43 =	vmul.f32 v36, v34;
	[tilespmem:s19+$0x5500] =	vst v37  }
0x12d: {  	v32 =	vld [tilespmem:s19+$0x5680];
	[tilespmem:s19+$0x5550] =	vst v19;
	v19 =	vmul.f32 v41, v34  }
0x12e: {  	v51 =	vld [tilespmem:s19+$0x55D0];
	v36 =	vmul.f32 v29, v60;
	[tilespmem:s19+$0x5540] =	vst v43  }
0x12f: {  	v46 =	vmul.f32 v39, v34;
	v39 =	vld [tilespmem:s19+$0x56C0];
	[tilespmem:s19+$0x5570] =	vst v19;
	v19 =	vmul.f32 v44, v47  }
0x130: {  	v54 =	vld [tilespmem:s19+$0x55F0];
	v37 =	vperm.xlane v18, v13;
	[tilespmem:s19+$0x5660] =	vst v36  }
0x131: {  	v42 =	vld [tilespmem:s19+$0x5580];
	[tilespmem:s19+$0x5590] =	vst v19;
	v19 =	vmul.f32 v48, v47  }
0x132: {  	v57 =	vld [tilespmem:s19+$0x5610];
	[tilespmem:s19+$0x5560] =	vst v46;
	v40 =	vmul.f32 v32, v37  }
0x133: {  	v49 =	vld [tilespmem:s19+$0x55C0];
	[tilespmem:s19+$0x55B0] =	vst v19;
	v19 =	vmul.f32 v51, v47  }
0x134: {  	v61 =	vld [tilespmem:s19+$0x5630];
	[tilespmem:s19+$0x5680] =	vst v40;
	v46 =	vmul.f32 v39, v37  }
0x135: {  	v52 =	vld [tilespmem:s19+$0x55E0];
	[tilespmem:s19+$0x55D0] =	vst v19;
	v19 =	vmul.f32 v54, v47  }
0x136: {  	v28 =	vld [tilespmem:s19+$0x5650];
	v50 =	vmul.f32 v42, v47;
	[tilespmem:s19+$0x56C0] =	vst v46  }
0x137: {  	v45 =	vld [tilespmem:s19+$0x5700];
	[tilespmem:s19+$0x55F0] =	vst v19;
	v19 =	vmul.f32 v57, v60  }
0x138: {  	v56 =	vmul.f32 v49, v47;
	[tilespmem:s19+$0x5580] =	vst v50;
	v31 =	vld [tilespmem:s19+$0x5670]  }
0x139: {  	v42 =	vld [tilespmem:s19+$0x56E0];
	[tilespmem:s19+$0x5610] =	vst v19;
	v19 =	vmul.f32 v61, v60  }
0x13a: {  	[tilespmem:s19+$0x55C0] =	vst v56;
	v59 =	vmul.f32 v52, v47;
	v50 =	vperm.xlane v18, v14;
	v34 =	vld [tilespmem:s19+$0x5690]  }
0x13b: {  	v52 =	vld [tilespmem:s19+$0x5740];
	[tilespmem:s19+$0x5630] =	vst v19;
	v19 =	vmul.f32 v28, v60  }
0x13c: {  	[tilespmem:s19+$0x55E0] =	vst v59;
	v53 =	vmul.f32 v45, v50;
	v38 =	vld [tilespmem:s19+$0x56B0]  }
0x13d: {  	v55 =	vld [tilespmem:s19+$0x5600];
	[tilespmem:s19+$0x5650] =	vst v19;
	v19 =	vmul.f32 v31, v60  }
0x13e: {  	v49 =	vmul.f32 v42, v37;
	[tilespmem:s19+$0x5700] =	vst v53;
	v41 =	vld [tilespmem:s19+$0x56D0]  }
0x13f: {  	v62 =	vld [tilespmem:s19+$0x5640];
	[tilespmem:s19+$0x5670] =	vst v19;
	v19 =	vmul.f32 v34, v37  }
0x140: {  	[tilespmem:s19+$0x56E0] =	vst v49;
	v59 =	vmul.f32 v52, v50;
	v44 =	vld [tilespmem:s19+$0x56F0]  }
0x141: {  	v35 =	vld [tilespmem:s19+$0x56A0];
	[tilespmem:s19+$0x5690] =	vst v19;
	v19 =	vmul.f32 v38, v37  }
0x142: {  	v63 =	vmul.f32 v55, v60;
	[tilespmem:s19+$0x5740] =	vst v59;
	v47 =	vld [tilespmem:s19+$0x5710]  }
0x143: {  	v48 =	vld [tilespmem:s19+$0x5720];
	[tilespmem:s19+$0x56B0] =	vst v19;
	v19 =	vmul.f32 v41, v37  }
0x144: {  	v33 =	vmul.f32 v62, v60;
	[tilespmem:s19+$0x5600] =	vst v63;
	v51 =	vld [tilespmem:s19+$0x5730]  }
0x145: {  	v58 =	vld [tilespmem:s19+$0x5780];
	[tilespmem:s19+$0x56D0] =	vst v19;
	v19 =	vmul.f32 v44, v37  }
0x146: {  	[tilespmem:s19+$0x5640] =	vst v33;
	v43 =	vmul.f32 v35, v37;
	v54 =	vld [tilespmem:s19+$0x5750]  }
0x147: {  	v55 =	vld [tilespmem:s19+$0x5760];
	[tilespmem:s19+$0x56F0] =	vst v19;
	v19 =	vmul.f32 v47, v50  }
0x148: {  	v63 =	vperm.xlane v18, v15;
	[tilespmem:s19+$0x56A0] =	vst v43;
	v56 =	vmul.f32 v48, v50;
	v57 =	vld [tilespmem:s19+$0x5770]  }
0x149: {  	v40 =	vld [tilespmem:s19+$0x5820];
	[tilespmem:s19+$0x5710] =	vst v19;
	v19 =	vmul.f32 v51, v50  }
0x14a: {  	v32 =	vmul.f32 v58, v63;
	[tilespmem:s19+$0x5720] =	vst v56;
	v60 =	vld [tilespmem:s19+$0x5790]  }
0x14b: {  	v56 =	vld [tilespmem:s19+$0x58C0];
	[tilespmem:s19+$0x5730] =	vst v19;
	v19 =	vmul.f32 v54, v50  }
0x14c: {  	v30 =	vld [tilespmem:s19+$0x57B0];
	v42 =	vperm.xlane v18, v16;
	v62 =	vmul.f32 v55, v50;
	[tilespmem:s19+$0x5780] =	vst v32  }
0x14d: {  	v61 =	vld [tilespmem:s19+$0x57A0];
	[tilespmem:s19+$0x5750] =	vst v19;
	v19 =	vmul.f32 v57, v50  }
0x14e: {  	v33 =	vld [tilespmem:s19+$0x57D0];
	v18 =	vperm.xlane v18, v17;
	[tilespmem:s19+$0x5760] =	vst v62;
	v48 =	vmul.f32 v40, v42  }
0x14f: {  	v31 =	vld [tilespmem:s19+$0x57C0];
	[tilespmem:s19+$0x5770] =	vst v19;
	v19 =	vmul.f32 v60, v63  }
0x150: {  	v36 =	vld [tilespmem:s19+$0x57F0];
	[tilespmem:s19+$0x5820] =	vst v48;
	v62 =	vmul.f32 v56, v18  }
0x151: {  	v34 =	vld [tilespmem:s19+$0x57E0];
	[tilespmem:s19+$0x5790] =	vst v19;
	v19 =	vmul.f32 v30, v63  }
0x152: {  	v39 =	vld [tilespmem:s19+$0x5810];
	v35 =	vmul.f32 v61, v63;
	[tilespmem:s19+$0x58C0] =	vst v62  }
0x153: {  	v37 =	vld [tilespmem:s19+$0x5800];
	[tilespmem:s19+$0x57B0] =	vst v19;
	v19 =	vmul.f32 v33, v63  }
0x154: {  	v43 =	vld [tilespmem:s19+$0x5830];
	[tilespmem:s19+$0x57A0] =	vst v35;
	v38 =	vmul.f32 v31, v63  }
0x155: {  	v44 =	vld [tilespmem:s19+$0x5840];
	[tilespmem:s19+$0x57D0] =	vst v19;
	v19 =	vmul.f32 v36, v63  }
0x156: {  	v46 =	vld [tilespmem:s19+$0x5850];
	[tilespmem:s19+$0x57C0] =	vst v38;
	v41 =	vmul.f32 v34, v63  }
0x157: {  	v47 =	vld [tilespmem:s19+$0x5860];
	[tilespmem:s19+$0x57F0] =	vst v19;
	v19 =	vmul.f32 v39, v42  }
0x158: {  	v49 =	vld [tilespmem:s19+$0x5870];
	[tilespmem:s19+$0x57E0] =	vst v41;
	v45 =	vmul.f32 v37, v42  }
0x159: {  	v53 =	vld [tilespmem:s19+$0x58A0];
	[tilespmem:s19+$0x5810] =	vst v19;
	v19 =	vmul.f32 v43, v42  }
0x15a: {  	v52 =	vld [tilespmem:s19+$0x5890];
	v51 =	vmul.f32 v44, v42;
	[tilespmem:s19+$0x5800] =	vst v45  }
0x15b: {  	v50 =	vld [tilespmem:s19+$0x5880];
	[tilespmem:s19+$0x5830] =	vst v19;
	v19 =	vmul.f32 v46, v42  }
0x15c: {  	v55 =	vld [tilespmem:s19+$0x58B0];
	[tilespmem:s19+$0x5840] =	vst v51;
	v54 =	vmul.f32 v47, v42  }
0x15d: {  	v59 =	vld [tilespmem:s19+$0x58E0];
	[tilespmem:s19+$0x5850] =	vst v19;
	v19 =	vmul.f32 v49, v42  }
0x15e: {  	v58 =	vld [tilespmem:s19+$0x58D0];
	[tilespmem:s19+$0x5860] =	vst v54;
	v60 =	vmul.f32 v53, v18  }
0x15f: {  	v61 =	vld [tilespmem:s19+$0x58F0];
	[tilespmem:s19+$0x5870] =	vst v19;
	v19 =	vmul.f32 v52, v18  }
0x160: {  	[tilespmem:s19+$0x58A0] =	vst v60;
	v57 =	vmul.f32 v50, v18  }
0x161: {  	p6 =	slt.u32 s18, $0x40;
	[tilespmem:s19+$0x5890] =	vst v19;
	v19 =	vmul.f32 v55, v18  }
.Ltmp4:
0x162: {  	[tilespmem:s19+$0x5880] =	vst v57;
	v63 =	vmul.f32 v59, v18;
	(pc) =	sbr.rel @p6 .LBB2_5-.Ltmp4, $4  }
0x163: {  	[tilespmem:s19+$0x58B0] =	vst v19;
	v19 =	vmul.f32 v58, v18  }
0x164: {  	[tilespmem:s19+$0x58E0] =	vst v63;
	v18 =	vmul.f32 v61, v18  }
0x165: {  	[tilespmem:s19+$0x58D0] =	vst v19  }
0x166: {  	s18 =	sadd.s32 $0x10, s18;
	[tilespmem:s19+$0x58F0] =	vst v18  }
0x167: {  	p6 =	sgt.u32 s7, $0x3D  }
0x168: {  	s18 =	simm.s32 @!p6 $0x2  }
0x169: {  	_ =	swait.ge @!p6 [sflag:s18], $0x50  }
0x16a: {  	[sflag:s18] =	ssyncset.done @!p6 $0x0  }
0x16b: {  	[sflag:s18] =	ssyncadd.s32 @!p6 $0xFFFFFFB0  }
0x16c: {  	_ =	swait.ge @!p6 [sflag:s18], $0x50  }
0x16d: {  	p4 =	seq.s32 s7, $0x3E;
	s19 =	simm.s32 @!p6 $0x4F80;
	[sflag:s18] =	ssyncset.done @!p6 $0x0  }
0x16e: {  	s20 =	simm.s32 @!p6 $0x7900;
	[sflag:s18] =	ssyncadd.s32 @!p6 $0xFFFFFFB0;
	s18 =	simm.s32 @!p6 $0x50  }
0x16f: {  	[tilespmem:s20], [sflag:$0x4] =	stream.indirect.gather @!p6 [hbm4b:s1+s18], $0x80, s19, s18, $0xb8;
	[tilespmem:$0x1D980] =	vst v63  }
.Ltmp5:
0x170: {  	_ = 	snop;
	(pc) =	sbr.rel @p4 .LBB2_12-.Ltmp5, $4  }
0x171: {  	[spmem:s2] =	stream.indirect.scatter.add.f32 [tilespmem:s11], [sflag:$0x5], $0x80, s14, s28, $0xb8;
	[tilespmem:$0x1D980] =	vst v63  }
0x172: {  	_ =	swait.ge [sflag:s8], $0x2800  }
0x173: {  	[sflag:s8] =	ssyncset.done $0x0  }
0x174: {  	[sflag:s8] =	ssyncadd.s32 $0xFFFFD800  }
0x175: {  	s18 =	smul.u32 $0xA0, s7;
	_ =	sdelay $0x1  }
0x176: {  	s19 =	sadd.s32 s18, s15  }
.Ltmp6:
0x177: {  	s19 =	sshrl.u32 s19, $0x3;
	(pc) =	sbr.rel @p6 .LBB2_11-.Ltmp6, $4  }
0x178: {  	s20 =	sadd.s32 s5, s19  }
0x179: {  	[tilespmem:s12], [sflag:$0x1] =	stream.linear.gather [hbm4b:s20+s4], $0x50, $0x38;
	[tilespmem:$0x1D980] =	vst v63  }
0x17a: {  	s19 =	sadd.s32 s6, s19  }
0x17b: {  	[tilespmem:s14], [sflag:$0x1] =	stream.linear.gather [hbm4b:s19+s4], $0x50, $0x38;
	[tilespmem:$0x1D980] =	vst v63  }
0x17c: {  	_ =	swait.ge [sflag:s31], $0x2800  }
0x17d: {  	[sflag:s31] =	ssyncset.done $0x0  }
0x17e: {  	s19 =	simm.s32 $0x0;
	[sflag:s31] =	ssyncadd.s32 $0xFFFFD800  }
.LBB2_9:
0x17f: {  	v18 =	vld [tilespmem:s19+$0x4F80]  }
0x180: {  	v19 =	vld [tilespmem:s19+$0x5080];
	_ =	sdelay $0x6  }
0x181: {  	v18 =	vld.idx.msk [tilespmem:v18+s4+$0x0], $0xffff  }
0x182: {  	v19 =	vld.idx.msk [tilespmem:v19+s10+$0x0], $0xffff;
	_ =	sdelay $0x4  }
0x183: {  	v18 =	vadd.f32 v19, v18;
	_ =	sdelay $0x1  }
0x184: {  	v19 =	vand.u32 $0x7FFFFFFF, v18  }
0x185: {  	v19 =	vmul.f32 $-2.000000000e+00, v19;
	_ =	sdelay $0x1  }
0x186: {  	v19 =	vmul.f32 $1.442695020e+00, v19;
	_ =	sdelay $0x1  }
0x187: {  	(erf) = vpow2.f32 v19;
	_ =	sdelay $0x8  }
0x188: {  	v19 =	vpop (erf)  }
0x189: {  	v20 =	vadd.f32 $1.000000000e+00, v19;
	_ =	sdelay $0x1  }
0x18a: {  	(erf) = vrcp.f32 v20;
	_ =	sdelay $0x3  }
0x18b: {  	v39 =	vand.u32 $0x80000000, v18  }
0x18c: {  	vm0 =	vlt.f32 v18, $0.0e+00;
	vm1 =	vgt.f32 v18, $0.0e+00;
	v19 =	vsub.f32 $1.000000000e+00, v19  }
0x18d: {  	s20 =	sshll.u32 s19, $0x7;
	vm0 =	vmor vm1, vm0;
	v20 =	vor.u32 v39, v1  }
0x18e: {  	s20 =	sand.u32 $0x3FFFFF80, s20;
	v18 =	vsel vm0, v20, v18  }
0x18f: {  	v40 =	vld [tilespmem:s20+$0x7900];
	v18 =	vmul.f32 v19, v18  }
0x190: {  	v21 =	vld [tilespmem:s20+$0x7920];
	v19 =	vpop (erf)  }
0x191: {  	v23 =	vld [tilespmem:s20+$0x7930];
	v18 =	vmul.f32 v19, v18  }
0x192: {  	v19 =	vld [tilespmem:s20+$0x7910]  }
0x193: {  	v24 =	vld [tilespmem:s20+$0x7940];
	v22 =	vperm.xlane v18, v2  }
0x194: {  	v25 =	vld [tilespmem:s20+$0x7950]  }
0x195: {  	v26 =	vld [tilespmem:s20+$0x7960];
	v20 =	vmul.f32 v40, v22  }
0x196: {  	v42 =	vld [tilespmem:s20+$0x7970];
	v41 =	vmul.f32 v21, v22  }
0x197: {  	v43 =	vld [tilespmem:s20+$0x7980];
	v19 =	vmul.f32 v19, v22;
	[tilespmem:s20+$0x7900] =	vst v20  }
0x198: {  	v45 =	vld [tilespmem:s20+$0x7990];
	v44 =	vmul.f32 v24, v22;
	[tilespmem:s20+$0x7920] =	vst v41  }
0x199: {  	v46 =	vld [tilespmem:s20+$0x79A0];
	[tilespmem:s20+$0x7910] =	vst v19;
	v19 =	vmul.f32 v23, v22  }
0x19a: {  	v27 =	vld [tilespmem:s20+$0x79B0];
	v48 =	vperm.xlane v18, v3;
	v47 =	vmul.f32 v26, v22;
	[tilespmem:s20+$0x7940] =	vst v44  }
0x19b: {  	v49 =	vld [tilespmem:s20+$0x79C0];
	[tilespmem:s20+$0x7930] =	vst v19;
	v19 =	vmul.f32 v25, v22  }
0x19c: {  	v51 =	vld [tilespmem:s20+$0x79D0];
	v50 =	vmul.f32 v43, v48;
	[tilespmem:s20+$0x7960] =	vst v47  }
0x19d: {  	v52 =	vld [tilespmem:s20+$0x79E0];
	[tilespmem:s20+$0x7950] =	vst v19;
	v19 =	vmul.f32 v42, v22  }
0x19e: {  	v54 =	vld [tilespmem:s20+$0x79F0];
	v53 =	vmul.f32 v46, v48;
	[tilespmem:s20+$0x7980] =	vst v50  }
0x19f: {  	v55 =	vld [tilespmem:s20+$0x7A00];
	[tilespmem:s20+$0x7970] =	vst v19;
	v19 =	vmul.f32 v45, v48  }
0x1a0: {  	v57 =	vld [tilespmem:s20+$0x7A10];
	v56 =	vmul.f32 v49, v48;
	[tilespmem:s20+$0x79A0] =	vst v53  }
0x1a1: {  	v58 =	vld [tilespmem:s20+$0x7A20];
	[tilespmem:s20+$0x7990] =	vst v19;
	v19 =	vmul.f32 v27, v48  }
0x1a2: {  	v61 =	vld [tilespmem:s20+$0x7A30];
	v60 =	vperm.xlane v18, v4;
	v59 =	vmul.f32 v52, v48;
	[tilespmem:s20+$0x79C0] =	vst v56  }
0x1a3: {  	v62 =	vld [tilespmem:s20+$0x7A40];
	[tilespmem:s20+$0x79B0] =	vst v19;
	v19 =	vmul.f32 v51, v48  }
0x1a4: {  	v28 =	vld [tilespmem:s20+$0x7A50];
	v63 =	vmul.f32 v55, v60;
	[tilespmem:s20+$0x79E0] =	vst v59  }
0x1a5: {  	v29 =	vld [tilespmem:s20+$0x7A60];
	[tilespmem:s20+$0x79D0] =	vst v19;
	v19 =	vmul.f32 v54, v48  }
0x1a6: {  	v31 =	vld [tilespmem:s20+$0x7A70];
	v30 =	vmul.f32 v58, v60;
	[tilespmem:s20+$0x7A00] =	vst v63  }
0x1a7: {  	v32 =	vld [tilespmem:s20+$0x7A80];
	[tilespmem:s20+$0x79F0] =	vst v19;
	v19 =	vmul.f32 v57, v60  }
0x1a8: {  	v34 =	vld [tilespmem:s20+$0x7A90];
	v33 =	vmul.f32 v62, v60;
	[tilespmem:s20+$0x7A20] =	vst v30  }
0x1a9: {  	v35 =	vld [tilespmem:s20+$0x7AA0];
	[tilespmem:s20+$0x7A10] =	vst v19;
	v19 =	vmul.f32 v61, v60  }
0x1aa: {  	v38 =	vld [tilespmem:s20+$0x7AB0];
	v37 =	vperm.xlane v18, v5;
	v36 =	vmul.f32 v29, v60;
	[tilespmem:s20+$0x7A40] =	vst v33  }
0x1ab: {  	v39 =	vld [tilespmem:s20+$0x7AC0];
	[tilespmem:s20+$0x7A30] =	vst v19;
	v19 =	vmul.f32 v28, v60  }
0x1ac: {  	v40 =	vmul.f32 v32, v37;
	v52 =	vld [tilespmem:s20+$0x7B40];
	[tilespmem:s20+$0x7A60] =	vst v36  }
0x1ad: {  	v55 =	vld [tilespmem:s20+$0x7B60];
	[tilespmem:s20+$0x7A50] =	vst v19;
	v19 =	vmul.f32 v31, v60  }
0x1ae: {  	v43 =	vmul.f32 v35, v37;
	v41 =	vld [tilespmem:s20+$0x7AD0];
	[tilespmem:s20+$0x7A80] =	vst v40  }
0x1af: {  	v58 =	vld [tilespmem:s20+$0x7B80];
	[tilespmem:s20+$0x7A70] =	vst v19;
	v19 =	vmul.f32 v34, v37  }
0x1b0: {  	v46 =	vmul.f32 v39, v37;
	v44 =	vld [tilespmem:s20+$0x7AF0];
	[tilespmem:s20+$0x7AA0] =	vst v43;
	v50 =	vperm.xlane v18, v6  }
0x1b1: {  	v39 =	vld [tilespmem:s20+$0x7C10];
	[tilespmem:s20+$0x7A90] =	vst v19;
	v19 =	vmul.f32 v38, v37  }
0x1b2: {  	v47 =	vld [tilespmem:s20+$0x7B10];
	[tilespmem:s20+$0x7AC0] =	vst v46;
	v59 =	vmul.f32 v52, v50  }
0x1b3: {  	v42 =	vld [tilespmem:s20+$0x7AE0];
	[tilespmem:s20+$0x7AB0] =	vst v19;
	v19 =	vmul.f32 v41, v37  }
0x1b4: {  	v63 =	vperm.xlane v18, v7;
	v62 =	vmul.f32 v55, v50;
	[tilespmem:s20+$0x7B40] =	vst v59;
	v51 =	vld [tilespmem:s20+$0x7B30]  }
0x1b5: {  	v45 =	vld [tilespmem:s20+$0x7B00];
	[tilespmem:s20+$0x7AD0] =	vst v19;
	v19 =	vmul.f32 v44, v37  }
0x1b6: {  	v32 =	vmul.f32 v58, v63;
	[tilespmem:s20+$0x7B60] =	vst v62;
	v54 =	vld [tilespmem:s20+$0x7B50]  }
0x1b7: {  	v48 =	vld [tilespmem:s20+$0x7B20];
	[tilespmem:s20+$0x7AF0] =	vst v19;
	v19 =	vmul.f32 v47, v50  }
0x1b8: {  	[tilespmem:s20+$0x7B80] =	vst v32;
	v49 =	vmul.f32 v42, v37;
	v57 =	vld [tilespmem:s20+$0x7B70]  }
0x1b9: {  	v40 =	vld [tilespmem:s20+$0x7C20];
	[tilespmem:s20+$0x7B10] =	vst v19;
	v19 =	vmul.f32 v51, v50  }
0x1ba: {  	[tilespmem:s20+$0x7AE0] =	vst v49;
	v53 =	vmul.f32 v45, v50;
	v60 =	vld [tilespmem:s20+$0x7B90]  }
0x1bb: {  	v61 =	vld [tilespmem:s20+$0x7BA0];
	[tilespmem:s20+$0x7B30] =	vst v19;
	v19 =	vmul.f32 v54, v50  }
0x1bc: {  	v30 =	vld [tilespmem:s20+$0x7BB0];
	v42 =	vperm.xlane v18, v8;
	[tilespmem:s20+$0x7B00] =	vst v53;
	v56 =	vmul.f32 v48, v50  }
0x1bd: {  	v53 =	vld [tilespmem:s20+$0x7CA0];
	[tilespmem:s20+$0x7B50] =	vst v19;
	v19 =	vmul.f32 v57, v50  }
0x1be: {  	v33 =	vld [tilespmem:s20+$0x7BD0];
	v48 =	vmul.f32 v40, v42;
	[tilespmem:s20+$0x7B20] =	vst v56  }
0x1bf: {  	v31 =	vld [tilespmem:s20+$0x7BC0];
	[tilespmem:s20+$0x7B70] =	vst v19;
	v19 =	vmul.f32 v60, v63  }
0x1c0: {  	v36 =	vld [tilespmem:s20+$0x7BF0];
	v55 =	vperm.xlane v18, v9;
	[tilespmem:s20+$0x7C20] =	vst v48;
	v35 =	vmul.f32 v61, v63  }
0x1c1: {  	v34 =	vld [tilespmem:s20+$0x7BE0];
	[tilespmem:s20+$0x7B90] =	vst v19;
	v19 =	vmul.f32 v30, v63  }
0x1c2: {  	v29 =	vld [tilespmem:s20+$0x7E60];
	v61 =	vmul.f32 v53, v55;
	[tilespmem:s20+$0x7BA0] =	vst v35  }
0x1c3: {  	v32 =	vld [tilespmem:s20+$0x7D20];
	[tilespmem:s20+$0x7BB0] =	vst v19;
	v19 =	vmul.f32 v33, v63  }
0x1c4: {  	v43 =	vld [tilespmem:s20+$0x7C30];
	[tilespmem:s20+$0x7CA0] =	vst v61;
	v38 =	vmul.f32 v31, v63  }
0x1c5: {  	v37 =	vld [tilespmem:s20+$0x7C00];
	[tilespmem:s20+$0x7BD0] =	vst v19;
	v19 =	vmul.f32 v36, v63  }
0x1c6: {  	v46 =	vld [tilespmem:s20+$0x7C50];
	[tilespmem:s20+$0x7BC0] =	vst v38;
	v41 =	vmul.f32 v34, v63;
	v34 =	vperm.xlane v18, v10  }
0x1c7: {  	v44 =	vld [tilespmem:s20+$0x7C40];
	[tilespmem:s20+$0x7BF0] =	vst v19;
	v19 =	vmul.f32 v39, v42  }
0x1c8: {  	v49 =	vld [tilespmem:s20+$0x7C70];
	[tilespmem:s20+$0x7BE0] =	vst v41;
	v40 =	vmul.f32 v32, v34  }
0x1c9: {  	v47 =	vld [tilespmem:s20+$0x7C60];
	[tilespmem:s20+$0x7C10] =	vst v19;
	v19 =	vmul.f32 v43, v42  }
0x1ca: {  	v52 =	vld [tilespmem:s20+$0x7C90];
	[tilespmem:s20+$0x7D20] =	vst v40;
	v45 =	vmul.f32 v37, v42  }
0x1cb: {  	v50 =	vld [tilespmem:s20+$0x7C80];
	[tilespmem:s20+$0x7C30] =	vst v19;
	v19 =	vmul.f32 v46, v42  }
0x1cc: {  	v56 =	vld [tilespmem:s20+$0x7CB0];
	v51 =	vmul.f32 v44, v42;
	[tilespmem:s20+$0x7C00] =	vst v45  }
0x1cd: {  	v45 =	vld [tilespmem:s20+$0x7DA0];
	[tilespmem:s20+$0x7C50] =	vst v19;
	v19 =	vmul.f32 v49, v42  }
0x1ce: {  	v59 =	vld [tilespmem:s20+$0x7CD0];
	[tilespmem:s20+$0x7C40] =	vst v51;
	v54 =	vmul.f32 v47, v42  }
0x1cf: {  	v57 =	vld [tilespmem:s20+$0x7CC0];
	[tilespmem:s20+$0x7C70] =	vst v19;
	v19 =	vmul.f32 v52, v55  }
0x1d0: {  	v62 =	vld [tilespmem:s20+$0x7CF0];
	v47 =	vperm.xlane v18, v11;
	[tilespmem:s20+$0x7C60] =	vst v54;
	v58 =	vmul.f32 v50, v55  }
0x1d1: {  	v60 =	vld [tilespmem:s20+$0x7CE0];
	[tilespmem:s20+$0x7C90] =	vst v19;
	v19 =	vmul.f32 v56, v55  }
0x1d2: {  	v31 =	vld [tilespmem:s20+$0x7D10];
	v53 =	vmul.f32 v45, v47;
	[tilespmem:s20+$0x7C80] =	vst v58  }
0x1d3: {  	v58 =	vld [tilespmem:s20+$0x7E20];
	[tilespmem:s20+$0x7CB0] =	vst v19;
	v19 =	vmul.f32 v59, v55  }
0x1d4: {  	v35 =	vld [tilespmem:s20+$0x7D30];
	v30 =	vmul.f32 v57, v55;
	[tilespmem:s20+$0x7DA0] =	vst v53  }
0x1d5: {  	v63 =	vld [tilespmem:s20+$0x7D00];
	[tilespmem:s20+$0x7CD0] =	vst v19;
	v19 =	vmul.f32 v62, v55  }
0x1d6: {  	v38 =	vld [tilespmem:s20+$0x7D50];
	[tilespmem:s20+$0x7CC0] =	vst v30;
	v33 =	vmul.f32 v60, v55;
	v60 =	vperm.xlane v18, v12  }
0x1d7: {  	v36 =	vld [tilespmem:s20+$0x7D40];
	[tilespmem:s20+$0x7CF0] =	vst v19;
	v19 =	vmul.f32 v31, v34  }
0x1d8: {  	v41 =	vld [tilespmem:s20+$0x7D70];
	[tilespmem:s20+$0x7CE0] =	vst v33;
	v30 =	vmul.f32 v58, v60  }
0x1d9: {  	v44 =	vld [tilespmem:s20+$0x7D90];
	[tilespmem:s20+$0x7D10] =	vst v19;
	v19 =	vmul.f32 v35, v34  }
0x1da: {  	v39 =	vld [tilespmem:s20+$0x7D60];
	v37 =	vmul.f32 v63, v34;
	[tilespmem:s20+$0x7E20] =	vst v30  }
0x1db: {  	[tilespmem:s20+$0x7D30] =	vst v19;
	v19 =	vmul.f32 v38, v34  }
0x1dc: {  	v48 =	vld [tilespmem:s20+$0x7DB0];
	v43 =	vmul.f32 v36, v34;
	[tilespmem:s20+$0x7D00] =	vst v37  }
0x1dd: {  	v32 =	vld [tilespmem:s20+$0x7E80];
	[tilespmem:s20+$0x7D50] =	vst v19;
	v19 =	vmul.f32 v41, v34  }
0x1de: {  	v51 =	vld [tilespmem:s20+$0x7DD0];
	v36 =	vmul.f32 v29, v60;
	[tilespmem:s20+$0x7D40] =	vst v43  }
0x1df: {  	v46 =	vmul.f32 v39, v34;
	v39 =	vld [tilespmem:s20+$0x7EC0];
	[tilespmem:s20+$0x7D70] =	vst v19;
	v19 =	vmul.f32 v44, v47  }
0x1e0: {  	v54 =	vld [tilespmem:s20+$0x7DF0];
	v37 =	vperm.xlane v18, v13;
	[tilespmem:s20+$0x7E60] =	vst v36  }
0x1e1: {  	v42 =	vld [tilespmem:s20+$0x7D80];
	[tilespmem:s20+$0x7D90] =	vst v19;
	v19 =	vmul.f32 v48, v47  }
0x1e2: {  	v57 =	vld [tilespmem:s20+$0x7E10];
	[tilespmem:s20+$0x7D60] =	vst v46;
	v40 =	vmul.f32 v32, v37  }
0x1e3: {  	v49 =	vld [tilespmem:s20+$0x7DC0];
	[tilespmem:s20+$0x7DB0] =	vst v19;
	v19 =	vmul.f32 v51, v47  }
0x1e4: {  	v61 =	vld [tilespmem:s20+$0x7E30];
	[tilespmem:s20+$0x7E80] =	vst v40;
	v46 =	vmul.f32 v39, v37  }
0x1e5: {  	v52 =	vld [tilespmem:s20+$0x7DE0];
	[tilespmem:s20+$0x7DD0] =	vst v19;
	v19 =	vmul.f32 v54, v47  }
0x1e6: {  	v28 =	vld [tilespmem:s20+$0x7E50];
	v50 =	vmul.f32 v42, v47;
	[tilespmem:s20+$0x7EC0] =	vst v46  }
0x1e7: {  	v45 =	vld [tilespmem:s20+$0x7F00];
	[tilespmem:s20+$0x7DF0] =	vst v19;
	v19 =	vmul.f32 v57, v60  }
0x1e8: {  	v56 =	vmul.f32 v49, v47;
	[tilespmem:s20+$0x7D80] =	vst v50;
	v31 =	vld [tilespmem:s20+$0x7E70]  }
0x1e9: {  	v42 =	vld [tilespmem:s20+$0x7EE0];
	[tilespmem:s20+$0x7E10] =	vst v19;
	v19 =	vmul.f32 v61, v60  }
0x1ea: {  	[tilespmem:s20+$0x7DC0] =	vst v56;
	v59 =	vmul.f32 v52, v47;
	v50 =	vperm.xlane v18, v14;
	v34 =	vld [tilespmem:s20+$0x7E90]  }
0x1eb: {  	v52 =	vld [tilespmem:s20+$0x7F40];
	[tilespmem:s20+$0x7E30] =	vst v19;
	v19 =	vmul.f32 v28, v60  }
0x1ec: {  	[tilespmem:s20+$0x7DE0] =	vst v59;
	v53 =	vmul.f32 v45, v50;
	v38 =	vld [tilespmem:s20+$0x7EB0]  }
0x1ed: {  	v55 =	vld [tilespmem:s20+$0x7E00];
	[tilespmem:s20+$0x7E50] =	vst v19;
	v19 =	vmul.f32 v31, v60  }
0x1ee: {  	v49 =	vmul.f32 v42, v37;
	[tilespmem:s20+$0x7F00] =	vst v53;
	v41 =	vld [tilespmem:s20+$0x7ED0]  }
0x1ef: {  	v62 =	vld [tilespmem:s20+$0x7E40];
	[tilespmem:s20+$0x7E70] =	vst v19;
	v19 =	vmul.f32 v34, v37  }
0x1f0: {  	[tilespmem:s20+$0x7EE0] =	vst v49;
	v59 =	vmul.f32 v52, v50;
	v44 =	vld [tilespmem:s20+$0x7EF0]  }
0x1f1: {  	v35 =	vld [tilespmem:s20+$0x7EA0];
	[tilespmem:s20+$0x7E90] =	vst v19;
	v19 =	vmul.f32 v38, v37  }
0x1f2: {  	v63 =	vmul.f32 v55, v60;
	[tilespmem:s20+$0x7F40] =	vst v59;
	v47 =	vld [tilespmem:s20+$0x7F10]  }
0x1f3: {  	v48 =	vld [tilespmem:s20+$0x7F20];
	[tilespmem:s20+$0x7EB0] =	vst v19;
	v19 =	vmul.f32 v41, v37  }
0x1f4: {  	v33 =	vmul.f32 v62, v60;
	[tilespmem:s20+$0x7E00] =	vst v63;
	v51 =	vld [tilespmem:s20+$0x7F30]  }
0x1f5: {  	v58 =	vld [tilespmem:s20+$0x7F80];
	[tilespmem:s20+$0x7ED0] =	vst v19;
	v19 =	vmul.f32 v44, v37  }
0x1f6: {  	[tilespmem:s20+$0x7E40] =	vst v33;
	v43 =	vmul.f32 v35, v37;
	v54 =	vld [tilespmem:s20+$0x7F50]  }
0x1f7: {  	v55 =	vld [tilespmem:s20+$0x7F60];
	[tilespmem:s20+$0x7EF0] =	vst v19;
	v19 =	vmul.f32 v47, v50  }
0x1f8: {  	v63 =	vperm.xlane v18, v15;
	[tilespmem:s20+$0x7EA0] =	vst v43;
	v56 =	vmul.f32 v48, v50;
	v57 =	vld [tilespmem:s20+$0x7F70]  }
0x1f9: {  	v40 =	vld [tilespmem:s20+$0x8020];
	[tilespmem:s20+$0x7F10] =	vst v19;
	v19 =	vmul.f32 v51, v50  }
0x1fa: {  	v32 =	vmul.f32 v58, v63;
	[tilespmem:s20+$0x7F20] =	vst v56;
	v60 =	vld [tilespmem:s20+$0x7F90]  }
0x1fb: {  	v56 =	vld [tilespmem:s20+$0x80C0];
	[tilespmem:s20+$0x7F30] =	vst v19;
	v19 =	vmul.f32 v54, v50  }
0x1fc: {  	v30 =	vld [tilespmem:s20+$0x7FB0];
	v42 =	vperm.xlane v18, v16;
	v62 =	vmul.f32 v55, v50;
	[tilespmem:s20+$0x7F80] =	vst v32  }
0x1fd: {  	v61 =	vld [tilespmem:s20+$0x7FA0];
	[tilespmem:s20+$0x7F50] =	vst v19;
	v19 =	vmul.f32 v57, v50  }
0x1fe: {  	v33 =	vld [tilespmem:s20+$0x7FD0];
	v18 =	vperm.xlane v18, v17;
	[tilespmem:s20+$0x7F60] =	vst v62;
	v48 =	vmul.f32 v40, v42  }
0x1ff: {  	v31 =	vld [tilespmem:s20+$0x7FC0];
	[tilespmem:s20+$0x7F70] =	vst v19;
	v19 =	vmul.f32 v60, v63  }
0x200: {  	v36 =	vld [tilespmem:s20+$0x7FF0];
	[tilespmem:s20+$0x8020] =	vst v48;
	v62 =	vmul.f32 v56, v18  }
0x201: {  	v34 =	vld [tilespmem:s20+$0x7FE0];
	[tilespmem:s20+$0x7F90] =	vst v19;
	v19 =	vmul.f32 v30, v63  }
0x202: {  	v39 =	vld [tilespmem:s20+$0x8010];
	v35 =	vmul.f32 v61, v63;
	[tilespmem:s20+$0x80C0] =	vst v62  }
0x203: {  	v37 =	vld [tilespmem:s20+$0x8000];
	[tilespmem:s20+$0x7FB0] =	vst v19;
	v19 =	vmul.f32 v33, v63  }
0x204: {  	v43 =	vld [tilespmem:s20+$0x8030];
	[tilespmem:s20+$0x7FA0] =	vst v35;
	v38 =	vmul.f32 v31, v63  }
0x205: {  	v44 =	vld [tilespmem:s20+$0x8040];
	[tilespmem:s20+$0x7FD0] =	vst v19;
	v19 =	vmul.f32 v36, v63  }
0x206: {  	v46 =	vld [tilespmem:s20+$0x8050];
	[tilespmem:s20+$0x7FC0] =	vst v38;
	v41 =	vmul.f32 v34, v63  }
0x207: {  	v47 =	vld [tilespmem:s20+$0x8060];
	[tilespmem:s20+$0x7FF0] =	vst v19;
	v19 =	vmul.f32 v39, v42  }
0x208: {  	v49 =	vld [tilespmem:s20+$0x8070];
	[tilespmem:s20+$0x7FE0] =	vst v41;
	v45 =	vmul.f32 v37, v42  }
0x209: {  	v53 =	vld [tilespmem:s20+$0x80A0];
	[tilespmem:s20+$0x8010] =	vst v19;
	v19 =	vmul.f32 v43, v42  }
0x20a: {  	v52 =	vld [tilespmem:s20+$0x8090];
	v51 =	vmul.f32 v44, v42;
	[tilespmem:s20+$0x8000] =	vst v45  }
0x20b: {  	v50 =	vld [tilespmem:s20+$0x8080];
	[tilespmem:s20+$0x8030] =	vst v19;
	v19 =	vmul.f32 v46, v42  }
0x20c: {  	v55 =	vld [tilespmem:s20+$0x80B0];
	[tilespmem:s20+$0x8040] =	vst v51;
	v54 =	vmul.f32 v47, v42  }
0x20d: {  	v59 =	vld [tilespmem:s20+$0x80E0];
	[tilespmem:s20+$0x8050] =	vst v19;
	v19 =	vmul.f32 v49, v42  }
0x20e: {  	v58 =	vld [tilespmem:s20+$0x80D0];
	[tilespmem:s20+$0x8060] =	vst v54;
	v60 =	vmul.f32 v53, v18  }
0x20f: {  	v61 =	vld [tilespmem:s20+$0x80F0];
	[tilespmem:s20+$0x8070] =	vst v19;
	v19 =	vmul.f32 v52, v18  }
0x210: {  	[tilespmem:s20+$0x80A0] =	vst v60;
	v57 =	vmul.f32 v50, v18  }
0x211: {  	p4 =	slt.u32 s19, $0x40;
	[tilespmem:s20+$0x8090] =	vst v19;
	v19 =	vmul.f32 v55, v18  }
.Ltmp7:
0x212: {  	[tilespmem:s20+$0x8080] =	vst v57;
	v63 =	vmul.f32 v59, v18;
	(pc) =	sbr.rel @p4 .LBB2_9-.Ltmp7, $4  }
0x213: {  	[tilespmem:s20+$0x80B0] =	vst v19;
	v19 =	vmul.f32 v58, v18  }
0x214: {  	[tilespmem:s20+$0x80E0] =	vst v63;
	v18 =	vmul.f32 v61, v18  }
0x215: {  	[tilespmem:s20+$0x80D0] =	vst v19  }
0x216: {  	s19 =	sadd.s32 $0x10, s19;
	[tilespmem:s20+$0x80F0] =	vst v18  }
0x217: {  	_ =	swait.ge [sflag:s26], $0x50  }
0x218: {  	[sflag:s26] =	ssyncset.done $0x0  }
0x219: {  	[sflag:s26] =	ssyncadd.s32 $0xFFFFFFB0  }
0x21a: {  	_ =	swait.ge [sflag:s26], $0x50  }
0x21b: {  	[sflag:s26] =	ssyncset.done $0x0  }
0x21c: {  	[sflag:s26] =	ssyncadd.s32 $0xFFFFFFB0  }
0x21d: {  	[tilespmem:s11], [sflag:$0x3] =	stream.indirect.gather [hbm4b:s1+s28], $0x80, s12, s28, $0xb8;
	[tilespmem:$0x1D980] =	vst v63  }
0x21e: {  	p4 =	seq.s32 s7, $0x3D  }
0x21f: {  	[spmem:s2] =	stream.indirect.scatter.add.f32 [tilespmem:s0], [sflag:$0x5], $0x80, s17, s28, $0xb8;
	[tilespmem:$0x1D980] =	vst v63  }
0x220: {  	s18 =	sadd.s32 @!p4 s18, s16;
	s20 =	simm.s32 @!p4 $0x0;
	_ =	swait.ge [sflag:s8], $0x2800  }
.Ltmp8:
0x221: {  	s18 =	sshrl.u32 @!p4 s18, $0x3;
	[sflag:s8] =	ssyncset.done $0x0;
	(pc) =	sbr.rel .LBB2_11-.Ltmp8, $4  }
0x222: {  	s21 =	simm.s32 @!p4 $0x4F80;
	s19 =	sadd.s32 @!p4 s5, s18;
	[sflag:s8] =	ssyncadd.s32 $0xFFFFD800  }
0x223: {  	[tilespmem:s21], [sflag:$0x2] =	stream.linear.gather @!p4 [hbm4b:s19+s20], $0x50, $0x38;
	[tilespmem:$0x1D980] =	vst v63  }
0x224: {  	s18 =	sadd.s32 @!p4 s6, s18;
	s19 =	simm.s32 @!p4 $0x5080  }
0x225: {  	[tilespmem:s19], [sflag:$0x2] =	stream.linear.gather @!p4 [hbm4b:s18+s20], $0x50, $0x38;
	[tilespmem:$0x1D980] =	vst v63  }
.LBB2_13:
0x226: {  	_ =	sfence.sel $0x180000  }
0x227: {  	[bflag:$0x0] =	sbarrier.arrive $0xFFFF  }
0x228: {  	_ =	strace $0x9000004A  }
0x229: {  	s0 =	stileid.u32;
	[bflag:$0x2] =	sbarrier.arrive $0xFFFF  }
0x22a: {  	p0 =	sne.s32 s0, $0x0;
	s0 =	rddreg [dreg:$0x3]  }
0x22b: {  	s0 =	sadd.s32 @!p0 $0x100000, s0  }
0x22c: {  	[sflag:s0] =	ssyncadd.tile.s32 @!p0 $0x1;
	_ =	shalt  }
.Lfunc_end2:
_tile_overlayer_lowered:
.L_overlay_start_2:
0x22d: {  	(tag) =	ssettag $0x2  }
0x22e: {  	s0 =	rddreg [dreg:$0x0];
	s2 =	stileid.u32  }
0x22f: {  	s1 =	rddreg [dreg:$0x1];
	p0 =	sne.s32 s2, $0x0  }
0x230: {  	s3 =	rddreg [dreg:$0x2];
	[bflag:$0x3] =	sbarrier.arrive $0xFFFF;
	s2 =	simm.s32 @!p0 $0x1C05  }
0x231: {  	[timem:s3], [sflag:s2] =	dma.local @!p0 [hbm:s0], s1  }
0x232: {  	s0 =	simm.s32 @!p0 $0x5  }
0x233: {  	_ =	swait.ge @!p0 [sflag:s0], s1  }
0x234: {  	s1 =	ssub.s32 @!p0 $0x0, s1;
	[sflag:s0] =	ssyncset.done @!p0 $0x0  }
0x235: {  	[sflag:s0] =	ssyncadd.s32 @!p0 s1  }
0x236: {  	[bflag:$0x3] =	sbarrier.arrive $0xFFFF  }
0x237: {  	_ =	shalt  }

</sc_bundles>
